<compile_context>
chip_gen: v7x
topology: tpu7x:2x2x1
jax: 0.10.2.dev20260603
libtpu: 0.0.44.dev20260713+nightly
codegen_flags: <defaults>
</compile_context>

<pallas_src>
import functools

import jax
import jax.numpy as jnp
from jax import lax
from jax.experimental import pallas as pl
from jax.experimental.pallas import tpu as pltpu

N = 20000
LANES = 128
NMS_THRESHOLD = 0.5


def _nms_kernel(n, rows, ul0, ul1, dr0, dr1, sc, o0, o1, o2, o3, o4,
                keep, area, linr):
    area[:] = (dr0[:] - ul0[:] + 1.0) * (dr1[:] - ul1[:] + 1.0)
    keep[:] = jnp.ones((rows, LANES), jnp.float32)
    linr[:] = (lax.broadcasted_iota(jnp.int32, (rows, LANES), 0) * LANES
               + lax.broadcasted_iota(jnp.int32, (rows, LANES), 1)
               ).astype(jnp.float32)
    big = jnp.float32(n)

    def alive_cond(carry):
        return carry[0] < n

    def iou11(u0a, u1a, d0a, d1a, u0b, u1b, d0b, d1b):
        aa = (d0a - u0a + 1.0) * (d1a - u1a + 1.0)
        ab = (d0b - u0b + 1.0) * (d1b - u1b + 1.0)
        iwc = jnp.maximum(jnp.minimum(d0a, d0b)
                          - jnp.maximum(u0a, u0b) + 1.0, 0.0)
        ihc = jnp.maximum(jnp.minimum(d1a, d1b)
                          - jnp.maximum(u1a, u1b) + 1.0, 0.0)
        ic = iwc * ihc
        return ic / (aa + ab - ic), aa, ab

    sub8 = lax.broadcasted_iota(jnp.int32, (8, LANES), 0)
    lane = lax.broadcasted_iota(jnp.int32, (8, LANES), 1)

    def pick4(mf):
        mi = mf.astype(jnp.int32)
        blk = mi // (8 * LANES)
        within = mi - blk * (8 * LANES)
        rsub = within // LANES
        c = within - rsub * LANES
        r8 = pl.multiple_of(blk * 8, 8)
        oh = ((sub8 == rsub) & (lane == c)).astype(jnp.float32)

        def pick(ref):
            t = ref[pl.ds(r8, 8), :] * oh
            return jnp.sum(jnp.sum(t, axis=1, keepdims=True),
                           axis=0, keepdims=True)

        return pick(ul0), pick(ul1), pick(dr0), pick(dr1)

    def visit(carry):
        i1, i2, u0a, u1a, d0a, d1a, u0b, u1b, d0b, d1b = carry
        ovc, aa, ab = iou11(u0a, u1a, d0a, d1a, u0b, u1b, d0b, d1b)
        valid2 = (ovc < NMS_THRESHOLD) & (i2 < n)
        ihi = jnp.where(valid2, i2, i1)

        lfull = linr[:]
        iw1 = jnp.maximum(jnp.minimum(dr0[:], d0a)
                          - jnp.maximum(ul0[:], u0a) + 1.0, 0.0)
        ih1 = jnp.maximum(jnp.minimum(dr1[:], d1a)
                          - jnp.maximum(ul1[:], u1a) + 1.0, 0.0)
        in1 = iw1 * ih1
        ov1 = in1 / (aa + area[:] - in1)
        s1 = (ov1 >= NMS_THRESHOLD) & (lfull > i1)
        iw2 = jnp.maximum(jnp.minimum(dr0[:], d0b)
                          - jnp.maximum(ul0[:], u0b) + 1.0, 0.0)
        ih2 = jnp.maximum(jnp.minimum(dr1[:], d1b)
                          - jnp.maximum(ul1[:], u1b) + 1.0, 0.0)
        in2 = iw2 * ih2
        ov2 = in2 / (ab + area[:] - in2)
        s2 = (ov2 >= NMS_THRESHOLD) & (lfull > i2) & valid2
        newk = jnp.where(s1 | s2, 0.0, keep[:])
        keep[:] = newk

        alive = (newk > 0.0) & (lfull > ihi)
        key = jnp.where(alive, lfull, big)
        m1 = jnp.min(key)
        m2 = jnp.min(jnp.where(key == m1, big, key))
        pa = pick4(m1)
        pb = pick4(m2)
        return (m1, m2, *pa, *pb)

    lax.while_loop(
        alive_cond, visit,
        (jnp.float32(0.0), jnp.float32(1.0),
         ul0[0:1, 0:1], ul1[0:1, 0:1], dr0[0:1, 0:1], dr1[0:1, 0:1],
         ul0[0:1, 1:2], ul1[0:1, 1:2], dr0[0:1, 1:2], dr1[0:1, 1:2]))

    k = keep[:]
    o0[:] = ul0[:] * k
    o1[:] = ul1[:] * k
    o2[:] = dr0[:] * k
    o3[:] = dr1[:] * k
    o4[:] = sc[:] * k


def _run_nms(n, rows, planes):
    shp = jax.ShapeDtypeStruct((rows, LANES), jnp.float32)
    body = functools.partial(_nms_kernel, n, rows)
    return pl.pallas_call(
        body,
        out_shape=[shp] * 5,
        scratch_shapes=[pltpu.VMEM((rows, LANES), jnp.float32)] * 3,
    )(*planes)


def _nms_planar(boxes_sorted, scores_sorted, n):
    rows = (n + LANES - 1) // LANES
    rows = ((rows + 7) // 8) * 8
    npad = rows * LANES
    pad = npad - n
    b = jnp.pad(boxes_sorted, ((0, pad), (0, 0)))
    s = jnp.pad(scores_sorted, (0, pad))
    planes = [b[:, j].reshape(rows, LANES) for j in range(4)]
    planes.append(s.reshape(rows, LANES))
    outs = _run_nms(n, rows, planes)
    flat = [o.reshape(-1)[:n] for o in outs]
    return jnp.stack(flat, axis=-1)


def _sc_gather_planes(boxes, scores, order_pad, npad):
    from jax.experimental.pallas import tpu_sc as plsc

    info = plsc.get_sparse_core_info()
    nw = info.num_cores * info.num_subcores
    bpw = npad // nw
    nch = bpw // 128
    mesh = plsc.VectorSubcoreMesh(core_axis_name="c", subcore_axis_name="s")
    boxes_flat = boxes.reshape(-1)

    @functools.partial(
        pl.kernel, mesh=mesh,
        out_type=[jax.ShapeDtypeStruct((npad,), jnp.float32)] * 5,
        scratch_types=[
            pltpu.VMEM((bpw,), jnp.int32),
            pltpu.VMEM((128,), jnp.int32),
            pltpu.VMEM((128,), jnp.int32),
            pltpu.VMEM((128,), jnp.float32),
            pltpu.SemaphoreType.DMA,
        ],
    )
    def k(boxes_hbm, scores_hbm, order_hbm, o0, o1, o2, o3, o4,
          idx_v, idxc_v, idx4_v, buf_v, sem):
        wid = lax.axis_index("s") * info.num_cores + lax.axis_index("c")
        base = pl.multiple_of(wid * bpw, 8)
        pltpu.sync_copy(order_hbm.at[pl.ds(base, bpw)], idx_v)
        outs = (o0, o1, o2, o3)
        for c in range(nch):
            for t in range(8):
                idxc_v[pl.ds(t * 16, 16)] = idx_v[pl.ds(c * 128 + t * 16, 16)]
            for j in range(4):
                for t in range(8):
                    idx4_v[pl.ds(t * 16, 16)] = (
                        idxc_v[pl.ds(t * 16, 16)] * 4 + j)
                pltpu.async_copy(boxes_hbm.at[idx4_v], buf_v, sem).wait()
                pltpu.sync_copy(
                    buf_v, outs[j].at[pl.ds(base + c * 128, 128)])
            pltpu.async_copy(scores_hbm.at[idxc_v], buf_v, sem).wait()
            pltpu.sync_copy(buf_v, o4.at[pl.ds(base + c * 128, 128)])

    return k(boxes_flat, scores, order_pad)


def kernel(boxes, scores):
    rows = ((N + LANES - 1) // LANES + 7) // 8 * 8
    npad = rows * LANES
    order = jnp.argsort(-scores)
    order_pad = jnp.pad(order.astype(jnp.int32), (0, npad - N))
    flats = _sc_gather_planes(boxes, scores, order_pad, npad)
    planes = [f.reshape(rows, LANES) for f in flats]
    outs = _run_nms(N, rows, planes)
    flat = [o.reshape(-1)[:N] for o in outs]
    return jnp.stack(flat, axis=-1)

# --- scband reference (transcript-rebuilt; emitter-appended) ---
"""Pipeline reference for scband-mtcnn-22986664968964 (READ-ONLY COPY).

The authoritative reference and input builder live on the scoring server;
editing this copy changes nothing except your own understanding.
"""

import jax, jax.numpy as jnp
import numpy as np

N = 20000
IMG = 512.0
NMS_THRESHOLD = 0.5

def setup_inputs(seed: int = 0) -> dict:
    key = jax.random.key(seed)
    k1, k2, k3 = jax.random.split(key, 3)
    center = jax.random.uniform(k1, (N, 2), minval=0.0, maxval=IMG)
    hw = jax.random.uniform(k2, (N, 2), minval=4.0, maxval=64.0)
    upper_left = center - hw * 0.5
    down_right = center + hw * 0.5
    boxes = jnp.concatenate([upper_left, down_right], axis=-1).astype(jnp.float32)
    scores = jax.random.uniform(k3, (N,), dtype=jnp.float32)
    return {"boxes": boxes, "scores": scores}

def _nms_keep(b, thr):
    # Faithful greedy NMS (method='union') as in MTCNN.nms:
    # iterate boxes in descending-score order; suppress later boxes whose
    # IoU (with +1 pixel convention: hw = dr - ul + 1) >= thr.
    ul = b[:, 0:2]
    dr = b[:, 2:4]
    hw = dr - ul + 1.0
    area = hw[:, 0] * hw[:, 1]
    n = b.shape[0]
    idx = jnp.arange(n)

    def body(i, keep):
        max_ul = jnp.maximum(ul[i], ul)
        min_dr = jnp.minimum(dr[i], dr)
        ihw = jnp.maximum(min_dr - max_ul + 1.0, 0.0)
        inter = ihw[:, 0] * ihw[:, 1]
        overlap = inter / (area[i] + area - inter)
        # only suppress if box i itself is still kept, only affect boxes after i
        suppress = (overlap >= thr) & (idx > i) & keep[i]
        return keep & (~suppress)

    return jax.lax.fori_loop(0, n, body, jnp.ones((n,), dtype=bool))

def reference(boxes, scores):
    # sort by score descending (tf.argsort direction='DESCENDING')
    order = jnp.argsort(-scores)
    b = jnp.take(boxes, order, axis=0)
    s = jnp.take(scores, order, axis=0)
    keep = _nms_keep(jax.lax.stop_gradient(b), NMS_THRESHOLD)
    # emit kept boxes (with score column, as in concat([ul, dr, score, ...]));
    # suppressed rows zeroed to keep a static shape under jit
    out = jnp.where(keep[:, None], jnp.concatenate([b, s[:, None]], axis=-1), 0.0)
    return out

if __name__ == "__main__":
    import jax
    _d = setup_inputs()
    print(jax.jit(kernel)(*tuple(_d.values())))

</pallas_src>

<mosaic_0001>
#map = affine_map<(d0, d1) -> (0)>
module attributes {stable_mosaic.version = 14 : i64} {
  func.func @k(%arg0: i32, %arg1: i32, %arg2: memref<80000xf32, #tpu.memory_space<hbm>>, %arg3: memref<20000xf32, #tpu.memory_space<hbm>>, %arg4: memref<20480xi32, #tpu.memory_space<hbm>>, %arg5: memref<20480xf32, #tpu.memory_space<hbm>>, %arg6: memref<20480xf32, #tpu.memory_space<hbm>>, %arg7: memref<20480xf32, #tpu.memory_space<hbm>>, %arg8: memref<20480xf32, #tpu.memory_space<hbm>>, %arg9: memref<20480xf32, #tpu.memory_space<hbm>>, %arg10: memref<640xi32, #tpu.memory_space<vmem>>, %arg11: memref<128xi32, #tpu.memory_space<vmem>>, %arg12: memref<128xi32, #tpu.memory_space<vmem>>, %arg13: memref<128xf32, #tpu.memory_space<vmem>>, %arg14: memref<!tpu.dma_semaphore, #tpu.memory_space<semaphore_mem>>) attributes {dimension_semantics = [#tpu.dimension_semantics<core_parallel>, #tpu.dimension_semantics<subcore_parallel>], iteration_bounds = array<i64: 2, 16>, scalar_prefetch = 0 : i64, scratch_operands = 5 : i64, tpu.core_type = #tpu.core_type<sc_vector_subcore>, window_params = [{transform_indices = #map}, {transform_indices = #map}, {transform_indices = #map}, {transform_indices = #map}, {transform_indices = #map}, {transform_indices = #map}, {transform_indices = #map}, {transform_indices = #map}]} {
    %mul3A = arith.constant 2 : i32
    %mul3A_0 = arith.muli %arg1, %mul3A : i32
    %add3A = arith.addi %mul3A_0, %arg0 : i32
    %mul3A_1 = arith.constant 640 : i32
    %mul3A_2 = arith.muli %add3A, %mul3A_1 : i32
    %multiple_of3A = tpu.assume_multiple %mul3A_2, 8 : i32
    "tpu.region"() ({
      %run_scoped3A = tpu.sem_alloc : memref<!tpu.dma_semaphore, #tpu.memory_space<semaphore_mem>>
      %dma_start3A_2509 = tpu.memref_slice %arg4[%multiple_of3A] : memref<20480xi32, #tpu.memory_space<hbm>> -> memref<640xi32, #tpu.memory_space<hbm>>
      %dma_start3A_2510 = tpu.memref_slice %arg4[%multiple_of3A] : memref<20480xi32, #tpu.memory_space<hbm>> -> memref<640xi32, #tpu.memory_space<hbm>>
      tpu.enqueue_dma source(%dma_start3A_2510 : memref<640xi32, #tpu.memory_space<hbm>>) target(%arg10 : memref<640xi32, #tpu.memory_space<vmem>>) target_semaphore(%run_scoped3A : memref<!tpu.dma_semaphore, #tpu.memory_space<semaphore_mem>>)
      %dma_wait3A_2511 = tpu.memref_slice %arg4[%multiple_of3A] : memref<20480xi32, #tpu.memory_space<hbm>> -> memref<640xi32, #tpu.memory_space<hbm>>
      %dma_wait3A_2512 = tpu.memref_slice %arg4[%multiple_of3A] : memref<20480xi32, #tpu.memory_space<hbm>> -> memref<640xi32, #tpu.memory_space<hbm>>
      tpu.wait_dma2 semaphore(%run_scoped3A : memref<!tpu.dma_semaphore, #tpu.memory_space<semaphore_mem>>) src(%dma_wait3A_2512 : memref<640xi32, #tpu.memory_space<hbm>>) dst(%arg10 : memref<640xi32, #tpu.memory_space<vmem>>)
      tpu.yield
    }) : () -> ()
    %get3A = arith.constant 0 : index
    %get3A_3 = tpu.vector_load %arg10[%get3A] {strides = array<i32>} : memref<640xi32, #tpu.memory_space<vmem>>, vector<16xi32>,
    %get3A_4 = vector.shape_cast %get3A_3 : vector<16xi32> to vector<16xi32>
    %swap3A = arith.constant 0 : index
    %swap3A_5 = tpu.vector_load %arg11[%swap3A] {strides = array<i32>} : memref<128xi32, #tpu.memory_space<vmem>>, vector<16xi32>,
    %swap3A_6 = vector.shape_cast %swap3A_5 : vector<16xi32> to vector<16xi32>
    %swap3A_7 = vector.shape_cast %get3A_4 : vector<16xi32> to vector<16xi32>
    tpu.vector_store %arg11[%swap3A], %swap3A_7 {strides = array<i32>} : memref<128xi32, #tpu.memory_space<vmem>>, vector<16xi32>,
    %get3A_8 = arith.constant 16 : index
    %get3A_9 = tpu.vector_load %arg10[%get3A_8] {strides = array<i32>} : memref<640xi32, #tpu.memory_space<vmem>>, vector<16xi32>,
    %get3A_10 = vector.shape_cast %get3A_9 : vector<16xi32> to vector<16xi32>
    %swap3A_11 = arith.constant 16 : index
    %swap3A_12 = tpu.vector_load %arg11[%swap3A_11] {strides = array<i32>} : memref<128xi32, #tpu.memory_space<vmem>>, vector<16xi32>,
    %swap3A_13 = vector.shape_cast %swap3A_12 : vector<16xi32> to vector<16xi32>
    %swap3A_14 = vector.shape_cast %get3A_10 : vector<16xi32> to vector<16xi32>
    tpu.vector_store %arg11[%swap3A_11], %swap3A_14 {strides = array<i32>} : memref<128xi32, #tpu.memory_space<vmem>>, vector<16xi32>,
    %get3A_15 = arith.constant 32 : index
    %get3A_16 = tpu.vector_load %arg10[%get3A_15] {strides = array<i32>} : memref<640xi32, #tpu.memory_space<vmem>>, vector<16xi32>,
    %get3A_17 = vector.shape_cast %get3A_16 : vector<16xi32> to vector<16xi32>
    %swap3A_18 = arith.constant 32 : index
    %swap3A_19 = tpu.vector_load %arg11[%swap3A_18] {strides = array<i32>} : memref<128xi32, #tpu.memory_space<vmem>>, vector<16xi32>,
    %swap3A_20 = vector.shape_cast %swap3A_19 : vector<16xi32> to vector<16xi32>
    %swap3A_21 = vector.shape_cast %get3A_17 : vector<16xi32> to vector<16xi32>
    tpu.vector_store %arg11[%swap3A_18], %swap3A_21 {strides = array<i32>} : memref<128xi32, #tpu.memory_space<vmem>>, vector<16xi32>,
    %get3A_22 = arith.constant 48 : index
    %get3A_23 = tpu.vector_load %arg10[%get3A_22] {strides = array<i32>} : memref<640xi32, #tpu.memory_space<vmem>>, vector<16xi32>,
    %get3A_24 = vector.shape_cast %get3A_23 : vector<16xi32> to vector<16xi32>
    %swap3A_25 = arith.constant 48 : index
    %swap3A_26 = tpu.vector_load %arg11[%swap3A_25] {strides = array<i32>} : memref<128xi32, #tpu.memory_space<vmem>>, vector<16xi32>,
    %swap3A_27 = vector.shape_cast %swap3A_26 : vector<16xi32> to vector<16xi32>
    %swap3A_28 = vector.shape_cast %get3A_24 : vector<16xi32> to vector<16xi32>
    tpu.vector_store %arg11[%swap3A_25], %swap3A_28 {strides = array<i32>} : memref<128xi32, #tpu.memory_space<vmem>>, vector<16xi32>,
    %get3A_29 = arith.constant 64 : index
    %get3A_30 = tpu.vector_load %arg10[%get3A_29] {strides = array<i32>} : memref<640xi32, #tpu.memory_space<vmem>>, vector<16xi32>,
    %get3A_31 = vector.shape_cast %get3A_30 : vector<16xi32> to vector<16xi32>
    %swap3A_32 = arith.constant 64 : index
    %swap3A_33 = tpu.vector_load %arg11[%swap3A_32] {strides = array<i32>} : memref<128xi32, #tpu.memory_space<vmem>>, vector<16xi32>,
    %swap3A_34 = vector.shape_cast %swap3A_33 : vector<16xi32> to vector<16xi32>
    %swap3A_35 = vector.shape_cast %get3A_31 : vector<16xi32> to vector<16xi32>
    tpu.vector_store %arg11[%swap3A_32], %swap3A_35 {strides = array<i32>} : memref<128xi32, #tpu.memory_space<vmem>>, vector<16xi32>,
    %get3A_36 = arith.constant 80 : index
    %get3A_37 = tpu.vector_load %arg10[%get3A_36] {strides = array<i32>} : memref<640xi32, #tpu.memory_space<vmem>>, vector<16xi32>,
    %get3A_38 = vector.shape_cast %get3A_37 : vector<16xi32> to vector<16xi32>
    %swap3A_39 = arith.constant 80 : index
    %swap3A_40 = tpu.vector_load %arg11[%swap3A_39] {strides = array<i32>} : memref<128xi32, #tpu.memory_space<vmem>>, vector<16xi32>,
    %swap3A_41 = vector.shape_cast %swap3A_40 : vector<16xi32> to vector<16xi32>
    %swap3A_42 = vector.shape_cast %get3A_38 : vector<16xi32> to vector<16xi32>
    tpu.vector_store %arg11[%swap3A_39], %swap3A_42 {strides = array<i32>} : memref<128xi32, #tpu.memory_space<vmem>>, vector<16xi32>,
    %get3A_43 = arith.constant 96 : index
    %get3A_44 = tpu.vector_load %arg10[%get3A_43] {strides = array<i32>} : memref<640xi32, #tpu.memory_space<vmem>>, vector<16xi32>,
    %get3A_45 = vector.shape_cast %get3A_44 : vector<16xi32> to vector<16xi32>
    %swap3A_46 = arith.constant 96 : index
    %swap3A_47 = tpu.vector_load %arg11[%swap3A_46] {strides = array<i32>} : memref<128xi32, #tpu.memory_space<vmem>>, vector<16xi32>,
    %swap3A_48 = vector.shape_cast %swap3A_47 : vector<16xi32> to vector<16xi32>
    %swap3A_49 = vector.shape_cast %get3A_45 : vector<16xi32> to vector<16xi32>
    tpu.vector_store %arg11[%swap3A_46], %swap3A_49 {strides = array<i32>} : memref<128xi32, #tpu.memory_space<vmem>>, vector<16xi32>,
    %get3A_50 = arith.constant 112 : index
    %get3A_51 = tpu.vector_load %arg10[%get3A_50] {strides = array<i32>} : memref<640xi32, #tpu.memory_space<vmem>>, vector<16xi32>,
    %get3A_52 = vector.shape_cast %get3A_51 : vector<16xi32> to vector<16xi32>
    %swap3A_53 = arith.constant 112 : index
    %swap3A_54 = tpu.vector_load %arg11[%swap3A_53] {strides = array<i32>} : memref<128xi32, #tpu.memory_space<vmem>>, vector<16xi32>,
    %swap3A_55 = vector.shape_cast %swap3A_54 : vector<16xi32> to vector<16xi32>
    %swap3A_56 = vector.shape_cast %get3A_52 : vector<16xi32> to vector<16xi32>
    tpu.vector_store %arg11[%swap3A_53], %swap3A_56 {strides = array<i32>} : memref<128xi32, #tpu.memory_space<vmem>>, vector<16xi32>,
    %get3A_57 = arith.constant 0 : index
    %get3A_58 = tpu.vector_load %arg11[%get3A_57] {strides = array<i32>} : memref<128xi32, #tpu.memory_space<vmem>>, vector<16xi32>,
    %get3A_59 = vector.shape_cast %get3A_58 : vector<16xi32> to vector<16xi32>
    %mul3A_60 = arith.constant 4 : i32
    %mul3A_61 = vector.broadcast %mul3A_60 : i32 to vector<16xi32>
    %mul3A_62 = arith.muli %get3A_59, %mul3A_61 : vector<16xi32>
    %add3A_63 = arith.constant 0 : i32
    %add3A_64 = vector.broadcast %add3A_63 : i32 to vector<16xi32>
    %add3A_65 = arith.addi %mul3A_62, %add3A_64 : vector<16xi32>
    %swap3A_66 = arith.constant 0 : index
    %swap3A_67 = tpu.vector_load %arg12[%swap3A_66] {strides = array<i32>} : memref<128xi32, #tpu.memory_space<vmem>>, vector<16xi32>,
    %swap3A_68 = vector.shape_cast %swap3A_67 : vector<16xi32> to vector<16xi32>
    %swap3A_69 = vector.shape_cast %add3A_65 : vector<16xi32> to vector<16xi32>
    tpu.vector_store %arg12[%swap3A_66], %swap3A_69 {strides = array<i32>} : memref<128xi32, #tpu.memory_space<vmem>>, vector<16xi32>,
    %get3A_70 = arith.constant 16 : index
    %get3A_71 = tpu.vector_load %arg11[%get3A_70] {strides = array<i32>} : memref<128xi32, #tpu.memory_space<vmem>>, vector<16xi32>,
    %get3A_72 = vector.shape_cast %get3A_71 : vector<16xi32> to vector<16xi32>
    %mul3A_73 = arith.constant 4 : i32
    %mul3A_74 = vector.broadcast %mul3A_73 : i32 to vector<16xi32>
    %mul3A_75 = arith.muli %get3A_72, %mul3A_74 : vector<16xi32>
    %add3A_76 = arith.constant 0 : i32
    %add3A_77 = vector.broadcast %add3A_76 : i32 to vector<16xi32>
    %add3A_78 = arith.addi %mul3A_75, %add3A_77 : vector<16xi32>
    %swap3A_79 = arith.constant 16 : index
    %swap3A_80 = tpu.vector_load %arg12[%swap3A_79] {strides = array<i32>} : memref<128xi32, #tpu.memory_space<vmem>>, vector<16xi32>,
    %swap3A_81 = vector.shape_cast %swap3A_80 : vector<16xi32> to vector<16xi32>
    %swap3A_82 = vector.shape_cast %add3A_78 : vector<16xi32> to vector<16xi32>
    tpu.vector_store %arg12[%swap3A_79], %swap3A_82 {strides = array<i32>} : memref<128xi32, #tpu.memory_space<vmem>>, vector<16xi32>,
    %get3A_83 = arith.constant 32 : index
    %get3A_84 = tpu.vector_load %arg11[%get3A_83] {strides = array<i32>} : memref<128xi32, #tpu.memory_space<vmem>>, vector<16xi32>,
    %get3A_85 = vector.shape_cast %get3A_84 : vector<16xi32> to vector<16xi32>
    %mul3A_86 = arith.constant 4 : i32
    %mul3A_87 = vector.broadcast %mul3A_86 : i32 to vector<16xi32>
    %mul3A_88 = arith.muli %get3A_85, %mul3A_87 : vector<16xi32>
    %add3A_89 = arith.constant 0 : i32
    %add3A_90 = vector.broadcast %add3A_89 : i32 to vector<16xi32>
    %add3A_91 = arith.addi %mul3A_88, %add3A_90 : vector<16xi32>
    %swap3A_92 = arith.constant 32 : index
    %swap3A_93 = tpu.vector_load %arg12[%swap3A_92] {strides = array<i32>} : memref<128xi32, #tpu.memory_space<vmem>>, vector<16xi32>,
    %swap3A_94 = vector.shape_cast %swap3A_93 : vector<16xi32> to vector<16xi32>
    %swap3A_95 = vector.shape_cast %add3A_91 : vector<16xi32> to vector<16xi32>
    tpu.vector_store %arg12[%swap3A_92], %swap3A_95 {strides = array<i32>} : memref<128xi32, #tpu.memory_space<vmem>>, vector<16xi32>,
    %get3A_96 = arith.constant 48 : index
    %get3A_97 = tpu.vector_load %arg11[%get3A_96] {strides = array<i32>} : memref<128xi32, #tpu.memory_space<vmem>>, vector<16xi32>,
    %get3A_98 = vector.shape_cast %get3A_97 : vector<16xi32> to vector<16xi32>
    %mul3A_99 = arith.constant 4 : i32
    %mul3A_100 = vector.broadcast %mul3A_99 : i32 to vector<16xi32>
    %mul3A_101 = arith.muli %get3A_98, %mul3A_100 : vector<16xi32>
    %add3A_102 = arith.constant 0 : i32
    %add3A_103 = vector.broadcast %add3A_102 : i32 to vector<16xi32>
    %add3A_104 = arith.addi %mul3A_101, %add3A_103 : vector<16xi32>
    %swap3A_105 = arith.constant 48 : index
    %swap3A_106 = tpu.vector_load %arg12[%swap3A_105] {strides = array<i32>} : memref<128xi32, #tpu.memory_space<vmem>>, vector<16xi32>,
    %swap3A_107 = vector.shape_cast %swap3A_106 : vector<16xi32> to vector<16xi32>
    %swap3A_108 = vector.shape_cast %add3A_104 : vector<16xi32> to vector<16xi32>
    tpu.vector_store %arg12[%swap3A_105], %swap3A_108 {strides = array<i32>} : memref<128xi32, #tpu.memory_space<vmem>>, vector<16xi32>,
    %get3A_109 = arith.constant 64 : index
    %get3A_110 = tpu.vector_load %arg11[%get3A_109] {strides = array<i32>} : memref<128xi32, #tpu.memory_space<vmem>>, vector<16xi32>,
    %get3A_111 = vector.shape_cast %get3A_110 : vector<16xi32> to vector<16xi32>
    %mul3A_112 = arith.constant 4 : i32
    %mul3A_113 = vector.broadcast %mul3A_112 : i32 to vector<16xi32>
    %mul3A_114 = arith.muli %get3A_111, %mul3A_113 : vector<16xi32>
    %add3A_115 = arith.constant 0 : i32
    %add3A_116 = vector.broadcast %add3A_115 : i32 to vector<16xi32>
    %add3A_117 = arith.addi %mul3A_114, %add3A_116 : vector<16xi32>
    %swap3A_118 = arith.constant 64 : index
    %swap3A_119 = tpu.vector_load %arg12[%swap3A_118] {strides = array<i32>} : memref<128xi32, #tpu.memory_space<vmem>>, vector<16xi32>,
    %swap3A_120 = vector.shape_cast %swap3A_119 : vector<16xi32> to vector<16xi32>
    %swap3A_121 = vector.shape_cast %add3A_117 : vector<16xi32> to vector<16xi32>
    tpu.vector_store %arg12[%swap3A_118], %swap3A_121 {strides = array<i32>} : memref<128xi32, #tpu.memory_space<vmem>>, vector<16xi32>,
    %get3A_122 = arith.constant 80 : index
    %get3A_123 = tpu.vector_load %arg11[%get3A_122] {strides = array<i32>} : memref<128xi32, #tpu.memory_space<vmem>>, vector<16xi32>,
    %get3A_124 = vector.shape_cast %get3A_123 : vector<16xi32> to vector<16xi32>
    %mul3A_125 = arith.constant 4 : i32
    %mul3A_126 = vector.broadcast %mul3A_125 : i32 to vector<16xi32>
    %mul3A_127 = arith.muli %get3A_124, %mul3A_126 : vector<16xi32>
    %add3A_128 = arith.constant 0 : i32
    %add3A_129 = vector.broadcast %add3A_128 : i32 to vector<16xi32>
    %add3A_130 = arith.addi %mul3A_127, %add3A_129 : vector<16xi32>
    %swap3A_131 = arith.constant 80 : index
    %swap3A_132 = tpu.vector_load %arg12[%swap3A_131] {strides = array<i32>} : memref<128xi32, #tpu.memory_space<vmem>>, vector<16xi32>,
    %swap3A_133 = vector.shape_cast %swap3A_132 : vector<16xi32> to vector<16xi32>
    %swap3A_134 = vector.shape_cast %add3A_130 : vector<16xi32> to vector<16xi32>
    tpu.vector_store %arg12[%swap3A_131], %swap3A_134 {strides = array<i32>} : memref<128xi32, #tpu.memory_space<vmem>>, vector<16xi32>,
    %get3A_135 = arith.constant 96 : index
    %get3A_136 = tpu.vector_load %arg11[%get3A_135] {strides = array<i32>} : memref<128xi32, #tpu.memory_space<vmem>>, vector<16xi32>,
    %get3A_137 = vector.shape_cast %get3A_136 : vector<16xi32> to vector<16xi32>
    %mul3A_138 = arith.constant 4 : i32
    %mul3A_139 = vector.broadcast %mul3A_138 : i32 to vector<16xi32>
    %mul3A_140 = arith.muli %get3A_137, %mul3A_139 : vector<16xi32>
    %add3A_141 = arith.constant 0 : i32
    %add3A_142 = vector.broadcast %add3A_141 : i32 to vector<16xi32>
    %add3A_143 = arith.addi %mul3A_140, %add3A_142 : vector<16xi32>
    %swap3A_144 = arith.constant 96 : index
    %swap3A_145 = tpu.vector_load %arg12[%swap3A_144] {strides = array<i32>} : memref<128xi32, #tpu.memory_space<vmem>>, vector<16xi32>,
    %swap3A_146 = vector.shape_cast %swap3A_145 : vector<16xi32> to vector<16xi32>
    %swap3A_147 = vector.shape_cast %add3A_143 : vector<16xi32> to vector<16xi32>
    tpu.vector_store %arg12[%swap3A_144], %swap3A_147 {strides = array<i32>} : memref<128xi32, #tpu.memory_space<vmem>>, vector<16xi32>,
    %get3A_148 = arith.constant 112 : index
    %get3A_149 = tpu.vector_load %arg11[%get3A_148] {strides = array<i32>} : memref<128xi32, #tpu.memory_space<vmem>>, vector<16xi32>,
    %get3A_150 = vector.shape_cast %get3A_149 : vector<16xi32> to vector<16xi32>
    %mul3A_151 = arith.constant 4 : i32
    %mul3A_152 = vector.broadcast %mul3A_151 : i32 to vector<16xi32>
    %mul3A_153 = arith.muli %get3A_150, %mul3A_152 : vector<16xi32>
    %add3A_154 = arith.constant 0 : i32
    %add3A_155 = vector.broadcast %add3A_154 : i32 to vector<16xi32>
    %add3A_156 = arith.addi %mul3A_153, %add3A_155 : vector<16xi32>
    %swap3A_157 = arith.constant 112 : index
    %swap3A_158 = tpu.vector_load %arg12[%swap3A_157] {strides = array<i32>} : memref<128xi32, #tpu.memory_space<vmem>>, vector<16xi32>,
    %swap3A_159 = vector.shape_cast %swap3A_158 : vector<16xi32> to vector<16xi32>
    %swap3A_160 = vector.shape_cast %add3A_156 : vector<16xi32> to vector<16xi32>
    tpu.vector_store %arg12[%swap3A_157], %swap3A_160 {strides = array<i32>} : memref<128xi32, #tpu.memory_space<vmem>>, vector<16xi32>,
    %dma_start3A = arith.constant 0 : i32
    %dma_start3A_161 = tpu.memref_slice %arg2[%dma_start3A] : memref<80000xf32, #tpu.memory_space<hbm>> -> memref<80000xf32, #tpu.memory_space<hbm>>
    tpu.enqueue_indirect_dma source(%dma_start3A_161 : memref<80000xf32, #tpu.memory_space<hbm>>) target(%arg13 : memref<128xf32, #tpu.memory_space<vmem>>) offsets(%arg12 : memref<128xi32, #tpu.memory_space<vmem>>) semaphore(%arg14 : memref<!tpu.dma_semaphore, #tpu.memory_space<semaphore_mem>>)
    %dma_wait3A = arith.constant 0 : i32
    %dma_wait3A_162 = tpu.memref_slice %arg2[%dma_wait3A] : memref<80000xf32, #tpu.memory_space<hbm>> -> memref<80000xf32, #tpu.memory_space<hbm>>
    tpu.wait_indirect_dma semaphore(%arg14 : memref<!tpu.dma_semaphore, #tpu.memory_space<semaphore_mem>>) src(%dma_wait3A_162 : memref<80000xf32, #tpu.memory_space<hbm>>) dst(%arg13 : memref<128xf32, #tpu.memory_space<vmem>>)
    %add3A_163 = arith.constant 0 : i32
    %add3A_164 = arith.addi %multiple_of3A, %add3A_163 : i32
    "tpu.region"() ({
      %run_scoped3A = tpu.sem_alloc : memref<!tpu.dma_semaphore, #tpu.memory_space<semaphore_mem>>
      %dma_start3A_2509 = tpu.memref_slice %arg5[%add3A_164] : memref<20480xf32, #tpu.memory_space<hbm>> -> memref<128xf32, #tpu.memory_space<hbm>>
      %dma_start3A_2510 = tpu.memref_slice %arg5[%add3A_164] : memref<20480xf32, #tpu.memory_space<hbm>> -> memref<128xf32, #tpu.memory_space<hbm>>
      tpu.enqueue_dma source(%arg13 : memref<128xf32, #tpu.memory_space<vmem>>) target(%dma_start3A_2510 : memref<128xf32, #tpu.memory_space<hbm>>) target_semaphore(%run_scoped3A : memref<!tpu.dma_semaphore, #tpu.memory_space<semaphore_mem>>)
      %dma_wait3A_2511 = tpu.memref_slice %arg5[%add3A_164] : memref<20480xf32, #tpu.memory_space<hbm>> -> memref<128xf32, #tpu.memory_space<hbm>>
      %dma_wait3A_2512 = tpu.memref_slice %arg5[%add3A_164] : memref<20480xf32, #tpu.memory_space<hbm>> -> memref<128xf32, #tpu.memory_space<hbm>>
      tpu.wait_dma2 semaphore(%run_scoped3A : memref<!tpu.dma_semaphore, #tpu.memory_space<semaphore_mem>>) src(%arg13 : memref<128xf32, #tpu.memory_space<vmem>>) dst(%dma_wait3A_2512 : memref<128xf32, #tpu.memory_space<hbm>>)
      tpu.yield
    }) : () -> ()
    %get3A_165 = arith.constant 0 : index
    %get3A_166 = tpu.vector_load %arg11[%get3A_165] {strides = array<i32>} : memref<128xi32, #tpu.memory_space<vmem>>, vector<16xi32>,
    %get3A_167 = vector.shape_cast %get3A_166 : vector<16xi32> to vector<16xi32>
    %mul3A_168 = arith.constant 4 : i32
    %mul3A_169 = vector.broadcast %mul3A_168 : i32 to vector<16xi32>
    %mul3A_170 = arith.muli %get3A_167, %mul3A_169 : vector<16xi32>
    %add3A_171 = arith.constant 1 : i32
    %add3A_172 = vector.broadcast %add3A_171 : i32 to vector<16xi32>
    %add3A_173 = arith.addi %mul3A_170, %add3A_172 : vector<16xi32>
    %swap3A_174 = arith.constant 0 : index
    %swap3A_175 = tpu.vector_load %arg12[%swap3A_174] {strides = array<i32>} : memref<128xi32, #tpu.memory_space<vmem>>, vector<16xi32>,
    %swap3A_176 = vector.shape_cast %swap3A_175 : vector<16xi32> to vector<16xi32>
    %swap3A_177 = vector.shape_cast %add3A_173 : vector<16xi32> to vector<16xi32>
    tpu.vector_store %arg12[%swap3A_174], %swap3A_177 {strides = array<i32>} : memref<128xi32, #tpu.memory_space<vmem>>, vector<16xi32>,
    %get3A_178 = arith.constant 16 : index
    %get3A_179 = tpu.vector_load %arg11[%get3A_178] {strides = array<i32>} : memref<128xi32, #tpu.memory_space<vmem>>, vector<16xi32>,
    %get3A_180 = vector.shape_cast %get3A_179 : vector<16xi32> to vector<16xi32>
    %mul3A_181 = arith.constant 4 : i32
    %mul3A_182 = vector.broadcast %mul3A_181 : i32 to vector<16xi32>
    %mul3A_183 = arith.muli %get3A_180, %mul3A_182 : vector<16xi32>
    %add3A_184 = arith.constant 1 : i32
    %add3A_185 = vector.broadcast %add3A_184 : i32 to vector<16xi32>
    %add3A_186 = arith.addi %mul3A_183, %add3A_185 : vector<16xi32>
    %swap3A_187 = arith.constant 16 : index
    %swap3A_188 = tpu.vector_load %arg12[%swap3A_187] {strides = array<i32>} : memref<128xi32, #tpu.memory_space<vmem>>, vector<16xi32>,
    %swap3A_189 = vector.shape_cast %swap3A_188 : vector<16xi32> to vector<16xi32>
    %swap3A_190 = vector.shape_cast %add3A_186 : vector<16xi32> to vector<16xi32>
    tpu.vector_store %arg12[%swap3A_187], %swap3A_190 {strides = array<i32>} : memref<128xi32, #tpu.memory_space<vmem>>, vector<16xi32>,
    %get3A_191 = arith.constant 32 : index
    %get3A_192 = tpu.vector_load %arg11[%get3A_191] {strides = array<i32>} : memref<128xi32, #tpu.memory_space<vmem>>, vector<16xi32>,
    %get3A_193 = vector.shape_cast %get3A_192 : vector<16xi32> to vector<16xi32>
    %mul3A_194 = arith.constant 4 : i32
    %mul3A_195 = vector.broadcast %mul3A_194 : i32 to vector<16xi32>
    %mul3A_196 = arith.muli %get3A_193, %mul3A_195 : vector<16xi32>
    %add3A_197 = arith.constant 1 : i32
    %add3A_198 = vector.broadcast %add3A_197 : i32 to vector<16xi32>
    %add3A_199 = arith.addi %mul3A_196, %add3A_198 : vector<16xi32>
    %swap3A_200 = arith.constant 32 : index
    %swap3A_201 = tpu.vector_load %arg12[%swap3A_200] {strides = array<i32>} : memref<128xi32, #tpu.memory_space<vmem>>, vector<16xi32>,
    %swap3A_202 = vector.shape_cast %swap3A_201 : vector<16xi32> to vector<16xi32>
    %swap3A_203 = vector.shape_cast %add3A_199 : vector<16xi32> to vector<16xi32>
    tpu.vector_store %arg12[%swap3A_200], %swap3A_203 {strides = array<i32>} : memref<128xi32, #tpu.memory_space<vmem>>, vector<16xi32>,
    %get3A_204 = arith.constant 48 : index
    %get3A_205 = tpu.vector_load %arg11[%get3A_204] {strides = array<i32>} : memref<128xi32, #tpu.memory_space<vmem>>, vector<16xi32>,
    %get3A_206 = vector.shape_cast %get3A_205 : vector<16xi32> to vector<16xi32>
    %mul3A_207 = arith.constant 4 : i32
    %mul3A_208 = vector.broadcast %mul3A_207 : i32 to vector<16xi32>
    %mul3A_209 = arith.muli %get3A_206, %mul3A_208 : vector<16xi32>
    %add3A_210 = arith.constant 1 : i32
    %add3A_211 = vector.broadcast %add3A_210 : i32 to vector<16xi32>
    %add3A_212 = arith.addi %mul3A_209, %add3A_211 : vector<16xi32>
    %swap3A_213 = arith.constant 48 : index
    %swap3A_214 = tpu.vector_load %arg12[%swap3A_213] {strides = array<i32>} : memref<128xi32, #tpu.memory_space<vmem>>, vector<16xi32>,
    %swap3A_215 = vector.shape_cast %swap3A_214 : vector<16xi32> to vector<16xi32>
    %swap3A_216 = vector.shape_cast %add3A_212 : vector<16xi32> to vector<16xi32>
    tpu.vector_store %arg12[%swap3A_213], %swap3A_216 {strides = array<i32>} : memref<128xi32, #tpu.memory_space<vmem>>, vector<16xi32>,
    %get3A_217 = arith.constant 64 : index
    %get3A_218 = tpu.vector_load %arg11[%get3A_217] {strides = array<i32>} : memref<128xi32, #tpu.memory_space<vmem>>, vector<16xi32>,
    %get3A_219 = vector.shape_cast %get3A_218 : vector<16xi32> to vector<16xi32>
    %mul3A_220 = arith.constant 4 : i32
    %mul3A_221 = vector.broadcast %mul3A_220 : i32 to vector<16xi32>
    %mul3A_222 = arith.muli %get3A_219, %mul3A_221 : vector<16xi32>
    %add3A_223 = arith.constant 1 : i32
    %add3A_224 = vector.broadcast %add3A_223 : i32 to vector<16xi32>
    %add3A_225 = arith.addi %mul3A_222, %add3A_224 : vector<16xi32>
    %swap3A_226 = arith.constant 64 : index
    %swap3A_227 = tpu.vector_load %arg12[%swap3A_226] {strides = array<i32>} : memref<128xi32, #tpu.memory_space<vmem>>, vector<16xi32>,
    %swap3A_228 = vector.shape_cast %swap3A_227 : vector<16xi32> to vector<16xi32>
    %swap3A_229 = vector.shape_cast %add3A_225 : vector<16xi32> to vector<16xi32>
    tpu.vector_store %arg12[%swap3A_226], %swap3A_229 {strides = array<i32>} : memref<128xi32, #tpu.memory_space<vmem>>, vector<16xi32>,
    %get3A_230 = arith.constant 80 : index
    %get3A_231 = tpu.vector_load %arg11[%get3A_230] {strides = array<i32>} : memref<128xi32, #tpu.memory_space<vmem>>, vector<16xi32>,
    %get3A_232 = vector.shape_cast %get3A_231 : vector<16xi32> to vector<16xi32>
    %mul3A_233 = arith.constant 4 : i32
    %mul3A_234 = vector.broadcast %mul3A_233 : i32 to vector<16xi32>
    %mul3A_235 = arith.muli %get3A_232, %mul3A_234 : vector<16xi32>
    %add3A_236 = arith.constant 1 : i32
    %add3A_237 = vector.broadcast %add3A_236 : i32 to vector<16xi32>
    %add3A_238 = arith.addi %mul3A_235, %add3A_237 : vector<16xi32>
    %swap3A_239 = arith.constant 80 : index
    %swap3A_240 = tpu.vector_load %arg12[%swap3A_239] {strides = array<i32>} : memref<128xi32, #tpu.memory_space<vmem>>, vector<16xi32>,
    %swap3A_241 = vector.shape_cast %swap3A_240 : vector<16xi32> to vector<16xi32>
    %swap3A_242 = vector.shape_cast %add3A_238 : vector<16xi32> to vector<16xi32>
    tpu.vector_store %arg12[%swap3A_239], %swap3A_242 {strides = array<i32>} : memref<128xi32, #tpu.memory_space<vmem>>, vector<16xi32>,
    %get3A_243 = arith.constant 96 : index
    %get3A_244 = tpu.vector_load %arg11[%get3A_243] {strides = array<i32>} : memref<128xi32, #tpu.memory_space<vmem>>, vector<16xi32>,
    %get3A_245 = vector.shape_cast %get3A_244 : vector<16xi32> to vector<16xi32>
    %mul3A_246 = arith.constant 4 : i32
    %mul3A_247 = vector.broadcast %mul3A_246 : i32 to vector<16xi32>
    %mul3A_248 = arith.muli %get3A_245, %mul3A_247 : vector<16xi32>
    %add3A_249 = arith.constant 1 : i32
    %add3A_250 = vector.broadcast %add3A_249 : i32 to vector<16xi32>
    %add3A_251 = arith.addi %mul3A_248, %add3A_250 : vector<16xi32>
    %swap3A_252 = arith.constant 96 : index
    %swap3A_253 = tpu.vector_load %arg12[%swap3A_252] {strides = array<i32>} : memref<128xi32, #tpu.memory_space<vmem>>, vector<16xi32>,
    %swap3A_254 = vector.shape_cast %swap3A_253 : vector<16xi32> to vector<16xi32>
    %swap3A_255 = vector.shape_cast %add3A_251 : vector<16xi32> to vector<16xi32>
    tpu.vector_store %arg12[%swap3A_252], %swap3A_255 {strides = array<i32>} : memref<128xi32, #tpu.memory_space<vmem>>, vector<16xi32>,
    %get3A_256 = arith.constant 112 : index
    %get3A_257 = tpu.vector_load %arg11[%get3A_256] {strides = array<i32>} : memref<128xi32, #tpu.memory_space<vmem>>, vector<16xi32>,
    %get3A_258 = vector.shape_cast %get3A_257 : vector<16xi32> to vector<16xi32>
    %mul3A_259 = arith.constant 4 : i32
    %mul3A_260 = vector.broadcast %mul3A_259 : i32 to vector<16xi32>
    %mul3A_261 = arith.muli %get3A_258, %mul3A_260 : vector<16xi32>
    %add3A_262 = arith.constant 1 : i32
    %add3A_263 = vector.broadcast %add3A_262 : i32 to vector<16xi32>
    %add3A_264 = arith.addi %mul3A_261, %add3A_263 : vector<16xi32>
    %swap3A_265 = arith.constant 112 : index
    %swap3A_266 = tpu.vector_load %arg12[%swap3A_265] {strides = array<i32>} : memref<128xi32, #tpu.memory_space<vmem>>, vector<16xi32>,
    %swap3A_267 = vector.shape_cast %swap3A_266 : vector<16xi32> to vector<16xi32>
    %swap3A_268 = vector.shape_cast %add3A_264 : vector<16xi32> to vector<16xi32>
    tpu.vector_store %arg12[%swap3A_265], %swap3A_268 {strides = array<i32>} : memref<128xi32, #tpu.memory_space<vmem>>, vector<16xi32>,
    %dma_start3A_269 = arith.constant 0 : i32
    %dma_start3A_270 = tpu.memref_slice %arg2[%dma_start3A_269] : memref<80000xf32, #tpu.memory_space<hbm>> -> memref<80000xf32, #tpu.memory_space<hbm>>
    tpu.enqueue_indirect_dma source(%dma_start3A_270 : memref<80000xf32, #tpu.memory_space<hbm>>) target(%arg13 : memref<128xf32, #tpu.memory_space<vmem>>) offsets(%arg12 : memref<128xi32, #tpu.memory_space<vmem>>) semaphore(%arg14 : memref<!tpu.dma_semaphore, #tpu.memory_space<semaphore_mem>>)
    %dma_wait3A_271 = arith.constant 0 : i32
    %dma_wait3A_272 = tpu.memref_slice %arg2[%dma_wait3A_271] : memref<80000xf32, #tpu.memory_space<hbm>> -> memref<80000xf32, #tpu.memory_space<hbm>>
    tpu.wait_indirect_dma semaphore(%arg14 : memref<!tpu.dma_semaphore, #tpu.memory_space<semaphore_mem>>) src(%dma_wait3A_272 : memref<80000xf32, #tpu.memory_space<hbm>>) dst(%arg13 : memref<128xf32, #tpu.memory_space<vmem>>)
    %add3A_273 = arith.constant 0 : i32
    %add3A_274 = arith.addi %multiple_of3A, %add3A_273 : i32
    "tpu.region"() ({
      %run_scoped3A = tpu.sem_alloc : memref<!tpu.dma_semaphore, #tpu.memory_space<semaphore_mem>>
      %dma_start3A_2509 = tpu.memref_slice %arg6[%add3A_274] : memref<20480xf32, #tpu.memory_space<hbm>> -> memref<128xf32, #tpu.memory_space<hbm>>
      %dma_start3A_2510 = tpu.memref_slice %arg6[%add3A_274] : memref<20480xf32, #tpu.memory_space<hbm>> -> memref<128xf32, #tpu.memory_space<hbm>>
      tpu.enqueue_dma source(%arg13 : memref<128xf32, #tpu.memory_space<vmem>>) target(%dma_start3A_2510 : memref<128xf32, #tpu.memory_space<hbm>>) target_semaphore(%run_scoped3A : memref<!tpu.dma_semaphore, #tpu.memory_space<semaphore_mem>>)
      %dma_wait3A_2511 = tpu.memref_slice %arg6[%add3A_274] : memref<20480xf32, #tpu.memory_space<hbm>> -> memref<128xf32, #tpu.memory_space<hbm>>
      %dma_wait3A_2512 = tpu.memref_slice %arg6[%add3A_274] : memref<20480xf32, #tpu.memory_space<hbm>> -> memref<128xf32, #tpu.memory_space<hbm>>
      tpu.wait_dma2 semaphore(%run_scoped3A : memref<!tpu.dma_semaphore, #tpu.memory_space<semaphore_mem>>) src(%arg13 : memref<128xf32, #tpu.memory_space<vmem>>) dst(%dma_wait3A_2512 : memref<128xf32, #tpu.memory_space<hbm>>)
      tpu.yield
    }) : () -> ()
    %get3A_275 = arith.constant 0 : index
    %get3A_276 = tpu.vector_load %arg11[%get3A_275] {strides = array<i32>} : memref<128xi32, #tpu.memory_space<vmem>>, vector<16xi32>,
    %get3A_277 = vector.shape_cast %get3A_276 : vector<16xi32> to vector<16xi32>
    %mul3A_278 = arith.constant 4 : i32
    %mul3A_279 = vector.broadcast %mul3A_278 : i32 to vector<16xi32>
    %mul3A_280 = arith.muli %get3A_277, %mul3A_279 : vector<16xi32>
    %add3A_281 = arith.constant 2 : i32
    %add3A_282 = vector.broadcast %add3A_281 : i32 to vector<16xi32>
    %add3A_283 = arith.addi %mul3A_280, %add3A_282 : vector<16xi32>
    %swap3A_284 = arith.constant 0 : index
    %swap3A_285 = tpu.vector_load %arg12[%swap3A_284] {strides = array<i32>} : memref<128xi32, #tpu.memory_space<vmem>>, vector<16xi32>,
    %swap3A_286 = vector.shape_cast %swap3A_285 : vector<16xi32> to vector<16xi32>
    %swap3A_287 = vector.shape_cast %add3A_283 : vector<16xi32> to vector<16xi32>
    tpu.vector_store %arg12[%swap3A_284], %swap3A_287 {strides = array<i32>} : memref<128xi32, #tpu.memory_space<vmem>>, vector<16xi32>,
    %get3A_288 = arith.constant 16 : index
    %get3A_289 = tpu.vector_load %arg11[%get3A_288] {strides = array<i32>} : memref<128xi32, #tpu.memory_space<vmem>>, vector<16xi32>,
    %get3A_290 = vector.shape_cast %get3A_289 : vector<16xi32> to vector<16xi32>
    %mul3A_291 = arith.constant 4 : i32
    %mul3A_292 = vector.broadcast %mul3A_291 : i32 to vector<16xi32>
    %mul3A_293 = arith.muli %get3A_290, %mul3A_292 : vector<16xi32>
    %add3A_294 = arith.constant 2 : i32
    %add3A_295 = vector.broadcast %add3A_294 : i32 to vector<16xi32>
    %add3A_296 = arith.addi %mul3A_293, %add3A_295 : vector<16xi32>
    %swap3A_297 = arith.constant 16 : index
    %swap3A_298 = tpu.vector_load %arg12[%swap3A_297] {strides = array<i32>} : memref<128xi32, #tpu.memory_space<vmem>>, vector<16xi32>,
    %swap3A_299 = vector.shape_cast %swap3A_298 : vector<16xi32> to vector<16xi32>
    %swap3A_300 = vector.shape_cast %add3A_296 : vector<16xi32> to vector<16xi32>
    tpu.vector_store %arg12[%swap3A_297], %swap3A_300 {strides = array<i32>} : memref<128xi32, #tpu.memory_space<vmem>>, vector<16xi32>,
    %get3A_301 = arith.constant 32 : index
    %get3A_302 = tpu.vector_load %arg11[%get3A_301] {strides = array<i32>} : memref<128xi32, #tpu.memory_space<vmem>>, vector<16xi32>,
    %get3A_303 = vector.shape_cast %get3A_302 : vector<16xi32> to vector<16xi32>
    %mul3A_304 = arith.constant 4 : i32
    %mul3A_305 = vector.broadcast %mul3A_304 : i32 to vector<16xi32>
    %mul3A_306 = arith.muli %get3A_303, %mul3A_305 : vector<16xi32>
    %add3A_307 = arith.constant 2 : i32
    %add3A_308 = vector.broadcast %add3A_307 : i32 to vector<16xi32>
    %add3A_309 = arith.addi %mul3A_306, %add3A_308 : vector<16xi32>
    %swap3A_310 = arith.constant 32 : index
    %swap3A_311 = tpu.vector_load %arg12[%swap3A_310] {strides = array<i32>} : memref<128xi32, #tpu.memory_space<vmem>>, vector<16xi32>,
    %swap3A_312 = vector.shape_cast %swap3A_311 : vector<16xi32> to vector<16xi32>
    %swap3A_313 = vector.shape_cast %add3A_309 : vector<16xi32> to vector<16xi32>
    tpu.vector_store %arg12[%swap3A_310], %swap3A_313 {strides = array<i32>} : memref<128xi32, #tpu.memory_space<vmem>>, vector<16xi32>,
    %get3A_314 = arith.constant 48 : index
    %get3A_315 = tpu.vector_load %arg11[%get3A_314] {strides = array<i32>} : memref<128xi32, #tpu.memory_space<vmem>>, vector<16xi32>,
    %get3A_316 = vector.shape_cast %get3A_315 : vector<16xi32> to vector<16xi32>
    %mul3A_317 = arith.constant 4 : i32
    %mul3A_318 = vector.broadcast %mul3A_317 : i32 to vector<16xi32>
    %mul3A_319 = arith.muli %get3A_316, %mul3A_318 : vector<16xi32>
    %add3A_320 = arith.constant 2 : i32
    %add3A_321 = vector.broadcast %add3A_320 : i32 to vector<16xi32>
    %add3A_322 = arith.addi %mul3A_319, %add3A_321 : vector<16xi32>
    %swap3A_323 = arith.constant 48 : index
    %swap3A_324 = tpu.vector_load %arg12[%swap3A_323] {strides = array<i32>} : memref<128xi32, #tpu.memory_space<vmem>>, vector<16xi32>,
    %swap3A_325 = vector.shape_cast %swap3A_324 : vector<16xi32> to vector<16xi32>
    %swap3A_326 = vector.shape_cast %add3A_322 : vector<16xi32> to vector<16xi32>
    tpu.vector_store %arg12[%swap3A_323], %swap3A_326 {strides = array<i32>} : memref<128xi32, #tpu.memory_space<vmem>>, vector<16xi32>,
    %get3A_327 = arith.constant 64 : index
    %get3A_328 = tpu.vector_load %arg11[%get3A_327] {strides = array<i32>} : memref<128xi32, #tpu.memory_space<vmem>>, vector<16xi32>,
    %get3A_329 = vector.shape_cast %get3A_328 : vector<16xi32> to vector<16xi32>
    %mul3A_330 = arith.constant 4 : i32
    %mul3A_331 = vector.broadcast %mul3A_330 : i32 to vector<16xi32>
    %mul3A_332 = arith.muli %get3A_329, %mul3A_331 : vector<16xi32>
    %add3A_333 = arith.constant 2 : i32
    %add3A_334 = vector.broadcast %add3A_333 : i32 to vector<16xi32>
    %add3A_335 = arith.addi %mul3A_332, %add3A_334 : vector<16xi32>
    %swap3A_336 = arith.constant 64 : index
    %swap3A_337 = tpu.vector_load %arg12[%swap3A_336] {strides = array<i32>} : memref<128xi32, #tpu.memory_space<vmem>>, vector<16xi32>,
    %swap3A_338 = vector.shape_cast %swap3A_337 : vector<16xi32> to vector<16xi32>
    %swap3A_339 = vector.shape_cast %add3A_335 : vector<16xi32> to vector<16xi32>
    tpu.vector_store %arg12[%swap3A_336], %swap3A_339 {strides = array<i32>} : memref<128xi32, #tpu.memory_space<vmem>>, vector<16xi32>,
    %get3A_340 = arith.constant 80 : index
    %get3A_341 = tpu.vector_load %arg11[%get3A_340] {strides = array<i32>} : memref<128xi32, #tpu.memory_space<vmem>>, vector<16xi32>,
    %get3A_342 = vector.shape_cast %get3A_341 : vector<16xi32> to vector<16xi32>
    %mul3A_343 = arith.constant 4 : i32
    %mul3A_344 = vector.broadcast %mul3A_343 : i32 to vector<16xi32>
    %mul3A_345 = arith.muli %get3A_342, %mul3A_344 : vector<16xi32>
    %add3A_346 = arith.constant 2 : i32
    %add3A_347 = vector.broadcast %add3A_346 : i32 to vector<16xi32>
    %add3A_348 = arith.addi %mul3A_345, %add3A_347 : vector<16xi32>
    %swap3A_349 = arith.constant 80 : index
    %swap3A_350 = tpu.vector_load %arg12[%swap3A_349] {strides = array<i32>} : memref<128xi32, #tpu.memory_space<vmem>>, vector<16xi32>,
    %swap3A_351 = vector.shape_cast %swap3A_350 : vector<16xi32> to vector<16xi32>
    %swap3A_352 = vector.shape_cast %add3A_348 : vector<16xi32> to vector<16xi32>
    tpu.vector_store %arg12[%swap3A_349], %swap3A_352 {strides = array<i32>} : memref<128xi32, #tpu.memory_space<vmem>>, vector<16xi32>,
    %get3A_353 = arith.constant 96 : index
    %get3A_354 = tpu.vector_load %arg11[%get3A_353] {strides = array<i32>} : memref<128xi32, #tpu.memory_space<vmem>>, vector<16xi32>,
    %get3A_355 = vector.shape_cast %get3A_354 : vector<16xi32> to vector<16xi32>
    %mul3A_356 = arith.constant 4 : i32
    %mul3A_357 = vector.broadcast %mul3A_356 : i32 to vector<16xi32>
    %mul3A_358 = arith.muli %get3A_355, %mul3A_357 : vector<16xi32>
    %add3A_359 = arith.constant 2 : i32
    %add3A_360 = vector.broadcast %add3A_359 : i32 to vector<16xi32>
    %add3A_361 = arith.addi %mul3A_358, %add3A_360 : vector<16xi32>
    %swap3A_362 = arith.constant 96 : index
    %swap3A_363 = tpu.vector_load %arg12[%swap3A_362] {strides = array<i32>} : memref<128xi32, #tpu.memory_space<vmem>>, vector<16xi32>,
    %swap3A_364 = vector.shape_cast %swap3A_363 : vector<16xi32> to vector<16xi32>
    %swap3A_365 = vector.shape_cast %add3A_361 : vector<16xi32> to vector<16xi32>
    tpu.vector_store %arg12[%swap3A_362], %swap3A_365 {strides = array<i32>} : memref<128xi32, #tpu.memory_space<vmem>>, vector<16xi32>,
    %get3A_366 = arith.constant 112 : index
    %get3A_367 = tpu.vector_load %arg11[%get3A_366] {strides = array<i32>} : memref<128xi32, #tpu.memory_space<vmem>>, vector<16xi32>,
    %get3A_368 = vector.shape_cast %get3A_367 : vector<16xi32> to vector<16xi32>
    %mul3A_369 = arith.constant 4 : i32
    %mul3A_370 = vector.broadcast %mul3A_369 : i32 to vector<16xi32>
    %mul3A_371 = arith.muli %get3A_368, %mul3A_370 : vector<16xi32>
    %add3A_372 = arith.constant 2 : i32
    %add3A_373 = vector.broadcast %add3A_372 : i32 to vector<16xi32>
    %add3A_374 = arith.addi %mul3A_371, %add3A_373 : vector<16xi32>
    %swap3A_375 = arith.constant 112 : index
    %swap3A_376 = tpu.vector_load %arg12[%swap3A_375] {strides = array<i32>} : memref<128xi32, #tpu.memory_space<vmem>>, vector<16xi32>,
    %swap3A_377 = vector.shape_cast %swap3A_376 : vector<16xi32> to vector<16xi32>
    %swap3A_378 = vector.shape_cast %add3A_374 : vector<16xi32> to vector<16xi32>
    tpu.vector_store %arg12[%swap3A_375], %swap3A_378 {strides = array<i32>} : memref<128xi32, #tpu.memory_space<vmem>>, vector<16xi32>,
    %dma_start3A_379 = arith.constant 0 : i32
    %dma_start3A_380 = tpu.memref_slice %arg2[%dma_start3A_379] : memref<80000xf32, #tpu.memory_space<hbm>> -> memref<80000xf32, #tpu.memory_space<hbm>>
    tpu.enqueue_indirect_dma source(%dma_start3A_380 : memref<80000xf32, #tpu.memory_space<hbm>>) target(%arg13 : memref<128xf32, #tpu.memory_space<vmem>>) offsets(%arg12 : memref<128xi32, #tpu.memory_space<vmem>>) semaphore(%arg14 : memref<!tpu.dma_semaphore, #tpu.memory_space<semaphore_mem>>)
    %dma_wait3A_381 = arith.constant 0 : i32
    %dma_wait3A_382 = tpu.memref_slice %arg2[%dma_wait3A_381] : memref<80000xf32, #tpu.memory_space<hbm>> -> memref<80000xf32, #tpu.memory_space<hbm>>
    tpu.wait_indirect_dma semaphore(%arg14 : memref<!tpu.dma_semaphore, #tpu.memory_space<semaphore_mem>>) src(%dma_wait3A_382 : memref<80000xf32, #tpu.memory_space<hbm>>) dst(%arg13 : memref<128xf32, #tpu.memory_space<vmem>>)
    %add3A_383 = arith.constant 0 : i32
    %add3A_384 = arith.addi %multiple_of3A, %add3A_383 : i32
    "tpu.region"() ({
      %run_scoped3A = tpu.sem_alloc : memref<!tpu.dma_semaphore, #tpu.memory_space<semaphore_mem>>
      %dma_start3A_2509 = tpu.memref_slice %arg7[%add3A_384] : memref<20480xf32, #tpu.memory_space<hbm>> -> memref<128xf32, #tpu.memory_space<hbm>>
      %dma_start3A_2510 = tpu.memref_slice %arg7[%add3A_384] : memref<20480xf32, #tpu.memory_space<hbm>> -> memref<128xf32, #tpu.memory_space<hbm>>
      tpu.enqueue_dma source(%arg13 : memref<128xf32, #tpu.memory_space<vmem>>) target(%dma_start3A_2510 : memref<128xf32, #tpu.memory_space<hbm>>) target_semaphore(%run_scoped3A : memref<!tpu.dma_semaphore, #tpu.memory_space<semaphore_mem>>)
      %dma_wait3A_2511 = tpu.memref_slice %arg7[%add3A_384] : memref<20480xf32, #tpu.memory_space<hbm>> -> memref<128xf32, #tpu.memory_space<hbm>>
      %dma_wait3A_2512 = tpu.memref_slice %arg7[%add3A_384] : memref<20480xf32, #tpu.memory_space<hbm>> -> memref<128xf32, #tpu.memory_space<hbm>>
      tpu.wait_dma2 semaphore(%run_scoped3A : memref<!tpu.dma_semaphore, #tpu.memory_space<semaphore_mem>>) src(%arg13 : memref<128xf32, #tpu.memory_space<vmem>>) dst(%dma_wait3A_2512 : memref<128xf32, #tpu.memory_space<hbm>>)
      tpu.yield
    }) : () -> ()
    %get3A_385 = arith.constant 0 : index
    %get3A_386 = tpu.vector_load %arg11[%get3A_385] {strides = array<i32>} : memref<128xi32, #tpu.memory_space<vmem>>, vector<16xi32>,
    %get3A_387 = vector.shape_cast %get3A_386 : vector<16xi32> to vector<16xi32>
    %mul3A_388 = arith.constant 4 : i32
    %mul3A_389 = vector.broadcast %mul3A_388 : i32 to vector<16xi32>
    %mul3A_390 = arith.muli %get3A_387, %mul3A_389 : vector<16xi32>
    %add3A_391 = arith.constant 3 : i32
    %add3A_392 = vector.broadcast %add3A_391 : i32 to vector<16xi32>
    %add3A_393 = arith.addi %mul3A_390, %add3A_392 : vector<16xi32>
    %swap3A_394 = arith.constant 0 : index
    %swap3A_395 = tpu.vector_load %arg12[%swap3A_394] {strides = array<i32>} : memref<128xi32, #tpu.memory_space<vmem>>, vector<16xi32>,
    %swap3A_396 = vector.shape_cast %swap3A_395 : vector<16xi32> to vector<16xi32>
    %swap3A_397 = vector.shape_cast %add3A_393 : vector<16xi32> to vector<16xi32>
    tpu.vector_store %arg12[%swap3A_394], %swap3A_397 {strides = array<i32>} : memref<128xi32, #tpu.memory_space<vmem>>, vector<16xi32>,
    %get3A_398 = arith.constant 16 : index
    %get3A_399 = tpu.vector_load %arg11[%get3A_398] {strides = array<i32>} : memref<128xi32, #tpu.memory_space<vmem>>, vector<16xi32>,
    %get3A_400 = vector.shape_cast %get3A_399 : vector<16xi32> to vector<16xi32>
    %mul3A_401 = arith.constant 4 : i32
    %mul3A_402 = vector.broadcast %mul3A_401 : i32 to vector<16xi32>
    %mul3A_403 = arith.muli %get3A_400, %mul3A_402 : vector<16xi32>
    %add3A_404 = arith.constant 3 : i32
    %add3A_405 = vector.broadcast %add3A_404 : i32 to vector<16xi32>
    %add3A_406 = arith.addi %mul3A_403, %add3A_405 : vector<16xi32>
    %swap3A_407 = arith.constant 16 : index
    %swap3A_408 = tpu.vector_load %arg12[%swap3A_407] {strides = array<i32>} : memref<128xi32, #tpu.memory_space<vmem>>, vector<16xi32>,
    %swap3A_409 = vector.shape_cast %swap3A_408 : vector<16xi32> to vector<16xi32>
    %swap3A_410 = vector.shape_cast %add3A_406 : vector<16xi32> to vector<16xi32>
    tpu.vector_store %arg12[%swap3A_407], %swap3A_410 {strides = array<i32>} : memref<128xi32, #tpu.memory_space<vmem>>, vector<16xi32>,
    %get3A_411 = arith.constant 32 : index
    %get3A_412 = tpu.vector_load %arg11[%get3A_411] {strides = array<i32>} : memref<128xi32, #tpu.memory_space<vmem>>, vector<16xi32>,
    %get3A_413 = vector.shape_cast %get3A_412 : vector<16xi32> to vector<16xi32>
    %mul3A_414 = arith.constant 4 : i32
    %mul3A_415 = vector.broadcast %mul3A_414 : i32 to vector<16xi32>
    %mul3A_416 = arith.muli %get3A_413, %mul3A_415 : vector<16xi32>
    %add3A_417 = arith.constant 3 : i32
    %add3A_418 = vector.broadcast %add3A_417 : i32 to vector<16xi32>
    %add3A_419 = arith.addi %mul3A_416, %add3A_418 : vector<16xi32>
    %swap3A_420 = arith.constant 32 : index
    %swap3A_421 = tpu.vector_load %arg12[%swap3A_420] {strides = array<i32>} : memref<128xi32, #tpu.memory_space<vmem>>, vector<16xi32>,
    %swap3A_422 = vector.shape_cast %swap3A_421 : vector<16xi32> to vector<16xi32>
    %swap3A_423 = vector.shape_cast %add3A_419 : vector<16xi32> to vector<16xi32>
    tpu.vector_store %arg12[%swap3A_420], %swap3A_423 {strides = array<i32>} : memref<128xi32, #tpu.memory_space<vmem>>, vector<16xi32>,
    %get3A_424 = arith.constant 48 : index
    %get3A_425 = tpu.vector_load %arg11[%get3A_424] {strides = array<i32>} : memref<128xi32, #tpu.memory_space<vmem>>, vector<16xi32>,
    %get3A_426 = vector.shape_cast %get3A_425 : vector<16xi32> to vector<16xi32>
    %mul3A_427 = arith.constant 4 : i32
    %mul3A_428 = vector.broadcast %mul3A_427 : i32 to vector<16xi32>
    %mul3A_429 = arith.muli %get3A_426, %mul3A_428 : vector<16xi32>
    %add3A_430 = arith.constant 3 : i32
    %add3A_431 = vector.broadcast %add3A_430 : i32 to vector<16xi32>
    %add3A_432 = arith.addi %mul3A_429, %add3A_431 : vector<16xi32>
    %swap3A_433 = arith.constant 48 : index
    %swap3A_434 = tpu.vector_load %arg12[%swap3A_433] {strides = array<i32>} : memref<128xi32, #tpu.memory_space<vmem>>, vector<16xi32>,
    %swap3A_435 = vector.shape_cast %swap3A_434 : vector<16xi32> to vector<16xi32>
    %swap3A_436 = vector.shape_cast %add3A_432 : vector<16xi32> to vector<16xi32>
    tpu.vector_store %arg12[%swap3A_433], %swap3A_436 {strides = array<i32>} : memref<128xi32, #tpu.memory_space<vmem>>, vector<16xi32>,
    %get3A_437 = arith.constant 64 : index
    %get3A_438 = tpu.vector_load %arg11[%get3A_437] {strides = array<i32>} : memref<128xi32, #tpu.memory_space<vmem>>, vector<16xi32>,
    %get3A_439 = vector.shape_cast %get3A_438 : vector<16xi32> to vector<16xi32>
    %mul3A_440 = arith.constant 4 : i32
    %mul3A_441 = vector.broadcast %mul3A_440 : i32 to vector<16xi32>
    %mul3A_442 = arith.muli %get3A_439, %mul3A_441 : vector<16xi32>
    %add3A_443 = arith.constant 3 : i32
    %add3A_444 = vector.broadcast %add3A_443 : i32 to vector<16xi32>
    %add3A_445 = arith.addi %mul3A_442, %add3A_444 : vector<16xi32>
    %swap3A_446 = arith.constant 64 : index
    %swap3A_447 = tpu.vector_load %arg12[%swap3A_446] {strides = array<i32>} : memref<128xi32, #tpu.memory_space<vmem>>, vector<16xi32>,
    %swap3A_448 = vector.shape_cast %swap3A_447 : vector<16xi32> to vector<16xi32>
    %swap3A_449 = vector.shape_cast %add3A_445 : vector<16xi32> to vector<16xi32>
    tpu.vector_store %arg12[%swap3A_446], %swap3A_449 {strides = array<i32>} : memref<128xi32, #tpu.memory_space<vmem>>, vector<16xi32>,
    %get3A_450 = arith.constant 80 : index
    %get3A_451 = tpu.vector_load %arg11[%get3A_450] {strides = array<i32>} : memref<128xi32, #tpu.memory_space<vmem>>, vector<16xi32>,
    %get3A_452 = vector.shape_cast %get3A_451 : vector<16xi32> to vector<16xi32>
    %mul3A_453 = arith.constant 4 : i32
    %mul3A_454 = vector.broadcast %mul3A_453 : i32 to vector<16xi32>
    %mul3A_455 = arith.muli %get3A_452, %mul3A_454 : vector<16xi32>
    %add3A_456 = arith.constant 3 : i32
    %add3A_457 = vector.broadcast %add3A_456 : i32 to vector<16xi32>
    %add3A_458 = arith.addi %mul3A_455, %add3A_457 : vector<16xi32>
    %swap3A_459 = arith.constant 80 : index
    %swap3A_460 = tpu.vector_load %arg12[%swap3A_459] {strides = array<i32>} : memref<128xi32, #tpu.memory_space<vmem>>, vector<16xi32>,
    %swap3A_461 = vector.shape_cast %swap3A_460 : vector<16xi32> to vector<16xi32>
    %swap3A_462 = vector.shape_cast %add3A_458 : vector<16xi32> to vector<16xi32>
    tpu.vector_store %arg12[%swap3A_459], %swap3A_462 {strides = array<i32>} : memref<128xi32, #tpu.memory_space<vmem>>, vector<16xi32>,
    %get3A_463 = arith.constant 96 : index
    %get3A_464 = tpu.vector_load %arg11[%get3A_463] {strides = array<i32>} : memref<128xi32, #tpu.memory_space<vmem>>, vector<16xi32>,
    %get3A_465 = vector.shape_cast %get3A_464 : vector<16xi32> to vector<16xi32>
    %mul3A_466 = arith.constant 4 : i32
    %mul3A_467 = vector.broadcast %mul3A_466 : i32 to vector<16xi32>
    %mul3A_468 = arith.muli %get3A_465, %mul3A_467 : vector<16xi32>
    %add3A_469 = arith.constant 3 : i32
    %add3A_470 = vector.broadcast %add3A_469 : i32 to vector<16xi32>
    %add3A_471 = arith.addi %mul3A_468, %add3A_470 : vector<16xi32>
    %swap3A_472 = arith.constant 96 : index
    %swap3A_473 = tpu.vector_load %arg12[%swap3A_472] {strides = array<i32>} : memref<128xi32, #tpu.memory_space<vmem>>, vector<16xi32>,
    %swap3A_474 = vector.shape_cast %swap3A_473 : vector<16xi32> to vector<16xi32>
    %swap3A_475 = vector.shape_cast %add3A_471 : vector<16xi32> to vector<16xi32>
    tpu.vector_store %arg12[%swap3A_472], %swap3A_475 {strides = array<i32>} : memref<128xi32, #tpu.memory_space<vmem>>, vector<16xi32>,
    %get3A_476 = arith.constant 112 : index
    %get3A_477 = tpu.vector_load %arg11[%get3A_476] {strides = array<i32>} : memref<128xi32, #tpu.memory_space<vmem>>, vector<16xi32>,
    %get3A_478 = vector.shape_cast %get3A_477 : vector<16xi32> to vector<16xi32>
    %mul3A_479 = arith.constant 4 : i32
    %mul3A_480 = vector.broadcast %mul3A_479 : i32 to vector<16xi32>
    %mul3A_481 = arith.muli %get3A_478, %mul3A_480 : vector<16xi32>
    %add3A_482 = arith.constant 3 : i32
    %add3A_483 = vector.broadcast %add3A_482 : i32 to vector<16xi32>
    %add3A_484 = arith.addi %mul3A_481, %add3A_483 : vector<16xi32>
    %swap3A_485 = arith.constant 112 : index
    %swap3A_486 = tpu.vector_load %arg12[%swap3A_485] {strides = array<i32>} : memref<128xi32, #tpu.memory_space<vmem>>, vector<16xi32>,
    %swap3A_487 = vector.shape_cast %swap3A_486 : vector<16xi32> to vector<16xi32>
    %swap3A_488 = vector.shape_cast %add3A_484 : vector<16xi32> to vector<16xi32>
    tpu.vector_store %arg12[%swap3A_485], %swap3A_488 {strides = array<i32>} : memref<128xi32, #tpu.memory_space<vmem>>, vector<16xi32>,
    %dma_start3A_489 = arith.constant 0 : i32
    %dma_start3A_490 = tpu.memref_slice %arg2[%dma_start3A_489] : memref<80000xf32, #tpu.memory_space<hbm>> -> memref<80000xf32, #tpu.memory_space<hbm>>
    tpu.enqueue_indirect_dma source(%dma_start3A_490 : memref<80000xf32, #tpu.memory_space<hbm>>) target(%arg13 : memref<128xf32, #tpu.memory_space<vmem>>) offsets(%arg12 : memref<128xi32, #tpu.memory_space<vmem>>) semaphore(%arg14 : memref<!tpu.dma_semaphore, #tpu.memory_space<semaphore_mem>>)
    %dma_wait3A_491 = arith.constant 0 : i32
    %dma_wait3A_492 = tpu.memref_slice %arg2[%dma_wait3A_491] : memref<80000xf32, #tpu.memory_space<hbm>> -> memref<80000xf32, #tpu.memory_space<hbm>>
    tpu.wait_indirect_dma semaphore(%arg14 : memref<!tpu.dma_semaphore, #tpu.memory_space<semaphore_mem>>) src(%dma_wait3A_492 : memref<80000xf32, #tpu.memory_space<hbm>>) dst(%arg13 : memref<128xf32, #tpu.memory_space<vmem>>)
    %add3A_493 = arith.constant 0 : i32
    %add3A_494 = arith.addi %multiple_of3A, %add3A_493 : i32
    "tpu.region"() ({
      %run_scoped3A = tpu.sem_alloc : memref<!tpu.dma_semaphore, #tpu.memory_space<semaphore_mem>>
      %dma_start3A_2509 = tpu.memref_slice %arg8[%add3A_494] : memref<20480xf32, #tpu.memory_space<hbm>> -> memref<128xf32, #tpu.memory_space<hbm>>
      %dma_start3A_2510 = tpu.memref_slice %arg8[%add3A_494] : memref<20480xf32, #tpu.memory_space<hbm>> -> memref<128xf32, #tpu.memory_space<hbm>>
      tpu.enqueue_dma source(%arg13 : memref<128xf32, #tpu.memory_space<vmem>>) target(%dma_start3A_2510 : memref<128xf32, #tpu.memory_space<hbm>>) target_semaphore(%run_scoped3A : memref<!tpu.dma_semaphore, #tpu.memory_space<semaphore_mem>>)
      %dma_wait3A_2511 = tpu.memref_slice %arg8[%add3A_494] : memref<20480xf32, #tpu.memory_space<hbm>> -> memref<128xf32, #tpu.memory_space<hbm>>
      %dma_wait3A_2512 = tpu.memref_slice %arg8[%add3A_494] : memref<20480xf32, #tpu.memory_space<hbm>> -> memref<128xf32, #tpu.memory_space<hbm>>
      tpu.wait_dma2 semaphore(%run_scoped3A : memref<!tpu.dma_semaphore, #tpu.memory_space<semaphore_mem>>) src(%arg13 : memref<128xf32, #tpu.memory_space<vmem>>) dst(%dma_wait3A_2512 : memref<128xf32, #tpu.memory_space<hbm>>)
      tpu.yield
    }) : () -> ()
    %dma_start3A_495 = arith.constant 0 : i32
    %dma_start3A_496 = tpu.memref_slice %arg3[%dma_start3A_495] : memref<20000xf32, #tpu.memory_space<hbm>> -> memref<20000xf32, #tpu.memory_space<hbm>>
    tpu.enqueue_indirect_dma source(%dma_start3A_496 : memref<20000xf32, #tpu.memory_space<hbm>>) target(%arg13 : memref<128xf32, #tpu.memory_space<vmem>>) offsets(%arg11 : memref<128xi32, #tpu.memory_space<vmem>>) semaphore(%arg14 : memref<!tpu.dma_semaphore, #tpu.memory_space<semaphore_mem>>)
    %dma_wait3A_497 = arith.constant 0 : i32
    %dma_wait3A_498 = tpu.memref_slice %arg3[%dma_wait3A_497] : memref<20000xf32, #tpu.memory_space<hbm>> -> memref<20000xf32, #tpu.memory_space<hbm>>
    tpu.wait_indirect_dma semaphore(%arg14 : memref<!tpu.dma_semaphore, #tpu.memory_space<semaphore_mem>>) src(%dma_wait3A_498 : memref<20000xf32, #tpu.memory_space<hbm>>) dst(%arg13 : memref<128xf32, #tpu.memory_space<vmem>>)
    %add3A_499 = arith.constant 0 : i32
    %add3A_500 = arith.addi %multiple_of3A, %add3A_499 : i32
    "tpu.region"() ({
      %run_scoped3A = tpu.sem_alloc : memref<!tpu.dma_semaphore, #tpu.memory_space<semaphore_mem>>
      %dma_start3A_2509 = tpu.memref_slice %arg9[%add3A_500] : memref<20480xf32, #tpu.memory_space<hbm>> -> memref<128xf32, #tpu.memory_space<hbm>>
      %dma_start3A_2510 = tpu.memref_slice %arg9[%add3A_500] : memref<20480xf32, #tpu.memory_space<hbm>> -> memref<128xf32, #tpu.memory_space<hbm>>
      tpu.enqueue_dma source(%arg13 : memref<128xf32, #tpu.memory_space<vmem>>) target(%dma_start3A_2510 : memref<128xf32, #tpu.memory_space<hbm>>) target_semaphore(%run_scoped3A : memref<!tpu.dma_semaphore, #tpu.memory_space<semaphore_mem>>)
      %dma_wait3A_2511 = tpu.memref_slice %arg9[%add3A_500] : memref<20480xf32, #tpu.memory_space<hbm>> -> memref<128xf32, #tpu.memory_space<hbm>>
      %dma_wait3A_2512 = tpu.memref_slice %arg9[%add3A_500] : memref<20480xf32, #tpu.memory_space<hbm>> -> memref<128xf32, #tpu.memory_space<hbm>>
      tpu.wait_dma2 semaphore(%run_scoped3A : memref<!tpu.dma_semaphore, #tpu.memory_space<semaphore_mem>>) src(%arg13 : memref<128xf32, #tpu.memory_space<vmem>>) dst(%dma_wait3A_2512 : memref<128xf32, #tpu.memory_space<hbm>>)
      tpu.yield
    }) : () -> ()
    %get3A_501 = arith.constant 128 : index
    %get3A_502 = tpu.vector_load %arg10[%get3A_501] {strides = array<i32>} : memref<640xi32, #tpu.memory_space<vmem>>, vector<16xi32>,
    %get3A_503 = vector.shape_cast %get3A_502 : vector<16xi32> to vector<16xi32>
    %swap3A_504 = arith.constant 0 : index
    %swap3A_505 = tpu.vector_load %arg11[%swap3A_504] {strides = array<i32>} : memref<128xi32, #tpu.memory_space<vmem>>, vector<16xi32>,
    %swap3A_506 = vector.shape_cast %swap3A_505 : vector<16xi32> to vector<16xi32>
    %swap3A_507 = vector.shape_cast %get3A_503 : vector<16xi32> to vector<16xi32>
    tpu.vector_store %arg11[%swap3A_504], %swap3A_507 {strides = array<i32>} : memref<128xi32, #tpu.memory_space<vmem>>, vector<16xi32>,
    %get3A_508 = arith.constant 144 : index
    %get3A_509 = tpu.vector_load %arg10[%get3A_508] {strides = array<i32>} : memref<640xi32, #tpu.memory_space<vmem>>, vector<16xi32>,
    %get3A_510 = vector.shape_cast %get3A_509 : vector<16xi32> to vector<16xi32>
    %swap3A_511 = arith.constant 16 : index
    %swap3A_512 = tpu.vector_load %arg11[%swap3A_511] {strides = array<i32>} : memref<128xi32, #tpu.memory_space<vmem>>, vector<16xi32>,
    %swap3A_513 = vector.shape_cast %swap3A_512 : vector<16xi32> to vector<16xi32>
    %swap3A_514 = vector.shape_cast %get3A_510 : vector<16xi32> to vector<16xi32>
    tpu.vector_store %arg11[%swap3A_511], %swap3A_514 {strides = array<i32>} : memref<128xi32, #tpu.memory_space<vmem>>, vector<16xi32>,
    %get3A_515 = arith.constant 160 : index
    %get3A_516 = tpu.vector_load %arg10[%get3A_515] {strides = array<i32>} : memref<640xi32, #tpu.memory_space<vmem>>, vector<16xi32>,
    %get3A_517 = vector.shape_cast %get3A_516 : vector<16xi32> to vector<16xi32>
    %swap3A_518 = arith.constant 32 : index
    %swap3A_519 = tpu.vector_load %arg11[%swap3A_518] {strides = array<i32>} : memref<128xi32, #tpu.memory_space<vmem>>, vector<16xi32>,
    %swap3A_520 = vector.shape_cast %swap3A_519 : vector<16xi32> to vector<16xi32>
    %swap3A_521 = vector.shape_cast %get3A_517 : vector<16xi32> to vector<16xi32>
    tpu.vector_store %arg11[%swap3A_518], %swap3A_521 {strides = array<i32>} : memref<128xi32, #tpu.memory_space<vmem>>, vector<16xi32>,
    %get3A_522 = arith.constant 176 : index
    %get3A_523 = tpu.vector_load %arg10[%get3A_522] {strides = array<i32>} : memref<640xi32, #tpu.memory_space<vmem>>, vector<16xi32>,
    %get3A_524 = vector.shape_cast %get3A_523 : vector<16xi32> to vector<16xi32>
    %swap3A_525 = arith.constant 48 : index
    %swap3A_526 = tpu.vector_load %arg11[%swap3A_525] {strides = array<i32>} : memref<128xi32, #tpu.memory_space<vmem>>, vector<16xi32>,
    %swap3A_527 = vector.shape_cast %swap3A_526 : vector<16xi32> to vector<16xi32>
    %swap3A_528 = vector.shape_cast %get3A_524 : vector<16xi32> to vector<16xi32>
    tpu.vector_store %arg11[%swap3A_525], %swap3A_528 {strides = array<i32>} : memref<128xi32, #tpu.memory_space<vmem>>, vector<16xi32>,
    %get3A_529 = arith.constant 192 : index
    %get3A_530 = tpu.vector_load %arg10[%get3A_529] {strides = array<i32>} : memref<640xi32, #tpu.memory_space<vmem>>, vector<16xi32>,
    %get3A_531 = vector.shape_cast %get3A_530 : vector<16xi32> to vector<16xi32>
    %swap3A_532 = arith.constant 64 : index
    %swap3A_533 = tpu.vector_load %arg11[%swap3A_532] {strides = array<i32>} : memref<128xi32, #tpu.memory_space<vmem>>, vector<16xi32>,
    %swap3A_534 = vector.shape_cast %swap3A_533 : vector<16xi32> to vector<16xi32>
    %swap3A_535 = vector.shape_cast %get3A_531 : vector<16xi32> to vector<16xi32>
    tpu.vector_store %arg11[%swap3A_532], %swap3A_535 {strides = array<i32>} : memref<128xi32, #tpu.memory_space<vmem>>, vector<16xi32>,
    %get3A_536 = arith.constant 208 : index
    %get3A_537 = tpu.vector_load %arg10[%get3A_536] {strides = array<i32>} : memref<640xi32, #tpu.memory_space<vmem>>, vector<16xi32>,
    %get3A_538 = vector.shape_cast %get3A_537 : vector<16xi32> to vector<16xi32>
    %swap3A_539 = arith.constant 80 : index
    %swap3A_540 = tpu.vector_load %arg11[%swap3A_539] {strides = array<i32>} : memref<128xi32, #tpu.memory_space<vmem>>, vector<16xi32>,
    %swap3A_541 = vector.shape_cast %swap3A_540 : vector<16xi32> to vector<16xi32>
    %swap3A_542 = vector.shape_cast %get3A_538 : vector<16xi32> to vector<16xi32>
    tpu.vector_store %arg11[%swap3A_539], %swap3A_542 {strides = array<i32>} : memref<128xi32, #tpu.memory_space<vmem>>, vector<16xi32>,
    %get3A_543 = arith.constant 224 : index
    %get3A_544 = tpu.vector_load %arg10[%get3A_543] {strides = array<i32>} : memref<640xi32, #tpu.memory_space<vmem>>, vector<16xi32>,
    %get3A_545 = vector.shape_cast %get3A_544 : vector<16xi32> to vector<16xi32>
    %swap3A_546 = arith.constant 96 : index
    %swap3A_547 = tpu.vector_load %arg11[%swap3A_546] {strides = array<i32>} : memref<128xi32, #tpu.memory_space<vmem>>, vector<16xi32>,
    %swap3A_548 = vector.shape_cast %swap3A_547 : vector<16xi32> to vector<16xi32>
    %swap3A_549 = vector.shape_cast %get3A_545 : vector<16xi32> to vector<16xi32>
    tpu.vector_store %arg11[%swap3A_546], %swap3A_549 {strides = array<i32>} : memref<128xi32, #tpu.memory_space<vmem>>, vector<16xi32>,
    %get3A_550 = arith.constant 240 : index
    %get3A_551 = tpu.vector_load %arg10[%get3A_550] {strides = array<i32>} : memref<640xi32, #tpu.memory_space<vmem>>, vector<16xi32>,
    %get3A_552 = vector.shape_cast %get3A_551 : vector<16xi32> to vector<16xi32>
    %swap3A_553 = arith.constant 112 : index
    %swap3A_554 = tpu.vector_load %arg11[%swap3A_553] {strides = array<i32>} : memref<128xi32, #tpu.memory_space<vmem>>, vector<16xi32>,
    %swap3A_555 = vector.shape_cast %swap3A_554 : vector<16xi32> to vector<16xi32>
    %swap3A_556 = vector.shape_cast %get3A_552 : vector<16xi32> to vector<16xi32>
    tpu.vector_store %arg11[%swap3A_553], %swap3A_556 {strides = array<i32>} : memref<128xi32, #tpu.memory_space<vmem>>, vector<16xi32>,
    %get3A_557 = arith.constant 0 : index
    %get3A_558 = tpu.vector_load %arg11[%get3A_557] {strides = array<i32>} : memref<128xi32, #tpu.memory_space<vmem>>, vector<16xi32>,
    %get3A_559 = vector.shape_cast %get3A_558 : vector<16xi32> to vector<16xi32>
    %mul3A_560 = arith.constant 4 : i32
    %mul3A_561 = vector.broadcast %mul3A_560 : i32 to vector<16xi32>
    %mul3A_562 = arith.muli %get3A_559, %mul3A_561 : vector<16xi32>
    %add3A_563 = arith.constant 0 : i32
    %add3A_564 = vector.broadcast %add3A_563 : i32 to vector<16xi32>
    %add3A_565 = arith.addi %mul3A_562, %add3A_564 : vector<16xi32>
    %swap3A_566 = arith.constant 0 : index
    %swap3A_567 = tpu.vector_load %arg12[%swap3A_566] {strides = array<i32>} : memref<128xi32, #tpu.memory_space<vmem>>, vector<16xi32>,
    %swap3A_568 = vector.shape_cast %swap3A_567 : vector<16xi32> to vector<16xi32>
    %swap3A_569 = vector.shape_cast %add3A_565 : vector<16xi32> to vector<16xi32>
    tpu.vector_store %arg12[%swap3A_566], %swap3A_569 {strides = array<i32>} : memref<128xi32, #tpu.memory_space<vmem>>, vector<16xi32>,
    %get3A_570 = arith.constant 16 : index
    %get3A_571 = tpu.vector_load %arg11[%get3A_570] {strides = array<i32>} : memref<128xi32, #tpu.memory_space<vmem>>, vector<16xi32>,
    %get3A_572 = vector.shape_cast %get3A_571 : vector<16xi32> to vector<16xi32>
    %mul3A_573 = arith.constant 4 : i32
    %mul3A_574 = vector.broadcast %mul3A_573 : i32 to vector<16xi32>
    %mul3A_575 = arith.muli %get3A_572, %mul3A_574 : vector<16xi32>
    %add3A_576 = arith.constant 0 : i32
    %add3A_577 = vector.broadcast %add3A_576 : i32 to vector<16xi32>
    %add3A_578 = arith.addi %mul3A_575, %add3A_577 : vector<16xi32>
    %swap3A_579 = arith.constant 16 : index
    %swap3A_580 = tpu.vector_load %arg12[%swap3A_579] {strides = array<i32>} : memref<128xi32, #tpu.memory_space<vmem>>, vector<16xi32>,
    %swap3A_581 = vector.shape_cast %swap3A_580 : vector<16xi32> to vector<16xi32>
    %swap3A_582 = vector.shape_cast %add3A_578 : vector<16xi32> to vector<16xi32>
    tpu.vector_store %arg12[%swap3A_579], %swap3A_582 {strides = array<i32>} : memref<128xi32, #tpu.memory_space<vmem>>, vector<16xi32>,
    %get3A_583 = arith.constant 32 : index
    %get3A_584 = tpu.vector_load %arg11[%get3A_583] {strides = array<i32>} : memref<128xi32, #tpu.memory_space<vmem>>, vector<16xi32>,
    %get3A_585 = vector.shape_cast %get3A_584 : vector<16xi32> to vector<16xi32>
    %mul3A_586 = arith.constant 4 : i32
    %mul3A_587 = vector.broadcast %mul3A_586 : i32 to vector<16xi32>
    %mul3A_588 = arith.muli %get3A_585, %mul3A_587 : vector<16xi32>
    %add3A_589 = arith.constant 0 : i32
    %add3A_590 = vector.broadcast %add3A_589 : i32 to vector<16xi32>
    %add3A_591 = arith.addi %mul3A_588, %add3A_590 : vector<16xi32>
    %swap3A_592 = arith.constant 32 : index
    %swap3A_593 = tpu.vector_load %arg12[%swap3A_592] {strides = array<i32>} : memref<128xi32, #tpu.memory_space<vmem>>, vector<16xi32>,
    %swap3A_594 = vector.shape_cast %swap3A_593 : vector<16xi32> to vector<16xi32>
    %swap3A_595 = vector.shape_cast %add3A_591 : vector<16xi32> to vector<16xi32>
    tpu.vector_store %arg12[%swap3A_592], %swap3A_595 {strides = array<i32>} : memref<128xi32, #tpu.memory_space<vmem>>, vector<16xi32>,
    %get3A_596 = arith.constant 48 : index
    %get3A_597 = tpu.vector_load %arg11[%get3A_596] {strides = array<i32>} : memref<128xi32, #tpu.memory_space<vmem>>, vector<16xi32>,
    %get3A_598 = vector.shape_cast %get3A_597 : vector<16xi32> to vector<16xi32>
    %mul3A_599 = arith.constant 4 : i32
    %mul3A_600 = vector.broadcast %mul3A_599 : i32 to vector<16xi32>
    %mul3A_601 = arith.muli %get3A_598, %mul3A_600 : vector<16xi32>
    %add3A_602 = arith.constant 0 : i32
    %add3A_603 = vector.broadcast %add3A_602 : i32 to vector<16xi32>
    %add3A_604 = arith.addi %mul3A_601, %add3A_603 : vector<16xi32>
    %swap3A_605 = arith.constant 48 : index
    %swap3A_606 = tpu.vector_load %arg12[%swap3A_605] {strides = array<i32>} : memref<128xi32, #tpu.memory_space<vmem>>, vector<16xi32>,
    %swap3A_607 = vector.shape_cast %swap3A_606 : vector<16xi32> to vector<16xi32>
    %swap3A_608 = vector.shape_cast %add3A_604 : vector<16xi32> to vector<16xi32>
    tpu.vector_store %arg12[%swap3A_605], %swap3A_608 {strides = array<i32>} : memref<128xi32, #tpu.memory_space<vmem>>, vector<16xi32>,
    %get3A_609 = arith.constant 64 : index
    %get3A_610 = tpu.vector_load %arg11[%get3A_609] {strides = array<i32>} : memref<128xi32, #tpu.memory_space<vmem>>, vector<16xi32>,
    %get3A_611 = vector.shape_cast %get3A_610 : vector<16xi32> to vector<16xi32>
    %mul3A_612 = arith.constant 4 : i32
    %mul3A_613 = vector.broadcast %mul3A_612 : i32 to vector<16xi32>
    %mul3A_614 = arith.muli %get3A_611, %mul3A_613 : vector<16xi32>
    %add3A_615 = arith.constant 0 : i32
    %add3A_616 = vector.broadcast %add3A_615 : i32 to vector<16xi32>
    %add3A_617 = arith.addi %mul3A_614, %add3A_616 : vector<16xi32>
    %swap3A_618 = arith.constant 64 : index
    %swap3A_619 = tpu.vector_load %arg12[%swap3A_618] {strides = array<i32>} : memref<128xi32, #tpu.memory_space<vmem>>, vector<16xi32>,
    %swap3A_620 = vector.shape_cast %swap3A_619 : vector<16xi32> to vector<16xi32>
    %swap3A_621 = vector.shape_cast %add3A_617 : vector<16xi32> to vector<16xi32>
    tpu.vector_store %arg12[%swap3A_618], %swap3A_621 {strides = array<i32>} : memref<128xi32, #tpu.memory_space<vmem>>, vector<16xi32>,
    %get3A_622 = arith.constant 80 : index
    %get3A_623 = tpu.vector_load %arg11[%get3A_622] {strides = array<i32>} : memref<128xi32, #tpu.memory_space<vmem>>, vector<16xi32>,
    %get3A_624 = vector.shape_cast %get3A_623 : vector<16xi32> to vector<16xi32>
    %mul3A_625 = arith.constant 4 : i32
    %mul3A_626 = vector.broadcast %mul3A_625 : i32 to vector<16xi32>
    %mul3A_627 = arith.muli %get3A_624, %mul3A_626 : vector<16xi32>
    %add3A_628 = arith.constant 0 : i32
    %add3A_629 = vector.broadcast %add3A_628 : i32 to vector<16xi32>
    %add3A_630 = arith.addi %mul3A_627, %add3A_629 : vector<16xi32>
    %swap3A_631 = arith.constant 80 : index
    %swap3A_632 = tpu.vector_load %arg12[%swap3A_631] {strides = array<i32>} : memref<128xi32, #tpu.memory_space<vmem>>, vector<16xi32>,
    %swap3A_633 = vector.shape_cast %swap3A_632 : vector<16xi32> to vector<16xi32>
    %swap3A_634 = vector.shape_cast %add3A_630 : vector<16xi32> to vector<16xi32>
    tpu.vector_store %arg12[%swap3A_631], %swap3A_634 {strides = array<i32>} : memref<128xi32, #tpu.memory_space<vmem>>, vector<16xi32>,
    %get3A_635 = arith.constant 96 : index
    %get3A_636 = tpu.vector_load %arg11[%get3A_635] {strides = array<i32>} : memref<128xi32, #tpu.memory_space<vmem>>, vector<16xi32>,
    %get3A_637 = vector.shape_cast %get3A_636 : vector<16xi32> to vector<16xi32>
    %mul3A_638 = arith.constant 4 : i32
    %mul3A_639 = vector.broadcast %mul3A_638 : i32 to vector<16xi32>
    %mul3A_640 = arith.muli %get3A_637, %mul3A_639 : vector<16xi32>
    %add3A_641 = arith.constant 0 : i32
    %add3A_642 = vector.broadcast %add3A_641 : i32 to vector<16xi32>
    %add3A_643 = arith.addi %mul3A_640, %add3A_642 : vector<16xi32>
    %swap3A_644 = arith.constant 96 : index
    %swap3A_645 = tpu.vector_load %arg12[%swap3A_644] {strides = array<i32>} : memref<128xi32, #tpu.memory_space<vmem>>, vector<16xi32>,
    %swap3A_646 = vector.shape_cast %swap3A_645 : vector<16xi32> to vector<16xi32>
    %swap3A_647 = vector.shape_cast %add3A_643 : vector<16xi32> to vector<16xi32>
    tpu.vector_store %arg12[%swap3A_644], %swap3A_647 {strides = array<i32>} : memref<128xi32, #tpu.memory_space<vmem>>, vector<16xi32>,
    %get3A_648 = arith.constant 112 : index
    %get3A_649 = tpu.vector_load %arg11[%get3A_648] {strides = array<i32>} : memref<128xi32, #tpu.memory_space<vmem>>, vector<16xi32>,
    %get3A_650 = vector.shape_cast %get3A_649 : vector<16xi32> to vector<16xi32>
    %mul3A_651 = arith.constant 4 : i32
    %mul3A_652 = vector.broadcast %mul3A_651 : i32 to vector<16xi32>
    %mul3A_653 = arith.muli %get3A_650, %mul3A_652 : vector<16xi32>
    %add3A_654 = arith.constant 0 : i32
    %add3A_655 = vector.broadcast %add3A_654 : i32 to vector<16xi32>
    %add3A_656 = arith.addi %mul3A_653, %add3A_655 : vector<16xi32>
    %swap3A_657 = arith.constant 112 : index
    %swap3A_658 = tpu.vector_load %arg12[%swap3A_657] {strides = array<i32>} : memref<128xi32, #tpu.memory_space<vmem>>, vector<16xi32>,
    %swap3A_659 = vector.shape_cast %swap3A_658 : vector<16xi32> to vector<16xi32>
    %swap3A_660 = vector.shape_cast %add3A_656 : vector<16xi32> to vector<16xi32>
    tpu.vector_store %arg12[%swap3A_657], %swap3A_660 {strides = array<i32>} : memref<128xi32, #tpu.memory_space<vmem>>, vector<16xi32>,
    %dma_start3A_661 = arith.constant 0 : i32
    %dma_start3A_662 = tpu.memref_slice %arg2[%dma_start3A_661] : memref<80000xf32, #tpu.memory_space<hbm>> -> memref<80000xf32, #tpu.memory_space<hbm>>
    tpu.enqueue_indirect_dma source(%dma_start3A_662 : memref<80000xf32, #tpu.memory_space<hbm>>) target(%arg13 : memref<128xf32, #tpu.memory_space<vmem>>) offsets(%arg12 : memref<128xi32, #tpu.memory_space<vmem>>) semaphore(%arg14 : memref<!tpu.dma_semaphore, #tpu.memory_space<semaphore_mem>>)
    %dma_wait3A_663 = arith.constant 0 : i32
    %dma_wait3A_664 = tpu.memref_slice %arg2[%dma_wait3A_663] : memref<80000xf32, #tpu.memory_space<hbm>> -> memref<80000xf32, #tpu.memory_space<hbm>>
    tpu.wait_indirect_dma semaphore(%arg14 : memref<!tpu.dma_semaphore, #tpu.memory_space<semaphore_mem>>) src(%dma_wait3A_664 : memref<80000xf32, #tpu.memory_space<hbm>>) dst(%arg13 : memref<128xf32, #tpu.memory_space<vmem>>)
    %add3A_665 = arith.constant 128 : i32
    %add3A_666 = arith.addi %multiple_of3A, %add3A_665 : i32
    "tpu.region"() ({
      %run_scoped3A = tpu.sem_alloc : memref<!tpu.dma_semaphore, #tpu.memory_space<semaphore_mem>>
      %dma_start3A_2509 = tpu.memref_slice %arg5[%add3A_666] : memref<20480xf32, #tpu.memory_space<hbm>> -> memref<128xf32, #tpu.memory_space<hbm>>
      %dma_start3A_2510 = tpu.memref_slice %arg5[%add3A_666] : memref<20480xf32, #tpu.memory_space<hbm>> -> memref<128xf32, #tpu.memory_space<hbm>>
      tpu.enqueue_dma source(%arg13 : memref<128xf32, #tpu.memory_space<vmem>>) target(%dma_start3A_2510 : memref<128xf32, #tpu.memory_space<hbm>>) target_semaphore(%run_scoped3A : memref<!tpu.dma_semaphore, #tpu.memory_space<semaphore_mem>>)
      %dma_wait3A_2511 = tpu.memref_slice %arg5[%add3A_666] : memref<20480xf32, #tpu.memory_space<hbm>> -> memref<128xf32, #tpu.memory_space<hbm>>
      %dma_wait3A_2512 = tpu.memref_slice %arg5[%add3A_666] : memref<20480xf32, #tpu.memory_space<hbm>> -> memref<128xf32, #tpu.memory_space<hbm>>
      tpu.wait_dma2 semaphore(%run_scoped3A : memref<!tpu.dma_semaphore, #tpu.memory_space<semaphore_mem>>) src(%arg13 : memref<128xf32, #tpu.memory_space<vmem>>) dst(%dma_wait3A_2512 : memref<128xf32, #tpu.memory_space<hbm>>)
      tpu.yield
    }) : () -> ()
    %get3A_667 = arith.constant 0 : index
    %get3A_668 = tpu.vector_load %arg11[%get3A_667] {strides = array<i32>} : memref<128xi32, #tpu.memory_space<vmem>>, vector<16xi32>,
    %get3A_669 = vector.shape_cast %get3A_668 : vector<16xi32> to vector<16xi32>
    %mul3A_670 = arith.constant 4 : i32
    %mul3A_671 = vector.broadcast %mul3A_670 : i32 to vector<16xi32>
    %mul3A_672 = arith.muli %get3A_669, %mul3A_671 : vector<16xi32>
    %add3A_673 = arith.constant 1 : i32
    %add3A_674 = vector.broadcast %add3A_673 : i32 to vector<16xi32>
    %add3A_675 = arith.addi %mul3A_672, %add3A_674 : vector<16xi32>
    %swap3A_676 = arith.constant 0 : index
    %swap3A_677 = tpu.vector_load %arg12[%swap3A_676] {strides = array<i32>} : memref<128xi32, #tpu.memory_space<vmem>>, vector<16xi32>,
    %swap3A_678 = vector.shape_cast %swap3A_677 : vector<16xi32> to vector<16xi32>
    %swap3A_679 = vector.shape_cast %add3A_675 : vector<16xi32> to vector<16xi32>
    tpu.vector_store %arg12[%swap3A_676], %swap3A_679 {strides = array<i32>} : memref<128xi32, #tpu.memory_space<vmem>>, vector<16xi32>,
    %get3A_680 = arith.constant 16 : index
    %get3A_681 = tpu.vector_load %arg11[%get3A_680] {strides = array<i32>} : memref<128xi32, #tpu.memory_space<vmem>>, vector<16xi32>,
    %get3A_682 = vector.shape_cast %get3A_681 : vector<16xi32> to vector<16xi32>
    %mul3A_683 = arith.constant 4 : i32
    %mul3A_684 = vector.broadcast %mul3A_683 : i32 to vector<16xi32>
    %mul3A_685 = arith.muli %get3A_682, %mul3A_684 : vector<16xi32>
    %add3A_686 = arith.constant 1 : i32
    %add3A_687 = vector.broadcast %add3A_686 : i32 to vector<16xi32>
    %add3A_688 = arith.addi %mul3A_685, %add3A_687 : vector<16xi32>
    %swap3A_689 = arith.constant 16 : index
    %swap3A_690 = tpu.vector_load %arg12[%swap3A_689] {strides = array<i32>} : memref<128xi32, #tpu.memory_space<vmem>>, vector<16xi32>,
    %swap3A_691 = vector.shape_cast %swap3A_690 : vector<16xi32> to vector<16xi32>
    %swap3A_692 = vector.shape_cast %add3A_688 : vector<16xi32> to vector<16xi32>
    tpu.vector_store %arg12[%swap3A_689], %swap3A_692 {strides = array<i32>} : memref<128xi32, #tpu.memory_space<vmem>>, vector<16xi32>,
    %get3A_693 = arith.constant 32 : index
    %get3A_694 = tpu.vector_load %arg11[%get3A_693] {strides = array<i32>} : memref<128xi32, #tpu.memory_space<vmem>>, vector<16xi32>,
    %get3A_695 = vector.shape_cast %get3A_694 : vector<16xi32> to vector<16xi32>
    %mul3A_696 = arith.constant 4 : i32
    %mul3A_697 = vector.broadcast %mul3A_696 : i32 to vector<16xi32>
    %mul3A_698 = arith.muli %get3A_695, %mul3A_697 : vector<16xi32>
    %add3A_699 = arith.constant 1 : i32
    %add3A_700 = vector.broadcast %add3A_699 : i32 to vector<16xi32>
    %add3A_701 = arith.addi %mul3A_698, %add3A_700 : vector<16xi32>
    %swap3A_702 = arith.constant 32 : index
    %swap3A_703 = tpu.vector_load %arg12[%swap3A_702] {strides = array<i32>} : memref<128xi32, #tpu.memory_space<vmem>>, vector<16xi32>,
    %swap3A_704 = vector.shape_cast %swap3A_703 : vector<16xi32> to vector<16xi32>
    %swap3A_705 = vector.shape_cast %add3A_701 : vector<16xi32> to vector<16xi32>
    tpu.vector_store %arg12[%swap3A_702], %swap3A_705 {strides = array<i32>} : memref<128xi32, #tpu.memory_space<vmem>>, vector<16xi32>,
    %get3A_706 = arith.constant 48 : index
    %get3A_707 = tpu.vector_load %arg11[%get3A_706] {strides = array<i32>} : memref<128xi32, #tpu.memory_space<vmem>>, vector<16xi32>,
    %get3A_708 = vector.shape_cast %get3A_707 : vector<16xi32> to vector<16xi32>
    %mul3A_709 = arith.constant 4 : i32
    %mul3A_710 = vector.broadcast %mul3A_709 : i32 to vector<16xi32>
    %mul3A_711 = arith.muli %get3A_708, %mul3A_710 : vector<16xi32>
    %add3A_712 = arith.constant 1 : i32
    %add3A_713 = vector.broadcast %add3A_712 : i32 to vector<16xi32>
    %add3A_714 = arith.addi %mul3A_711, %add3A_713 : vector<16xi32>
    %swap3A_715 = arith.constant 48 : index
    %swap3A_716 = tpu.vector_load %arg12[%swap3A_715] {strides = array<i32>} : memref<128xi32, #tpu.memory_space<vmem>>, vector<16xi32>,
    %swap3A_717 = vector.shape_cast %swap3A_716 : vector<16xi32> to vector<16xi32>
    %swap3A_718 = vector.shape_cast %add3A_714 : vector<16xi32> to vector<16xi32>
    tpu.vector_store %arg12[%swap3A_715], %swap3A_718 {strides = array<i32>} : memref<128xi32, #tpu.memory_space<vmem>>, vector<16xi32>,
    %get3A_719 = arith.constant 64 : index
    %get3A_720 = tpu.vector_load %arg11[%get3A_719] {strides = array<i32>} : memref<128xi32, #tpu.memory_space<vmem>>, vector<16xi32>,
    %get3A_721 = vector.shape_cast %get3A_720 : vector<16xi32> to vector<16xi32>
    %mul3A_722 = arith.constant 4 : i32
    %mul3A_723 = vector.broadcast %mul3A_722 : i32 to vector<16xi32>
    %mul3A_724 = arith.muli %get3A_721, %mul3A_723 : vector<16xi32>
    %add3A_725 = arith.constant 1 : i32
    %add3A_726 = vector.broadcast %add3A_725 : i32 to vector<16xi32>
    %add3A_727 = arith.addi %mul3A_724, %add3A_726 : vector<16xi32>
    %swap3A_728 = arith.constant 64 : index
    %swap3A_729 = tpu.vector_load %arg12[%swap3A_728] {strides = array<i32>} : memref<128xi32, #tpu.memory_space<vmem>>, vector<16xi32>,
    %swap3A_730 = vector.shape_cast %swap3A_729 : vector<16xi32> to vector<16xi32>
    %swap3A_731 = vector.shape_cast %add3A_727 : vector<16xi32> to vector<16xi32>
    tpu.vector_store %arg12[%swap3A_728], %swap3A_731 {strides = array<i32>} : memref<128xi32, #tpu.memory_space<vmem>>, vector<16xi32>,
    %get3A_732 = arith.constant 80 : index
    %get3A_733 = tpu.vector_load %arg11[%get3A_732] {strides = array<i32>} : memref<128xi32, #tpu.memory_space<vmem>>, vector<16xi32>,
    %get3A_734 = vector.shape_cast %get3A_733 : vector<16xi32> to vector<16xi32>
    %mul3A_735 = arith.constant 4 : i32
    %mul3A_736 = vector.broadcast %mul3A_735 : i32 to vector<16xi32>
    %mul3A_737 = arith.muli %get3A_734, %mul3A_736 : vector<16xi32>
    %add3A_738 = arith.constant 1 : i32
    %add3A_739 = vector.broadcast %add3A_738 : i32 to vector<16xi32>
    %add3A_740 = arith.addi %mul3A_737, %add3A_739 : vector<16xi32>
    %swap3A_741 = arith.constant 80 : index
    %swap3A_742 = tpu.vector_load %arg12[%swap3A_741] {strides = array<i32>} : memref<128xi32, #tpu.memory_space<vmem>>, vector<16xi32>,
    %swap3A_743 = vector.shape_cast %swap3A_742 : vector<16xi32> to vector<16xi32>
    %swap3A_744 = vector.shape_cast %add3A_740 : vector<16xi32> to vector<16xi32>
    tpu.vector_store %arg12[%swap3A_741], %swap3A_744 {strides = array<i32>} : memref<128xi32, #tpu.memory_space<vmem>>, vector<16xi32>,
    %get3A_745 = arith.constant 96 : index
    %get3A_746 = tpu.vector_load %arg11[%get3A_745] {strides = array<i32>} : memref<128xi32, #tpu.memory_space<vmem>>, vector<16xi32>,
    %get3A_747 = vector.shape_cast %get3A_746 : vector<16xi32> to vector<16xi32>
    %mul3A_748 = arith.constant 4 : i32
    %mul3A_749 = vector.broadcast %mul3A_748 : i32 to vector<16xi32>
    %mul3A_750 = arith.muli %get3A_747, %mul3A_749 : vector<16xi32>
    %add3A_751 = arith.constant 1 : i32
    %add3A_752 = vector.broadcast %add3A_751 : i32 to vector<16xi32>
    %add3A_753 = arith.addi %mul3A_750, %add3A_752 : vector<16xi32>
    %swap3A_754 = arith.constant 96 : index
    %swap3A_755 = tpu.vector_load %arg12[%swap3A_754] {strides = array<i32>} : memref<128xi32, #tpu.memory_space<vmem>>, vector<16xi32>,
    %swap3A_756 = vector.shape_cast %swap3A_755 : vector<16xi32> to vector<16xi32>
    %swap3A_757 = vector.shape_cast %add3A_753 : vector<16xi32> to vector<16xi32>
    tpu.vector_store %arg12[%swap3A_754], %swap3A_757 {strides = array<i32>} : memref<128xi32, #tpu.memory_space<vmem>>, vector<16xi32>,
    %get3A_758 = arith.constant 112 : index
    %get3A_759 = tpu.vector_load %arg11[%get3A_758] {strides = array<i32>} : memref<128xi32, #tpu.memory_space<vmem>>, vector<16xi32>,
    %get3A_760 = vector.shape_cast %get3A_759 : vector<16xi32> to vector<16xi32>
    %mul3A_761 = arith.constant 4 : i32
    %mul3A_762 = vector.broadcast %mul3A_761 : i32 to vector<16xi32>
    %mul3A_763 = arith.muli %get3A_760, %mul3A_762 : vector<16xi32>
    %add3A_764 = arith.constant 1 : i32
    %add3A_765 = vector.broadcast %add3A_764 : i32 to vector<16xi32>
    %add3A_766 = arith.addi %mul3A_763, %add3A_765 : vector<16xi32>
    %swap3A_767 = arith.constant 112 : index
    %swap3A_768 = tpu.vector_load %arg12[%swap3A_767] {strides = array<i32>} : memref<128xi32, #tpu.memory_space<vmem>>, vector<16xi32>,
    %swap3A_769 = vector.shape_cast %swap3A_768 : vector<16xi32> to vector<16xi32>
    %swap3A_770 = vector.shape_cast %add3A_766 : vector<16xi32> to vector<16xi32>
    tpu.vector_store %arg12[%swap3A_767], %swap3A_770 {strides = array<i32>} : memref<128xi32, #tpu.memory_space<vmem>>, vector<16xi32>,
    %dma_start3A_771 = arith.constant 0 : i32
    %dma_start3A_772 = tpu.memref_slice %arg2[%dma_start3A_771] : memref<80000xf32, #tpu.memory_space<hbm>> -> memref<80000xf32, #tpu.memory_space<hbm>>
    tpu.enqueue_indirect_dma source(%dma_start3A_772 : memref<80000xf32, #tpu.memory_space<hbm>>) target(%arg13 : memref<128xf32, #tpu.memory_space<vmem>>) offsets(%arg12 : memref<128xi32, #tpu.memory_space<vmem>>) semaphore(%arg14 : memref<!tpu.dma_semaphore, #tpu.memory_space<semaphore_mem>>)
    %dma_wait3A_773 = arith.constant 0 : i32
    %dma_wait3A_774 = tpu.memref_slice %arg2[%dma_wait3A_773] : memref<80000xf32, #tpu.memory_space<hbm>> -> memref<80000xf32, #tpu.memory_space<hbm>>
    tpu.wait_indirect_dma semaphore(%arg14 : memref<!tpu.dma_semaphore, #tpu.memory_space<semaphore_mem>>) src(%dma_wait3A_774 : memref<80000xf32, #tpu.memory_space<hbm>>) dst(%arg13 : memref<128xf32, #tpu.memory_space<vmem>>)
    %add3A_775 = arith.constant 128 : i32
    %add3A_776 = arith.addi %multiple_of3A, %add3A_775 : i32
    "tpu.region"() ({
      %run_scoped3A = tpu.sem_alloc : memref<!tpu.dma_semaphore, #tpu.memory_space<semaphore_mem>>
      %dma_start3A_2509 = tpu.memref_slice %arg6[%add3A_776] : memref<20480xf32, #tpu.memory_space<hbm>> -> memref<128xf32, #tpu.memory_space<hbm>>
      %dma_start3A_2510 = tpu.memref_slice %arg6[%add3A_776] : memref<20480xf32, #tpu.memory_space<hbm>> -> memref<128xf32, #tpu.memory_space<hbm>>
      tpu.enqueue_dma source(%arg13 : memref<128xf32, #tpu.memory_space<vmem>>) target(%dma_start3A_2510 : memref<128xf32, #tpu.memory_space<hbm>>) target_semaphore(%run_scoped3A : memref<!tpu.dma_semaphore, #tpu.memory_space<semaphore_mem>>)
      %dma_wait3A_2511 = tpu.memref_slice %arg6[%add3A_776] : memref<20480xf32, #tpu.memory_space<hbm>> -> memref<128xf32, #tpu.memory_space<hbm>>
      %dma_wait3A_2512 = tpu.memref_slice %arg6[%add3A_776] : memref<20480xf32, #tpu.memory_space<hbm>> -> memref<128xf32, #tpu.memory_space<hbm>>
      tpu.wait_dma2 semaphore(%run_scoped3A : memref<!tpu.dma_semaphore, #tpu.memory_space<semaphore_mem>>) src(%arg13 : memref<128xf32, #tpu.memory_space<vmem>>) dst(%dma_wait3A_2512 : memref<128xf32, #tpu.memory_space<hbm>>)
      tpu.yield
    }) : () -> ()
    %get3A_777 = arith.constant 0 : index
    %get3A_778 = tpu.vector_load %arg11[%get3A_777] {strides = array<i32>} : memref<128xi32, #tpu.memory_space<vmem>>, vector<16xi32>,
    %get3A_779 = vector.shape_cast %get3A_778 : vector<16xi32> to vector<16xi32>
    %mul3A_780 = arith.constant 4 : i32
    %mul3A_781 = vector.broadcast %mul3A_780 : i32 to vector<16xi32>
    %mul3A_782 = arith.muli %get3A_779, %mul3A_781 : vector<16xi32>
    %add3A_783 = arith.constant 2 : i32
    %add3A_784 = vector.broadcast %add3A_783 : i32 to vector<16xi32>
    %add3A_785 = arith.addi %mul3A_782, %add3A_784 : vector<16xi32>
    %swap3A_786 = arith.constant 0 : index
    %swap3A_787 = tpu.vector_load %arg12[%swap3A_786] {strides = array<i32>} : memref<128xi32, #tpu.memory_space<vmem>>, vector<16xi32>,
    %swap3A_788 = vector.shape_cast %swap3A_787 : vector<16xi32> to vector<16xi32>
    %swap3A_789 = vector.shape_cast %add3A_785 : vector<16xi32> to vector<16xi32>
    tpu.vector_store %arg12[%swap3A_786], %swap3A_789 {strides = array<i32>} : memref<128xi32, #tpu.memory_space<vmem>>, vector<16xi32>,
    %get3A_790 = arith.constant 16 : index
    %get3A_791 = tpu.vector_load %arg11[%get3A_790] {strides = array<i32>} : memref<128xi32, #tpu.memory_space<vmem>>, vector<16xi32>,
    %get3A_792 = vector.shape_cast %get3A_791 : vector<16xi32> to vector<16xi32>
    %mul3A_793 = arith.constant 4 : i32
    %mul3A_794 = vector.broadcast %mul3A_793 : i32 to vector<16xi32>
    %mul3A_795 = arith.muli %get3A_792, %mul3A_794 : vector<16xi32>
    %add3A_796 = arith.constant 2 : i32
    %add3A_797 = vector.broadcast %add3A_796 : i32 to vector<16xi32>
    %add3A_798 = arith.addi %mul3A_795, %add3A_797 : vector<16xi32>
    %swap3A_799 = arith.constant 16 : index
    %swap3A_800 = tpu.vector_load %arg12[%swap3A_799] {strides = array<i32>} : memref<128xi32, #tpu.memory_space<vmem>>, vector<16xi32>,
    %swap3A_801 = vector.shape_cast %swap3A_800 : vector<16xi32> to vector<16xi32>
    %swap3A_802 = vector.shape_cast %add3A_798 : vector<16xi32> to vector<16xi32>
    tpu.vector_store %arg12[%swap3A_799], %swap3A_802 {strides = array<i32>} : memref<128xi32, #tpu.memory_space<vmem>>, vector<16xi32>,
    %get3A_803 = arith.constant 32 : index
    %get3A_804 = tpu.vector_load %arg11[%get3A_803] {strides = array<i32>} : memref<128xi32, #tpu.memory_space<vmem>>, vector<16xi32>,
    %get3A_805 = vector.shape_cast %get3A_804 : vector<16xi32> to vector<16xi32>
    %mul3A_806 = arith.constant 4 : i32
    %mul3A_807 = vector.broadcast %mul3A_806 : i32 to vector<16xi32>
    %mul3A_808 = arith.muli %get3A_805, %mul3A_807 : vector<16xi32>
    %add3A_809 = arith.constant 2 : i32
    %add3A_810 = vector.broadcast %add3A_809 : i32 to vector<16xi32>
    %add3A_811 = arith.addi %mul3A_808, %add3A_810 : vector<16xi32>
    %swap3A_812 = arith.constant 32 : index
    %swap3A_813 = tpu.vector_load %arg12[%swap3A_812] {strides = array<i32>} : memref<128xi32, #tpu.memory_space<vmem>>, vector<16xi32>,
    %swap3A_814 = vector.shape_cast %swap3A_813 : vector<16xi32> to vector<16xi32>
    %swap3A_815 = vector.shape_cast %add3A_811 : vector<16xi32> to vector<16xi32>
    tpu.vector_store %arg12[%swap3A_812], %swap3A_815 {strides = array<i32>} : memref<128xi32, #tpu.memory_space<vmem>>, vector<16xi32>,
    %get3A_816 = arith.constant 48 : index
    %get3A_817 = tpu.vector_load %arg11[%get3A_816] {strides = array<i32>} : memref<128xi32, #tpu.memory_space<vmem>>, vector<16xi32>,
    %get3A_818 = vector.shape_cast %get3A_817 : vector<16xi32> to vector<16xi32>
    %mul3A_819 = arith.constant 4 : i32
    %mul3A_820 = vector.broadcast %mul3A_819 : i32 to vector<16xi32>
    %mul3A_821 = arith.muli %get3A_818, %mul3A_820 : vector<16xi32>
    %add3A_822 = arith.constant 2 : i32
    %add3A_823 = vector.broadcast %add3A_822 : i32 to vector<16xi32>
    %add3A_824 = arith.addi %mul3A_821, %add3A_823 : vector<16xi32>
    %swap3A_825 = arith.constant 48 : index
    %swap3A_826 = tpu.vector_load %arg12[%swap3A_825] {strides = array<i32>} : memref<128xi32, #tpu.memory_space<vmem>>, vector<16xi32>,
    %swap3A_827 = vector.shape_cast %swap3A_826 : vector<16xi32> to vector<16xi32>
    %swap3A_828 = vector.shape_cast %add3A_824 : vector<16xi32> to vector<16xi32>
    tpu.vector_store %arg12[%swap3A_825], %swap3A_828 {strides = array<i32>} : memref<128xi32, #tpu.memory_space<vmem>>, vector<16xi32>,
    %get3A_829 = arith.constant 64 : index
    %get3A_830 = tpu.vector_load %arg11[%get3A_829] {strides = array<i32>} : memref<128xi32, #tpu.memory_space<vmem>>, vector<16xi32>,
    %get3A_831 = vector.shape_cast %get3A_830 : vector<16xi32> to vector<16xi32>
    %mul3A_832 = arith.constant 4 : i32
    %mul3A_833 = vector.broadcast %mul3A_832 : i32 to vector<16xi32>
    %mul3A_834 = arith.muli %get3A_831, %mul3A_833 : vector<16xi32>
    %add3A_835 = arith.constant 2 : i32
    %add3A_836 = vector.broadcast %add3A_835 : i32 to vector<16xi32>
    %add3A_837 = arith.addi %mul3A_834, %add3A_836 : vector<16xi32>
    %swap3A_838 = arith.constant 64 : index
    %swap3A_839 = tpu.vector_load %arg12[%swap3A_838] {strides = array<i32>} : memref<128xi32, #tpu.memory_space<vmem>>, vector<16xi32>,
    %swap3A_840 = vector.shape_cast %swap3A_839 : vector<16xi32> to vector<16xi32>
    %swap3A_841 = vector.shape_cast %add3A_837 : vector<16xi32> to vector<16xi32>
    tpu.vector_store %arg12[%swap3A_838], %swap3A_841 {strides = array<i32>} : memref<128xi32, #tpu.memory_space<vmem>>, vector<16xi32>,
    %get3A_842 = arith.constant 80 : index
    %get3A_843 = tpu.vector_load %arg11[%get3A_842] {strides = array<i32>} : memref<128xi32, #tpu.memory_space<vmem>>, vector<16xi32>,
    %get3A_844 = vector.shape_cast %get3A_843 : vector<16xi32> to vector<16xi32>
    %mul3A_845 = arith.constant 4 : i32
    %mul3A_846 = vector.broadcast %mul3A_845 : i32 to vector<16xi32>
    %mul3A_847 = arith.muli %get3A_844, %mul3A_846 : vector<16xi32>
    %add3A_848 = arith.constant 2 : i32
    %add3A_849 = vector.broadcast %add3A_848 : i32 to vector<16xi32>
    %add3A_850 = arith.addi %mul3A_847, %add3A_849 : vector<16xi32>
    %swap3A_851 = arith.constant 80 : index
    %swap3A_852 = tpu.vector_load %arg12[%swap3A_851] {strides = array<i32>} : memref<128xi32, #tpu.memory_space<vmem>>, vector<16xi32>,
    %swap3A_853 = vector.shape_cast %swap3A_852 : vector<16xi32> to vector<16xi32>
    %swap3A_854 = vector.shape_cast %add3A_850 : vector<16xi32> to vector<16xi32>
    tpu.vector_store %arg12[%swap3A_851], %swap3A_854 {strides = array<i32>} : memref<128xi32, #tpu.memory_space<vmem>>, vector<16xi32>,
    %get3A_855 = arith.constant 96 : index
    %get3A_856 = tpu.vector_load %arg11[%get3A_855] {strides = array<i32>} : memref<128xi32, #tpu.memory_space<vmem>>, vector<16xi32>,
    %get3A_857 = vector.shape_cast %get3A_856 : vector<16xi32> to vector<16xi32>
    %mul3A_858 = arith.constant 4 : i32
    %mul3A_859 = vector.broadcast %mul3A_858 : i32 to vector<16xi32>
    %mul3A_860 = arith.muli %get3A_857, %mul3A_859 : vector<16xi32>
    %add3A_861 = arith.constant 2 : i32
    %add3A_862 = vector.broadcast %add3A_861 : i32 to vector<16xi32>
    %add3A_863 = arith.addi %mul3A_860, %add3A_862 : vector<16xi32>
    %swap3A_864 = arith.constant 96 : index
    %swap3A_865 = tpu.vector_load %arg12[%swap3A_864] {strides = array<i32>} : memref<128xi32, #tpu.memory_space<vmem>>, vector<16xi32>,
    %swap3A_866 = vector.shape_cast %swap3A_865 : vector<16xi32> to vector<16xi32>
    %swap3A_867 = vector.shape_cast %add3A_863 : vector<16xi32> to vector<16xi32>
    tpu.vector_store %arg12[%swap3A_864], %swap3A_867 {strides = array<i32>} : memref<128xi32, #tpu.memory_space<vmem>>, vector<16xi32>,
    %get3A_868 = arith.constant 112 : index
    %get3A_869 = tpu.vector_load %arg11[%get3A_868] {strides = array<i32>} : memref<128xi32, #tpu.memory_space<vmem>>, vector<16xi32>,
    %get3A_870 = vector.shape_cast %get3A_869 : vector<16xi32> to vector<16xi32>
    %mul3A_871 = arith.constant 4 : i32
    %mul3A_872 = vector.broadcast %mul3A_871 : i32 to vector<16xi32>
    %mul3A_873 = arith.muli %get3A_870, %mul3A_872 : vector<16xi32>
    %add3A_874 = arith.constant 2 : i32
    %add3A_875 = vector.broadcast %add3A_874 : i32 to vector<16xi32>
    %add3A_876 = arith.addi %mul3A_873, %add3A_875 : vector<16xi32>
    %swap3A_877 = arith.constant 112 : index
    %swap3A_878 = tpu.vector_load %arg12[%swap3A_877] {strides = array<i32>} : memref<128xi32, #tpu.memory_space<vmem>>, vector<16xi32>,
    %swap3A_879 = vector.shape_cast %swap3A_878 : vector<16xi32> to vector<16xi32>
    %swap3A_880 = vector.shape_cast %add3A_876 : vector<16xi32> to vector<16xi32>
    tpu.vector_store %arg12[%swap3A_877], %swap3A_880 {strides = array<i32>} : memref<128xi32, #tpu.memory_space<vmem>>, vector<16xi32>,
    %dma_start3A_881 = arith.constant 0 : i32
    %dma_start3A_882 = tpu.memref_slice %arg2[%dma_start3A_881] : memref<80000xf32, #tpu.memory_space<hbm>> -> memref<80000xf32, #tpu.memory_space<hbm>>
    tpu.enqueue_indirect_dma source(%dma_start3A_882 : memref<80000xf32, #tpu.memory_space<hbm>>) target(%arg13 : memref<128xf32, #tpu.memory_space<vmem>>) offsets(%arg12 : memref<128xi32, #tpu.memory_space<vmem>>) semaphore(%arg14 : memref<!tpu.dma_semaphore, #tpu.memory_space<semaphore_mem>>)
    %dma_wait3A_883 = arith.constant 0 : i32
    %dma_wait3A_884 = tpu.memref_slice %arg2[%dma_wait3A_883] : memref<80000xf32, #tpu.memory_space<hbm>> -> memref<80000xf32, #tpu.memory_space<hbm>>
    tpu.wait_indirect_dma semaphore(%arg14 : memref<!tpu.dma_semaphore, #tpu.memory_space<semaphore_mem>>) src(%dma_wait3A_884 : memref<80000xf32, #tpu.memory_space<hbm>>) dst(%arg13 : memref<128xf32, #tpu.memory_space<vmem>>)
    %add3A_885 = arith.constant 128 : i32
    %add3A_886 = arith.addi %multiple_of3A, %add3A_885 : i32
    "tpu.region"() ({
      %run_scoped3A = tpu.sem_alloc : memref<!tpu.dma_semaphore, #tpu.memory_space<semaphore_mem>>
      %dma_start3A_2509 = tpu.memref_slice %arg7[%add3A_886] : memref<20480xf32, #tpu.memory_space<hbm>> -> memref<128xf32, #tpu.memory_space<hbm>>
      %dma_start3A_2510 = tpu.memref_slice %arg7[%add3A_886] : memref<20480xf32, #tpu.memory_space<hbm>> -> memref<128xf32, #tpu.memory_space<hbm>>
      tpu.enqueue_dma source(%arg13 : memref<128xf32, #tpu.memory_space<vmem>>) target(%dma_start3A_2510 : memref<128xf32, #tpu.memory_space<hbm>>) target_semaphore(%run_scoped3A : memref<!tpu.dma_semaphore, #tpu.memory_space<semaphore_mem>>)
      %dma_wait3A_2511 = tpu.memref_slice %arg7[%add3A_886] : memref<20480xf32, #tpu.memory_space<hbm>> -> memref<128xf32, #tpu.memory_space<hbm>>
      %dma_wait3A_2512 = tpu.memref_slice %arg7[%add3A_886] : memref<20480xf32, #tpu.memory_space<hbm>> -> memref<128xf32, #tpu.memory_space<hbm>>
      tpu.wait_dma2 semaphore(%run_scoped3A : memref<!tpu.dma_semaphore, #tpu.memory_space<semaphore_mem>>) src(%arg13 : memref<128xf32, #tpu.memory_space<vmem>>) dst(%dma_wait3A_2512 : memref<128xf32, #tpu.memory_space<hbm>>)
      tpu.yield
    }) : () -> ()
    %get3A_887 = arith.constant 0 : index
    %get3A_888 = tpu.vector_load %arg11[%get3A_887] {strides = array<i32>} : memref<128xi32, #tpu.memory_space<vmem>>, vector<16xi32>,
    %get3A_889 = vector.shape_cast %get3A_888 : vector<16xi32> to vector<16xi32>
    %mul3A_890 = arith.constant 4 : i32
    %mul3A_891 = vector.broadcast %mul3A_890 : i32 to vector<16xi32>
    %mul3A_892 = arith.muli %get3A_889, %mul3A_891 : vector<16xi32>
    %add3A_893 = arith.constant 3 : i32
    %add3A_894 = vector.broadcast %add3A_893 : i32 to vector<16xi32>
    %add3A_895 = arith.addi %mul3A_892, %add3A_894 : vector<16xi32>
    %swap3A_896 = arith.constant 0 : index
    %swap3A_897 = tpu.vector_load %arg12[%swap3A_896] {strides = array<i32>} : memref<128xi32, #tpu.memory_space<vmem>>, vector<16xi32>,
    %swap3A_898 = vector.shape_cast %swap3A_897 : vector<16xi32> to vector<16xi32>
    %swap3A_899 = vector.shape_cast %add3A_895 : vector<16xi32> to vector<16xi32>
    tpu.vector_store %arg12[%swap3A_896], %swap3A_899 {strides = array<i32>} : memref<128xi32, #tpu.memory_space<vmem>>, vector<16xi32>,
    %get3A_900 = arith.constant 16 : index
    %get3A_901 = tpu.vector_load %arg11[%get3A_900] {strides = array<i32>} : memref<128xi32, #tpu.memory_space<vmem>>, vector<16xi32>,
    %get3A_902 = vector.shape_cast %get3A_901 : vector<16xi32> to vector<16xi32>
    %mul3A_903 = arith.constant 4 : i32
    %mul3A_904 = vector.broadcast %mul3A_903 : i32 to vector<16xi32>
    %mul3A_905 = arith.muli %get3A_902, %mul3A_904 : vector<16xi32>
    %add3A_906 = arith.constant 3 : i32
    %add3A_907 = vector.broadcast %add3A_906 : i32 to vector<16xi32>
    %add3A_908 = arith.addi %mul3A_905, %add3A_907 : vector<16xi32>
    %swap3A_909 = arith.constant 16 : index
    %swap3A_910 = tpu.vector_load %arg12[%swap3A_909] {strides = array<i32>} : memref<128xi32, #tpu.memory_space<vmem>>, vector<16xi32>,
    %swap3A_911 = vector.shape_cast %swap3A_910 : vector<16xi32> to vector<16xi32>
    %swap3A_912 = vector.shape_cast %add3A_908 : vector<16xi32> to vector<16xi32>
    tpu.vector_store %arg12[%swap3A_909], %swap3A_912 {strides = array<i32>} : memref<128xi32, #tpu.memory_space<vmem>>, vector<16xi32>,
    %get3A_913 = arith.constant 32 : index
    %get3A_914 = tpu.vector_load %arg11[%get3A_913] {strides = array<i32>} : memref<128xi32, #tpu.memory_space<vmem>>, vector<16xi32>,
    %get3A_915 = vector.shape_cast %get3A_914 : vector<16xi32> to vector<16xi32>
    %mul3A_916 = arith.constant 4 : i32
    %mul3A_917 = vector.broadcast %mul3A_916 : i32 to vector<16xi32>
    %mul3A_918 = arith.muli %get3A_915, %mul3A_917 : vector<16xi32>
    %add3A_919 = arith.constant 3 : i32
    %add3A_920 = vector.broadcast %add3A_919 : i32 to vector<16xi32>
    %add3A_921 = arith.addi %mul3A_918, %add3A_920 : vector<16xi32>
    %swap3A_922 = arith.constant 32 : index
    %swap3A_923 = tpu.vector_load %arg12[%swap3A_922] {strides = array<i32>} : memref<128xi32, #tpu.memory_space<vmem>>, vector<16xi32>,
    %swap3A_924 = vector.shape_cast %swap3A_923 : vector<16xi32> to vector<16xi32>
    %swap3A_925 = vector.shape_cast %add3A_921 : vector<16xi32> to vector<16xi32>
    tpu.vector_store %arg12[%swap3A_922], %swap3A_925 {strides = array<i32>} : memref<128xi32, #tpu.memory_space<vmem>>, vector<16xi32>,
    %get3A_926 = arith.constant 48 : index
    %get3A_927 = tpu.vector_load %arg11[%get3A_926] {strides = array<i32>} : memref<128xi32, #tpu.memory_space<vmem>>, vector<16xi32>,
    %get3A_928 = vector.shape_cast %get3A_927 : vector<16xi32> to vector<16xi32>
    %mul3A_929 = arith.constant 4 : i32
    %mul3A_930 = vector.broadcast %mul3A_929 : i32 to vector<16xi32>
    %mul3A_931 = arith.muli %get3A_928, %mul3A_930 : vector<16xi32>
    %add3A_932 = arith.constant 3 : i32
    %add3A_933 = vector.broadcast %add3A_932 : i32 to vector<16xi32>
    %add3A_934 = arith.addi %mul3A_931, %add3A_933 : vector<16xi32>
    %swap3A_935 = arith.constant 48 : index
    %swap3A_936 = tpu.vector_load %arg12[%swap3A_935] {strides = array<i32>} : memref<128xi32, #tpu.memory_space<vmem>>, vector<16xi32>,
    %swap3A_937 = vector.shape_cast %swap3A_936 : vector<16xi32> to vector<16xi32>
    %swap3A_938 = vector.shape_cast %add3A_934 : vector<16xi32> to vector<16xi32>
    tpu.vector_store %arg12[%swap3A_935], %swap3A_938 {strides = array<i32>} : memref<128xi32, #tpu.memory_space<vmem>>, vector<16xi32>,
    %get3A_939 = arith.constant 64 : index
    %get3A_940 = tpu.vector_load %arg11[%get3A_939] {strides = array<i32>} : memref<128xi32, #tpu.memory_space<vmem>>, vector<16xi32>,
    %get3A_941 = vector.shape_cast %get3A_940 : vector<16xi32> to vector<16xi32>
    %mul3A_942 = arith.constant 4 : i32
    %mul3A_943 = vector.broadcast %mul3A_942 : i32 to vector<16xi32>
    %mul3A_944 = arith.muli %get3A_941, %mul3A_943 : vector<16xi32>
    %add3A_945 = arith.constant 3 : i32
    %add3A_946 = vector.broadcast %add3A_945 : i32 to vector<16xi32>
    %add3A_947 = arith.addi %mul3A_944, %add3A_946 : vector<16xi32>
    %swap3A_948 = arith.constant 64 : index
    %swap3A_949 = tpu.vector_load %arg12[%swap3A_948] {strides = array<i32>} : memref<128xi32, #tpu.memory_space<vmem>>, vector<16xi32>,
    %swap3A_950 = vector.shape_cast %swap3A_949 : vector<16xi32> to vector<16xi32>
    %swap3A_951 = vector.shape_cast %add3A_947 : vector<16xi32> to vector<16xi32>
    tpu.vector_store %arg12[%swap3A_948], %swap3A_951 {strides = array<i32>} : memref<128xi32, #tpu.memory_space<vmem>>, vector<16xi32>,
    %get3A_952 = arith.constant 80 : index
    %get3A_953 = tpu.vector_load %arg11[%get3A_952] {strides = array<i32>} : memref<128xi32, #tpu.memory_space<vmem>>, vector<16xi32>,
    %get3A_954 = vector.shape_cast %get3A_953 : vector<16xi32> to vector<16xi32>
    %mul3A_955 = arith.constant 4 : i32
    %mul3A_956 = vector.broadcast %mul3A_955 : i32 to vector<16xi32>
    %mul3A_957 = arith.muli %get3A_954, %mul3A_956 : vector<16xi32>
    %add3A_958 = arith.constant 3 : i32
    %add3A_959 = vector.broadcast %add3A_958 : i32 to vector<16xi32>
    %add3A_960 = arith.addi %mul3A_957, %add3A_959 : vector<16xi32>
    %swap3A_961 = arith.constant 80 : index
    %swap3A_962 = tpu.vector_load %arg12[%swap3A_961] {strides = array<i32>} : memref<128xi32, #tpu.memory_space<vmem>>, vector<16xi32>,
    %swap3A_963 = vector.shape_cast %swap3A_962 : vector<16xi32> to vector<16xi32>
    %swap3A_964 = vector.shape_cast %add3A_960 : vector<16xi32> to vector<16xi32>
    tpu.vector_store %arg12[%swap3A_961], %swap3A_964 {strides = array<i32>} : memref<128xi32, #tpu.memory_space<vmem>>, vector<16xi32>,
    %get3A_965 = arith.constant 96 : index
    %get3A_966 = tpu.vector_load %arg11[%get3A_965] {strides = array<i32>} : memref<128xi32, #tpu.memory_space<vmem>>, vector<16xi32>,
    %get3A_967 = vector.shape_cast %get3A_966 : vector<16xi32> to vector<16xi32>
    %mul3A_968 = arith.constant 4 : i32
    %mul3A_969 = vector.broadcast %mul3A_968 : i32 to vector<16xi32>
    %mul3A_970 = arith.muli %get3A_967, %mul3A_969 : vector<16xi32>
    %add3A_971 = arith.constant 3 : i32
    %add3A_972 = vector.broadcast %add3A_971 : i32 to vector<16xi32>
    %add3A_973 = arith.addi %mul3A_970, %add3A_972 : vector<16xi32>
    %swap3A_974 = arith.constant 96 : index
    %swap3A_975 = tpu.vector_load %arg12[%swap3A_974] {strides = array<i32>} : memref<128xi32, #tpu.memory_space<vmem>>, vector<16xi32>,
    %swap3A_976 = vector.shape_cast %swap3A_975 : vector<16xi32> to vector<16xi32>
    %swap3A_977 = vector.shape_cast %add3A_973 : vector<16xi32> to vector<16xi32>
    tpu.vector_store %arg12[%swap3A_974], %swap3A_977 {strides = array<i32>} : memref<128xi32, #tpu.memory_space<vmem>>, vector<16xi32>,
    %get3A_978 = arith.constant 112 : index
    %get3A_979 = tpu.vector_load %arg11[%get3A_978] {strides = array<i32>} : memref<128xi32, #tpu.memory_space<vmem>>, vector<16xi32>,
    %get3A_980 = vector.shape_cast %get3A_979 : vector<16xi32> to vector<16xi32>
    %mul3A_981 = arith.constant 4 : i32
    %mul3A_982 = vector.broadcast %mul3A_981 : i32 to vector<16xi32>
    %mul3A_983 = arith.muli %get3A_980, %mul3A_982 : vector<16xi32>
    %add3A_984 = arith.constant 3 : i32
    %add3A_985 = vector.broadcast %add3A_984 : i32 to vector<16xi32>
    %add3A_986 = arith.addi %mul3A_983, %add3A_985 : vector<16xi32>
    %swap3A_987 = arith.constant 112 : index
    %swap3A_988 = tpu.vector_load %arg12[%swap3A_987] {strides = array<i32>} : memref<128xi32, #tpu.memory_space<vmem>>, vector<16xi32>,
    %swap3A_989 = vector.shape_cast %swap3A_988 : vector<16xi32> to vector<16xi32>
    %swap3A_990 = vector.shape_cast %add3A_986 : vector<16xi32> to vector<16xi32>
    tpu.vector_store %arg12[%swap3A_987], %swap3A_990 {strides = array<i32>} : memref<128xi32, #tpu.memory_space<vmem>>, vector<16xi32>,
    %dma_start3A_991 = arith.constant 0 : i32
    %dma_start3A_992 = tpu.memref_slice %arg2[%dma_start3A_991] : memref<80000xf32, #tpu.memory_space<hbm>> -> memref<80000xf32, #tpu.memory_space<hbm>>
    tpu.enqueue_indirect_dma source(%dma_start3A_992 : memref<80000xf32, #tpu.memory_space<hbm>>) target(%arg13 : memref<128xf32, #tpu.memory_space<vmem>>) offsets(%arg12 : memref<128xi32, #tpu.memory_space<vmem>>) semaphore(%arg14 : memref<!tpu.dma_semaphore, #tpu.memory_space<semaphore_mem>>)
    %dma_wait3A_993 = arith.constant 0 : i32
    %dma_wait3A_994 = tpu.memref_slice %arg2[%dma_wait3A_993] : memref<80000xf32, #tpu.memory_space<hbm>> -> memref<80000xf32, #tpu.memory_space<hbm>>
    tpu.wait_indirect_dma semaphore(%arg14 : memref<!tpu.dma_semaphore, #tpu.memory_space<semaphore_mem>>) src(%dma_wait3A_994 : memref<80000xf32, #tpu.memory_space<hbm>>) dst(%arg13 : memref<128xf32, #tpu.memory_space<vmem>>)
    %add3A_995 = arith.constant 128 : i32
    %add3A_996 = arith.addi %multiple_of3A, %add3A_995 : i32
    "tpu.region"() ({
      %run_scoped3A = tpu.sem_alloc : memref<!tpu.dma_semaphore, #tpu.memory_space<semaphore_mem>>
      %dma_start3A_2509 = tpu.memref_slice %arg8[%add3A_996] : memref<20480xf32, #tpu.memory_space<hbm>> -> memref<128xf32, #tpu.memory_space<hbm>>
      %dma_start3A_2510 = tpu.memref_slice %arg8[%add3A_996] : memref<20480xf32, #tpu.memory_space<hbm>> -> memref<128xf32, #tpu.memory_space<hbm>>
      tpu.enqueue_dma source(%arg13 : memref<128xf32, #tpu.memory_space<vmem>>) target(%dma_start3A_2510 : memref<128xf32, #tpu.memory_space<hbm>>) target_semaphore(%run_scoped3A : memref<!tpu.dma_semaphore, #tpu.memory_space<semaphore_mem>>)
      %dma_wait3A_2511 = tpu.memref_slice %arg8[%add3A_996] : memref<20480xf32, #tpu.memory_space<hbm>> -> memref<128xf32, #tpu.memory_space<hbm>>
      %dma_wait3A_2512 = tpu.memref_slice %arg8[%add3A_996] : memref<20480xf32, #tpu.memory_space<hbm>> -> memref<128xf32, #tpu.memory_space<hbm>>
      tpu.wait_dma2 semaphore(%run_scoped3A : memref<!tpu.dma_semaphore, #tpu.memory_space<semaphore_mem>>) src(%arg13 : memref<128xf32, #tpu.memory_space<vmem>>) dst(%dma_wait3A_2512 : memref<128xf32, #tpu.memory_space<hbm>>)
      tpu.yield
    }) : () -> ()
    %dma_start3A_997 = arith.constant 0 : i32
    %dma_start3A_998 = tpu.memref_slice %arg3[%dma_start3A_997] : memref<20000xf32, #tpu.memory_space<hbm>> -> memref<20000xf32, #tpu.memory_space<hbm>>
    tpu.enqueue_indirect_dma source(%dma_start3A_998 : memref<20000xf32, #tpu.memory_space<hbm>>) target(%arg13 : memref<128xf32, #tpu.memory_space<vmem>>) offsets(%arg11 : memref<128xi32, #tpu.memory_space<vmem>>) semaphore(%arg14 : memref<!tpu.dma_semaphore, #tpu.memory_space<semaphore_mem>>)
    %dma_wait3A_999 = arith.constant 0 : i32
    %dma_wait3A_1000 = tpu.memref_slice %arg3[%dma_wait3A_999] : memref<20000xf32, #tpu.memory_space<hbm>> -> memref<20000xf32, #tpu.memory_space<hbm>>
    tpu.wait_indirect_dma semaphore(%arg14 : memref<!tpu.dma_semaphore, #tpu.memory_space<semaphore_mem>>) src(%dma_wait3A_1000 : memref<20000xf32, #tpu.memory_space<hbm>>) dst(%arg13 : memref<128xf32, #tpu.memory_space<vmem>>)
    %add3A_1001 = arith.constant 128 : i32
    %add3A_1002 = arith.addi %multiple_of3A, %add3A_1001 : i32
    "tpu.region"() ({
      %run_scoped3A = tpu.sem_alloc : memref<!tpu.dma_semaphore, #tpu.memory_space<semaphore_mem>>
      %dma_start3A_2509 = tpu.memref_slice %arg9[%add3A_1002] : memref<20480xf32, #tpu.memory_space<hbm>> -> memref<128xf32, #tpu.memory_space<hbm>>
      %dma_start3A_2510 = tpu.memref_slice %arg9[%add3A_1002] : memref<20480xf32, #tpu.memory_space<hbm>> -> memref<128xf32, #tpu.memory_space<hbm>>
      tpu.enqueue_dma source(%arg13 : memref<128xf32, #tpu.memory_space<vmem>>) target(%dma_start3A_2510 : memref<128xf32, #tpu.memory_space<hbm>>) target_semaphore(%run_scoped3A : memref<!tpu.dma_semaphore, #tpu.memory_space<semaphore_mem>>)
      %dma_wait3A_2511 = tpu.memref_slice %arg9[%add3A_1002] : memref<20480xf32, #tpu.memory_space<hbm>> -> memref<128xf32, #tpu.memory_space<hbm>>
      %dma_wait3A_2512 = tpu.memref_slice %arg9[%add3A_1002] : memref<20480xf32, #tpu.memory_space<hbm>> -> memref<128xf32, #tpu.memory_space<hbm>>
      tpu.wait_dma2 semaphore(%run_scoped3A : memref<!tpu.dma_semaphore, #tpu.memory_space<semaphore_mem>>) src(%arg13 : memref<128xf32, #tpu.memory_space<vmem>>) dst(%dma_wait3A_2512 : memref<128xf32, #tpu.memory_space<hbm>>)
      tpu.yield
    }) : () -> ()
    %get3A_1003 = arith.constant 256 : index
    %get3A_1004 = tpu.vector_load %arg10[%get3A_1003] {strides = array<i32>} : memref<640xi32, #tpu.memory_space<vmem>>, vector<16xi32>,
    %get3A_1005 = vector.shape_cast %get3A_1004 : vector<16xi32> to vector<16xi32>
    %swap3A_1006 = arith.constant 0 : index
    %swap3A_1007 = tpu.vector_load %arg11[%swap3A_1006] {strides = array<i32>} : memref<128xi32, #tpu.memory_space<vmem>>, vector<16xi32>,
    %swap3A_1008 = vector.shape_cast %swap3A_1007 : vector<16xi32> to vector<16xi32>
    %swap3A_1009 = vector.shape_cast %get3A_1005 : vector<16xi32> to vector<16xi32>
    tpu.vector_store %arg11[%swap3A_1006], %swap3A_1009 {strides = array<i32>} : memref<128xi32, #tpu.memory_space<vmem>>, vector<16xi32>,
    %get3A_1010 = arith.constant 272 : index
    %get3A_1011 = tpu.vector_load %arg10[%get3A_1010] {strides = array<i32>} : memref<640xi32, #tpu.memory_space<vmem>>, vector<16xi32>,
    %get3A_1012 = vector.shape_cast %get3A_1011 : vector<16xi32> to vector<16xi32>
    %swap3A_1013 = arith.constant 16 : index
    %swap3A_1014 = tpu.vector_load %arg11[%swap3A_1013] {strides = array<i32>} : memref<128xi32, #tpu.memory_space<vmem>>, vector<16xi32>,
    %swap3A_1015 = vector.shape_cast %swap3A_1014 : vector<16xi32> to vector<16xi32>
    %swap3A_1016 = vector.shape_cast %get3A_1012 : vector<16xi32> to vector<16xi32>
    tpu.vector_store %arg11[%swap3A_1013], %swap3A_1016 {strides = array<i32>} : memref<128xi32, #tpu.memory_space<vmem>>, vector<16xi32>,
    %get3A_1017 = arith.constant 288 : index
    %get3A_1018 = tpu.vector_load %arg10[%get3A_1017] {strides = array<i32>} : memref<640xi32, #tpu.memory_space<vmem>>, vector<16xi32>,
    %get3A_1019 = vector.shape_cast %get3A_1018 : vector<16xi32> to vector<16xi32>
    %swap3A_1020 = arith.constant 32 : index
    %swap3A_1021 = tpu.vector_load %arg11[%swap3A_1020] {strides = array<i32>} : memref<128xi32, #tpu.memory_space<vmem>>, vector<16xi32>,
    %swap3A_1022 = vector.shape_cast %swap3A_1021 : vector<16xi32> to vector<16xi32>
    %swap3A_1023 = vector.shape_cast %get3A_1019 : vector<16xi32> to vector<16xi32>
    tpu.vector_store %arg11[%swap3A_1020], %swap3A_1023 {strides = array<i32>} : memref<128xi32, #tpu.memory_space<vmem>>, vector<16xi32>,
    %get3A_1024 = arith.constant 304 : index
    %get3A_1025 = tpu.vector_load %arg10[%get3A_1024] {strides = array<i32>} : memref<640xi32, #tpu.memory_space<vmem>>, vector<16xi32>,
    %get3A_1026 = vector.shape_cast %get3A_1025 : vector<16xi32> to vector<16xi32>
    %swap3A_1027 = arith.constant 48 : index
    %swap3A_1028 = tpu.vector_load %arg11[%swap3A_1027] {strides = array<i32>} : memref<128xi32, #tpu.memory_space<vmem>>, vector<16xi32>,
    %swap3A_1029 = vector.shape_cast %swap3A_1028 : vector<16xi32> to vector<16xi32>
    %swap3A_1030 = vector.shape_cast %get3A_1026 : vector<16xi32> to vector<16xi32>
    tpu.vector_store %arg11[%swap3A_1027], %swap3A_1030 {strides = array<i32>} : memref<128xi32, #tpu.memory_space<vmem>>, vector<16xi32>,
    %get3A_1031 = arith.constant 320 : index
    %get3A_1032 = tpu.vector_load %arg10[%get3A_1031] {strides = array<i32>} : memref<640xi32, #tpu.memory_space<vmem>>, vector<16xi32>,
    %get3A_1033 = vector.shape_cast %get3A_1032 : vector<16xi32> to vector<16xi32>
    %swap3A_1034 = arith.constant 64 : index
    %swap3A_1035 = tpu.vector_load %arg11[%swap3A_1034] {strides = array<i32>} : memref<128xi32, #tpu.memory_space<vmem>>, vector<16xi32>,
    %swap3A_1036 = vector.shape_cast %swap3A_1035 : vector<16xi32> to vector<16xi32>
    %swap3A_1037 = vector.shape_cast %get3A_1033 : vector<16xi32> to vector<16xi32>
    tpu.vector_store %arg11[%swap3A_1034], %swap3A_1037 {strides = array<i32>} : memref<128xi32, #tpu.memory_space<vmem>>, vector<16xi32>,
    %get3A_1038 = arith.constant 336 : index
    %get3A_1039 = tpu.vector_load %arg10[%get3A_1038] {strides = array<i32>} : memref<640xi32, #tpu.memory_space<vmem>>, vector<16xi32>,
    %get3A_1040 = vector.shape_cast %get3A_1039 : vector<16xi32> to vector<16xi32>
    %swap3A_1041 = arith.constant 80 : index
    %swap3A_1042 = tpu.vector_load %arg11[%swap3A_1041] {strides = array<i32>} : memref<128xi32, #tpu.memory_space<vmem>>, vector<16xi32>,
    %swap3A_1043 = vector.shape_cast %swap3A_1042 : vector<16xi32> to vector<16xi32>
    %swap3A_1044 = vector.shape_cast %get3A_1040 : vector<16xi32> to vector<16xi32>
    tpu.vector_store %arg11[%swap3A_1041], %swap3A_1044 {strides = array<i32>} : memref<128xi32, #tpu.memory_space<vmem>>, vector<16xi32>,
    %get3A_1045 = arith.constant 352 : index
    %get3A_1046 = tpu.vector_load %arg10[%get3A_1045] {strides = array<i32>} : memref<640xi32, #tpu.memory_space<vmem>>, vector<16xi32>,
    %get3A_1047 = vector.shape_cast %get3A_1046 : vector<16xi32> to vector<16xi32>
    %swap3A_1048 = arith.constant 96 : index
    %swap3A_1049 = tpu.vector_load %arg11[%swap3A_1048] {strides = array<i32>} : memref<128xi32, #tpu.memory_space<vmem>>, vector<16xi32>,
    %swap3A_1050 = vector.shape_cast %swap3A_1049 : vector<16xi32> to vector<16xi32>
    %swap3A_1051 = vector.shape_cast %get3A_1047 : vector<16xi32> to vector<16xi32>
    tpu.vector_store %arg11[%swap3A_1048], %swap3A_1051 {strides = array<i32>} : memref<128xi32, #tpu.memory_space<vmem>>, vector<16xi32>,
    %get3A_1052 = arith.constant 368 : index
    %get3A_1053 = tpu.vector_load %arg10[%get3A_1052] {strides = array<i32>} : memref<640xi32, #tpu.memory_space<vmem>>, vector<16xi32>,
    %get3A_1054 = vector.shape_cast %get3A_1053 : vector<16xi32> to vector<16xi32>
    %swap3A_1055 = arith.constant 112 : index
    %swap3A_1056 = tpu.vector_load %arg11[%swap3A_1055] {strides = array<i32>} : memref<128xi32, #tpu.memory_space<vmem>>, vector<16xi32>,
    %swap3A_1057 = vector.shape_cast %swap3A_1056 : vector<16xi32> to vector<16xi32>
    %swap3A_1058 = vector.shape_cast %get3A_1054 : vector<16xi32> to vector<16xi32>
    tpu.vector_store %arg11[%swap3A_1055], %swap3A_1058 {strides = array<i32>} : memref<128xi32, #tpu.memory_space<vmem>>, vector<16xi32>,
    %get3A_1059 = arith.constant 0 : index
    %get3A_1060 = tpu.vector_load %arg11[%get3A_1059] {strides = array<i32>} : memref<128xi32, #tpu.memory_space<vmem>>, vector<16xi32>,
    %get3A_1061 = vector.shape_cast %get3A_1060 : vector<16xi32> to vector<16xi32>
    %mul3A_1062 = arith.constant 4 : i32
    %mul3A_1063 = vector.broadcast %mul3A_1062 : i32 to vector<16xi32>
    %mul3A_1064 = arith.muli %get3A_1061, %mul3A_1063 : vector<16xi32>
    %add3A_1065 = arith.constant 0 : i32
    %add3A_1066 = vector.broadcast %add3A_1065 : i32 to vector<16xi32>
    %add3A_1067 = arith.addi %mul3A_1064, %add3A_1066 : vector<16xi32>
    %swap3A_1068 = arith.constant 0 : index
    %swap3A_1069 = tpu.vector_load %arg12[%swap3A_1068] {strides = array<i32>} : memref<128xi32, #tpu.memory_space<vmem>>, vector<16xi32>,
    %swap3A_1070 = vector.shape_cast %swap3A_1069 : vector<16xi32> to vector<16xi32>
    %swap3A_1071 = vector.shape_cast %add3A_1067 : vector<16xi32> to vector<16xi32>
    tpu.vector_store %arg12[%swap3A_1068], %swap3A_1071 {strides = array<i32>} : memref<128xi32, #tpu.memory_space<vmem>>, vector<16xi32>,
    %get3A_1072 = arith.constant 16 : index
    %get3A_1073 = tpu.vector_load %arg11[%get3A_1072] {strides = array<i32>} : memref<128xi32, #tpu.memory_space<vmem>>, vector<16xi32>,
    %get3A_1074 = vector.shape_cast %get3A_1073 : vector<16xi32> to vector<16xi32>
    %mul3A_1075 = arith.constant 4 : i32
    %mul3A_1076 = vector.broadcast %mul3A_1075 : i32 to vector<16xi32>
    %mul3A_1077 = arith.muli %get3A_1074, %mul3A_1076 : vector<16xi32>
    %add3A_1078 = arith.constant 0 : i32
    %add3A_1079 = vector.broadcast %add3A_1078 : i32 to vector<16xi32>
    %add3A_1080 = arith.addi %mul3A_1077, %add3A_1079 : vector<16xi32>
    %swap3A_1081 = arith.constant 16 : index
    %swap3A_1082 = tpu.vector_load %arg12[%swap3A_1081] {strides = array<i32>} : memref<128xi32, #tpu.memory_space<vmem>>, vector<16xi32>,
    %swap3A_1083 = vector.shape_cast %swap3A_1082 : vector<16xi32> to vector<16xi32>
    %swap3A_1084 = vector.shape_cast %add3A_1080 : vector<16xi32> to vector<16xi32>
    tpu.vector_store %arg12[%swap3A_1081], %swap3A_1084 {strides = array<i32>} : memref<128xi32, #tpu.memory_space<vmem>>, vector<16xi32>,
    %get3A_1085 = arith.constant 32 : index
    %get3A_1086 = tpu.vector_load %arg11[%get3A_1085] {strides = array<i32>} : memref<128xi32, #tpu.memory_space<vmem>>, vector<16xi32>,
    %get3A_1087 = vector.shape_cast %get3A_1086 : vector<16xi32> to vector<16xi32>
    %mul3A_1088 = arith.constant 4 : i32
    %mul3A_1089 = vector.broadcast %mul3A_1088 : i32 to vector<16xi32>
    %mul3A_1090 = arith.muli %get3A_1087, %mul3A_1089 : vector<16xi32>
    %add3A_1091 = arith.constant 0 : i32
    %add3A_1092 = vector.broadcast %add3A_1091 : i32 to vector<16xi32>
    %add3A_1093 = arith.addi %mul3A_1090, %add3A_1092 : vector<16xi32>
    %swap3A_1094 = arith.constant 32 : index
    %swap3A_1095 = tpu.vector_load %arg12[%swap3A_1094] {strides = array<i32>} : memref<128xi32, #tpu.memory_space<vmem>>, vector<16xi32>,
    %swap3A_1096 = vector.shape_cast %swap3A_1095 : vector<16xi32> to vector<16xi32>
    %swap3A_1097 = vector.shape_cast %add3A_1093 : vector<16xi32> to vector<16xi32>
    tpu.vector_store %arg12[%swap3A_1094], %swap3A_1097 {strides = array<i32>} : memref<128xi32, #tpu.memory_space<vmem>>, vector<16xi32>,
    %get3A_1098 = arith.constant 48 : index
    %get3A_1099 = tpu.vector_load %arg11[%get3A_1098] {strides = array<i32>} : memref<128xi32, #tpu.memory_space<vmem>>, vector<16xi32>,
    %get3A_1100 = vector.shape_cast %get3A_1099 : vector<16xi32> to vector<16xi32>
    %mul3A_1101 = arith.constant 4 : i32
    %mul3A_1102 = vector.broadcast %mul3A_1101 : i32 to vector<16xi32>
    %mul3A_1103 = arith.muli %get3A_1100, %mul3A_1102 : vector<16xi32>
    %add3A_1104 = arith.constant 0 : i32
    %add3A_1105 = vector.broadcast %add3A_1104 : i32 to vector<16xi32>
    %add3A_1106 = arith.addi %mul3A_1103, %add3A_1105 : vector<16xi32>
    %swap3A_1107 = arith.constant 48 : index
    %swap3A_1108 = tpu.vector_load %arg12[%swap3A_1107] {strides = array<i32>} : memref<128xi32, #tpu.memory_space<vmem>>, vector<16xi32>,
    %swap3A_1109 = vector.shape_cast %swap3A_1108 : vector<16xi32> to vector<16xi32>
    %swap3A_1110 = vector.shape_cast %add3A_1106 : vector<16xi32> to vector<16xi32>
    tpu.vector_store %arg12[%swap3A_1107], %swap3A_1110 {strides = array<i32>} : memref<128xi32, #tpu.memory_space<vmem>>, vector<16xi32>,
    %get3A_1111 = arith.constant 64 : index
    %get3A_1112 = tpu.vector_load %arg11[%get3A_1111] {strides = array<i32>} : memref<128xi32, #tpu.memory_space<vmem>>, vector<16xi32>,
    %get3A_1113 = vector.shape_cast %get3A_1112 : vector<16xi32> to vector<16xi32>
    %mul3A_1114 = arith.constant 4 : i32
    %mul3A_1115 = vector.broadcast %mul3A_1114 : i32 to vector<16xi32>
    %mul3A_1116 = arith.muli %get3A_1113, %mul3A_1115 : vector<16xi32>
    %add3A_1117 = arith.constant 0 : i32
    %add3A_1118 = vector.broadcast %add3A_1117 : i32 to vector<16xi32>
    %add3A_1119 = arith.addi %mul3A_1116, %add3A_1118 : vector<16xi32>
    %swap3A_1120 = arith.constant 64 : index
    %swap3A_1121 = tpu.vector_load %arg12[%swap3A_1120] {strides = array<i32>} : memref<128xi32, #tpu.memory_space<vmem>>, vector<16xi32>,
    %swap3A_1122 = vector.shape_cast %swap3A_1121 : vector<16xi32> to vector<16xi32>
    %swap3A_1123 = vector.shape_cast %add3A_1119 : vector<16xi32> to vector<16xi32>
    tpu.vector_store %arg12[%swap3A_1120], %swap3A_1123 {strides = array<i32>} : memref<128xi32, #tpu.memory_space<vmem>>, vector<16xi32>,
    %get3A_1124 = arith.constant 80 : index
    %get3A_1125 = tpu.vector_load %arg11[%get3A_1124] {strides = array<i32>} : memref<128xi32, #tpu.memory_space<vmem>>, vector<16xi32>,
    %get3A_1126 = vector.shape_cast %get3A_1125 : vector<16xi32> to vector<16xi32>
    %mul3A_1127 = arith.constant 4 : i32
    %mul3A_1128 = vector.broadcast %mul3A_1127 : i32 to vector<16xi32>
    %mul3A_1129 = arith.muli %get3A_1126, %mul3A_1128 : vector<16xi32>
    %add3A_1130 = arith.constant 0 : i32
    %add3A_1131 = vector.broadcast %add3A_1130 : i32 to vector<16xi32>
    %add3A_1132 = arith.addi %mul3A_1129, %add3A_1131 : vector<16xi32>
    %swap3A_1133 = arith.constant 80 : index
    %swap3A_1134 = tpu.vector_load %arg12[%swap3A_1133] {strides = array<i32>} : memref<128xi32, #tpu.memory_space<vmem>>, vector<16xi32>,
    %swap3A_1135 = vector.shape_cast %swap3A_1134 : vector<16xi32> to vector<16xi32>
    %swap3A_1136 = vector.shape_cast %add3A_1132 : vector<16xi32> to vector<16xi32>
    tpu.vector_store %arg12[%swap3A_1133], %swap3A_1136 {strides = array<i32>} : memref<128xi32, #tpu.memory_space<vmem>>, vector<16xi32>,
    %get3A_1137 = arith.constant 96 : index
    %get3A_1138 = tpu.vector_load %arg11[%get3A_1137] {strides = array<i32>} : memref<128xi32, #tpu.memory_space<vmem>>, vector<16xi32>,
    %get3A_1139 = vector.shape_cast %get3A_1138 : vector<16xi32> to vector<16xi32>
    %mul3A_1140 = arith.constant 4 : i32
    %mul3A_1141 = vector.broadcast %mul3A_1140 : i32 to vector<16xi32>
    %mul3A_1142 = arith.muli %get3A_1139, %mul3A_1141 : vector<16xi32>
    %add3A_1143 = arith.constant 0 : i32
    %add3A_1144 = vector.broadcast %add3A_1143 : i32 to vector<16xi32>
    %add3A_1145 = arith.addi %mul3A_1142, %add3A_1144 : vector<16xi32>
    %swap3A_1146 = arith.constant 96 : index
    %swap3A_1147 = tpu.vector_load %arg12[%swap3A_1146] {strides = array<i32>} : memref<128xi32, #tpu.memory_space<vmem>>, vector<16xi32>,
    %swap3A_1148 = vector.shape_cast %swap3A_1147 : vector<16xi32> to vector<16xi32>
    %swap3A_1149 = vector.shape_cast %add3A_1145 : vector<16xi32> to vector<16xi32>
    tpu.vector_store %arg12[%swap3A_1146], %swap3A_1149 {strides = array<i32>} : memref<128xi32, #tpu.memory_space<vmem>>, vector<16xi32>,
    %get3A_1150 = arith.constant 112 : index
    %get3A_1151 = tpu.vector_load %arg11[%get3A_1150] {strides = array<i32>} : memref<128xi32, #tpu.memory_space<vmem>>, vector<16xi32>,
    %get3A_1152 = vector.shape_cast %get3A_1151 : vector<16xi32> to vector<16xi32>
    %mul3A_1153 = arith.constant 4 : i32
    %mul3A_1154 = vector.broadcast %mul3A_1153 : i32 to vector<16xi32>
    %mul3A_1155 = arith.muli %get3A_1152, %mul3A_1154 : vector<16xi32>
    %add3A_1156 = arith.constant 0 : i32
    %add3A_1157 = vector.broadcast %add3A_1156 : i32 to vector<16xi32>
    %add3A_1158 = arith.addi %mul3A_1155, %add3A_1157 : vector<16xi32>
    %swap3A_1159 = arith.constant 112 : index
    %swap3A_1160 = tpu.vector_load %arg12[%swap3A_1159] {strides = array<i32>} : memref<128xi32, #tpu.memory_space<vmem>>, vector<16xi32>,
    %swap3A_1161 = vector.shape_cast %swap3A_1160 : vector<16xi32> to vector<16xi32>
    %swap3A_1162 = vector.shape_cast %add3A_1158 : vector<16xi32> to vector<16xi32>
    tpu.vector_store %arg12[%swap3A_1159], %swap3A_1162 {strides = array<i32>} : memref<128xi32, #tpu.memory_space<vmem>>, vector<16xi32>,
    %dma_start3A_1163 = arith.constant 0 : i32
    %dma_start3A_1164 = tpu.memref_slice %arg2[%dma_start3A_1163] : memref<80000xf32, #tpu.memory_space<hbm>> -> memref<80000xf32, #tpu.memory_space<hbm>>
    tpu.enqueue_indirect_dma source(%dma_start3A_1164 : memref<80000xf32, #tpu.memory_space<hbm>>) target(%arg13 : memref<128xf32, #tpu.memory_space<vmem>>) offsets(%arg12 : memref<128xi32, #tpu.memory_space<vmem>>) semaphore(%arg14 : memref<!tpu.dma_semaphore, #tpu.memory_space<semaphore_mem>>)
    %dma_wait3A_1165 = arith.constant 0 : i32
    %dma_wait3A_1166 = tpu.memref_slice %arg2[%dma_wait3A_1165] : memref<80000xf32, #tpu.memory_space<hbm>> -> memref<80000xf32, #tpu.memory_space<hbm>>
    tpu.wait_indirect_dma semaphore(%arg14 : memref<!tpu.dma_semaphore, #tpu.memory_space<semaphore_mem>>) src(%dma_wait3A_1166 : memref<80000xf32, #tpu.memory_space<hbm>>) dst(%arg13 : memref<128xf32, #tpu.memory_space<vmem>>)
    %add3A_1167 = arith.constant 256 : i32
    %add3A_1168 = arith.addi %multiple_of3A, %add3A_1167 : i32
    "tpu.region"() ({
      %run_scoped3A = tpu.sem_alloc : memref<!tpu.dma_semaphore, #tpu.memory_space<semaphore_mem>>
      %dma_start3A_2509 = tpu.memref_slice %arg5[%add3A_1168] : memref<20480xf32, #tpu.memory_space<hbm>> -> memref<128xf32, #tpu.memory_space<hbm>>
      %dma_start3A_2510 = tpu.memref_slice %arg5[%add3A_1168] : memref<20480xf32, #tpu.memory_space<hbm>> -> memref<128xf32, #tpu.memory_space<hbm>>
      tpu.enqueue_dma source(%arg13 : memref<128xf32, #tpu.memory_space<vmem>>) target(%dma_start3A_2510 : memref<128xf32, #tpu.memory_space<hbm>>) target_semaphore(%run_scoped3A : memref<!tpu.dma_semaphore, #tpu.memory_space<semaphore_mem>>)
      %dma_wait3A_2511 = tpu.memref_slice %arg5[%add3A_1168] : memref<20480xf32, #tpu.memory_space<hbm>> -> memref<128xf32, #tpu.memory_space<hbm>>
      %dma_wait3A_2512 = tpu.memref_slice %arg5[%add3A_1168] : memref<20480xf32, #tpu.memory_space<hbm>> -> memref<128xf32, #tpu.memory_space<hbm>>
      tpu.wait_dma2 semaphore(%run_scoped3A : memref<!tpu.dma_semaphore, #tpu.memory_space<semaphore_mem>>) src(%arg13 : memref<128xf32, #tpu.memory_space<vmem>>) dst(%dma_wait3A_2512 : memref<128xf32, #tpu.memory_space<hbm>>)
      tpu.yield
    }) : () -> ()
    %get3A_1169 = arith.constant 0 : index
    %get3A_1170 = tpu.vector_load %arg11[%get3A_1169] {strides = array<i32>} : memref<128xi32, #tpu.memory_space<vmem>>, vector<16xi32>,
    %get3A_1171 = vector.shape_cast %get3A_1170 : vector<16xi32> to vector<16xi32>
    %mul3A_1172 = arith.constant 4 : i32
    %mul3A_1173 = vector.broadcast %mul3A_1172 : i32 to vector<16xi32>
    %mul3A_1174 = arith.muli %get3A_1171, %mul3A_1173 : vector<16xi32>
    %add3A_1175 = arith.constant 1 : i32
    %add3A_1176 = vector.broadcast %add3A_1175 : i32 to vector<16xi32>
    %add3A_1177 = arith.addi %mul3A_1174, %add3A_1176 : vector<16xi32>
    %swap3A_1178 = arith.constant 0 : index
    %swap3A_1179 = tpu.vector_load %arg12[%swap3A_1178] {strides = array<i32>} : memref<128xi32, #tpu.memory_space<vmem>>, vector<16xi32>,
    %swap3A_1180 = vector.shape_cast %swap3A_1179 : vector<16xi32> to vector<16xi32>
    %swap3A_1181 = vector.shape_cast %add3A_1177 : vector<16xi32> to vector<16xi32>
    tpu.vector_store %arg12[%swap3A_1178], %swap3A_1181 {strides = array<i32>} : memref<128xi32, #tpu.memory_space<vmem>>, vector<16xi32>,
    %get3A_1182 = arith.constant 16 : index
    %get3A_1183 = tpu.vector_load %arg11[%get3A_1182] {strides = array<i32>} : memref<128xi32, #tpu.memory_space<vmem>>, vector<16xi32>,
    %get3A_1184 = vector.shape_cast %get3A_1183 : vector<16xi32> to vector<16xi32>
    %mul3A_1185 = arith.constant 4 : i32
    %mul3A_1186 = vector.broadcast %mul3A_1185 : i32 to vector<16xi32>
    %mul3A_1187 = arith.muli %get3A_1184, %mul3A_1186 : vector<16xi32>
    %add3A_1188 = arith.constant 1 : i32
    %add3A_1189 = vector.broadcast %add3A_1188 : i32 to vector<16xi32>
    %add3A_1190 = arith.addi %mul3A_1187, %add3A_1189 : vector<16xi32>
    %swap3A_1191 = arith.constant 16 : index
    %swap3A_1192 = tpu.vector_load %arg12[%swap3A_1191] {strides = array<i32>} : memref<128xi32, #tpu.memory_space<vmem>>, vector<16xi32>,
    %swap3A_1193 = vector.shape_cast %swap3A_1192 : vector<16xi32> to vector<16xi32>
    %swap3A_1194 = vector.shape_cast %add3A_1190 : vector<16xi32> to vector<16xi32>
    tpu.vector_store %arg12[%swap3A_1191], %swap3A_1194 {strides = array<i32>} : memref<128xi32, #tpu.memory_space<vmem>>, vector<16xi32>,
    %get3A_1195 = arith.constant 32 : index
    %get3A_1196 = tpu.vector_load %arg11[%get3A_1195] {strides = array<i32>} : memref<128xi32, #tpu.memory_space<vmem>>, vector<16xi32>,
    %get3A_1197 = vector.shape_cast %get3A_1196 : vector<16xi32> to vector<16xi32>
    %mul3A_1198 = arith.constant 4 : i32
    %mul3A_1199 = vector.broadcast %mul3A_1198 : i32 to vector<16xi32>
    %mul3A_1200 = arith.muli %get3A_1197, %mul3A_1199 : vector<16xi32>
    %add3A_1201 = arith.constant 1 : i32
    %add3A_1202 = vector.broadcast %add3A_1201 : i32 to vector<16xi32>
    %add3A_1203 = arith.addi %mul3A_1200, %add3A_1202 : vector<16xi32>
    %swap3A_1204 = arith.constant 32 : index
    %swap3A_1205 = tpu.vector_load %arg12[%swap3A_1204] {strides = array<i32>} : memref<128xi32, #tpu.memory_space<vmem>>, vector<16xi32>,
    %swap3A_1206 = vector.shape_cast %swap3A_1205 : vector<16xi32> to vector<16xi32>
    %swap3A_1207 = vector.shape_cast %add3A_1203 : vector<16xi32> to vector<16xi32>
    tpu.vector_store %arg12[%swap3A_1204], %swap3A_1207 {strides = array<i32>} : memref<128xi32, #tpu.memory_space<vmem>>, vector<16xi32>,
    %get3A_1208 = arith.constant 48 : index
    %get3A_1209 = tpu.vector_load %arg11[%get3A_1208] {strides = array<i32>} : memref<128xi32, #tpu.memory_space<vmem>>, vector<16xi32>,
    %get3A_1210 = vector.shape_cast %get3A_1209 : vector<16xi32> to vector<16xi32>
    %mul3A_1211 = arith.constant 4 : i32
    %mul3A_1212 = vector.broadcast %mul3A_1211 : i32 to vector<16xi32>
    %mul3A_1213 = arith.muli %get3A_1210, %mul3A_1212 : vector<16xi32>
    %add3A_1214 = arith.constant 1 : i32
    %add3A_1215 = vector.broadcast %add3A_1214 : i32 to vector<16xi32>
    %add3A_1216 = arith.addi %mul3A_1213, %add3A_1215 : vector<16xi32>
    %swap3A_1217 = arith.constant 48 : index
    %swap3A_1218 = tpu.vector_load %arg12[%swap3A_1217] {strides = array<i32>} : memref<128xi32, #tpu.memory_space<vmem>>, vector<16xi32>,
    %swap3A_1219 = vector.shape_cast %swap3A_1218 : vector<16xi32> to vector<16xi32>
    %swap3A_1220 = vector.shape_cast %add3A_1216 : vector<16xi32> to vector<16xi32>
    tpu.vector_store %arg12[%swap3A_1217], %swap3A_1220 {strides = array<i32>} : memref<128xi32, #tpu.memory_space<vmem>>, vector<16xi32>,
    %get3A_1221 = arith.constant 64 : index
    %get3A_1222 = tpu.vector_load %arg11[%get3A_1221] {strides = array<i32>} : memref<128xi32, #tpu.memory_space<vmem>>, vector<16xi32>,
    %get3A_1223 = vector.shape_cast %get3A_1222 : vector<16xi32> to vector<16xi32>
    %mul3A_1224 = arith.constant 4 : i32
    %mul3A_1225 = vector.broadcast %mul3A_1224 : i32 to vector<16xi32>
    %mul3A_1226 = arith.muli %get3A_1223, %mul3A_1225 : vector<16xi32>
    %add3A_1227 = arith.constant 1 : i32
    %add3A_1228 = vector.broadcast %add3A_1227 : i32 to vector<16xi32>
    %add3A_1229 = arith.addi %mul3A_1226, %add3A_1228 : vector<16xi32>
    %swap3A_1230 = arith.constant 64 : index
    %swap3A_1231 = tpu.vector_load %arg12[%swap3A_1230] {strides = array<i32>} : memref<128xi32, #tpu.memory_space<vmem>>, vector<16xi32>,
    %swap3A_1232 = vector.shape_cast %swap3A_1231 : vector<16xi32> to vector<16xi32>
    %swap3A_1233 = vector.shape_cast %add3A_1229 : vector<16xi32> to vector<16xi32>
    tpu.vector_store %arg12[%swap3A_1230], %swap3A_1233 {strides = array<i32>} : memref<128xi32, #tpu.memory_space<vmem>>, vector<16xi32>,
    %get3A_1234 = arith.constant 80 : index
    %get3A_1235 = tpu.vector_load %arg11[%get3A_1234] {strides = array<i32>} : memref<128xi32, #tpu.memory_space<vmem>>, vector<16xi32>,
    %get3A_1236 = vector.shape_cast %get3A_1235 : vector<16xi32> to vector<16xi32>
    %mul3A_1237 = arith.constant 4 : i32
    %mul3A_1238 = vector.broadcast %mul3A_1237 : i32 to vector<16xi32>
    %mul3A_1239 = arith.muli %get3A_1236, %mul3A_1238 : vector<16xi32>
    %add3A_1240 = arith.constant 1 : i32
    %add3A_1241 = vector.broadcast %add3A_1240 : i32 to vector<16xi32>
    %add3A_1242 = arith.addi %mul3A_1239, %add3A_1241 : vector<16xi32>
    %swap3A_1243 = arith.constant 80 : index
    %swap3A_1244 = tpu.vector_load %arg12[%swap3A_1243] {strides = array<i32>} : memref<128xi32, #tpu.memory_space<vmem>>, vector<16xi32>,
    %swap3A_1245 = vector.shape_cast %swap3A_1244 : vector<16xi32> to vector<16xi32>
    %swap3A_1246 = vector.shape_cast %add3A_1242 : vector<16xi32> to vector<16xi32>
    tpu.vector_store %arg12[%swap3A_1243], %swap3A_1246 {strides = array<i32>} : memref<128xi32, #tpu.memory_space<vmem>>, vector<16xi32>,
    %get3A_1247 = arith.constant 96 : index
    %get3A_1248 = tpu.vector_load %arg11[%get3A_1247] {strides = array<i32>} : memref<128xi32, #tpu.memory_space<vmem>>, vector<16xi32>,
    %get3A_1249 = vector.shape_cast %get3A_1248 : vector<16xi32> to vector<16xi32>
    %mul3A_1250 = arith.constant 4 : i32
    %mul3A_1251 = vector.broadcast %mul3A_1250 : i32 to vector<16xi32>
    %mul3A_1252 = arith.muli %get3A_1249, %mul3A_1251 : vector<16xi32>
    %add3A_1253 = arith.constant 1 : i32
    %add3A_1254 = vector.broadcast %add3A_1253 : i32 to vector<16xi32>
    %add3A_1255 = arith.addi %mul3A_1252, %add3A_1254 : vector<16xi32>
    %swap3A_1256 = arith.constant 96 : index
    %swap3A_1257 = tpu.vector_load %arg12[%swap3A_1256] {strides = array<i32>} : memref<128xi32, #tpu.memory_space<vmem>>, vector<16xi32>,
    %swap3A_1258 = vector.shape_cast %swap3A_1257 : vector<16xi32> to vector<16xi32>
    %swap3A_1259 = vector.shape_cast %add3A_1255 : vector<16xi32> to vector<16xi32>
    tpu.vector_store %arg12[%swap3A_1256], %swap3A_1259 {strides = array<i32>} : memref<128xi32, #tpu.memory_space<vmem>>, vector<16xi32>,
    %get3A_1260 = arith.constant 112 : index
    %get3A_1261 = tpu.vector_load %arg11[%get3A_1260] {strides = array<i32>} : memref<128xi32, #tpu.memory_space<vmem>>, vector<16xi32>,
    %get3A_1262 = vector.shape_cast %get3A_1261 : vector<16xi32> to vector<16xi32>
    %mul3A_1263 = arith.constant 4 : i32
    %mul3A_1264 = vector.broadcast %mul3A_1263 : i32 to vector<16xi32>
    %mul3A_1265 = arith.muli %get3A_1262, %mul3A_1264 : vector<16xi32>
    %add3A_1266 = arith.constant 1 : i32
    %add3A_1267 = vector.broadcast %add3A_1266 : i32 to vector<16xi32>
    %add3A_1268 = arith.addi %mul3A_1265, %add3A_1267 : vector<16xi32>
    %swap3A_1269 = arith.constant 112 : index
    %swap3A_1270 = tpu.vector_load %arg12[%swap3A_1269] {strides = array<i32>} : memref<128xi32, #tpu.memory_space<vmem>>, vector<16xi32>,
    %swap3A_1271 = vector.shape_cast %swap3A_1270 : vector<16xi32> to vector<16xi32>
    %swap3A_1272 = vector.shape_cast %add3A_1268 : vector<16xi32> to vector<16xi32>
    tpu.vector_store %arg12[%swap3A_1269], %swap3A_1272 {strides = array<i32>} : memref<128xi32, #tpu.memory_space<vmem>>, vector<16xi32>,
    %dma_start3A_1273 = arith.constant 0 : i32
    %dma_start3A_1274 = tpu.memref_slice %arg2[%dma_start3A_1273] : memref<80000xf32, #tpu.memory_space<hbm>> -> memref<80000xf32, #tpu.memory_space<hbm>>
    tpu.enqueue_indirect_dma source(%dma_start3A_1274 : memref<80000xf32, #tpu.memory_space<hbm>>) target(%arg13 : memref<128xf32, #tpu.memory_space<vmem>>) offsets(%arg12 : memref<128xi32, #tpu.memory_space<vmem>>) semaphore(%arg14 : memref<!tpu.dma_semaphore, #tpu.memory_space<semaphore_mem>>)
    %dma_wait3A_1275 = arith.constant 0 : i32
    %dma_wait3A_1276 = tpu.memref_slice %arg2[%dma_wait3A_1275] : memref<80000xf32, #tpu.memory_space<hbm>> -> memref<80000xf32, #tpu.memory_space<hbm>>
    tpu.wait_indirect_dma semaphore(%arg14 : memref<!tpu.dma_semaphore, #tpu.memory_space<semaphore_mem>>) src(%dma_wait3A_1276 : memref<80000xf32, #tpu.memory_space<hbm>>) dst(%arg13 : memref<128xf32, #tpu.memory_space<vmem>>)
    %add3A_1277 = arith.constant 256 : i32
    %add3A_1278 = arith.addi %multiple_of3A, %add3A_1277 : i32
    "tpu.region"() ({
      %run_scoped3A = tpu.sem_alloc : memref<!tpu.dma_semaphore, #tpu.memory_space<semaphore_mem>>
      %dma_start3A_2509 = tpu.memref_slice %arg6[%add3A_1278] : memref<20480xf32, #tpu.memory_space<hbm>> -> memref<128xf32, #tpu.memory_space<hbm>>
      %dma_start3A_2510 = tpu.memref_slice %arg6[%add3A_1278] : memref<20480xf32, #tpu.memory_space<hbm>> -> memref<128xf32, #tpu.memory_space<hbm>>
      tpu.enqueue_dma source(%arg13 : memref<128xf32, #tpu.memory_space<vmem>>) target(%dma_start3A_2510 : memref<128xf32, #tpu.memory_space<hbm>>) target_semaphore(%run_scoped3A : memref<!tpu.dma_semaphore, #tpu.memory_space<semaphore_mem>>)
      %dma_wait3A_2511 = tpu.memref_slice %arg6[%add3A_1278] : memref<20480xf32, #tpu.memory_space<hbm>> -> memref<128xf32, #tpu.memory_space<hbm>>
      %dma_wait3A_2512 = tpu.memref_slice %arg6[%add3A_1278] : memref<20480xf32, #tpu.memory_space<hbm>> -> memref<128xf32, #tpu.memory_space<hbm>>
      tpu.wait_dma2 semaphore(%run_scoped3A : memref<!tpu.dma_semaphore, #tpu.memory_space<semaphore_mem>>) src(%arg13 : memref<128xf32, #tpu.memory_space<vmem>>) dst(%dma_wait3A_2512 : memref<128xf32, #tpu.memory_space<hbm>>)
      tpu.yield
    }) : () -> ()
    %get3A_1279 = arith.constant 0 : index
    %get3A_1280 = tpu.vector_load %arg11[%get3A_1279] {strides = array<i32>} : memref<128xi32, #tpu.memory_space<vmem>>, vector<16xi32>,
    %get3A_1281 = vector.shape_cast %get3A_1280 : vector<16xi32> to vector<16xi32>
    %mul3A_1282 = arith.constant 4 : i32
    %mul3A_1283 = vector.broadcast %mul3A_1282 : i32 to vector<16xi32>
    %mul3A_1284 = arith.muli %get3A_1281, %mul3A_1283 : vector<16xi32>
    %add3A_1285 = arith.constant 2 : i32
    %add3A_1286 = vector.broadcast %add3A_1285 : i32 to vector<16xi32>
    %add3A_1287 = arith.addi %mul3A_1284, %add3A_1286 : vector<16xi32>
    %swap3A_1288 = arith.constant 0 : index
    %swap3A_1289 = tpu.vector_load %arg12[%swap3A_1288] {strides = array<i32>} : memref<128xi32, #tpu.memory_space<vmem>>, vector<16xi32>,
    %swap3A_1290 = vector.shape_cast %swap3A_1289 : vector<16xi32> to vector<16xi32>
    %swap3A_1291 = vector.shape_cast %add3A_1287 : vector<16xi32> to vector<16xi32>
    tpu.vector_store %arg12[%swap3A_1288], %swap3A_1291 {strides = array<i32>} : memref<128xi32, #tpu.memory_space<vmem>>, vector<16xi32>,
    %get3A_1292 = arith.constant 16 : index
    %get3A_1293 = tpu.vector_load %arg11[%get3A_1292] {strides = array<i32>} : memref<128xi32, #tpu.memory_space<vmem>>, vector<16xi32>,
    %get3A_1294 = vector.shape_cast %get3A_1293 : vector<16xi32> to vector<16xi32>
    %mul3A_1295 = arith.constant 4 : i32
    %mul3A_1296 = vector.broadcast %mul3A_1295 : i32 to vector<16xi32>
    %mul3A_1297 = arith.muli %get3A_1294, %mul3A_1296 : vector<16xi32>
    %add3A_1298 = arith.constant 2 : i32
    %add3A_1299 = vector.broadcast %add3A_1298 : i32 to vector<16xi32>
    %add3A_1300 = arith.addi %mul3A_1297, %add3A_1299 : vector<16xi32>
    %swap3A_1301 = arith.constant 16 : index
    %swap3A_1302 = tpu.vector_load %arg12[%swap3A_1301] {strides = array<i32>} : memref<128xi32, #tpu.memory_space<vmem>>, vector<16xi32>,
    %swap3A_1303 = vector.shape_cast %swap3A_1302 : vector<16xi32> to vector<16xi32>
    %swap3A_1304 = vector.shape_cast %add3A_1300 : vector<16xi32> to vector<16xi32>
    tpu.vector_store %arg12[%swap3A_1301], %swap3A_1304 {strides = array<i32>} : memref<128xi32, #tpu.memory_space<vmem>>, vector<16xi32>,
    %get3A_1305 = arith.constant 32 : index
    %get3A_1306 = tpu.vector_load %arg11[%get3A_1305] {strides = array<i32>} : memref<128xi32, #tpu.memory_space<vmem>>, vector<16xi32>,
    %get3A_1307 = vector.shape_cast %get3A_1306 : vector<16xi32> to vector<16xi32>
    %mul3A_1308 = arith.constant 4 : i32
    %mul3A_1309 = vector.broadcast %mul3A_1308 : i32 to vector<16xi32>
    %mul3A_1310 = arith.muli %get3A_1307, %mul3A_1309 : vector<16xi32>
    %add3A_1311 = arith.constant 2 : i32
    %add3A_1312 = vector.broadcast %add3A_1311 : i32 to vector<16xi32>
    %add3A_1313 = arith.addi %mul3A_1310, %add3A_1312 : vector<16xi32>
    %swap3A_1314 = arith.constant 32 : index
    %swap3A_1315 = tpu.vector_load %arg12[%swap3A_1314] {strides = array<i32>} : memref<128xi32, #tpu.memory_space<vmem>>, vector<16xi32>,
    %swap3A_1316 = vector.shape_cast %swap3A_1315 : vector<16xi32> to vector<16xi32>
    %swap3A_1317 = vector.shape_cast %add3A_1313 : vector<16xi32> to vector<16xi32>
    tpu.vector_store %arg12[%swap3A_1314], %swap3A_1317 {strides = array<i32>} : memref<128xi32, #tpu.memory_space<vmem>>, vector<16xi32>,
    %get3A_1318 = arith.constant 48 : index
    %get3A_1319 = tpu.vector_load %arg11[%get3A_1318] {strides = array<i32>} : memref<128xi32, #tpu.memory_space<vmem>>, vector<16xi32>,
    %get3A_1320 = vector.shape_cast %get3A_1319 : vector<16xi32> to vector<16xi32>
    %mul3A_1321 = arith.constant 4 : i32
    %mul3A_1322 = vector.broadcast %mul3A_1321 : i32 to vector<16xi32>
    %mul3A_1323 = arith.muli %get3A_1320, %mul3A_1322 : vector<16xi32>
    %add3A_1324 = arith.constant 2 : i32
    %add3A_1325 = vector.broadcast %add3A_1324 : i32 to vector<16xi32>
    %add3A_1326 = arith.addi %mul3A_1323, %add3A_1325 : vector<16xi32>
    %swap3A_1327 = arith.constant 48 : index
    %swap3A_1328 = tpu.vector_load %arg12[%swap3A_1327] {strides = array<i32>} : memref<128xi32, #tpu.memory_space<vmem>>, vector<16xi32>,
    %swap3A_1329 = vector.shape_cast %swap3A_1328 : vector<16xi32> to vector<16xi32>
    %swap3A_1330 = vector.shape_cast %add3A_1326 : vector<16xi32> to vector<16xi32>
    tpu.vector_store %arg12[%swap3A_1327], %swap3A_1330 {strides = array<i32>} : memref<128xi32, #tpu.memory_space<vmem>>, vector<16xi32>,
    %get3A_1331 = arith.constant 64 : index
    %get3A_1332 = tpu.vector_load %arg11[%get3A_1331] {strides = array<i32>} : memref<128xi32, #tpu.memory_space<vmem>>, vector<16xi32>,
    %get3A_1333 = vector.shape_cast %get3A_1332 : vector<16xi32> to vector<16xi32>
    %mul3A_1334 = arith.constant 4 : i32
    %mul3A_1335 = vector.broadcast %mul3A_1334 : i32 to vector<16xi32>
    %mul3A_1336 = arith.muli %get3A_1333, %mul3A_1335 : vector<16xi32>
    %add3A_1337 = arith.constant 2 : i32
    %add3A_1338 = vector.broadcast %add3A_1337 : i32 to vector<16xi32>
    %add3A_1339 = arith.addi %mul3A_1336, %add3A_1338 : vector<16xi32>
    %swap3A_1340 = arith.constant 64 : index
    %swap3A_1341 = tpu.vector_load %arg12[%swap3A_1340] {strides = array<i32>} : memref<128xi32, #tpu.memory_space<vmem>>, vector<16xi32>,
    %swap3A_1342 = vector.shape_cast %swap3A_1341 : vector<16xi32> to vector<16xi32>
    %swap3A_1343 = vector.shape_cast %add3A_1339 : vector<16xi32> to vector<16xi32>
    tpu.vector_store %arg12[%swap3A_1340], %swap3A_1343 {strides = array<i32>} : memref<128xi32, #tpu.memory_space<vmem>>, vector<16xi32>,
    %get3A_1344 = arith.constant 80 : index
    %get3A_1345 = tpu.vector_load %arg11[%get3A_1344] {strides = array<i32>} : memref<128xi32, #tpu.memory_space<vmem>>, vector<16xi32>,
    %get3A_1346 = vector.shape_cast %get3A_1345 : vector<16xi32> to vector<16xi32>
    %mul3A_1347 = arith.constant 4 : i32
    %mul3A_1348 = vector.broadcast %mul3A_1347 : i32 to vector<16xi32>
    %mul3A_1349 = arith.muli %get3A_1346, %mul3A_1348 : vector<16xi32>
    %add3A_1350 = arith.constant 2 : i32
    %add3A_1351 = vector.broadcast %add3A_1350 : i32 to vector<16xi32>
    %add3A_1352 = arith.addi %mul3A_1349, %add3A_1351 : vector<16xi32>
    %swap3A_1353 = arith.constant 80 : index
    %swap3A_1354 = tpu.vector_load %arg12[%swap3A_1353] {strides = array<i32>} : memref<128xi32, #tpu.memory_space<vmem>>, vector<16xi32>,
    %swap3A_1355 = vector.shape_cast %swap3A_1354 : vector<16xi32> to vector<16xi32>
    %swap3A_1356 = vector.shape_cast %add3A_1352 : vector<16xi32> to vector<16xi32>
    tpu.vector_store %arg12[%swap3A_1353], %swap3A_1356 {strides = array<i32>} : memref<128xi32, #tpu.memory_space<vmem>>, vector<16xi32>,
    %get3A_1357 = arith.constant 96 : index
    %get3A_1358 = tpu.vector_load %arg11[%get3A_1357] {strides = array<i32>} : memref<128xi32, #tpu.memory_space<vmem>>, vector<16xi32>,
    %get3A_1359 = vector.shape_cast %get3A_1358 : vector<16xi32> to vector<16xi32>
    %mul3A_1360 = arith.constant 4 : i32
    %mul3A_1361 = vector.broadcast %mul3A_1360 : i32 to vector<16xi32>
    %mul3A_1362 = arith.muli %get3A_1359, %mul3A_1361 : vector<16xi32>
    %add3A_1363 = arith.constant 2 : i32
    %add3A_1364 = vector.broadcast %add3A_1363 : i32 to vector<16xi32>
    %add3A_1365 = arith.addi %mul3A_1362, %add3A_1364 : vector<16xi32>
    %swap3A_1366 = arith.constant 96 : index
    %swap3A_1367 = tpu.vector_load %arg12[%swap3A_1366] {strides = array<i32>} : memref<128xi32, #tpu.memory_space<vmem>>, vector<16xi32>,
    %swap3A_1368 = vector.shape_cast %swap3A_1367 : vector<16xi32> to vector<16xi32>
    %swap3A_1369 = vector.shape_cast %add3A_1365 : vector<16xi32> to vector<16xi32>
    tpu.vector_store %arg12[%swap3A_1366], %swap3A_1369 {strides = array<i32>} : memref<128xi32, #tpu.memory_space<vmem>>, vector<16xi32>,
    %get3A_1370 = arith.constant 112 : index
    %get3A_1371 = tpu.vector_load %arg11[%get3A_1370] {strides = array<i32>} : memref<128xi32, #tpu.memory_space<vmem>>, vector<16xi32>,
    %get3A_1372 = vector.shape_cast %get3A_1371 : vector<16xi32> to vector<16xi32>
    %mul3A_1373 = arith.constant 4 : i32
    %mul3A_1374 = vector.broadcast %mul3A_1373 : i32 to vector<16xi32>
    %mul3A_1375 = arith.muli %get3A_1372, %mul3A_1374 : vector<16xi32>
    %add3A_1376 = arith.constant 2 : i32
    %add3A_1377 = vector.broadcast %add3A_1376 : i32 to vector<16xi32>
    %add3A_1378 = arith.addi %mul3A_1375, %add3A_1377 : vector<16xi32>
    %swap3A_1379 = arith.constant 112 : index
    %swap3A_1380 = tpu.vector_load %arg12[%swap3A_1379] {strides = array<i32>} : memref<128xi32, #tpu.memory_space<vmem>>, vector<16xi32>,
    %swap3A_1381 = vector.shape_cast %swap3A_1380 : vector<16xi32> to vector<16xi32>
    %swap3A_1382 = vector.shape_cast %add3A_1378 : vector<16xi32> to vector<16xi32>
    tpu.vector_store %arg12[%swap3A_1379], %swap3A_1382 {strides = array<i32>} : memref<128xi32, #tpu.memory_space<vmem>>, vector<16xi32>,
    %dma_start3A_1383 = arith.constant 0 : i32
    %dma_start3A_1384 = tpu.memref_slice %arg2[%dma_start3A_1383] : memref<80000xf32, #tpu.memory_space<hbm>> -> memref<80000xf32, #tpu.memory_space<hbm>>
    tpu.enqueue_indirect_dma source(%dma_start3A_1384 : memref<80000xf32, #tpu.memory_space<hbm>>) target(%arg13 : memref<128xf32, #tpu.memory_space<vmem>>) offsets(%arg12 : memref<128xi32, #tpu.memory_space<vmem>>) semaphore(%arg14 : memref<!tpu.dma_semaphore, #tpu.memory_space<semaphore_mem>>)
    %dma_wait3A_1385 = arith.constant 0 : i32
    %dma_wait3A_1386 = tpu.memref_slice %arg2[%dma_wait3A_1385] : memref<80000xf32, #tpu.memory_space<hbm>> -> memref<80000xf32, #tpu.memory_space<hbm>>
    tpu.wait_indirect_dma semaphore(%arg14 : memref<!tpu.dma_semaphore, #tpu.memory_space<semaphore_mem>>) src(%dma_wait3A_1386 : memref<80000xf32, #tpu.memory_space<hbm>>) dst(%arg13 : memref<128xf32, #tpu.memory_space<vmem>>)
    %add3A_1387 = arith.constant 256 : i32
    %add3A_1388 = arith.addi %multiple_of3A, %add3A_1387 : i32
    "tpu.region"() ({
      %run_scoped3A = tpu.sem_alloc : memref<!tpu.dma_semaphore, #tpu.memory_space<semaphore_mem>>
      %dma_start3A_2509 = tpu.memref_slice %arg7[%add3A_1388] : memref<20480xf32, #tpu.memory_space<hbm>> -> memref<128xf32, #tpu.memory_space<hbm>>
      %dma_start3A_2510 = tpu.memref_slice %arg7[%add3A_1388] : memref<20480xf32, #tpu.memory_space<hbm>> -> memref<128xf32, #tpu.memory_space<hbm>>
      tpu.enqueue_dma source(%arg13 : memref<128xf32, #tpu.memory_space<vmem>>) target(%dma_start3A_2510 : memref<128xf32, #tpu.memory_space<hbm>>) target_semaphore(%run_scoped3A : memref<!tpu.dma_semaphore, #tpu.memory_space<semaphore_mem>>)
      %dma_wait3A_2511 = tpu.memref_slice %arg7[%add3A_1388] : memref<20480xf32, #tpu.memory_space<hbm>> -> memref<128xf32, #tpu.memory_space<hbm>>
      %dma_wait3A_2512 = tpu.memref_slice %arg7[%add3A_1388] : memref<20480xf32, #tpu.memory_space<hbm>> -> memref<128xf32, #tpu.memory_space<hbm>>
      tpu.wait_dma2 semaphore(%run_scoped3A : memref<!tpu.dma_semaphore, #tpu.memory_space<semaphore_mem>>) src(%arg13 : memref<128xf32, #tpu.memory_space<vmem>>) dst(%dma_wait3A_2512 : memref<128xf32, #tpu.memory_space<hbm>>)
      tpu.yield
    }) : () -> ()
    %get3A_1389 = arith.constant 0 : index
    %get3A_1390 = tpu.vector_load %arg11[%get3A_1389] {strides = array<i32>} : memref<128xi32, #tpu.memory_space<vmem>>, vector<16xi32>,
    %get3A_1391 = vector.shape_cast %get3A_1390 : vector<16xi32> to vector<16xi32>
    %mul3A_1392 = arith.constant 4 : i32
    %mul3A_1393 = vector.broadcast %mul3A_1392 : i32 to vector<16xi32>
    %mul3A_1394 = arith.muli %get3A_1391, %mul3A_1393 : vector<16xi32>
    %add3A_1395 = arith.constant 3 : i32
    %add3A_1396 = vector.broadcast %add3A_1395 : i32 to vector<16xi32>
    %add3A_1397 = arith.addi %mul3A_1394, %add3A_1396 : vector<16xi32>
    %swap3A_1398 = arith.constant 0 : index
    %swap3A_1399 = tpu.vector_load %arg12[%swap3A_1398] {strides = array<i32>} : memref<128xi32, #tpu.memory_space<vmem>>, vector<16xi32>,
    %swap3A_1400 = vector.shape_cast %swap3A_1399 : vector<16xi32> to vector<16xi32>
    %swap3A_1401 = vector.shape_cast %add3A_1397 : vector<16xi32> to vector<16xi32>
    tpu.vector_store %arg12[%swap3A_1398], %swap3A_1401 {strides = array<i32>} : memref<128xi32, #tpu.memory_space<vmem>>, vector<16xi32>,
    %get3A_1402 = arith.constant 16 : index
    %get3A_1403 = tpu.vector_load %arg11[%get3A_1402] {strides = array<i32>} : memref<128xi32, #tpu.memory_space<vmem>>, vector<16xi32>,
    %get3A_1404 = vector.shape_cast %get3A_1403 : vector<16xi32> to vector<16xi32>
    %mul3A_1405 = arith.constant 4 : i32
    %mul3A_1406 = vector.broadcast %mul3A_1405 : i32 to vector<16xi32>
    %mul3A_1407 = arith.muli %get3A_1404, %mul3A_1406 : vector<16xi32>
    %add3A_1408 = arith.constant 3 : i32
    %add3A_1409 = vector.broadcast %add3A_1408 : i32 to vector<16xi32>
    %add3A_1410 = arith.addi %mul3A_1407, %add3A_1409 : vector<16xi32>
    %swap3A_1411 = arith.constant 16 : index
    %swap3A_1412 = tpu.vector_load %arg12[%swap3A_1411] {strides = array<i32>} : memref<128xi32, #tpu.memory_space<vmem>>, vector<16xi32>,
    %swap3A_1413 = vector.shape_cast %swap3A_1412 : vector<16xi32> to vector<16xi32>
    %swap3A_1414 = vector.shape_cast %add3A_1410 : vector<16xi32> to vector<16xi32>
    tpu.vector_store %arg12[%swap3A_1411], %swap3A_1414 {strides = array<i32>} : memref<128xi32, #tpu.memory_space<vmem>>, vector<16xi32>,
    %get3A_1415 = arith.constant 32 : index
    %get3A_1416 = tpu.vector_load %arg11[%get3A_1415] {strides = array<i32>} : memref<128xi32, #tpu.memory_space<vmem>>, vector<16xi32>,
    %get3A_1417 = vector.shape_cast %get3A_1416 : vector<16xi32> to vector<16xi32>
    %mul3A_1418 = arith.constant 4 : i32
    %mul3A_1419 = vector.broadcast %mul3A_1418 : i32 to vector<16xi32>
    %mul3A_1420 = arith.muli %get3A_1417, %mul3A_1419 : vector<16xi32>
    %add3A_1421 = arith.constant 3 : i32
    %add3A_1422 = vector.broadcast %add3A_1421 : i32 to vector<16xi32>
    %add3A_1423 = arith.addi %mul3A_1420, %add3A_1422 : vector<16xi32>
    %swap3A_1424 = arith.constant 32 : index
    %swap3A_1425 = tpu.vector_load %arg12[%swap3A_1424] {strides = array<i32>} : memref<128xi32, #tpu.memory_space<vmem>>, vector<16xi32>,
    %swap3A_1426 = vector.shape_cast %swap3A_1425 : vector<16xi32> to vector<16xi32>
    %swap3A_1427 = vector.shape_cast %add3A_1423 : vector<16xi32> to vector<16xi32>
    tpu.vector_store %arg12[%swap3A_1424], %swap3A_1427 {strides = array<i32>} : memref<128xi32, #tpu.memory_space<vmem>>, vector<16xi32>,
    %get3A_1428 = arith.constant 48 : index
    %get3A_1429 = tpu.vector_load %arg11[%get3A_1428] {strides = array<i32>} : memref<128xi32, #tpu.memory_space<vmem>>, vector<16xi32>,
    %get3A_1430 = vector.shape_cast %get3A_1429 : vector<16xi32> to vector<16xi32>
    %mul3A_1431 = arith.constant 4 : i32
    %mul3A_1432 = vector.broadcast %mul3A_1431 : i32 to vector<16xi32>
    %mul3A_1433 = arith.muli %get3A_1430, %mul3A_1432 : vector<16xi32>
    %add3A_1434 = arith.constant 3 : i32
    %add3A_1435 = vector.broadcast %add3A_1434 : i32 to vector<16xi32>
    %add3A_1436 = arith.addi %mul3A_1433, %add3A_1435 : vector<16xi32>
    %swap3A_1437 = arith.constant 48 : index
    %swap3A_1438 = tpu.vector_load %arg12[%swap3A_1437] {strides = array<i32>} : memref<128xi32, #tpu.memory_space<vmem>>, vector<16xi32>,
    %swap3A_1439 = vector.shape_cast %swap3A_1438 : vector<16xi32> to vector<16xi32>
    %swap3A_1440 = vector.shape_cast %add3A_1436 : vector<16xi32> to vector<16xi32>
    tpu.vector_store %arg12[%swap3A_1437], %swap3A_1440 {strides = array<i32>} : memref<128xi32, #tpu.memory_space<vmem>>, vector<16xi32>,
    %get3A_1441 = arith.constant 64 : index
    %get3A_1442 = tpu.vector_load %arg11[%get3A_1441] {strides = array<i32>} : memref<128xi32, #tpu.memory_space<vmem>>, vector<16xi32>,
    %get3A_1443 = vector.shape_cast %get3A_1442 : vector<16xi32> to vector<16xi32>
    %mul3A_1444 = arith.constant 4 : i32
    %mul3A_1445 = vector.broadcast %mul3A_1444 : i32 to vector<16xi32>
    %mul3A_1446 = arith.muli %get3A_1443, %mul3A_1445 : vector<16xi32>
    %add3A_1447 = arith.constant 3 : i32
    %add3A_1448 = vector.broadcast %add3A_1447 : i32 to vector<16xi32>
    %add3A_1449 = arith.addi %mul3A_1446, %add3A_1448 : vector<16xi32>
    %swap3A_1450 = arith.constant 64 : index
    %swap3A_1451 = tpu.vector_load %arg12[%swap3A_1450] {strides = array<i32>} : memref<128xi32, #tpu.memory_space<vmem>>, vector<16xi32>,
    %swap3A_1452 = vector.shape_cast %swap3A_1451 : vector<16xi32> to vector<16xi32>
    %swap3A_1453 = vector.shape_cast %add3A_1449 : vector<16xi32> to vector<16xi32>
    tpu.vector_store %arg12[%swap3A_1450], %swap3A_1453 {strides = array<i32>} : memref<128xi32, #tpu.memory_space<vmem>>, vector<16xi32>,
    %get3A_1454 = arith.constant 80 : index
    %get3A_1455 = tpu.vector_load %arg11[%get3A_1454] {strides = array<i32>} : memref<128xi32, #tpu.memory_space<vmem>>, vector<16xi32>,
    %get3A_1456 = vector.shape_cast %get3A_1455 : vector<16xi32> to vector<16xi32>
    %mul3A_1457 = arith.constant 4 : i32
    %mul3A_1458 = vector.broadcast %mul3A_1457 : i32 to vector<16xi32>
    %mul3A_1459 = arith.muli %get3A_1456, %mul3A_1458 : vector<16xi32>
    %add3A_1460 = arith.constant 3 : i32
    %add3A_1461 = vector.broadcast %add3A_1460 : i32 to vector<16xi32>
    %add3A_1462 = arith.addi %mul3A_1459, %add3A_1461 : vector<16xi32>
    %swap3A_1463 = arith.constant 80 : index
    %swap3A_1464 = tpu.vector_load %arg12[%swap3A_1463] {strides = array<i32>} : memref<128xi32, #tpu.memory_space<vmem>>, vector<16xi32>,
    %swap3A_1465 = vector.shape_cast %swap3A_1464 : vector<16xi32> to vector<16xi32>
    %swap3A_1466 = vector.shape_cast %add3A_1462 : vector<16xi32> to vector<16xi32>
    tpu.vector_store %arg12[%swap3A_1463], %swap3A_1466 {strides = array<i32>} : memref<128xi32, #tpu.memory_space<vmem>>, vector<16xi32>,
    %get3A_1467 = arith.constant 96 : index
    %get3A_1468 = tpu.vector_load %arg11[%get3A_1467] {strides = array<i32>} : memref<128xi32, #tpu.memory_space<vmem>>, vector<16xi32>,
    %get3A_1469 = vector.shape_cast %get3A_1468 : vector<16xi32> to vector<16xi32>
    %mul3A_1470 = arith.constant 4 : i32
    %mul3A_1471 = vector.broadcast %mul3A_1470 : i32 to vector<16xi32>
    %mul3A_1472 = arith.muli %get3A_1469, %mul3A_1471 : vector<16xi32>
    %add3A_1473 = arith.constant 3 : i32
    %add3A_1474 = vector.broadcast %add3A_1473 : i32 to vector<16xi32>
    %add3A_1475 = arith.addi %mul3A_1472, %add3A_1474 : vector<16xi32>
    %swap3A_1476 = arith.constant 96 : index
    %swap3A_1477 = tpu.vector_load %arg12[%swap3A_1476] {strides = array<i32>} : memref<128xi32, #tpu.memory_space<vmem>>, vector<16xi32>,
    %swap3A_1478 = vector.shape_cast %swap3A_1477 : vector<16xi32> to vector<16xi32>
    %swap3A_1479 = vector.shape_cast %add3A_1475 : vector<16xi32> to vector<16xi32>
    tpu.vector_store %arg12[%swap3A_1476], %swap3A_1479 {strides = array<i32>} : memref<128xi32, #tpu.memory_space<vmem>>, vector<16xi32>,
    %get3A_1480 = arith.constant 112 : index
    %get3A_1481 = tpu.vector_load %arg11[%get3A_1480] {strides = array<i32>} : memref<128xi32, #tpu.memory_space<vmem>>, vector<16xi32>,
    %get3A_1482 = vector.shape_cast %get3A_1481 : vector<16xi32> to vector<16xi32>
    %mul3A_1483 = arith.constant 4 : i32
    %mul3A_1484 = vector.broadcast %mul3A_1483 : i32 to vector<16xi32>
    %mul3A_1485 = arith.muli %get3A_1482, %mul3A_1484 : vector<16xi32>
    %add3A_1486 = arith.constant 3 : i32
    %add3A_1487 = vector.broadcast %add3A_1486 : i32 to vector<16xi32>
    %add3A_1488 = arith.addi %mul3A_1485, %add3A_1487 : vector<16xi32>
    %swap3A_1489 = arith.constant 112 : index
    %swap3A_1490 = tpu.vector_load %arg12[%swap3A_1489] {strides = array<i32>} : memref<128xi32, #tpu.memory_space<vmem>>, vector<16xi32>,
    %swap3A_1491 = vector.shape_cast %swap3A_1490 : vector<16xi32> to vector<16xi32>
    %swap3A_1492 = vector.shape_cast %add3A_1488 : vector<16xi32> to vector<16xi32>
    tpu.vector_store %arg12[%swap3A_1489], %swap3A_1492 {strides = array<i32>} : memref<128xi32, #tpu.memory_space<vmem>>, vector<16xi32>,
    %dma_start3A_1493 = arith.constant 0 : i32
    %dma_start3A_1494 = tpu.memref_slice %arg2[%dma_start3A_1493] : memref<80000xf32, #tpu.memory_space<hbm>> -> memref<80000xf32, #tpu.memory_space<hbm>>
    tpu.enqueue_indirect_dma source(%dma_start3A_1494 : memref<80000xf32, #tpu.memory_space<hbm>>) target(%arg13 : memref<128xf32, #tpu.memory_space<vmem>>) offsets(%arg12 : memref<128xi32, #tpu.memory_space<vmem>>) semaphore(%arg14 : memref<!tpu.dma_semaphore, #tpu.memory_space<semaphore_mem>>)
    %dma_wait3A_1495 = arith.constant 0 : i32
    %dma_wait3A_1496 = tpu.memref_slice %arg2[%dma_wait3A_1495] : memref<80000xf32, #tpu.memory_space<hbm>> -> memref<80000xf32, #tpu.memory_space<hbm>>
    tpu.wait_indirect_dma semaphore(%arg14 : memref<!tpu.dma_semaphore, #tpu.memory_space<semaphore_mem>>) src(%dma_wait3A_1496 : memref<80000xf32, #tpu.memory_space<hbm>>) dst(%arg13 : memref<128xf32, #tpu.memory_space<vmem>>)
    %add3A_1497 = arith.constant 256 : i32
    %add3A_1498 = arith.addi %multiple_of3A, %add3A_1497 : i32
    "tpu.region"() ({
      %run_scoped3A = tpu.sem_alloc : memref<!tpu.dma_semaphore, #tpu.memory_space<semaphore_mem>>
      %dma_start3A_2509 = tpu.memref_slice %arg8[%add3A_1498] : memref<20480xf32, #tpu.memory_space<hbm>> -> memref<128xf32, #tpu.memory_space<hbm>>
      %dma_start3A_2510 = tpu.memref_slice %arg8[%add3A_1498] : memref<20480xf32, #tpu.memory_space<hbm>> -> memref<128xf32, #tpu.memory_space<hbm>>
      tpu.enqueue_dma source(%arg13 : memref<128xf32, #tpu.memory_space<vmem>>) target(%dma_start3A_2510 : memref<128xf32, #tpu.memory_space<hbm>>) target_semaphore(%run_scoped3A : memref<!tpu.dma_semaphore, #tpu.memory_space<semaphore_mem>>)
      %dma_wait3A_2511 = tpu.memref_slice %arg8[%add3A_1498] : memref<20480xf32, #tpu.memory_space<hbm>> -> memref<128xf32, #tpu.memory_space<hbm>>
      %dma_wait3A_2512 = tpu.memref_slice %arg8[%add3A_1498] : memref<20480xf32, #tpu.memory_space<hbm>> -> memref<128xf32, #tpu.memory_space<hbm>>
      tpu.wait_dma2 semaphore(%run_scoped3A : memref<!tpu.dma_semaphore, #tpu.memory_space<semaphore_mem>>) src(%arg13 : memref<128xf32, #tpu.memory_space<vmem>>) dst(%dma_wait3A_2512 : memref<128xf32, #tpu.memory_space<hbm>>)
      tpu.yield
    }) : () -> ()
    %dma_start3A_1499 = arith.constant 0 : i32
    %dma_start3A_1500 = tpu.memref_slice %arg3[%dma_start3A_1499] : memref<20000xf32, #tpu.memory_space<hbm>> -> memref<20000xf32, #tpu.memory_space<hbm>>
    tpu.enqueue_indirect_dma source(%dma_start3A_1500 : memref<20000xf32, #tpu.memory_space<hbm>>) target(%arg13 : memref<128xf32, #tpu.memory_space<vmem>>) offsets(%arg11 : memref<128xi32, #tpu.memory_space<vmem>>) semaphore(%arg14 : memref<!tpu.dma_semaphore, #tpu.memory_space<semaphore_mem>>)
    %dma_wait3A_1501 = arith.constant 0 : i32
    %dma_wait3A_1502 = tpu.memref_slice %arg3[%dma_wait3A_1501] : memref<20000xf32, #tpu.memory_space<hbm>> -> memref<20000xf32, #tpu.memory_space<hbm>>
    tpu.wait_indirect_dma semaphore(%arg14 : memref<!tpu.dma_semaphore, #tpu.memory_space<semaphore_mem>>) src(%dma_wait3A_1502 : memref<20000xf32, #tpu.memory_space<hbm>>) dst(%arg13 : memref<128xf32, #tpu.memory_space<vmem>>)
    %add3A_1503 = arith.constant 256 : i32
    %add3A_1504 = arith.addi %multiple_of3A, %add3A_1503 : i32
    "tpu.region"() ({
      %run_scoped3A = tpu.sem_alloc : memref<!tpu.dma_semaphore, #tpu.memory_space<semaphore_mem>>
      %dma_start3A_2509 = tpu.memref_slice %arg9[%add3A_1504] : memref<20480xf32, #tpu.memory_space<hbm>> -> memref<128xf32, #tpu.memory_space<hbm>>
      %dma_start3A_2510 = tpu.memref_slice %arg9[%add3A_1504] : memref<20480xf32, #tpu.memory_space<hbm>> -> memref<128xf32, #tpu.memory_space<hbm>>
      tpu.enqueue_dma source(%arg13 : memref<128xf32, #tpu.memory_space<vmem>>) target(%dma_start3A_2510 : memref<128xf32, #tpu.memory_space<hbm>>) target_semaphore(%run_scoped3A : memref<!tpu.dma_semaphore, #tpu.memory_space<semaphore_mem>>)
      %dma_wait3A_2511 = tpu.memref_slice %arg9[%add3A_1504] : memref<20480xf32, #tpu.memory_space<hbm>> -> memref<128xf32, #tpu.memory_space<hbm>>
      %dma_wait3A_2512 = tpu.memref_slice %arg9[%add3A_1504] : memref<20480xf32, #tpu.memory_space<hbm>> -> memref<128xf32, #tpu.memory_space<hbm>>
      tpu.wait_dma2 semaphore(%run_scoped3A : memref<!tpu.dma_semaphore, #tpu.memory_space<semaphore_mem>>) src(%arg13 : memref<128xf32, #tpu.memory_space<vmem>>) dst(%dma_wait3A_2512 : memref<128xf32, #tpu.memory_space<hbm>>)
      tpu.yield
    }) : () -> ()
    %get3A_1505 = arith.constant 384 : index
    %get3A_1506 = tpu.vector_load %arg10[%get3A_1505] {strides = array<i32>} : memref<640xi32, #tpu.memory_space<vmem>>, vector<16xi32>,
    %get3A_1507 = vector.shape_cast %get3A_1506 : vector<16xi32> to vector<16xi32>
    %swap3A_1508 = arith.constant 0 : index
    %swap3A_1509 = tpu.vector_load %arg11[%swap3A_1508] {strides = array<i32>} : memref<128xi32, #tpu.memory_space<vmem>>, vector<16xi32>,
    %swap3A_1510 = vector.shape_cast %swap3A_1509 : vector<16xi32> to vector<16xi32>
    %swap3A_1511 = vector.shape_cast %get3A_1507 : vector<16xi32> to vector<16xi32>
    tpu.vector_store %arg11[%swap3A_1508], %swap3A_1511 {strides = array<i32>} : memref<128xi32, #tpu.memory_space<vmem>>, vector<16xi32>,
    %get3A_1512 = arith.constant 400 : index
    %get3A_1513 = tpu.vector_load %arg10[%get3A_1512] {strides = array<i32>} : memref<640xi32, #tpu.memory_space<vmem>>, vector<16xi32>,
    %get3A_1514 = vector.shape_cast %get3A_1513 : vector<16xi32> to vector<16xi32>
    %swap3A_1515 = arith.constant 16 : index
    %swap3A_1516 = tpu.vector_load %arg11[%swap3A_1515] {strides = array<i32>} : memref<128xi32, #tpu.memory_space<vmem>>, vector<16xi32>,
    %swap3A_1517 = vector.shape_cast %swap3A_1516 : vector<16xi32> to vector<16xi32>
    %swap3A_1518 = vector.shape_cast %get3A_1514 : vector<16xi32> to vector<16xi32>
    tpu.vector_store %arg11[%swap3A_1515], %swap3A_1518 {strides = array<i32>} : memref<128xi32, #tpu.memory_space<vmem>>, vector<16xi32>,
    %get3A_1519 = arith.constant 416 : index
    %get3A_1520 = tpu.vector_load %arg10[%get3A_1519] {strides = array<i32>} : memref<640xi32, #tpu.memory_space<vmem>>, vector<16xi32>,
    %get3A_1521 = vector.shape_cast %get3A_1520 : vector<16xi32> to vector<16xi32>
    %swap3A_1522 = arith.constant 32 : index
    %swap3A_1523 = tpu.vector_load %arg11[%swap3A_1522] {strides = array<i32>} : memref<128xi32, #tpu.memory_space<vmem>>, vector<16xi32>,
    %swap3A_1524 = vector.shape_cast %swap3A_1523 : vector<16xi32> to vector<16xi32>
    %swap3A_1525 = vector.shape_cast %get3A_1521 : vector<16xi32> to vector<16xi32>
    tpu.vector_store %arg11[%swap3A_1522], %swap3A_1525 {strides = array<i32>} : memref<128xi32, #tpu.memory_space<vmem>>, vector<16xi32>,
    %get3A_1526 = arith.constant 432 : index
    %get3A_1527 = tpu.vector_load %arg10[%get3A_1526] {strides = array<i32>} : memref<640xi32, #tpu.memory_space<vmem>>, vector<16xi32>,
    %get3A_1528 = vector.shape_cast %get3A_1527 : vector<16xi32> to vector<16xi32>
    %swap3A_1529 = arith.constant 48 : index
    %swap3A_1530 = tpu.vector_load %arg11[%swap3A_1529] {strides = array<i32>} : memref<128xi32, #tpu.memory_space<vmem>>, vector<16xi32>,
    %swap3A_1531 = vector.shape_cast %swap3A_1530 : vector<16xi32> to vector<16xi32>
    %swap3A_1532 = vector.shape_cast %get3A_1528 : vector<16xi32> to vector<16xi32>
    tpu.vector_store %arg11[%swap3A_1529], %swap3A_1532 {strides = array<i32>} : memref<128xi32, #tpu.memory_space<vmem>>, vector<16xi32>,
    %get3A_1533 = arith.constant 448 : index
    %get3A_1534 = tpu.vector_load %arg10[%get3A_1533] {strides = array<i32>} : memref<640xi32, #tpu.memory_space<vmem>>, vector<16xi32>,
    %get3A_1535 = vector.shape_cast %get3A_1534 : vector<16xi32> to vector<16xi32>
    %swap3A_1536 = arith.constant 64 : index
    %swap3A_1537 = tpu.vector_load %arg11[%swap3A_1536] {strides = array<i32>} : memref<128xi32, #tpu.memory_space<vmem>>, vector<16xi32>,
    %swap3A_1538 = vector.shape_cast %swap3A_1537 : vector<16xi32> to vector<16xi32>
    %swap3A_1539 = vector.shape_cast %get3A_1535 : vector<16xi32> to vector<16xi32>
    tpu.vector_store %arg11[%swap3A_1536], %swap3A_1539 {strides = array<i32>} : memref<128xi32, #tpu.memory_space<vmem>>, vector<16xi32>,
    %get3A_1540 = arith.constant 464 : index
    %get3A_1541 = tpu.vector_load %arg10[%get3A_1540] {strides = array<i32>} : memref<640xi32, #tpu.memory_space<vmem>>, vector<16xi32>,
    %get3A_1542 = vector.shape_cast %get3A_1541 : vector<16xi32> to vector<16xi32>
    %swap3A_1543 = arith.constant 80 : index
    %swap3A_1544 = tpu.vector_load %arg11[%swap3A_1543] {strides = array<i32>} : memref<128xi32, #tpu.memory_space<vmem>>, vector<16xi32>,
    %swap3A_1545 = vector.shape_cast %swap3A_1544 : vector<16xi32> to vector<16xi32>
    %swap3A_1546 = vector.shape_cast %get3A_1542 : vector<16xi32> to vector<16xi32>
    tpu.vector_store %arg11[%swap3A_1543], %swap3A_1546 {strides = array<i32>} : memref<128xi32, #tpu.memory_space<vmem>>, vector<16xi32>,
    %get3A_1547 = arith.constant 480 : index
    %get3A_1548 = tpu.vector_load %arg10[%get3A_1547] {strides = array<i32>} : memref<640xi32, #tpu.memory_space<vmem>>, vector<16xi32>,
    %get3A_1549 = vector.shape_cast %get3A_1548 : vector<16xi32> to vector<16xi32>
    %swap3A_1550 = arith.constant 96 : index
    %swap3A_1551 = tpu.vector_load %arg11[%swap3A_1550] {strides = array<i32>} : memref<128xi32, #tpu.memory_space<vmem>>, vector<16xi32>,
    %swap3A_1552 = vector.shape_cast %swap3A_1551 : vector<16xi32> to vector<16xi32>
    %swap3A_1553 = vector.shape_cast %get3A_1549 : vector<16xi32> to vector<16xi32>
    tpu.vector_store %arg11[%swap3A_1550], %swap3A_1553 {strides = array<i32>} : memref<128xi32, #tpu.memory_space<vmem>>, vector<16xi32>,
    %get3A_1554 = arith.constant 496 : index
    %get3A_1555 = tpu.vector_load %arg10[%get3A_1554] {strides = array<i32>} : memref<640xi32, #tpu.memory_space<vmem>>, vector<16xi32>,
    %get3A_1556 = vector.shape_cast %get3A_1555 : vector<16xi32> to vector<16xi32>
    %swap3A_1557 = arith.constant 112 : index
    %swap3A_1558 = tpu.vector_load %arg11[%swap3A_1557] {strides = array<i32>} : memref<128xi32, #tpu.memory_space<vmem>>, vector<16xi32>,
    %swap3A_1559 = vector.shape_cast %swap3A_1558 : vector<16xi32> to vector<16xi32>
    %swap3A_1560 = vector.shape_cast %get3A_1556 : vector<16xi32> to vector<16xi32>
    tpu.vector_store %arg11[%swap3A_1557], %swap3A_1560 {strides = array<i32>} : memref<128xi32, #tpu.memory_space<vmem>>, vector<16xi32>,
    %get3A_1561 = arith.constant 0 : index
    %get3A_1562 = tpu.vector_load %arg11[%get3A_1561] {strides = array<i32>} : memref<128xi32, #tpu.memory_space<vmem>>, vector<16xi32>,
    %get3A_1563 = vector.shape_cast %get3A_1562 : vector<16xi32> to vector<16xi32>
    %mul3A_1564 = arith.constant 4 : i32
    %mul3A_1565 = vector.broadcast %mul3A_1564 : i32 to vector<16xi32>
    %mul3A_1566 = arith.muli %get3A_1563, %mul3A_1565 : vector<16xi32>
    %add3A_1567 = arith.constant 0 : i32
    %add3A_1568 = vector.broadcast %add3A_1567 : i32 to vector<16xi32>
    %add3A_1569 = arith.addi %mul3A_1566, %add3A_1568 : vector<16xi32>
    %swap3A_1570 = arith.constant 0 : index
    %swap3A_1571 = tpu.vector_load %arg12[%swap3A_1570] {strides = array<i32>} : memref<128xi32, #tpu.memory_space<vmem>>, vector<16xi32>,
    %swap3A_1572 = vector.shape_cast %swap3A_1571 : vector<16xi32> to vector<16xi32>
    %swap3A_1573 = vector.shape_cast %add3A_1569 : vector<16xi32> to vector<16xi32>
    tpu.vector_store %arg12[%swap3A_1570], %swap3A_1573 {strides = array<i32>} : memref<128xi32, #tpu.memory_space<vmem>>, vector<16xi32>,
    %get3A_1574 = arith.constant 16 : index
    %get3A_1575 = tpu.vector_load %arg11[%get3A_1574] {strides = array<i32>} : memref<128xi32, #tpu.memory_space<vmem>>, vector<16xi32>,
    %get3A_1576 = vector.shape_cast %get3A_1575 : vector<16xi32> to vector<16xi32>
    %mul3A_1577 = arith.constant 4 : i32
    %mul3A_1578 = vector.broadcast %mul3A_1577 : i32 to vector<16xi32>
    %mul3A_1579 = arith.muli %get3A_1576, %mul3A_1578 : vector<16xi32>
    %add3A_1580 = arith.constant 0 : i32
    %add3A_1581 = vector.broadcast %add3A_1580 : i32 to vector<16xi32>
    %add3A_1582 = arith.addi %mul3A_1579, %add3A_1581 : vector<16xi32>
    %swap3A_1583 = arith.constant 16 : index
    %swap3A_1584 = tpu.vector_load %arg12[%swap3A_1583] {strides = array<i32>} : memref<128xi32, #tpu.memory_space<vmem>>, vector<16xi32>,
    %swap3A_1585 = vector.shape_cast %swap3A_1584 : vector<16xi32> to vector<16xi32>
    %swap3A_1586 = vector.shape_cast %add3A_1582 : vector<16xi32> to vector<16xi32>
    tpu.vector_store %arg12[%swap3A_1583], %swap3A_1586 {strides = array<i32>} : memref<128xi32, #tpu.memory_space<vmem>>, vector<16xi32>,
    %get3A_1587 = arith.constant 32 : index
    %get3A_1588 = tpu.vector_load %arg11[%get3A_1587] {strides = array<i32>} : memref<128xi32, #tpu.memory_space<vmem>>, vector<16xi32>,
    %get3A_1589 = vector.shape_cast %get3A_1588 : vector<16xi32> to vector<16xi32>
    %mul3A_1590 = arith.constant 4 : i32
    %mul3A_1591 = vector.broadcast %mul3A_1590 : i32 to vector<16xi32>
    %mul3A_1592 = arith.muli %get3A_1589, %mul3A_1591 : vector<16xi32>
    %add3A_1593 = arith.constant 0 : i32
    %add3A_1594 = vector.broadcast %add3A_1593 : i32 to vector<16xi32>
    %add3A_1595 = arith.addi %mul3A_1592, %add3A_1594 : vector<16xi32>
    %swap3A_1596 = arith.constant 32 : index
    %swap3A_1597 = tpu.vector_load %arg12[%swap3A_1596] {strides = array<i32>} : memref<128xi32, #tpu.memory_space<vmem>>, vector<16xi32>,
    %swap3A_1598 = vector.shape_cast %swap3A_1597 : vector<16xi32> to vector<16xi32>
    %swap3A_1599 = vector.shape_cast %add3A_1595 : vector<16xi32> to vector<16xi32>
    tpu.vector_store %arg12[%swap3A_1596], %swap3A_1599 {strides = array<i32>} : memref<128xi32, #tpu.memory_space<vmem>>, vector<16xi32>,
    %get3A_1600 = arith.constant 48 : index
    %get3A_1601 = tpu.vector_load %arg11[%get3A_1600] {strides = array<i32>} : memref<128xi32, #tpu.memory_space<vmem>>, vector<16xi32>,
    %get3A_1602 = vector.shape_cast %get3A_1601 : vector<16xi32> to vector<16xi32>
    %mul3A_1603 = arith.constant 4 : i32
    %mul3A_1604 = vector.broadcast %mul3A_1603 : i32 to vector<16xi32>
    %mul3A_1605 = arith.muli %get3A_1602, %mul3A_1604 : vector<16xi32>
    %add3A_1606 = arith.constant 0 : i32
    %add3A_1607 = vector.broadcast %add3A_1606 : i32 to vector<16xi32>
    %add3A_1608 = arith.addi %mul3A_1605, %add3A_1607 : vector<16xi32>
    %swap3A_1609 = arith.constant 48 : index
    %swap3A_1610 = tpu.vector_load %arg12[%swap3A_1609] {strides = array<i32>} : memref<128xi32, #tpu.memory_space<vmem>>, vector<16xi32>,
    %swap3A_1611 = vector.shape_cast %swap3A_1610 : vector<16xi32> to vector<16xi32>
    %swap3A_1612 = vector.shape_cast %add3A_1608 : vector<16xi32> to vector<16xi32>
    tpu.vector_store %arg12[%swap3A_1609], %swap3A_1612 {strides = array<i32>} : memref<128xi32, #tpu.memory_space<vmem>>, vector<16xi32>,
    %get3A_1613 = arith.constant 64 : index
    %get3A_1614 = tpu.vector_load %arg11[%get3A_1613] {strides = array<i32>} : memref<128xi32, #tpu.memory_space<vmem>>, vector<16xi32>,
    %get3A_1615 = vector.shape_cast %get3A_1614 : vector<16xi32> to vector<16xi32>
    %mul3A_1616 = arith.constant 4 : i32
    %mul3A_1617 = vector.broadcast %mul3A_1616 : i32 to vector<16xi32>
    %mul3A_1618 = arith.muli %get3A_1615, %mul3A_1617 : vector<16xi32>
    %add3A_1619 = arith.constant 0 : i32
    %add3A_1620 = vector.broadcast %add3A_1619 : i32 to vector<16xi32>
    %add3A_1621 = arith.addi %mul3A_1618, %add3A_1620 : vector<16xi32>
    %swap3A_1622 = arith.constant 64 : index
    %swap3A_1623 = tpu.vector_load %arg12[%swap3A_1622] {strides = array<i32>} : memref<128xi32, #tpu.memory_space<vmem>>, vector<16xi32>,
    %swap3A_1624 = vector.shape_cast %swap3A_1623 : vector<16xi32> to vector<16xi32>
    %swap3A_1625 = vector.shape_cast %add3A_1621 : vector<16xi32> to vector<16xi32>
    tpu.vector_store %arg12[%swap3A_1622], %swap3A_1625 {strides = array<i32>} : memref<128xi32, #tpu.memory_space<vmem>>, vector<16xi32>,
    %get3A_1626 = arith.constant 80 : index
    %get3A_1627 = tpu.vector_load %arg11[%get3A_1626] {strides = array<i32>} : memref<128xi32, #tpu.memory_space<vmem>>, vector<16xi32>,
    %get3A_1628 = vector.shape_cast %get3A_1627 : vector<16xi32> to vector<16xi32>
    %mul3A_1629 = arith.constant 4 : i32
    %mul3A_1630 = vector.broadcast %mul3A_1629 : i32 to vector<16xi32>
    %mul3A_1631 = arith.muli %get3A_1628, %mul3A_1630 : vector<16xi32>
    %add3A_1632 = arith.constant 0 : i32
    %add3A_1633 = vector.broadcast %add3A_1632 : i32 to vector<16xi32>
    %add3A_1634 = arith.addi %mul3A_1631, %add3A_1633 : vector<16xi32>
    %swap3A_1635 = arith.constant 80 : index
    %swap3A_1636 = tpu.vector_load %arg12[%swap3A_1635] {strides = array<i32>} : memref<128xi32, #tpu.memory_space<vmem>>, vector<16xi32>,
    %swap3A_1637 = vector.shape_cast %swap3A_1636 : vector<16xi32> to vector<16xi32>
    %swap3A_1638 = vector.shape_cast %add3A_1634 : vector<16xi32> to vector<16xi32>
    tpu.vector_store %arg12[%swap3A_1635], %swap3A_1638 {strides = array<i32>} : memref<128xi32, #tpu.memory_space<vmem>>, vector<16xi32>,
    %get3A_1639 = arith.constant 96 : index
    %get3A_1640 = tpu.vector_load %arg11[%get3A_1639] {strides = array<i32>} : memref<128xi32, #tpu.memory_space<vmem>>, vector<16xi32>,
    %get3A_1641 = vector.shape_cast %get3A_1640 : vector<16xi32> to vector<16xi32>
    %mul3A_1642 = arith.constant 4 : i32
    %mul3A_1643 = vector.broadcast %mul3A_1642 : i32 to vector<16xi32>
    %mul3A_1644 = arith.muli %get3A_1641, %mul3A_1643 : vector<16xi32>
    %add3A_1645 = arith.constant 0 : i32
    %add3A_1646 = vector.broadcast %add3A_1645 : i32 to vector<16xi32>
    %add3A_1647 = arith.addi %mul3A_1644, %add3A_1646 : vector<16xi32>
    %swap3A_1648 = arith.constant 96 : index
    %swap3A_1649 = tpu.vector_load %arg12[%swap3A_1648] {strides = array<i32>} : memref<128xi32, #tpu.memory_space<vmem>>, vector<16xi32>,
    %swap3A_1650 = vector.shape_cast %swap3A_1649 : vector<16xi32> to vector<16xi32>
    %swap3A_1651 = vector.shape_cast %add3A_1647 : vector<16xi32> to vector<16xi32>
    tpu.vector_store %arg12[%swap3A_1648], %swap3A_1651 {strides = array<i32>} : memref<128xi32, #tpu.memory_space<vmem>>, vector<16xi32>,
    %get3A_1652 = arith.constant 112 : index
    %get3A_1653 = tpu.vector_load %arg11[%get3A_1652] {strides = array<i32>} : memref<128xi32, #tpu.memory_space<vmem>>, vector<16xi32>,
    %get3A_1654 = vector.shape_cast %get3A_1653 : vector<16xi32> to vector<16xi32>
    %mul3A_1655 = arith.constant 4 : i32
    %mul3A_1656 = vector.broadcast %mul3A_1655 : i32 to vector<16xi32>
    %mul3A_1657 = arith.muli %get3A_1654, %mul3A_1656 : vector<16xi32>
    %add3A_1658 = arith.constant 0 : i32
    %add3A_1659 = vector.broadcast %add3A_1658 : i32 to vector<16xi32>
    %add3A_1660 = arith.addi %mul3A_1657, %add3A_1659 : vector<16xi32>
    %swap3A_1661 = arith.constant 112 : index
    %swap3A_1662 = tpu.vector_load %arg12[%swap3A_1661] {strides = array<i32>} : memref<128xi32, #tpu.memory_space<vmem>>, vector<16xi32>,
    %swap3A_1663 = vector.shape_cast %swap3A_1662 : vector<16xi32> to vector<16xi32>
    %swap3A_1664 = vector.shape_cast %add3A_1660 : vector<16xi32> to vector<16xi32>
    tpu.vector_store %arg12[%swap3A_1661], %swap3A_1664 {strides = array<i32>} : memref<128xi32, #tpu.memory_space<vmem>>, vector<16xi32>,
    %dma_start3A_1665 = arith.constant 0 : i32
    %dma_start3A_1666 = tpu.memref_slice %arg2[%dma_start3A_1665] : memref<80000xf32, #tpu.memory_space<hbm>> -> memref<80000xf32, #tpu.memory_space<hbm>>
    tpu.enqueue_indirect_dma source(%dma_start3A_1666 : memref<80000xf32, #tpu.memory_space<hbm>>) target(%arg13 : memref<128xf32, #tpu.memory_space<vmem>>) offsets(%arg12 : memref<128xi32, #tpu.memory_space<vmem>>) semaphore(%arg14 : memref<!tpu.dma_semaphore, #tpu.memory_space<semaphore_mem>>)
    %dma_wait3A_1667 = arith.constant 0 : i32
    %dma_wait3A_1668 = tpu.memref_slice %arg2[%dma_wait3A_1667] : memref<80000xf32, #tpu.memory_space<hbm>> -> memref<80000xf32, #tpu.memory_space<hbm>>
    tpu.wait_indirect_dma semaphore(%arg14 : memref<!tpu.dma_semaphore, #tpu.memory_space<semaphore_mem>>) src(%dma_wait3A_1668 : memref<80000xf32, #tpu.memory_space<hbm>>) dst(%arg13 : memref<128xf32, #tpu.memory_space<vmem>>)
    %add3A_1669 = arith.constant 384 : i32
    %add3A_1670 = arith.addi %multiple_of3A, %add3A_1669 : i32
    "tpu.region"() ({
      %run_scoped3A = tpu.sem_alloc : memref<!tpu.dma_semaphore, #tpu.memory_space<semaphore_mem>>
      %dma_start3A_2509 = tpu.memref_slice %arg5[%add3A_1670] : memref<20480xf32, #tpu.memory_space<hbm>> -> memref<128xf32, #tpu.memory_space<hbm>>
      %dma_start3A_2510 = tpu.memref_slice %arg5[%add3A_1670] : memref<20480xf32, #tpu.memory_space<hbm>> -> memref<128xf32, #tpu.memory_space<hbm>>
      tpu.enqueue_dma source(%arg13 : memref<128xf32, #tpu.memory_space<vmem>>) target(%dma_start3A_2510 : memref<128xf32, #tpu.memory_space<hbm>>) target_semaphore(%run_scoped3A : memref<!tpu.dma_semaphore, #tpu.memory_space<semaphore_mem>>)
      %dma_wait3A_2511 = tpu.memref_slice %arg5[%add3A_1670] : memref<20480xf32, #tpu.memory_space<hbm>> -> memref<128xf32, #tpu.memory_space<hbm>>
      %dma_wait3A_2512 = tpu.memref_slice %arg5[%add3A_1670] : memref<20480xf32, #tpu.memory_space<hbm>> -> memref<128xf32, #tpu.memory_space<hbm>>
      tpu.wait_dma2 semaphore(%run_scoped3A : memref<!tpu.dma_semaphore, #tpu.memory_space<semaphore_mem>>) src(%arg13 : memref<128xf32, #tpu.memory_space<vmem>>) dst(%dma_wait3A_2512 : memref<128xf32, #tpu.memory_space<hbm>>)
      tpu.yield
    }) : () -> ()
    %get3A_1671 = arith.constant 0 : index
    %get3A_1672 = tpu.vector_load %arg11[%get3A_1671] {strides = array<i32>} : memref<128xi32, #tpu.memory_space<vmem>>, vector<16xi32>,
    %get3A_1673 = vector.shape_cast %get3A_1672 : vector<16xi32> to vector<16xi32>
    %mul3A_1674 = arith.constant 4 : i32
    %mul3A_1675 = vector.broadcast %mul3A_1674 : i32 to vector<16xi32>
    %mul3A_1676 = arith.muli %get3A_1673, %mul3A_1675 : vector<16xi32>
    %add3A_1677 = arith.constant 1 : i32
    %add3A_1678 = vector.broadcast %add3A_1677 : i32 to vector<16xi32>
    %add3A_1679 = arith.addi %mul3A_1676, %add3A_1678 : vector<16xi32>
    %swap3A_1680 = arith.constant 0 : index
    %swap3A_1681 = tpu.vector_load %arg12[%swap3A_1680] {strides = array<i32>} : memref<128xi32, #tpu.memory_space<vmem>>, vector<16xi32>,
    %swap3A_1682 = vector.shape_cast %swap3A_1681 : vector<16xi32> to vector<16xi32>
    %swap3A_1683 = vector.shape_cast %add3A_1679 : vector<16xi32> to vector<16xi32>
    tpu.vector_store %arg12[%swap3A_1680], %swap3A_1683 {strides = array<i32>} : memref<128xi32, #tpu.memory_space<vmem>>, vector<16xi32>,
    %get3A_1684 = arith.constant 16 : index
    %get3A_1685 = tpu.vector_load %arg11[%get3A_1684] {strides = array<i32>} : memref<128xi32, #tpu.memory_space<vmem>>, vector<16xi32>,
    %get3A_1686 = vector.shape_cast %get3A_1685 : vector<16xi32> to vector<16xi32>
    %mul3A_1687 = arith.constant 4 : i32
    %mul3A_1688 = vector.broadcast %mul3A_1687 : i32 to vector<16xi32>
    %mul3A_1689 = arith.muli %get3A_1686, %mul3A_1688 : vector<16xi32>
    %add3A_1690 = arith.constant 1 : i32
    %add3A_1691 = vector.broadcast %add3A_1690 : i32 to vector<16xi32>
    %add3A_1692 = arith.addi %mul3A_1689, %add3A_1691 : vector<16xi32>
    %swap3A_1693 = arith.constant 16 : index
    %swap3A_1694 = tpu.vector_load %arg12[%swap3A_1693] {strides = array<i32>} : memref<128xi32, #tpu.memory_space<vmem>>, vector<16xi32>,
    %swap3A_1695 = vector.shape_cast %swap3A_1694 : vector<16xi32> to vector<16xi32>
    %swap3A_1696 = vector.shape_cast %add3A_1692 : vector<16xi32> to vector<16xi32>
    tpu.vector_store %arg12[%swap3A_1693], %swap3A_1696 {strides = array<i32>} : memref<128xi32, #tpu.memory_space<vmem>>, vector<16xi32>,
    %get3A_1697 = arith.constant 32 : index
    %get3A_1698 = tpu.vector_load %arg11[%get3A_1697] {strides = array<i32>} : memref<128xi32, #tpu.memory_space<vmem>>, vector<16xi32>,
    %get3A_1699 = vector.shape_cast %get3A_1698 : vector<16xi32> to vector<16xi32>
    %mul3A_1700 = arith.constant 4 : i32
    %mul3A_1701 = vector.broadcast %mul3A_1700 : i32 to vector<16xi32>
    %mul3A_1702 = arith.muli %get3A_1699, %mul3A_1701 : vector<16xi32>
    %add3A_1703 = arith.constant 1 : i32
    %add3A_1704 = vector.broadcast %add3A_1703 : i32 to vector<16xi32>
    %add3A_1705 = arith.addi %mul3A_1702, %add3A_1704 : vector<16xi32>
    %swap3A_1706 = arith.constant 32 : index
    %swap3A_1707 = tpu.vector_load %arg12[%swap3A_1706] {strides = array<i32>} : memref<128xi32, #tpu.memory_space<vmem>>, vector<16xi32>,
    %swap3A_1708 = vector.shape_cast %swap3A_1707 : vector<16xi32> to vector<16xi32>
    %swap3A_1709 = vector.shape_cast %add3A_1705 : vector<16xi32> to vector<16xi32>
    tpu.vector_store %arg12[%swap3A_1706], %swap3A_1709 {strides = array<i32>} : memref<128xi32, #tpu.memory_space<vmem>>, vector<16xi32>,
    %get3A_1710 = arith.constant 48 : index
    %get3A_1711 = tpu.vector_load %arg11[%get3A_1710] {strides = array<i32>} : memref<128xi32, #tpu.memory_space<vmem>>, vector<16xi32>,
    %get3A_1712 = vector.shape_cast %get3A_1711 : vector<16xi32> to vector<16xi32>
    %mul3A_1713 = arith.constant 4 : i32
    %mul3A_1714 = vector.broadcast %mul3A_1713 : i32 to vector<16xi32>
    %mul3A_1715 = arith.muli %get3A_1712, %mul3A_1714 : vector<16xi32>
    %add3A_1716 = arith.constant 1 : i32
    %add3A_1717 = vector.broadcast %add3A_1716 : i32 to vector<16xi32>
    %add3A_1718 = arith.addi %mul3A_1715, %add3A_1717 : vector<16xi32>
    %swap3A_1719 = arith.constant 48 : index
    %swap3A_1720 = tpu.vector_load %arg12[%swap3A_1719] {strides = array<i32>} : memref<128xi32, #tpu.memory_space<vmem>>, vector<16xi32>,
    %swap3A_1721 = vector.shape_cast %swap3A_1720 : vector<16xi32> to vector<16xi32>
    %swap3A_1722 = vector.shape_cast %add3A_1718 : vector<16xi32> to vector<16xi32>
    tpu.vector_store %arg12[%swap3A_1719], %swap3A_1722 {strides = array<i32>} : memref<128xi32, #tpu.memory_space<vmem>>, vector<16xi32>,
    %get3A_1723 = arith.constant 64 : index
    %get3A_1724 = tpu.vector_load %arg11[%get3A_1723] {strides = array<i32>} : memref<128xi32, #tpu.memory_space<vmem>>, vector<16xi32>,
    %get3A_1725 = vector.shape_cast %get3A_1724 : vector<16xi32> to vector<16xi32>
    %mul3A_1726 = arith.constant 4 : i32
    %mul3A_1727 = vector.broadcast %mul3A_1726 : i32 to vector<16xi32>
    %mul3A_1728 = arith.muli %get3A_1725, %mul3A_1727 : vector<16xi32>
    %add3A_1729 = arith.constant 1 : i32
    %add3A_1730 = vector.broadcast %add3A_1729 : i32 to vector<16xi32>
    %add3A_1731 = arith.addi %mul3A_1728, %add3A_1730 : vector<16xi32>
    %swap3A_1732 = arith.constant 64 : index
    %swap3A_1733 = tpu.vector_load %arg12[%swap3A_1732] {strides = array<i32>} : memref<128xi32, #tpu.memory_space<vmem>>, vector<16xi32>,
    %swap3A_1734 = vector.shape_cast %swap3A_1733 : vector<16xi32> to vector<16xi32>
    %swap3A_1735 = vector.shape_cast %add3A_1731 : vector<16xi32> to vector<16xi32>
    tpu.vector_store %arg12[%swap3A_1732], %swap3A_1735 {strides = array<i32>} : memref<128xi32, #tpu.memory_space<vmem>>, vector<16xi32>,
    %get3A_1736 = arith.constant 80 : index
    %get3A_1737 = tpu.vector_load %arg11[%get3A_1736] {strides = array<i32>} : memref<128xi32, #tpu.memory_space<vmem>>, vector<16xi32>,
    %get3A_1738 = vector.shape_cast %get3A_1737 : vector<16xi32> to vector<16xi32>
    %mul3A_1739 = arith.constant 4 : i32
    %mul3A_1740 = vector.broadcast %mul3A_1739 : i32 to vector<16xi32>
    %mul3A_1741 = arith.muli %get3A_1738, %mul3A_1740 : vector<16xi32>
    %add3A_1742 = arith.constant 1 : i32
    %add3A_1743 = vector.broadcast %add3A_1742 : i32 to vector<16xi32>
    %add3A_1744 = arith.addi %mul3A_1741, %add3A_1743 : vector<16xi32>
    %swap3A_1745 = arith.constant 80 : index
    %swap3A_1746 = tpu.vector_load %arg12[%swap3A_1745] {strides = array<i32>} : memref<128xi32, #tpu.memory_space<vmem>>, vector<16xi32>,
    %swap3A_1747 = vector.shape_cast %swap3A_1746 : vector<16xi32> to vector<16xi32>
    %swap3A_1748 = vector.shape_cast %add3A_1744 : vector<16xi32> to vector<16xi32>
    tpu.vector_store %arg12[%swap3A_1745], %swap3A_1748 {strides = array<i32>} : memref<128xi32, #tpu.memory_space<vmem>>, vector<16xi32>,
    %get3A_1749 = arith.constant 96 : index
    %get3A_1750 = tpu.vector_load %arg11[%get3A_1749] {strides = array<i32>} : memref<128xi32, #tpu.memory_space<vmem>>, vector<16xi32>,
    %get3A_1751 = vector.shape_cast %get3A_1750 : vector<16xi32> to vector<16xi32>
    %mul3A_1752 = arith.constant 4 : i32
    %mul3A_1753 = vector.broadcast %mul3A_1752 : i32 to vector<16xi32>
    %mul3A_1754 = arith.muli %get3A_1751, %mul3A_1753 : vector<16xi32>
    %add3A_1755 = arith.constant 1 : i32
    %add3A_1756 = vector.broadcast %add3A_1755 : i32 to vector<16xi32>
    %add3A_1757 = arith.addi %mul3A_1754, %add3A_1756 : vector<16xi32>
    %swap3A_1758 = arith.constant 96 : index
    %swap3A_1759 = tpu.vector_load %arg12[%swap3A_1758] {strides = array<i32>} : memref<128xi32, #tpu.memory_space<vmem>>, vector<16xi32>,
    %swap3A_1760 = vector.shape_cast %swap3A_1759 : vector<16xi32> to vector<16xi32>
    %swap3A_1761 = vector.shape_cast %add3A_1757 : vector<16xi32> to vector<16xi32>
    tpu.vector_store %arg12[%swap3A_1758], %swap3A_1761 {strides = array<i32>} : memref<128xi32, #tpu.memory_space<vmem>>, vector<16xi32>,
    %get3A_1762 = arith.constant 112 : index
    %get3A_1763 = tpu.vector_load %arg11[%get3A_1762] {strides = array<i32>} : memref<128xi32, #tpu.memory_space<vmem>>, vector<16xi32>,
    %get3A_1764 = vector.shape_cast %get3A_1763 : vector<16xi32> to vector<16xi32>
    %mul3A_1765 = arith.constant 4 : i32
    %mul3A_1766 = vector.broadcast %mul3A_1765 : i32 to vector<16xi32>
    %mul3A_1767 = arith.muli %get3A_1764, %mul3A_1766 : vector<16xi32>
    %add3A_1768 = arith.constant 1 : i32
    %add3A_1769 = vector.broadcast %add3A_1768 : i32 to vector<16xi32>
    %add3A_1770 = arith.addi %mul3A_1767, %add3A_1769 : vector<16xi32>
    %swap3A_1771 = arith.constant 112 : index
    %swap3A_1772 = tpu.vector_load %arg12[%swap3A_1771] {strides = array<i32>} : memref<128xi32, #tpu.memory_space<vmem>>, vector<16xi32>,
    %swap3A_1773 = vector.shape_cast %swap3A_1772 : vector<16xi32> to vector<16xi32>
    %swap3A_1774 = vector.shape_cast %add3A_1770 : vector<16xi32> to vector<16xi32>
    tpu.vector_store %arg12[%swap3A_1771], %swap3A_1774 {strides = array<i32>} : memref<128xi32, #tpu.memory_space<vmem>>, vector<16xi32>,
    %dma_start3A_1775 = arith.constant 0 : i32
    %dma_start3A_1776 = tpu.memref_slice %arg2[%dma_start3A_1775] : memref<80000xf32, #tpu.memory_space<hbm>> -> memref<80000xf32, #tpu.memory_space<hbm>>
    tpu.enqueue_indirect_dma source(%dma_start3A_1776 : memref<80000xf32, #tpu.memory_space<hbm>>) target(%arg13 : memref<128xf32, #tpu.memory_space<vmem>>) offsets(%arg12 : memref<128xi32, #tpu.memory_space<vmem>>) semaphore(%arg14 : memref<!tpu.dma_semaphore, #tpu.memory_space<semaphore_mem>>)
    %dma_wait3A_1777 = arith.constant 0 : i32
    %dma_wait3A_1778 = tpu.memref_slice %arg2[%dma_wait3A_1777] : memref<80000xf32, #tpu.memory_space<hbm>> -> memref<80000xf32, #tpu.memory_space<hbm>>
    tpu.wait_indirect_dma semaphore(%arg14 : memref<!tpu.dma_semaphore, #tpu.memory_space<semaphore_mem>>) src(%dma_wait3A_1778 : memref<80000xf32, #tpu.memory_space<hbm>>) dst(%arg13 : memref<128xf32, #tpu.memory_space<vmem>>)
    %add3A_1779 = arith.constant 384 : i32
    %add3A_1780 = arith.addi %multiple_of3A, %add3A_1779 : i32
    "tpu.region"() ({
      %run_scoped3A = tpu.sem_alloc : memref<!tpu.dma_semaphore, #tpu.memory_space<semaphore_mem>>
      %dma_start3A_2509 = tpu.memref_slice %arg6[%add3A_1780] : memref<20480xf32, #tpu.memory_space<hbm>> -> memref<128xf32, #tpu.memory_space<hbm>>
      %dma_start3A_2510 = tpu.memref_slice %arg6[%add3A_1780] : memref<20480xf32, #tpu.memory_space<hbm>> -> memref<128xf32, #tpu.memory_space<hbm>>
      tpu.enqueue_dma source(%arg13 : memref<128xf32, #tpu.memory_space<vmem>>) target(%dma_start3A_2510 : memref<128xf32, #tpu.memory_space<hbm>>) target_semaphore(%run_scoped3A : memref<!tpu.dma_semaphore, #tpu.memory_space<semaphore_mem>>)
      %dma_wait3A_2511 = tpu.memref_slice %arg6[%add3A_1780] : memref<20480xf32, #tpu.memory_space<hbm>> -> memref<128xf32, #tpu.memory_space<hbm>>
      %dma_wait3A_2512 = tpu.memref_slice %arg6[%add3A_1780] : memref<20480xf32, #tpu.memory_space<hbm>> -> memref<128xf32, #tpu.memory_space<hbm>>
      tpu.wait_dma2 semaphore(%run_scoped3A : memref<!tpu.dma_semaphore, #tpu.memory_space<semaphore_mem>>) src(%arg13 : memref<128xf32, #tpu.memory_space<vmem>>) dst(%dma_wait3A_2512 : memref<128xf32, #tpu.memory_space<hbm>>)
      tpu.yield
    }) : () -> ()
    %get3A_1781 = arith.constant 0 : index
    %get3A_1782 = tpu.vector_load %arg11[%get3A_1781] {strides = array<i32>} : memref<128xi32, #tpu.memory_space<vmem>>, vector<16xi32>,
    %get3A_1783 = vector.shape_cast %get3A_1782 : vector<16xi32> to vector<16xi32>
    %mul3A_1784 = arith.constant 4 : i32
    %mul3A_1785 = vector.broadcast %mul3A_1784 : i32 to vector<16xi32>
    %mul3A_1786 = arith.muli %get3A_1783, %mul3A_1785 : vector<16xi32>
    %add3A_1787 = arith.constant 2 : i32
    %add3A_1788 = vector.broadcast %add3A_1787 : i32 to vector<16xi32>
    %add3A_1789 = arith.addi %mul3A_1786, %add3A_1788 : vector<16xi32>
    %swap3A_1790 = arith.constant 0 : index
    %swap3A_1791 = tpu.vector_load %arg12[%swap3A_1790] {strides = array<i32>} : memref<128xi32, #tpu.memory_space<vmem>>, vector<16xi32>,
    %swap3A_1792 = vector.shape_cast %swap3A_1791 : vector<16xi32> to vector<16xi32>
    %swap3A_1793 = vector.shape_cast %add3A_1789 : vector<16xi32> to vector<16xi32>
    tpu.vector_store %arg12[%swap3A_1790], %swap3A_1793 {strides = array<i32>} : memref<128xi32, #tpu.memory_space<vmem>>, vector<16xi32>,
    %get3A_1794 = arith.constant 16 : index
    %get3A_1795 = tpu.vector_load %arg11[%get3A_1794] {strides = array<i32>} : memref<128xi32, #tpu.memory_space<vmem>>, vector<16xi32>,
    %get3A_1796 = vector.shape_cast %get3A_1795 : vector<16xi32> to vector<16xi32>
    %mul3A_1797 = arith.constant 4 : i32
    %mul3A_1798 = vector.broadcast %mul3A_1797 : i32 to vector<16xi32>
    %mul3A_1799 = arith.muli %get3A_1796, %mul3A_1798 : vector<16xi32>
    %add3A_1800 = arith.constant 2 : i32
    %add3A_1801 = vector.broadcast %add3A_1800 : i32 to vector<16xi32>
    %add3A_1802 = arith.addi %mul3A_1799, %add3A_1801 : vector<16xi32>
    %swap3A_1803 = arith.constant 16 : index
    %swap3A_1804 = tpu.vector_load %arg12[%swap3A_1803] {strides = array<i32>} : memref<128xi32, #tpu.memory_space<vmem>>, vector<16xi32>,
    %swap3A_1805 = vector.shape_cast %swap3A_1804 : vector<16xi32> to vector<16xi32>
    %swap3A_1806 = vector.shape_cast %add3A_1802 : vector<16xi32> to vector<16xi32>
    tpu.vector_store %arg12[%swap3A_1803], %swap3A_1806 {strides = array<i32>} : memref<128xi32, #tpu.memory_space<vmem>>, vector<16xi32>,
    %get3A_1807 = arith.constant 32 : index
    %get3A_1808 = tpu.vector_load %arg11[%get3A_1807] {strides = array<i32>} : memref<128xi32, #tpu.memory_space<vmem>>, vector<16xi32>,
    %get3A_1809 = vector.shape_cast %get3A_1808 : vector<16xi32> to vector<16xi32>
    %mul3A_1810 = arith.constant 4 : i32
    %mul3A_1811 = vector.broadcast %mul3A_1810 : i32 to vector<16xi32>
    %mul3A_1812 = arith.muli %get3A_1809, %mul3A_1811 : vector<16xi32>
    %add3A_1813 = arith.constant 2 : i32
    %add3A_1814 = vector.broadcast %add3A_1813 : i32 to vector<16xi32>
    %add3A_1815 = arith.addi %mul3A_1812, %add3A_1814 : vector<16xi32>
    %swap3A_1816 = arith.constant 32 : index
    %swap3A_1817 = tpu.vector_load %arg12[%swap3A_1816] {strides = array<i32>} : memref<128xi32, #tpu.memory_space<vmem>>, vector<16xi32>,
    %swap3A_1818 = vector.shape_cast %swap3A_1817 : vector<16xi32> to vector<16xi32>
    %swap3A_1819 = vector.shape_cast %add3A_1815 : vector<16xi32> to vector<16xi32>
    tpu.vector_store %arg12[%swap3A_1816], %swap3A_1819 {strides = array<i32>} : memref<128xi32, #tpu.memory_space<vmem>>, vector<16xi32>,
    %get3A_1820 = arith.constant 48 : index
    %get3A_1821 = tpu.vector_load %arg11[%get3A_1820] {strides = array<i32>} : memref<128xi32, #tpu.memory_space<vmem>>, vector<16xi32>,
    %get3A_1822 = vector.shape_cast %get3A_1821 : vector<16xi32> to vector<16xi32>
    %mul3A_1823 = arith.constant 4 : i32
    %mul3A_1824 = vector.broadcast %mul3A_1823 : i32 to vector<16xi32>
    %mul3A_1825 = arith.muli %get3A_1822, %mul3A_1824 : vector<16xi32>
    %add3A_1826 = arith.constant 2 : i32
    %add3A_1827 = vector.broadcast %add3A_1826 : i32 to vector<16xi32>
    %add3A_1828 = arith.addi %mul3A_1825, %add3A_1827 : vector<16xi32>
    %swap3A_1829 = arith.constant 48 : index
    %swap3A_1830 = tpu.vector_load %arg12[%swap3A_1829] {strides = array<i32>} : memref<128xi32, #tpu.memory_space<vmem>>, vector<16xi32>,
    %swap3A_1831 = vector.shape_cast %swap3A_1830 : vector<16xi32> to vector<16xi32>
    %swap3A_1832 = vector.shape_cast %add3A_1828 : vector<16xi32> to vector<16xi32>
    tpu.vector_store %arg12[%swap3A_1829], %swap3A_1832 {strides = array<i32>} : memref<128xi32, #tpu.memory_space<vmem>>, vector<16xi32>,
    %get3A_1833 = arith.constant 64 : index
    %get3A_1834 = tpu.vector_load %arg11[%get3A_1833] {strides = array<i32>} : memref<128xi32, #tpu.memory_space<vmem>>, vector<16xi32>,
    %get3A_1835 = vector.shape_cast %get3A_1834 : vector<16xi32> to vector<16xi32>
    %mul3A_1836 = arith.constant 4 : i32
    %mul3A_1837 = vector.broadcast %mul3A_1836 : i32 to vector<16xi32>
    %mul3A_1838 = arith.muli %get3A_1835, %mul3A_1837 : vector<16xi32>
    %add3A_1839 = arith.constant 2 : i32
    %add3A_1840 = vector.broadcast %add3A_1839 : i32 to vector<16xi32>
    %add3A_1841 = arith.addi %mul3A_1838, %add3A_1840 : vector<16xi32>
    %swap3A_1842 = arith.constant 64 : index
    %swap3A_1843 = tpu.vector_load %arg12[%swap3A_1842] {strides = array<i32>} : memref<128xi32, #tpu.memory_space<vmem>>, vector<16xi32>,
    %swap3A_1844 = vector.shape_cast %swap3A_1843 : vector<16xi32> to vector<16xi32>
    %swap3A_1845 = vector.shape_cast %add3A_1841 : vector<16xi32> to vector<16xi32>
    tpu.vector_store %arg12[%swap3A_1842], %swap3A_1845 {strides = array<i32>} : memref<128xi32, #tpu.memory_space<vmem>>, vector<16xi32>,
    %get3A_1846 = arith.constant 80 : index
    %get3A_1847 = tpu.vector_load %arg11[%get3A_1846] {strides = array<i32>} : memref<128xi32, #tpu.memory_space<vmem>>, vector<16xi32>,
    %get3A_1848 = vector.shape_cast %get3A_1847 : vector<16xi32> to vector<16xi32>
    %mul3A_1849 = arith.constant 4 : i32
    %mul3A_1850 = vector.broadcast %mul3A_1849 : i32 to vector<16xi32>
    %mul3A_1851 = arith.muli %get3A_1848, %mul3A_1850 : vector<16xi32>
    %add3A_1852 = arith.constant 2 : i32
    %add3A_1853 = vector.broadcast %add3A_1852 : i32 to vector<16xi32>
    %add3A_1854 = arith.addi %mul3A_1851, %add3A_1853 : vector<16xi32>
    %swap3A_1855 = arith.constant 80 : index
    %swap3A_1856 = tpu.vector_load %arg12[%swap3A_1855] {strides = array<i32>} : memref<128xi32, #tpu.memory_space<vmem>>, vector<16xi32>,
    %swap3A_1857 = vector.shape_cast %swap3A_1856 : vector<16xi32> to vector<16xi32>
    %swap3A_1858 = vector.shape_cast %add3A_1854 : vector<16xi32> to vector<16xi32>
    tpu.vector_store %arg12[%swap3A_1855], %swap3A_1858 {strides = array<i32>} : memref<128xi32, #tpu.memory_space<vmem>>, vector<16xi32>,
    %get3A_1859 = arith.constant 96 : index
    %get3A_1860 = tpu.vector_load %arg11[%get3A_1859] {strides = array<i32>} : memref<128xi32, #tpu.memory_space<vmem>>, vector<16xi32>,
    %get3A_1861 = vector.shape_cast %get3A_1860 : vector<16xi32> to vector<16xi32>
    %mul3A_1862 = arith.constant 4 : i32
    %mul3A_1863 = vector.broadcast %mul3A_1862 : i32 to vector<16xi32>
    %mul3A_1864 = arith.muli %get3A_1861, %mul3A_1863 : vector<16xi32>
    %add3A_1865 = arith.constant 2 : i32
    %add3A_1866 = vector.broadcast %add3A_1865 : i32 to vector<16xi32>
    %add3A_1867 = arith.addi %mul3A_1864, %add3A_1866 : vector<16xi32>
    %swap3A_1868 = arith.constant 96 : index
    %swap3A_1869 = tpu.vector_load %arg12[%swap3A_1868] {strides = array<i32>} : memref<128xi32, #tpu.memory_space<vmem>>, vector<16xi32>,
    %swap3A_1870 = vector.shape_cast %swap3A_1869 : vector<16xi32> to vector<16xi32>
    %swap3A_1871 = vector.shape_cast %add3A_1867 : vector<16xi32> to vector<16xi32>
    tpu.vector_store %arg12[%swap3A_1868], %swap3A_1871 {strides = array<i32>} : memref<128xi32, #tpu.memory_space<vmem>>, vector<16xi32>,
    %get3A_1872 = arith.constant 112 : index
    %get3A_1873 = tpu.vector_load %arg11[%get3A_1872] {strides = array<i32>} : memref<128xi32, #tpu.memory_space<vmem>>, vector<16xi32>,
    %get3A_1874 = vector.shape_cast %get3A_1873 : vector<16xi32> to vector<16xi32>
    %mul3A_1875 = arith.constant 4 : i32
    %mul3A_1876 = vector.broadcast %mul3A_1875 : i32 to vector<16xi32>
    %mul3A_1877 = arith.muli %get3A_1874, %mul3A_1876 : vector<16xi32>
    %add3A_1878 = arith.constant 2 : i32
    %add3A_1879 = vector.broadcast %add3A_1878 : i32 to vector<16xi32>
    %add3A_1880 = arith.addi %mul3A_1877, %add3A_1879 : vector<16xi32>
    %swap3A_1881 = arith.constant 112 : index
    %swap3A_1882 = tpu.vector_load %arg12[%swap3A_1881] {strides = array<i32>} : memref<128xi32, #tpu.memory_space<vmem>>, vector<16xi32>,
    %swap3A_1883 = vector.shape_cast %swap3A_1882 : vector<16xi32> to vector<16xi32>
    %swap3A_1884 = vector.shape_cast %add3A_1880 : vector<16xi32> to vector<16xi32>
    tpu.vector_store %arg12[%swap3A_1881], %swap3A_1884 {strides = array<i32>} : memref<128xi32, #tpu.memory_space<vmem>>, vector<16xi32>,
    %dma_start3A_1885 = arith.constant 0 : i32
    %dma_start3A_1886 = tpu.memref_slice %arg2[%dma_start3A_1885] : memref<80000xf32, #tpu.memory_space<hbm>> -> memref<80000xf32, #tpu.memory_space<hbm>>
    tpu.enqueue_indirect_dma source(%dma_start3A_1886 : memref<80000xf32, #tpu.memory_space<hbm>>) target(%arg13 : memref<128xf32, #tpu.memory_space<vmem>>) offsets(%arg12 : memref<128xi32, #tpu.memory_space<vmem>>) semaphore(%arg14 : memref<!tpu.dma_semaphore, #tpu.memory_space<semaphore_mem>>)
    %dma_wait3A_1887 = arith.constant 0 : i32
    %dma_wait3A_1888 = tpu.memref_slice %arg2[%dma_wait3A_1887] : memref<80000xf32, #tpu.memory_space<hbm>> -> memref<80000xf32, #tpu.memory_space<hbm>>
    tpu.wait_indirect_dma semaphore(%arg14 : memref<!tpu.dma_semaphore, #tpu.memory_space<semaphore_mem>>) src(%dma_wait3A_1888 : memref<80000xf32, #tpu.memory_space<hbm>>) dst(%arg13 : memref<128xf32, #tpu.memory_space<vmem>>)
    %add3A_1889 = arith.constant 384 : i32
    %add3A_1890 = arith.addi %multiple_of3A, %add3A_1889 : i32
    "tpu.region"() ({
      %run_scoped3A = tpu.sem_alloc : memref<!tpu.dma_semaphore, #tpu.memory_space<semaphore_mem>>
      %dma_start3A_2509 = tpu.memref_slice %arg7[%add3A_1890] : memref<20480xf32, #tpu.memory_space<hbm>> -> memref<128xf32, #tpu.memory_space<hbm>>
      %dma_start3A_2510 = tpu.memref_slice %arg7[%add3A_1890] : memref<20480xf32, #tpu.memory_space<hbm>> -> memref<128xf32, #tpu.memory_space<hbm>>
      tpu.enqueue_dma source(%arg13 : memref<128xf32, #tpu.memory_space<vmem>>) target(%dma_start3A_2510 : memref<128xf32, #tpu.memory_space<hbm>>) target_semaphore(%run_scoped3A : memref<!tpu.dma_semaphore, #tpu.memory_space<semaphore_mem>>)
      %dma_wait3A_2511 = tpu.memref_slice %arg7[%add3A_1890] : memref<20480xf32, #tpu.memory_space<hbm>> -> memref<128xf32, #tpu.memory_space<hbm>>
      %dma_wait3A_2512 = tpu.memref_slice %arg7[%add3A_1890] : memref<20480xf32, #tpu.memory_space<hbm>> -> memref<128xf32, #tpu.memory_space<hbm>>
      tpu.wait_dma2 semaphore(%run_scoped3A : memref<!tpu.dma_semaphore, #tpu.memory_space<semaphore_mem>>) src(%arg13 : memref<128xf32, #tpu.memory_space<vmem>>) dst(%dma_wait3A_2512 : memref<128xf32, #tpu.memory_space<hbm>>)
      tpu.yield
    }) : () -> ()
    %get3A_1891 = arith.constant 0 : index
    %get3A_1892 = tpu.vector_load %arg11[%get3A_1891] {strides = array<i32>} : memref<128xi32, #tpu.memory_space<vmem>>, vector<16xi32>,
    %get3A_1893 = vector.shape_cast %get3A_1892 : vector<16xi32> to vector<16xi32>
    %mul3A_1894 = arith.constant 4 : i32
    %mul3A_1895 = vector.broadcast %mul3A_1894 : i32 to vector<16xi32>
    %mul3A_1896 = arith.muli %get3A_1893, %mul3A_1895 : vector<16xi32>
    %add3A_1897 = arith.constant 3 : i32
    %add3A_1898 = vector.broadcast %add3A_1897 : i32 to vector<16xi32>
    %add3A_1899 = arith.addi %mul3A_1896, %add3A_1898 : vector<16xi32>
    %swap3A_1900 = arith.constant 0 : index
    %swap3A_1901 = tpu.vector_load %arg12[%swap3A_1900] {strides = array<i32>} : memref<128xi32, #tpu.memory_space<vmem>>, vector<16xi32>,
    %swap3A_1902 = vector.shape_cast %swap3A_1901 : vector<16xi32> to vector<16xi32>
    %swap3A_1903 = vector.shape_cast %add3A_1899 : vector<16xi32> to vector<16xi32>
    tpu.vector_store %arg12[%swap3A_1900], %swap3A_1903 {strides = array<i32>} : memref<128xi32, #tpu.memory_space<vmem>>, vector<16xi32>,
    %get3A_1904 = arith.constant 16 : index
    %get3A_1905 = tpu.vector_load %arg11[%get3A_1904] {strides = array<i32>} : memref<128xi32, #tpu.memory_space<vmem>>, vector<16xi32>,
    %get3A_1906 = vector.shape_cast %get3A_1905 : vector<16xi32> to vector<16xi32>
    %mul3A_1907 = arith.constant 4 : i32
    %mul3A_1908 = vector.broadcast %mul3A_1907 : i32 to vector<16xi32>
    %mul3A_1909 = arith.muli %get3A_1906, %mul3A_1908 : vector<16xi32>
    %add3A_1910 = arith.constant 3 : i32
    %add3A_1911 = vector.broadcast %add3A_1910 : i32 to vector<16xi32>
    %add3A_1912 = arith.addi %mul3A_1909, %add3A_1911 : vector<16xi32>
    %swap3A_1913 = arith.constant 16 : index
    %swap3A_1914 = tpu.vector_load %arg12[%swap3A_1913] {strides = array<i32>} : memref<128xi32, #tpu.memory_space<vmem>>, vector<16xi32>,
    %swap3A_1915 = vector.shape_cast %swap3A_1914 : vector<16xi32> to vector<16xi32>
    %swap3A_1916 = vector.shape_cast %add3A_1912 : vector<16xi32> to vector<16xi32>
    tpu.vector_store %arg12[%swap3A_1913], %swap3A_1916 {strides = array<i32>} : memref<128xi32, #tpu.memory_space<vmem>>, vector<16xi32>,
    %get3A_1917 = arith.constant 32 : index
    %get3A_1918 = tpu.vector_load %arg11[%get3A_1917] {strides = array<i32>} : memref<128xi32, #tpu.memory_space<vmem>>, vector<16xi32>,
    %get3A_1919 = vector.shape_cast %get3A_1918 : vector<16xi32> to vector<16xi32>
    %mul3A_1920 = arith.constant 4 : i32
    %mul3A_1921 = vector.broadcast %mul3A_1920 : i32 to vector<16xi32>
    %mul3A_1922 = arith.muli %get3A_1919, %mul3A_1921 : vector<16xi32>
    %add3A_1923 = arith.constant 3 : i32
    %add3A_1924 = vector.broadcast %add3A_1923 : i32 to vector<16xi32>
    %add3A_1925 = arith.addi %mul3A_1922, %add3A_1924 : vector<16xi32>
    %swap3A_1926 = arith.constant 32 : index
    %swap3A_1927 = tpu.vector_load %arg12[%swap3A_1926] {strides = array<i32>} : memref<128xi32, #tpu.memory_space<vmem>>, vector<16xi32>,
    %swap3A_1928 = vector.shape_cast %swap3A_1927 : vector<16xi32> to vector<16xi32>
    %swap3A_1929 = vector.shape_cast %add3A_1925 : vector<16xi32> to vector<16xi32>
    tpu.vector_store %arg12[%swap3A_1926], %swap3A_1929 {strides = array<i32>} : memref<128xi32, #tpu.memory_space<vmem>>, vector<16xi32>,
    %get3A_1930 = arith.constant 48 : index
    %get3A_1931 = tpu.vector_load %arg11[%get3A_1930] {strides = array<i32>} : memref<128xi32, #tpu.memory_space<vmem>>, vector<16xi32>,
    %get3A_1932 = vector.shape_cast %get3A_1931 : vector<16xi32> to vector<16xi32>
    %mul3A_1933 = arith.constant 4 : i32
    %mul3A_1934 = vector.broadcast %mul3A_1933 : i32 to vector<16xi32>
    %mul3A_1935 = arith.muli %get3A_1932, %mul3A_1934 : vector<16xi32>
    %add3A_1936 = arith.constant 3 : i32
    %add3A_1937 = vector.broadcast %add3A_1936 : i32 to vector<16xi32>
    %add3A_1938 = arith.addi %mul3A_1935, %add3A_1937 : vector<16xi32>
    %swap3A_1939 = arith.constant 48 : index
    %swap3A_1940 = tpu.vector_load %arg12[%swap3A_1939] {strides = array<i32>} : memref<128xi32, #tpu.memory_space<vmem>>, vector<16xi32>,
    %swap3A_1941 = vector.shape_cast %swap3A_1940 : vector<16xi32> to vector<16xi32>
    %swap3A_1942 = vector.shape_cast %add3A_1938 : vector<16xi32> to vector<16xi32>
    tpu.vector_store %arg12[%swap3A_1939], %swap3A_1942 {strides = array<i32>} : memref<128xi32, #tpu.memory_space<vmem>>, vector<16xi32>,
    %get3A_1943 = arith.constant 64 : index
    %get3A_1944 = tpu.vector_load %arg11[%get3A_1943] {strides = array<i32>} : memref<128xi32, #tpu.memory_space<vmem>>, vector<16xi32>,
    %get3A_1945 = vector.shape_cast %get3A_1944 : vector<16xi32> to vector<16xi32>
    %mul3A_1946 = arith.constant 4 : i32
    %mul3A_1947 = vector.broadcast %mul3A_1946 : i32 to vector<16xi32>
    %mul3A_1948 = arith.muli %get3A_1945, %mul3A_1947 : vector<16xi32>
    %add3A_1949 = arith.constant 3 : i32
    %add3A_1950 = vector.broadcast %add3A_1949 : i32 to vector<16xi32>
    %add3A_1951 = arith.addi %mul3A_1948, %add3A_1950 : vector<16xi32>
    %swap3A_1952 = arith.constant 64 : index
    %swap3A_1953 = tpu.vector_load %arg12[%swap3A_1952] {strides = array<i32>} : memref<128xi32, #tpu.memory_space<vmem>>, vector<16xi32>,
    %swap3A_1954 = vector.shape_cast %swap3A_1953 : vector<16xi32> to vector<16xi32>
    %swap3A_1955 = vector.shape_cast %add3A_1951 : vector<16xi32> to vector<16xi32>
    tpu.vector_store %arg12[%swap3A_1952], %swap3A_1955 {strides = array<i32>} : memref<128xi32, #tpu.memory_space<vmem>>, vector<16xi32>,
    %get3A_1956 = arith.constant 80 : index
    %get3A_1957 = tpu.vector_load %arg11[%get3A_1956] {strides = array<i32>} : memref<128xi32, #tpu.memory_space<vmem>>, vector<16xi32>,
    %get3A_1958 = vector.shape_cast %get3A_1957 : vector<16xi32> to vector<16xi32>
    %mul3A_1959 = arith.constant 4 : i32
    %mul3A_1960 = vector.broadcast %mul3A_1959 : i32 to vector<16xi32>
    %mul3A_1961 = arith.muli %get3A_1958, %mul3A_1960 : vector<16xi32>
    %add3A_1962 = arith.constant 3 : i32
    %add3A_1963 = vector.broadcast %add3A_1962 : i32 to vector<16xi32>
    %add3A_1964 = arith.addi %mul3A_1961, %add3A_1963 : vector<16xi32>
    %swap3A_1965 = arith.constant 80 : index
    %swap3A_1966 = tpu.vector_load %arg12[%swap3A_1965] {strides = array<i32>} : memref<128xi32, #tpu.memory_space<vmem>>, vector<16xi32>,
    %swap3A_1967 = vector.shape_cast %swap3A_1966 : vector<16xi32> to vector<16xi32>
    %swap3A_1968 = vector.shape_cast %add3A_1964 : vector<16xi32> to vector<16xi32>
    tpu.vector_store %arg12[%swap3A_1965], %swap3A_1968 {strides = array<i32>} : memref<128xi32, #tpu.memory_space<vmem>>, vector<16xi32>,
    %get3A_1969 = arith.constant 96 : index
    %get3A_1970 = tpu.vector_load %arg11[%get3A_1969] {strides = array<i32>} : memref<128xi32, #tpu.memory_space<vmem>>, vector<16xi32>,
    %get3A_1971 = vector.shape_cast %get3A_1970 : vector<16xi32> to vector<16xi32>
    %mul3A_1972 = arith.constant 4 : i32
    %mul3A_1973 = vector.broadcast %mul3A_1972 : i32 to vector<16xi32>
    %mul3A_1974 = arith.muli %get3A_1971, %mul3A_1973 : vector<16xi32>
    %add3A_1975 = arith.constant 3 : i32
    %add3A_1976 = vector.broadcast %add3A_1975 : i32 to vector<16xi32>
    %add3A_1977 = arith.addi %mul3A_1974, %add3A_1976 : vector<16xi32>
    %swap3A_1978 = arith.constant 96 : index
    %swap3A_1979 = tpu.vector_load %arg12[%swap3A_1978] {strides = array<i32>} : memref<128xi32, #tpu.memory_space<vmem>>, vector<16xi32>,
    %swap3A_1980 = vector.shape_cast %swap3A_1979 : vector<16xi32> to vector<16xi32>
    %swap3A_1981 = vector.shape_cast %add3A_1977 : vector<16xi32> to vector<16xi32>
    tpu.vector_store %arg12[%swap3A_1978], %swap3A_1981 {strides = array<i32>} : memref<128xi32, #tpu.memory_space<vmem>>, vector<16xi32>,
    %get3A_1982 = arith.constant 112 : index
    %get3A_1983 = tpu.vector_load %arg11[%get3A_1982] {strides = array<i32>} : memref<128xi32, #tpu.memory_space<vmem>>, vector<16xi32>,
    %get3A_1984 = vector.shape_cast %get3A_1983 : vector<16xi32> to vector<16xi32>
    %mul3A_1985 = arith.constant 4 : i32
    %mul3A_1986 = vector.broadcast %mul3A_1985 : i32 to vector<16xi32>
    %mul3A_1987 = arith.muli %get3A_1984, %mul3A_1986 : vector<16xi32>
    %add3A_1988 = arith.constant 3 : i32
    %add3A_1989 = vector.broadcast %add3A_1988 : i32 to vector<16xi32>
    %add3A_1990 = arith.addi %mul3A_1987, %add3A_1989 : vector<16xi32>
    %swap3A_1991 = arith.constant 112 : index
    %swap3A_1992 = tpu.vector_load %arg12[%swap3A_1991] {strides = array<i32>} : memref<128xi32, #tpu.memory_space<vmem>>, vector<16xi32>,
    %swap3A_1993 = vector.shape_cast %swap3A_1992 : vector<16xi32> to vector<16xi32>
    %swap3A_1994 = vector.shape_cast %add3A_1990 : vector<16xi32> to vector<16xi32>
    tpu.vector_store %arg12[%swap3A_1991], %swap3A_1994 {strides = array<i32>} : memref<128xi32, #tpu.memory_space<vmem>>, vector<16xi32>,
    %dma_start3A_1995 = arith.constant 0 : i32
    %dma_start3A_1996 = tpu.memref_slice %arg2[%dma_start3A_1995] : memref<80000xf32, #tpu.memory_space<hbm>> -> memref<80000xf32, #tpu.memory_space<hbm>>
    tpu.enqueue_indirect_dma source(%dma_start3A_1996 : memref<80000xf32, #tpu.memory_space<hbm>>) target(%arg13 : memref<128xf32, #tpu.memory_space<vmem>>) offsets(%arg12 : memref<128xi32, #tpu.memory_space<vmem>>) semaphore(%arg14 : memref<!tpu.dma_semaphore, #tpu.memory_space<semaphore_mem>>)
    %dma_wait3A_1997 = arith.constant 0 : i32
    %dma_wait3A_1998 = tpu.memref_slice %arg2[%dma_wait3A_1997] : memref<80000xf32, #tpu.memory_space<hbm>> -> memref<80000xf32, #tpu.memory_space<hbm>>
    tpu.wait_indirect_dma semaphore(%arg14 : memref<!tpu.dma_semaphore, #tpu.memory_space<semaphore_mem>>) src(%dma_wait3A_1998 : memref<80000xf32, #tpu.memory_space<hbm>>) dst(%arg13 : memref<128xf32, #tpu.memory_space<vmem>>)
    %add3A_1999 = arith.constant 384 : i32
    %add3A_2000 = arith.addi %multiple_of3A, %add3A_1999 : i32
    "tpu.region"() ({
      %run_scoped3A = tpu.sem_alloc : memref<!tpu.dma_semaphore, #tpu.memory_space<semaphore_mem>>
      %dma_start3A_2509 = tpu.memref_slice %arg8[%add3A_2000] : memref<20480xf32, #tpu.memory_space<hbm>> -> memref<128xf32, #tpu.memory_space<hbm>>
      %dma_start3A_2510 = tpu.memref_slice %arg8[%add3A_2000] : memref<20480xf32, #tpu.memory_space<hbm>> -> memref<128xf32, #tpu.memory_space<hbm>>
      tpu.enqueue_dma source(%arg13 : memref<128xf32, #tpu.memory_space<vmem>>) target(%dma_start3A_2510 : memref<128xf32, #tpu.memory_space<hbm>>) target_semaphore(%run_scoped3A : memref<!tpu.dma_semaphore, #tpu.memory_space<semaphore_mem>>)
      %dma_wait3A_2511 = tpu.memref_slice %arg8[%add3A_2000] : memref<20480xf32, #tpu.memory_space<hbm>> -> memref<128xf32, #tpu.memory_space<hbm>>
      %dma_wait3A_2512 = tpu.memref_slice %arg8[%add3A_2000] : memref<20480xf32, #tpu.memory_space<hbm>> -> memref<128xf32, #tpu.memory_space<hbm>>
      tpu.wait_dma2 semaphore(%run_scoped3A : memref<!tpu.dma_semaphore, #tpu.memory_space<semaphore_mem>>) src(%arg13 : memref<128xf32, #tpu.memory_space<vmem>>) dst(%dma_wait3A_2512 : memref<128xf32, #tpu.memory_space<hbm>>)
      tpu.yield
    }) : () -> ()
    %dma_start3A_2001 = arith.constant 0 : i32
    %dma_start3A_2002 = tpu.memref_slice %arg3[%dma_start3A_2001] : memref<20000xf32, #tpu.memory_space<hbm>> -> memref<20000xf32, #tpu.memory_space<hbm>>
    tpu.enqueue_indirect_dma source(%dma_start3A_2002 : memref<20000xf32, #tpu.memory_space<hbm>>) target(%arg13 : memref<128xf32, #tpu.memory_space<vmem>>) offsets(%arg11 : memref<128xi32, #tpu.memory_space<vmem>>) semaphore(%arg14 : memref<!tpu.dma_semaphore, #tpu.memory_space<semaphore_mem>>)
    %dma_wait3A_2003 = arith.constant 0 : i32
    %dma_wait3A_2004 = tpu.memref_slice %arg3[%dma_wait3A_2003] : memref<20000xf32, #tpu.memory_space<hbm>> -> memref<20000xf32, #tpu.memory_space<hbm>>
    tpu.wait_indirect_dma semaphore(%arg14 : memref<!tpu.dma_semaphore, #tpu.memory_space<semaphore_mem>>) src(%dma_wait3A_2004 : memref<20000xf32, #tpu.memory_space<hbm>>) dst(%arg13 : memref<128xf32, #tpu.memory_space<vmem>>)
    %add3A_2005 = arith.constant 384 : i32
    %add3A_2006 = arith.addi %multiple_of3A, %add3A_2005 : i32
    "tpu.region"() ({
      %run_scoped3A = tpu.sem_alloc : memref<!tpu.dma_semaphore, #tpu.memory_space<semaphore_mem>>
      %dma_start3A_2509 = tpu.memref_slice %arg9[%add3A_2006] : memref<20480xf32, #tpu.memory_space<hbm>> -> memref<128xf32, #tpu.memory_space<hbm>>
      %dma_start3A_2510 = tpu.memref_slice %arg9[%add3A_2006] : memref<20480xf32, #tpu.memory_space<hbm>> -> memref<128xf32, #tpu.memory_space<hbm>>
      tpu.enqueue_dma source(%arg13 : memref<128xf32, #tpu.memory_space<vmem>>) target(%dma_start3A_2510 : memref<128xf32, #tpu.memory_space<hbm>>) target_semaphore(%run_scoped3A : memref<!tpu.dma_semaphore, #tpu.memory_space<semaphore_mem>>)
      %dma_wait3A_2511 = tpu.memref_slice %arg9[%add3A_2006] : memref<20480xf32, #tpu.memory_space<hbm>> -> memref<128xf32, #tpu.memory_space<hbm>>
      %dma_wait3A_2512 = tpu.memref_slice %arg9[%add3A_2006] : memref<20480xf32, #tpu.memory_space<hbm>> -> memref<128xf32, #tpu.memory_space<hbm>>
      tpu.wait_dma2 semaphore(%run_scoped3A : memref<!tpu.dma_semaphore, #tpu.memory_space<semaphore_mem>>) src(%arg13 : memref<128xf32, #tpu.memory_space<vmem>>) dst(%dma_wait3A_2512 : memref<128xf32, #tpu.memory_space<hbm>>)
      tpu.yield
    }) : () -> ()
    %get3A_2007 = arith.constant 512 : index
    %get3A_2008 = tpu.vector_load %arg10[%get3A_2007] {strides = array<i32>} : memref<640xi32, #tpu.memory_space<vmem>>, vector<16xi32>,
    %get3A_2009 = vector.shape_cast %get3A_2008 : vector<16xi32> to vector<16xi32>
    %swap3A_2010 = arith.constant 0 : index
    %swap3A_2011 = tpu.vector_load %arg11[%swap3A_2010] {strides = array<i32>} : memref<128xi32, #tpu.memory_space<vmem>>, vector<16xi32>,
    %swap3A_2012 = vector.shape_cast %swap3A_2011 : vector<16xi32> to vector<16xi32>
    %swap3A_2013 = vector.shape_cast %get3A_2009 : vector<16xi32> to vector<16xi32>
    tpu.vector_store %arg11[%swap3A_2010], %swap3A_2013 {strides = array<i32>} : memref<128xi32, #tpu.memory_space<vmem>>, vector<16xi32>,
    %get3A_2014 = arith.constant 528 : index
    %get3A_2015 = tpu.vector_load %arg10[%get3A_2014] {strides = array<i32>} : memref<640xi32, #tpu.memory_space<vmem>>, vector<16xi32>,
    %get3A_2016 = vector.shape_cast %get3A_2015 : vector<16xi32> to vector<16xi32>
    %swap3A_2017 = arith.constant 16 : index
    %swap3A_2018 = tpu.vector_load %arg11[%swap3A_2017] {strides = array<i32>} : memref<128xi32, #tpu.memory_space<vmem>>, vector<16xi32>,
    %swap3A_2019 = vector.shape_cast %swap3A_2018 : vector<16xi32> to vector<16xi32>
    %swap3A_2020 = vector.shape_cast %get3A_2016 : vector<16xi32> to vector<16xi32>
    tpu.vector_store %arg11[%swap3A_2017], %swap3A_2020 {strides = array<i32>} : memref<128xi32, #tpu.memory_space<vmem>>, vector<16xi32>,
    %get3A_2021 = arith.constant 544 : index
    %get3A_2022 = tpu.vector_load %arg10[%get3A_2021] {strides = array<i32>} : memref<640xi32, #tpu.memory_space<vmem>>, vector<16xi32>,
    %get3A_2023 = vector.shape_cast %get3A_2022 : vector<16xi32> to vector<16xi32>
    %swap3A_2024 = arith.constant 32 : index
    %swap3A_2025 = tpu.vector_load %arg11[%swap3A_2024] {strides = array<i32>} : memref<128xi32, #tpu.memory_space<vmem>>, vector<16xi32>,
    %swap3A_2026 = vector.shape_cast %swap3A_2025 : vector<16xi32> to vector<16xi32>
    %swap3A_2027 = vector.shape_cast %get3A_2023 : vector<16xi32> to vector<16xi32>
    tpu.vector_store %arg11[%swap3A_2024], %swap3A_2027 {strides = array<i32>} : memref<128xi32, #tpu.memory_space<vmem>>, vector<16xi32>,
    %get3A_2028 = arith.constant 560 : index
    %get3A_2029 = tpu.vector_load %arg10[%get3A_2028] {strides = array<i32>} : memref<640xi32, #tpu.memory_space<vmem>>, vector<16xi32>,
    %get3A_2030 = vector.shape_cast %get3A_2029 : vector<16xi32> to vector<16xi32>
    %swap3A_2031 = arith.constant 48 : index
    %swap3A_2032 = tpu.vector_load %arg11[%swap3A_2031] {strides = array<i32>} : memref<128xi32, #tpu.memory_space<vmem>>, vector<16xi32>,
    %swap3A_2033 = vector.shape_cast %swap3A_2032 : vector<16xi32> to vector<16xi32>
    %swap3A_2034 = vector.shape_cast %get3A_2030 : vector<16xi32> to vector<16xi32>
    tpu.vector_store %arg11[%swap3A_2031], %swap3A_2034 {strides = array<i32>} : memref<128xi32, #tpu.memory_space<vmem>>, vector<16xi32>,
    %get3A_2035 = arith.constant 576 : index
    %get3A_2036 = tpu.vector_load %arg10[%get3A_2035] {strides = array<i32>} : memref<640xi32, #tpu.memory_space<vmem>>, vector<16xi32>,
    %get3A_2037 = vector.shape_cast %get3A_2036 : vector<16xi32> to vector<16xi32>
    %swap3A_2038 = arith.constant 64 : index
    %swap3A_2039 = tpu.vector_load %arg11[%swap3A_2038] {strides = array<i32>} : memref<128xi32, #tpu.memory_space<vmem>>, vector<16xi32>,
    %swap3A_2040 = vector.shape_cast %swap3A_2039 : vector<16xi32> to vector<16xi32>
    %swap3A_2041 = vector.shape_cast %get3A_2037 : vector<16xi32> to vector<16xi32>
    tpu.vector_store %arg11[%swap3A_2038], %swap3A_2041 {strides = array<i32>} : memref<128xi32, #tpu.memory_space<vmem>>, vector<16xi32>,
    %get3A_2042 = arith.constant 592 : index
    %get3A_2043 = tpu.vector_load %arg10[%get3A_2042] {strides = array<i32>} : memref<640xi32, #tpu.memory_space<vmem>>, vector<16xi32>,
    %get3A_2044 = vector.shape_cast %get3A_2043 : vector<16xi32> to vector<16xi32>
    %swap3A_2045 = arith.constant 80 : index
    %swap3A_2046 = tpu.vector_load %arg11[%swap3A_2045] {strides = array<i32>} : memref<128xi32, #tpu.memory_space<vmem>>, vector<16xi32>,
    %swap3A_2047 = vector.shape_cast %swap3A_2046 : vector<16xi32> to vector<16xi32>
    %swap3A_2048 = vector.shape_cast %get3A_2044 : vector<16xi32> to vector<16xi32>
    tpu.vector_store %arg11[%swap3A_2045], %swap3A_2048 {strides = array<i32>} : memref<128xi32, #tpu.memory_space<vmem>>, vector<16xi32>,
    %get3A_2049 = arith.constant 608 : index
    %get3A_2050 = tpu.vector_load %arg10[%get3A_2049] {strides = array<i32>} : memref<640xi32, #tpu.memory_space<vmem>>, vector<16xi32>,
    %get3A_2051 = vector.shape_cast %get3A_2050 : vector<16xi32> to vector<16xi32>
    %swap3A_2052 = arith.constant 96 : index
    %swap3A_2053 = tpu.vector_load %arg11[%swap3A_2052] {strides = array<i32>} : memref<128xi32, #tpu.memory_space<vmem>>, vector<16xi32>,
    %swap3A_2054 = vector.shape_cast %swap3A_2053 : vector<16xi32> to vector<16xi32>
    %swap3A_2055 = vector.shape_cast %get3A_2051 : vector<16xi32> to vector<16xi32>
    tpu.vector_store %arg11[%swap3A_2052], %swap3A_2055 {strides = array<i32>} : memref<128xi32, #tpu.memory_space<vmem>>, vector<16xi32>,
    %get3A_2056 = arith.constant 624 : index
    %get3A_2057 = tpu.vector_load %arg10[%get3A_2056] {strides = array<i32>} : memref<640xi32, #tpu.memory_space<vmem>>, vector<16xi32>,
    %get3A_2058 = vector.shape_cast %get3A_2057 : vector<16xi32> to vector<16xi32>
    %swap3A_2059 = arith.constant 112 : index
    %swap3A_2060 = tpu.vector_load %arg11[%swap3A_2059] {strides = array<i32>} : memref<128xi32, #tpu.memory_space<vmem>>, vector<16xi32>,
    %swap3A_2061 = vector.shape_cast %swap3A_2060 : vector<16xi32> to vector<16xi32>
    %swap3A_2062 = vector.shape_cast %get3A_2058 : vector<16xi32> to vector<16xi32>
    tpu.vector_store %arg11[%swap3A_2059], %swap3A_2062 {strides = array<i32>} : memref<128xi32, #tpu.memory_space<vmem>>, vector<16xi32>,
    %get3A_2063 = arith.constant 0 : index
    %get3A_2064 = tpu.vector_load %arg11[%get3A_2063] {strides = array<i32>} : memref<128xi32, #tpu.memory_space<vmem>>, vector<16xi32>,
    %get3A_2065 = vector.shape_cast %get3A_2064 : vector<16xi32> to vector<16xi32>
    %mul3A_2066 = arith.constant 4 : i32
    %mul3A_2067 = vector.broadcast %mul3A_2066 : i32 to vector<16xi32>
    %mul3A_2068 = arith.muli %get3A_2065, %mul3A_2067 : vector<16xi32>
    %add3A_2069 = arith.constant 0 : i32
    %add3A_2070 = vector.broadcast %add3A_2069 : i32 to vector<16xi32>
    %add3A_2071 = arith.addi %mul3A_2068, %add3A_2070 : vector<16xi32>
    %swap3A_2072 = arith.constant 0 : index
    %swap3A_2073 = tpu.vector_load %arg12[%swap3A_2072] {strides = array<i32>} : memref<128xi32, #tpu.memory_space<vmem>>, vector<16xi32>,
    %swap3A_2074 = vector.shape_cast %swap3A_2073 : vector<16xi32> to vector<16xi32>
    %swap3A_2075 = vector.shape_cast %add3A_2071 : vector<16xi32> to vector<16xi32>
    tpu.vector_store %arg12[%swap3A_2072], %swap3A_2075 {strides = array<i32>} : memref<128xi32, #tpu.memory_space<vmem>>, vector<16xi32>,
    %get3A_2076 = arith.constant 16 : index
    %get3A_2077 = tpu.vector_load %arg11[%get3A_2076] {strides = array<i32>} : memref<128xi32, #tpu.memory_space<vmem>>, vector<16xi32>,
    %get3A_2078 = vector.shape_cast %get3A_2077 : vector<16xi32> to vector<16xi32>
    %mul3A_2079 = arith.constant 4 : i32
    %mul3A_2080 = vector.broadcast %mul3A_2079 : i32 to vector<16xi32>
    %mul3A_2081 = arith.muli %get3A_2078, %mul3A_2080 : vector<16xi32>
    %add3A_2082 = arith.constant 0 : i32
    %add3A_2083 = vector.broadcast %add3A_2082 : i32 to vector<16xi32>
    %add3A_2084 = arith.addi %mul3A_2081, %add3A_2083 : vector<16xi32>
    %swap3A_2085 = arith.constant 16 : index
    %swap3A_2086 = tpu.vector_load %arg12[%swap3A_2085] {strides = array<i32>} : memref<128xi32, #tpu.memory_space<vmem>>, vector<16xi32>,
    %swap3A_2087 = vector.shape_cast %swap3A_2086 : vector<16xi32> to vector<16xi32>
    %swap3A_2088 = vector.shape_cast %add3A_2084 : vector<16xi32> to vector<16xi32>
    tpu.vector_store %arg12[%swap3A_2085], %swap3A_2088 {strides = array<i32>} : memref<128xi32, #tpu.memory_space<vmem>>, vector<16xi32>,
    %get3A_2089 = arith.constant 32 : index
    %get3A_2090 = tpu.vector_load %arg11[%get3A_2089] {strides = array<i32>} : memref<128xi32, #tpu.memory_space<vmem>>, vector<16xi32>,
    %get3A_2091 = vector.shape_cast %get3A_2090 : vector<16xi32> to vector<16xi32>
    %mul3A_2092 = arith.constant 4 : i32
    %mul3A_2093 = vector.broadcast %mul3A_2092 : i32 to vector<16xi32>
    %mul3A_2094 = arith.muli %get3A_2091, %mul3A_2093 : vector<16xi32>
    %add3A_2095 = arith.constant 0 : i32
    %add3A_2096 = vector.broadcast %add3A_2095 : i32 to vector<16xi32>
    %add3A_2097 = arith.addi %mul3A_2094, %add3A_2096 : vector<16xi32>
    %swap3A_2098 = arith.constant 32 : index
    %swap3A_2099 = tpu.vector_load %arg12[%swap3A_2098] {strides = array<i32>} : memref<128xi32, #tpu.memory_space<vmem>>, vector<16xi32>,
    %swap3A_2100 = vector.shape_cast %swap3A_2099 : vector<16xi32> to vector<16xi32>
    %swap3A_2101 = vector.shape_cast %add3A_2097 : vector<16xi32> to vector<16xi32>
    tpu.vector_store %arg12[%swap3A_2098], %swap3A_2101 {strides = array<i32>} : memref<128xi32, #tpu.memory_space<vmem>>, vector<16xi32>,
    %get3A_2102 = arith.constant 48 : index
    %get3A_2103 = tpu.vector_load %arg11[%get3A_2102] {strides = array<i32>} : memref<128xi32, #tpu.memory_space<vmem>>, vector<16xi32>,
    %get3A_2104 = vector.shape_cast %get3A_2103 : vector<16xi32> to vector<16xi32>
    %mul3A_2105 = arith.constant 4 : i32
    %mul3A_2106 = vector.broadcast %mul3A_2105 : i32 to vector<16xi32>
    %mul3A_2107 = arith.muli %get3A_2104, %mul3A_2106 : vector<16xi32>
    %add3A_2108 = arith.constant 0 : i32
    %add3A_2109 = vector.broadcast %add3A_2108 : i32 to vector<16xi32>
    %add3A_2110 = arith.addi %mul3A_2107, %add3A_2109 : vector<16xi32>
    %swap3A_2111 = arith.constant 48 : index
    %swap3A_2112 = tpu.vector_load %arg12[%swap3A_2111] {strides = array<i32>} : memref<128xi32, #tpu.memory_space<vmem>>, vector<16xi32>,
    %swap3A_2113 = vector.shape_cast %swap3A_2112 : vector<16xi32> to vector<16xi32>
    %swap3A_2114 = vector.shape_cast %add3A_2110 : vector<16xi32> to vector<16xi32>
    tpu.vector_store %arg12[%swap3A_2111], %swap3A_2114 {strides = array<i32>} : memref<128xi32, #tpu.memory_space<vmem>>, vector<16xi32>,
    %get3A_2115 = arith.constant 64 : index
    %get3A_2116 = tpu.vector_load %arg11[%get3A_2115] {strides = array<i32>} : memref<128xi32, #tpu.memory_space<vmem>>, vector<16xi32>,
    %get3A_2117 = vector.shape_cast %get3A_2116 : vector<16xi32> to vector<16xi32>
    %mul3A_2118 = arith.constant 4 : i32
    %mul3A_2119 = vector.broadcast %mul3A_2118 : i32 to vector<16xi32>
    %mul3A_2120 = arith.muli %get3A_2117, %mul3A_2119 : vector<16xi32>
    %add3A_2121 = arith.constant 0 : i32
    %add3A_2122 = vector.broadcast %add3A_2121 : i32 to vector<16xi32>
    %add3A_2123 = arith.addi %mul3A_2120, %add3A_2122 : vector<16xi32>
    %swap3A_2124 = arith.constant 64 : index
    %swap3A_2125 = tpu.vector_load %arg12[%swap3A_2124] {strides = array<i32>} : memref<128xi32, #tpu.memory_space<vmem>>, vector<16xi32>,
    %swap3A_2126 = vector.shape_cast %swap3A_2125 : vector<16xi32> to vector<16xi32>
    %swap3A_2127 = vector.shape_cast %add3A_2123 : vector<16xi32> to vector<16xi32>
    tpu.vector_store %arg12[%swap3A_2124], %swap3A_2127 {strides = array<i32>} : memref<128xi32, #tpu.memory_space<vmem>>, vector<16xi32>,
    %get3A_2128 = arith.constant 80 : index
    %get3A_2129 = tpu.vector_load %arg11[%get3A_2128] {strides = array<i32>} : memref<128xi32, #tpu.memory_space<vmem>>, vector<16xi32>,
    %get3A_2130 = vector.shape_cast %get3A_2129 : vector<16xi32> to vector<16xi32>
    %mul3A_2131 = arith.constant 4 : i32
    %mul3A_2132 = vector.broadcast %mul3A_2131 : i32 to vector<16xi32>
    %mul3A_2133 = arith.muli %get3A_2130, %mul3A_2132 : vector<16xi32>
    %add3A_2134 = arith.constant 0 : i32
    %add3A_2135 = vector.broadcast %add3A_2134 : i32 to vector<16xi32>
    %add3A_2136 = arith.addi %mul3A_2133, %add3A_2135 : vector<16xi32>
    %swap3A_2137 = arith.constant 80 : index
    %swap3A_2138 = tpu.vector_load %arg12[%swap3A_2137] {strides = array<i32>} : memref<128xi32, #tpu.memory_space<vmem>>, vector<16xi32>,
    %swap3A_2139 = vector.shape_cast %swap3A_2138 : vector<16xi32> to vector<16xi32>
    %swap3A_2140 = vector.shape_cast %add3A_2136 : vector<16xi32> to vector<16xi32>
    tpu.vector_store %arg12[%swap3A_2137], %swap3A_2140 {strides = array<i32>} : memref<128xi32, #tpu.memory_space<vmem>>, vector<16xi32>,
    %get3A_2141 = arith.constant 96 : index
    %get3A_2142 = tpu.vector_load %arg11[%get3A_2141] {strides = array<i32>} : memref<128xi32, #tpu.memory_space<vmem>>, vector<16xi32>,
    %get3A_2143 = vector.shape_cast %get3A_2142 : vector<16xi32> to vector<16xi32>
    %mul3A_2144 = arith.constant 4 : i32
    %mul3A_2145 = vector.broadcast %mul3A_2144 : i32 to vector<16xi32>
    %mul3A_2146 = arith.muli %get3A_2143, %mul3A_2145 : vector<16xi32>
    %add3A_2147 = arith.constant 0 : i32
    %add3A_2148 = vector.broadcast %add3A_2147 : i32 to vector<16xi32>
    %add3A_2149 = arith.addi %mul3A_2146, %add3A_2148 : vector<16xi32>
    %swap3A_2150 = arith.constant 96 : index
    %swap3A_2151 = tpu.vector_load %arg12[%swap3A_2150] {strides = array<i32>} : memref<128xi32, #tpu.memory_space<vmem>>, vector<16xi32>,
    %swap3A_2152 = vector.shape_cast %swap3A_2151 : vector<16xi32> to vector<16xi32>
    %swap3A_2153 = vector.shape_cast %add3A_2149 : vector<16xi32> to vector<16xi32>
    tpu.vector_store %arg12[%swap3A_2150], %swap3A_2153 {strides = array<i32>} : memref<128xi32, #tpu.memory_space<vmem>>, vector<16xi32>,
    %get3A_2154 = arith.constant 112 : index
    %get3A_2155 = tpu.vector_load %arg11[%get3A_2154] {strides = array<i32>} : memref<128xi32, #tpu.memory_space<vmem>>, vector<16xi32>,
    %get3A_2156 = vector.shape_cast %get3A_2155 : vector<16xi32> to vector<16xi32>
    %mul3A_2157 = arith.constant 4 : i32
    %mul3A_2158 = vector.broadcast %mul3A_2157 : i32 to vector<16xi32>
    %mul3A_2159 = arith.muli %get3A_2156, %mul3A_2158 : vector<16xi32>
    %add3A_2160 = arith.constant 0 : i32
    %add3A_2161 = vector.broadcast %add3A_2160 : i32 to vector<16xi32>
    %add3A_2162 = arith.addi %mul3A_2159, %add3A_2161 : vector<16xi32>
    %swap3A_2163 = arith.constant 112 : index
    %swap3A_2164 = tpu.vector_load %arg12[%swap3A_2163] {strides = array<i32>} : memref<128xi32, #tpu.memory_space<vmem>>, vector<16xi32>,
    %swap3A_2165 = vector.shape_cast %swap3A_2164 : vector<16xi32> to vector<16xi32>
    %swap3A_2166 = vector.shape_cast %add3A_2162 : vector<16xi32> to vector<16xi32>
    tpu.vector_store %arg12[%swap3A_2163], %swap3A_2166 {strides = array<i32>} : memref<128xi32, #tpu.memory_space<vmem>>, vector<16xi32>,
    %dma_start3A_2167 = arith.constant 0 : i32
    %dma_start3A_2168 = tpu.memref_slice %arg2[%dma_start3A_2167] : memref<80000xf32, #tpu.memory_space<hbm>> -> memref<80000xf32, #tpu.memory_space<hbm>>
    tpu.enqueue_indirect_dma source(%dma_start3A_2168 : memref<80000xf32, #tpu.memory_space<hbm>>) target(%arg13 : memref<128xf32, #tpu.memory_space<vmem>>) offsets(%arg12 : memref<128xi32, #tpu.memory_space<vmem>>) semaphore(%arg14 : memref<!tpu.dma_semaphore, #tpu.memory_space<semaphore_mem>>)
    %dma_wait3A_2169 = arith.constant 0 : i32
    %dma_wait3A_2170 = tpu.memref_slice %arg2[%dma_wait3A_2169] : memref<80000xf32, #tpu.memory_space<hbm>> -> memref<80000xf32, #tpu.memory_space<hbm>>
    tpu.wait_indirect_dma semaphore(%arg14 : memref<!tpu.dma_semaphore, #tpu.memory_space<semaphore_mem>>) src(%dma_wait3A_2170 : memref<80000xf32, #tpu.memory_space<hbm>>) dst(%arg13 : memref<128xf32, #tpu.memory_space<vmem>>)
    %add3A_2171 = arith.constant 512 : i32
    %add3A_2172 = arith.addi %multiple_of3A, %add3A_2171 : i32
    "tpu.region"() ({
      %run_scoped3A = tpu.sem_alloc : memref<!tpu.dma_semaphore, #tpu.memory_space<semaphore_mem>>
      %dma_start3A_2509 = tpu.memref_slice %arg5[%add3A_2172] : memref<20480xf32, #tpu.memory_space<hbm>> -> memref<128xf32, #tpu.memory_space<hbm>>
      %dma_start3A_2510 = tpu.memref_slice %arg5[%add3A_2172] : memref<20480xf32, #tpu.memory_space<hbm>> -> memref<128xf32, #tpu.memory_space<hbm>>
      tpu.enqueue_dma source(%arg13 : memref<128xf32, #tpu.memory_space<vmem>>) target(%dma_start3A_2510 : memref<128xf32, #tpu.memory_space<hbm>>) target_semaphore(%run_scoped3A : memref<!tpu.dma_semaphore, #tpu.memory_space<semaphore_mem>>)
      %dma_wait3A_2511 = tpu.memref_slice %arg5[%add3A_2172] : memref<20480xf32, #tpu.memory_space<hbm>> -> memref<128xf32, #tpu.memory_space<hbm>>
      %dma_wait3A_2512 = tpu.memref_slice %arg5[%add3A_2172] : memref<20480xf32, #tpu.memory_space<hbm>> -> memref<128xf32, #tpu.memory_space<hbm>>
      tpu.wait_dma2 semaphore(%run_scoped3A : memref<!tpu.dma_semaphore, #tpu.memory_space<semaphore_mem>>) src(%arg13 : memref<128xf32, #tpu.memory_space<vmem>>) dst(%dma_wait3A_2512 : memref<128xf32, #tpu.memory_space<hbm>>)
      tpu.yield
    }) : () -> ()
    %get3A_2173 = arith.constant 0 : index
    %get3A_2174 = tpu.vector_load %arg11[%get3A_2173] {strides = array<i32>} : memref<128xi32, #tpu.memory_space<vmem>>, vector<16xi32>,
    %get3A_2175 = vector.shape_cast %get3A_2174 : vector<16xi32> to vector<16xi32>
    %mul3A_2176 = arith.constant 4 : i32
    %mul3A_2177 = vector.broadcast %mul3A_2176 : i32 to vector<16xi32>
    %mul3A_2178 = arith.muli %get3A_2175, %mul3A_2177 : vector<16xi32>
    %add3A_2179 = arith.constant 1 : i32
    %add3A_2180 = vector.broadcast %add3A_2179 : i32 to vector<16xi32>
    %add3A_2181 = arith.addi %mul3A_2178, %add3A_2180 : vector<16xi32>
    %swap3A_2182 = arith.constant 0 : index
    %swap3A_2183 = tpu.vector_load %arg12[%swap3A_2182] {strides = array<i32>} : memref<128xi32, #tpu.memory_space<vmem>>, vector<16xi32>,
    %swap3A_2184 = vector.shape_cast %swap3A_2183 : vector<16xi32> to vector<16xi32>
    %swap3A_2185 = vector.shape_cast %add3A_2181 : vector<16xi32> to vector<16xi32>
    tpu.vector_store %arg12[%swap3A_2182], %swap3A_2185 {strides = array<i32>} : memref<128xi32, #tpu.memory_space<vmem>>, vector<16xi32>,
    %get3A_2186 = arith.constant 16 : index
    %get3A_2187 = tpu.vector_load %arg11[%get3A_2186] {strides = array<i32>} : memref<128xi32, #tpu.memory_space<vmem>>, vector<16xi32>,
    %get3A_2188 = vector.shape_cast %get3A_2187 : vector<16xi32> to vector<16xi32>
    %mul3A_2189 = arith.constant 4 : i32
    %mul3A_2190 = vector.broadcast %mul3A_2189 : i32 to vector<16xi32>
    %mul3A_2191 = arith.muli %get3A_2188, %mul3A_2190 : vector<16xi32>
    %add3A_2192 = arith.constant 1 : i32
    %add3A_2193 = vector.broadcast %add3A_2192 : i32 to vector<16xi32>
    %add3A_2194 = arith.addi %mul3A_2191, %add3A_2193 : vector<16xi32>
    %swap3A_2195 = arith.constant 16 : index
    %swap3A_2196 = tpu.vector_load %arg12[%swap3A_2195] {strides = array<i32>} : memref<128xi32, #tpu.memory_space<vmem>>, vector<16xi32>,
    %swap3A_2197 = vector.shape_cast %swap3A_2196 : vector<16xi32> to vector<16xi32>
    %swap3A_2198 = vector.shape_cast %add3A_2194 : vector<16xi32> to vector<16xi32>
    tpu.vector_store %arg12[%swap3A_2195], %swap3A_2198 {strides = array<i32>} : memref<128xi32, #tpu.memory_space<vmem>>, vector<16xi32>,
    %get3A_2199 = arith.constant 32 : index
    %get3A_2200 = tpu.vector_load %arg11[%get3A_2199] {strides = array<i32>} : memref<128xi32, #tpu.memory_space<vmem>>, vector<16xi32>,
    %get3A_2201 = vector.shape_cast %get3A_2200 : vector<16xi32> to vector<16xi32>
    %mul3A_2202 = arith.constant 4 : i32
    %mul3A_2203 = vector.broadcast %mul3A_2202 : i32 to vector<16xi32>
    %mul3A_2204 = arith.muli %get3A_2201, %mul3A_2203 : vector<16xi32>
    %add3A_2205 = arith.constant 1 : i32
    %add3A_2206 = vector.broadcast %add3A_2205 : i32 to vector<16xi32>
    %add3A_2207 = arith.addi %mul3A_2204, %add3A_2206 : vector<16xi32>
    %swap3A_2208 = arith.constant 32 : index
    %swap3A_2209 = tpu.vector_load %arg12[%swap3A_2208] {strides = array<i32>} : memref<128xi32, #tpu.memory_space<vmem>>, vector<16xi32>,
    %swap3A_2210 = vector.shape_cast %swap3A_2209 : vector<16xi32> to vector<16xi32>
    %swap3A_2211 = vector.shape_cast %add3A_2207 : vector<16xi32> to vector<16xi32>
    tpu.vector_store %arg12[%swap3A_2208], %swap3A_2211 {strides = array<i32>} : memref<128xi32, #tpu.memory_space<vmem>>, vector<16xi32>,
    %get3A_2212 = arith.constant 48 : index
    %get3A_2213 = tpu.vector_load %arg11[%get3A_2212] {strides = array<i32>} : memref<128xi32, #tpu.memory_space<vmem>>, vector<16xi32>,
    %get3A_2214 = vector.shape_cast %get3A_2213 : vector<16xi32> to vector<16xi32>
    %mul3A_2215 = arith.constant 4 : i32
    %mul3A_2216 = vector.broadcast %mul3A_2215 : i32 to vector<16xi32>
    %mul3A_2217 = arith.muli %get3A_2214, %mul3A_2216 : vector<16xi32>
    %add3A_2218 = arith.constant 1 : i32
    %add3A_2219 = vector.broadcast %add3A_2218 : i32 to vector<16xi32>
    %add3A_2220 = arith.addi %mul3A_2217, %add3A_2219 : vector<16xi32>
    %swap3A_2221 = arith.constant 48 : index
    %swap3A_2222 = tpu.vector_load %arg12[%swap3A_2221] {strides = array<i32>} : memref<128xi32, #tpu.memory_space<vmem>>, vector<16xi32>,
    %swap3A_2223 = vector.shape_cast %swap3A_2222 : vector<16xi32> to vector<16xi32>
    %swap3A_2224 = vector.shape_cast %add3A_2220 : vector<16xi32> to vector<16xi32>
    tpu.vector_store %arg12[%swap3A_2221], %swap3A_2224 {strides = array<i32>} : memref<128xi32, #tpu.memory_space<vmem>>, vector<16xi32>,
    %get3A_2225 = arith.constant 64 : index
    %get3A_2226 = tpu.vector_load %arg11[%get3A_2225] {strides = array<i32>} : memref<128xi32, #tpu.memory_space<vmem>>, vector<16xi32>,
    %get3A_2227 = vector.shape_cast %get3A_2226 : vector<16xi32> to vector<16xi32>
    %mul3A_2228 = arith.constant 4 : i32
    %mul3A_2229 = vector.broadcast %mul3A_2228 : i32 to vector<16xi32>
    %mul3A_2230 = arith.muli %get3A_2227, %mul3A_2229 : vector<16xi32>
    %add3A_2231 = arith.constant 1 : i32
    %add3A_2232 = vector.broadcast %add3A_2231 : i32 to vector<16xi32>
    %add3A_2233 = arith.addi %mul3A_2230, %add3A_2232 : vector<16xi32>
    %swap3A_2234 = arith.constant 64 : index
    %swap3A_2235 = tpu.vector_load %arg12[%swap3A_2234] {strides = array<i32>} : memref<128xi32, #tpu.memory_space<vmem>>, vector<16xi32>,
    %swap3A_2236 = vector.shape_cast %swap3A_2235 : vector<16xi32> to vector<16xi32>
    %swap3A_2237 = vector.shape_cast %add3A_2233 : vector<16xi32> to vector<16xi32>
    tpu.vector_store %arg12[%swap3A_2234], %swap3A_2237 {strides = array<i32>} : memref<128xi32, #tpu.memory_space<vmem>>, vector<16xi32>,
    %get3A_2238 = arith.constant 80 : index
    %get3A_2239 = tpu.vector_load %arg11[%get3A_2238] {strides = array<i32>} : memref<128xi32, #tpu.memory_space<vmem>>, vector<16xi32>,
    %get3A_2240 = vector.shape_cast %get3A_2239 : vector<16xi32> to vector<16xi32>
    %mul3A_2241 = arith.constant 4 : i32
    %mul3A_2242 = vector.broadcast %mul3A_2241 : i32 to vector<16xi32>
    %mul3A_2243 = arith.muli %get3A_2240, %mul3A_2242 : vector<16xi32>
    %add3A_2244 = arith.constant 1 : i32
    %add3A_2245 = vector.broadcast %add3A_2244 : i32 to vector<16xi32>
    %add3A_2246 = arith.addi %mul3A_2243, %add3A_2245 : vector<16xi32>
    %swap3A_2247 = arith.constant 80 : index
    %swap3A_2248 = tpu.vector_load %arg12[%swap3A_2247] {strides = array<i32>} : memref<128xi32, #tpu.memory_space<vmem>>, vector<16xi32>,
    %swap3A_2249 = vector.shape_cast %swap3A_2248 : vector<16xi32> to vector<16xi32>
    %swap3A_2250 = vector.shape_cast %add3A_2246 : vector<16xi32> to vector<16xi32>
    tpu.vector_store %arg12[%swap3A_2247], %swap3A_2250 {strides = array<i32>} : memref<128xi32, #tpu.memory_space<vmem>>, vector<16xi32>,
    %get3A_2251 = arith.constant 96 : index
    %get3A_2252 = tpu.vector_load %arg11[%get3A_2251] {strides = array<i32>} : memref<128xi32, #tpu.memory_space<vmem>>, vector<16xi32>,
    %get3A_2253 = vector.shape_cast %get3A_2252 : vector<16xi32> to vector<16xi32>
    %mul3A_2254 = arith.constant 4 : i32
    %mul3A_2255 = vector.broadcast %mul3A_2254 : i32 to vector<16xi32>
    %mul3A_2256 = arith.muli %get3A_2253, %mul3A_2255 : vector<16xi32>
    %add3A_2257 = arith.constant 1 : i32
    %add3A_2258 = vector.broadcast %add3A_2257 : i32 to vector<16xi32>
    %add3A_2259 = arith.addi %mul3A_2256, %add3A_2258 : vector<16xi32>
    %swap3A_2260 = arith.constant 96 : index
    %swap3A_2261 = tpu.vector_load %arg12[%swap3A_2260] {strides = array<i32>} : memref<128xi32, #tpu.memory_space<vmem>>, vector<16xi32>,
    %swap3A_2262 = vector.shape_cast %swap3A_2261 : vector<16xi32> to vector<16xi32>
    %swap3A_2263 = vector.shape_cast %add3A_2259 : vector<16xi32> to vector<16xi32>
    tpu.vector_store %arg12[%swap3A_2260], %swap3A_2263 {strides = array<i32>} : memref<128xi32, #tpu.memory_space<vmem>>, vector<16xi32>,
    %get3A_2264 = arith.constant 112 : index
    %get3A_2265 = tpu.vector_load %arg11[%get3A_2264] {strides = array<i32>} : memref<128xi32, #tpu.memory_space<vmem>>, vector<16xi32>,
    %get3A_2266 = vector.shape_cast %get3A_2265 : vector<16xi32> to vector<16xi32>
    %mul3A_2267 = arith.constant 4 : i32
    %mul3A_2268 = vector.broadcast %mul3A_2267 : i32 to vector<16xi32>
    %mul3A_2269 = arith.muli %get3A_2266, %mul3A_2268 : vector<16xi32>
    %add3A_2270 = arith.constant 1 : i32
    %add3A_2271 = vector.broadcast %add3A_2270 : i32 to vector<16xi32>
    %add3A_2272 = arith.addi %mul3A_2269, %add3A_2271 : vector<16xi32>
    %swap3A_2273 = arith.constant 112 : index
    %swap3A_2274 = tpu.vector_load %arg12[%swap3A_2273] {strides = array<i32>} : memref<128xi32, #tpu.memory_space<vmem>>, vector<16xi32>,
    %swap3A_2275 = vector.shape_cast %swap3A_2274 : vector<16xi32> to vector<16xi32>
    %swap3A_2276 = vector.shape_cast %add3A_2272 : vector<16xi32> to vector<16xi32>
    tpu.vector_store %arg12[%swap3A_2273], %swap3A_2276 {strides = array<i32>} : memref<128xi32, #tpu.memory_space<vmem>>, vector<16xi32>,
    %dma_start3A_2277 = arith.constant 0 : i32
    %dma_start3A_2278 = tpu.memref_slice %arg2[%dma_start3A_2277] : memref<80000xf32, #tpu.memory_space<hbm>> -> memref<80000xf32, #tpu.memory_space<hbm>>
    tpu.enqueue_indirect_dma source(%dma_start3A_2278 : memref<80000xf32, #tpu.memory_space<hbm>>) target(%arg13 : memref<128xf32, #tpu.memory_space<vmem>>) offsets(%arg12 : memref<128xi32, #tpu.memory_space<vmem>>) semaphore(%arg14 : memref<!tpu.dma_semaphore, #tpu.memory_space<semaphore_mem>>)
    %dma_wait3A_2279 = arith.constant 0 : i32
    %dma_wait3A_2280 = tpu.memref_slice %arg2[%dma_wait3A_2279] : memref<80000xf32, #tpu.memory_space<hbm>> -> memref<80000xf32, #tpu.memory_space<hbm>>
    tpu.wait_indirect_dma semaphore(%arg14 : memref<!tpu.dma_semaphore, #tpu.memory_space<semaphore_mem>>) src(%dma_wait3A_2280 : memref<80000xf32, #tpu.memory_space<hbm>>) dst(%arg13 : memref<128xf32, #tpu.memory_space<vmem>>)
    %add3A_2281 = arith.constant 512 : i32
    %add3A_2282 = arith.addi %multiple_of3A, %add3A_2281 : i32
    "tpu.region"() ({
      %run_scoped3A = tpu.sem_alloc : memref<!tpu.dma_semaphore, #tpu.memory_space<semaphore_mem>>
      %dma_start3A_2509 = tpu.memref_slice %arg6[%add3A_2282] : memref<20480xf32, #tpu.memory_space<hbm>> -> memref<128xf32, #tpu.memory_space<hbm>>
      %dma_start3A_2510 = tpu.memref_slice %arg6[%add3A_2282] : memref<20480xf32, #tpu.memory_space<hbm>> -> memref<128xf32, #tpu.memory_space<hbm>>
      tpu.enqueue_dma source(%arg13 : memref<128xf32, #tpu.memory_space<vmem>>) target(%dma_start3A_2510 : memref<128xf32, #tpu.memory_space<hbm>>) target_semaphore(%run_scoped3A : memref<!tpu.dma_semaphore, #tpu.memory_space<semaphore_mem>>)
      %dma_wait3A_2511 = tpu.memref_slice %arg6[%add3A_2282] : memref<20480xf32, #tpu.memory_space<hbm>> -> memref<128xf32, #tpu.memory_space<hbm>>
      %dma_wait3A_2512 = tpu.memref_slice %arg6[%add3A_2282] : memref<20480xf32, #tpu.memory_space<hbm>> -> memref<128xf32, #tpu.memory_space<hbm>>
      tpu.wait_dma2 semaphore(%run_scoped3A : memref<!tpu.dma_semaphore, #tpu.memory_space<semaphore_mem>>) src(%arg13 : memref<128xf32, #tpu.memory_space<vmem>>) dst(%dma_wait3A_2512 : memref<128xf32, #tpu.memory_space<hbm>>)
      tpu.yield
    }) : () -> ()
    %get3A_2283 = arith.constant 0 : index
    %get3A_2284 = tpu.vector_load %arg11[%get3A_2283] {strides = array<i32>} : memref<128xi32, #tpu.memory_space<vmem>>, vector<16xi32>,
    %get3A_2285 = vector.shape_cast %get3A_2284 : vector<16xi32> to vector<16xi32>
    %mul3A_2286 = arith.constant 4 : i32
    %mul3A_2287 = vector.broadcast %mul3A_2286 : i32 to vector<16xi32>
    %mul3A_2288 = arith.muli %get3A_2285, %mul3A_2287 : vector<16xi32>
    %add3A_2289 = arith.constant 2 : i32
    %add3A_2290 = vector.broadcast %add3A_2289 : i32 to vector<16xi32>
    %add3A_2291 = arith.addi %mul3A_2288, %add3A_2290 : vector<16xi32>
    %swap3A_2292 = arith.constant 0 : index
    %swap3A_2293 = tpu.vector_load %arg12[%swap3A_2292] {strides = array<i32>} : memref<128xi32, #tpu.memory_space<vmem>>, vector<16xi32>,
    %swap3A_2294 = vector.shape_cast %swap3A_2293 : vector<16xi32> to vector<16xi32>
    %swap3A_2295 = vector.shape_cast %add3A_2291 : vector<16xi32> to vector<16xi32>
    tpu.vector_store %arg12[%swap3A_2292], %swap3A_2295 {strides = array<i32>} : memref<128xi32, #tpu.memory_space<vmem>>, vector<16xi32>,
    %get3A_2296 = arith.constant 16 : index
    %get3A_2297 = tpu.vector_load %arg11[%get3A_2296] {strides = array<i32>} : memref<128xi32, #tpu.memory_space<vmem>>, vector<16xi32>,
    %get3A_2298 = vector.shape_cast %get3A_2297 : vector<16xi32> to vector<16xi32>
    %mul3A_2299 = arith.constant 4 : i32
    %mul3A_2300 = vector.broadcast %mul3A_2299 : i32 to vector<16xi32>
    %mul3A_2301 = arith.muli %get3A_2298, %mul3A_2300 : vector<16xi32>
    %add3A_2302 = arith.constant 2 : i32
    %add3A_2303 = vector.broadcast %add3A_2302 : i32 to vector<16xi32>
    %add3A_2304 = arith.addi %mul3A_2301, %add3A_2303 : vector<16xi32>
    %swap3A_2305 = arith.constant 16 : index
    %swap3A_2306 = tpu.vector_load %arg12[%swap3A_2305] {strides = array<i32>} : memref<128xi32, #tpu.memory_space<vmem>>, vector<16xi32>,
    %swap3A_2307 = vector.shape_cast %swap3A_2306 : vector<16xi32> to vector<16xi32>
    %swap3A_2308 = vector.shape_cast %add3A_2304 : vector<16xi32> to vector<16xi32>
    tpu.vector_store %arg12[%swap3A_2305], %swap3A_2308 {strides = array<i32>} : memref<128xi32, #tpu.memory_space<vmem>>, vector<16xi32>,
    %get3A_2309 = arith.constant 32 : index
    %get3A_2310 = tpu.vector_load %arg11[%get3A_2309] {strides = array<i32>} : memref<128xi32, #tpu.memory_space<vmem>>, vector<16xi32>,
    %get3A_2311 = vector.shape_cast %get3A_2310 : vector<16xi32> to vector<16xi32>
    %mul3A_2312 = arith.constant 4 : i32
    %mul3A_2313 = vector.broadcast %mul3A_2312 : i32 to vector<16xi32>
    %mul3A_2314 = arith.muli %get3A_2311, %mul3A_2313 : vector<16xi32>
    %add3A_2315 = arith.constant 2 : i32
    %add3A_2316 = vector.broadcast %add3A_2315 : i32 to vector<16xi32>
    %add3A_2317 = arith.addi %mul3A_2314, %add3A_2316 : vector<16xi32>
    %swap3A_2318 = arith.constant 32 : index
    %swap3A_2319 = tpu.vector_load %arg12[%swap3A_2318] {strides = array<i32>} : memref<128xi32, #tpu.memory_space<vmem>>, vector<16xi32>,
    %swap3A_2320 = vector.shape_cast %swap3A_2319 : vector<16xi32> to vector<16xi32>
    %swap3A_2321 = vector.shape_cast %add3A_2317 : vector<16xi32> to vector<16xi32>
    tpu.vector_store %arg12[%swap3A_2318], %swap3A_2321 {strides = array<i32>} : memref<128xi32, #tpu.memory_space<vmem>>, vector<16xi32>,
    %get3A_2322 = arith.constant 48 : index
    %get3A_2323 = tpu.vector_load %arg11[%get3A_2322] {strides = array<i32>} : memref<128xi32, #tpu.memory_space<vmem>>, vector<16xi32>,
    %get3A_2324 = vector.shape_cast %get3A_2323 : vector<16xi32> to vector<16xi32>
    %mul3A_2325 = arith.constant 4 : i32
    %mul3A_2326 = vector.broadcast %mul3A_2325 : i32 to vector<16xi32>
    %mul3A_2327 = arith.muli %get3A_2324, %mul3A_2326 : vector<16xi32>
    %add3A_2328 = arith.constant 2 : i32
    %add3A_2329 = vector.broadcast %add3A_2328 : i32 to vector<16xi32>
    %add3A_2330 = arith.addi %mul3A_2327, %add3A_2329 : vector<16xi32>
    %swap3A_2331 = arith.constant 48 : index
    %swap3A_2332 = tpu.vector_load %arg12[%swap3A_2331] {strides = array<i32>} : memref<128xi32, #tpu.memory_space<vmem>>, vector<16xi32>,
    %swap3A_2333 = vector.shape_cast %swap3A_2332 : vector<16xi32> to vector<16xi32>
    %swap3A_2334 = vector.shape_cast %add3A_2330 : vector<16xi32> to vector<16xi32>
    tpu.vector_store %arg12[%swap3A_2331], %swap3A_2334 {strides = array<i32>} : memref<128xi32, #tpu.memory_space<vmem>>, vector<16xi32>,
    %get3A_2335 = arith.constant 64 : index
    %get3A_2336 = tpu.vector_load %arg11[%get3A_2335] {strides = array<i32>} : memref<128xi32, #tpu.memory_space<vmem>>, vector<16xi32>,
    %get3A_2337 = vector.shape_cast %get3A_2336 : vector<16xi32> to vector<16xi32>
    %mul3A_2338 = arith.constant 4 : i32
    %mul3A_2339 = vector.broadcast %mul3A_2338 : i32 to vector<16xi32>
    %mul3A_2340 = arith.muli %get3A_2337, %mul3A_2339 : vector<16xi32>
    %add3A_2341 = arith.constant 2 : i32
    %add3A_2342 = vector.broadcast %add3A_2341 : i32 to vector<16xi32>
    %add3A_2343 = arith.addi %mul3A_2340, %add3A_2342 : vector<16xi32>
    %swap3A_2344 = arith.constant 64 : index
    %swap3A_2345 = tpu.vector_load %arg12[%swap3A_2344] {strides = array<i32>} : memref<128xi32, #tpu.memory_space<vmem>>, vector<16xi32>,
    %swap3A_2346 = vector.shape_cast %swap3A_2345 : vector<16xi32> to vector<16xi32>
    %swap3A_2347 = vector.shape_cast %add3A_2343 : vector<16xi32> to vector<16xi32>
    tpu.vector_store %arg12[%swap3A_2344], %swap3A_2347 {strides = array<i32>} : memref<128xi32, #tpu.memory_space<vmem>>, vector<16xi32>,
    %get3A_2348 = arith.constant 80 : index
    %get3A_2349 = tpu.vector_load %arg11[%get3A_2348] {strides = array<i32>} : memref<128xi32, #tpu.memory_space<vmem>>, vector<16xi32>,
    %get3A_2350 = vector.shape_cast %get3A_2349 : vector<16xi32> to vector<16xi32>
    %mul3A_2351 = arith.constant 4 : i32
    %mul3A_2352 = vector.broadcast %mul3A_2351 : i32 to vector<16xi32>
    %mul3A_2353 = arith.muli %get3A_2350, %mul3A_2352 : vector<16xi32>
    %add3A_2354 = arith.constant 2 : i32
    %add3A_2355 = vector.broadcast %add3A_2354 : i32 to vector<16xi32>
    %add3A_2356 = arith.addi %mul3A_2353, %add3A_2355 : vector<16xi32>
    %swap3A_2357 = arith.constant 80 : index
    %swap3A_2358 = tpu.vector_load %arg12[%swap3A_2357] {strides = array<i32>} : memref<128xi32, #tpu.memory_space<vmem>>, vector<16xi32>,
    %swap3A_2359 = vector.shape_cast %swap3A_2358 : vector<16xi32> to vector<16xi32>
    %swap3A_2360 = vector.shape_cast %add3A_2356 : vector<16xi32> to vector<16xi32>
    tpu.vector_store %arg12[%swap3A_2357], %swap3A_2360 {strides = array<i32>} : memref<128xi32, #tpu.memory_space<vmem>>, vector<16xi32>,
    %get3A_2361 = arith.constant 96 : index
    %get3A_2362 = tpu.vector_load %arg11[%get3A_2361] {strides = array<i32>} : memref<128xi32, #tpu.memory_space<vmem>>, vector<16xi32>,
    %get3A_2363 = vector.shape_cast %get3A_2362 : vector<16xi32> to vector<16xi32>
    %mul3A_2364 = arith.constant 4 : i32
    %mul3A_2365 = vector.broadcast %mul3A_2364 : i32 to vector<16xi32>
    %mul3A_2366 = arith.muli %get3A_2363, %mul3A_2365 : vector<16xi32>
    %add3A_2367 = arith.constant 2 : i32
    %add3A_2368 = vector.broadcast %add3A_2367 : i32 to vector<16xi32>
    %add3A_2369 = arith.addi %mul3A_2366, %add3A_2368 : vector<16xi32>
    %swap3A_2370 = arith.constant 96 : index
    %swap3A_2371 = tpu.vector_load %arg12[%swap3A_2370] {strides = array<i32>} : memref<128xi32, #tpu.memory_space<vmem>>, vector<16xi32>,
    %swap3A_2372 = vector.shape_cast %swap3A_2371 : vector<16xi32> to vector<16xi32>
    %swap3A_2373 = vector.shape_cast %add3A_2369 : vector<16xi32> to vector<16xi32>
    tpu.vector_store %arg12[%swap3A_2370], %swap3A_2373 {strides = array<i32>} : memref<128xi32, #tpu.memory_space<vmem>>, vector<16xi32>,
    %get3A_2374 = arith.constant 112 : index
    %get3A_2375 = tpu.vector_load %arg11[%get3A_2374] {strides = array<i32>} : memref<128xi32, #tpu.memory_space<vmem>>, vector<16xi32>,
    %get3A_2376 = vector.shape_cast %get3A_2375 : vector<16xi32> to vector<16xi32>
    %mul3A_2377 = arith.constant 4 : i32
    %mul3A_2378 = vector.broadcast %mul3A_2377 : i32 to vector<16xi32>
    %mul3A_2379 = arith.muli %get3A_2376, %mul3A_2378 : vector<16xi32>
    %add3A_2380 = arith.constant 2 : i32
    %add3A_2381 = vector.broadcast %add3A_2380 : i32 to vector<16xi32>
    %add3A_2382 = arith.addi %mul3A_2379, %add3A_2381 : vector<16xi32>
    %swap3A_2383 = arith.constant 112 : index
    %swap3A_2384 = tpu.vector_load %arg12[%swap3A_2383] {strides = array<i32>} : memref<128xi32, #tpu.memory_space<vmem>>, vector<16xi32>,
    %swap3A_2385 = vector.shape_cast %swap3A_2384 : vector<16xi32> to vector<16xi32>
    %swap3A_2386 = vector.shape_cast %add3A_2382 : vector<16xi32> to vector<16xi32>
    tpu.vector_store %arg12[%swap3A_2383], %swap3A_2386 {strides = array<i32>} : memref<128xi32, #tpu.memory_space<vmem>>, vector<16xi32>,
    %dma_start3A_2387 = arith.constant 0 : i32
    %dma_start3A_2388 = tpu.memref_slice %arg2[%dma_start3A_2387] : memref<80000xf32, #tpu.memory_space<hbm>> -> memref<80000xf32, #tpu.memory_space<hbm>>
    tpu.enqueue_indirect_dma source(%dma_start3A_2388 : memref<80000xf32, #tpu.memory_space<hbm>>) target(%arg13 : memref<128xf32, #tpu.memory_space<vmem>>) offsets(%arg12 : memref<128xi32, #tpu.memory_space<vmem>>) semaphore(%arg14 : memref<!tpu.dma_semaphore, #tpu.memory_space<semaphore_mem>>)
    %dma_wait3A_2389 = arith.constant 0 : i32
    %dma_wait3A_2390 = tpu.memref_slice %arg2[%dma_wait3A_2389] : memref<80000xf32, #tpu.memory_space<hbm>> -> memref<80000xf32, #tpu.memory_space<hbm>>
    tpu.wait_indirect_dma semaphore(%arg14 : memref<!tpu.dma_semaphore, #tpu.memory_space<semaphore_mem>>) src(%dma_wait3A_2390 : memref<80000xf32, #tpu.memory_space<hbm>>) dst(%arg13 : memref<128xf32, #tpu.memory_space<vmem>>)
    %add3A_2391 = arith.constant 512 : i32
    %add3A_2392 = arith.addi %multiple_of3A, %add3A_2391 : i32
    "tpu.region"() ({
      %run_scoped3A = tpu.sem_alloc : memref<!tpu.dma_semaphore, #tpu.memory_space<semaphore_mem>>
      %dma_start3A_2509 = tpu.memref_slice %arg7[%add3A_2392] : memref<20480xf32, #tpu.memory_space<hbm>> -> memref<128xf32, #tpu.memory_space<hbm>>
      %dma_start3A_2510 = tpu.memref_slice %arg7[%add3A_2392] : memref<20480xf32, #tpu.memory_space<hbm>> -> memref<128xf32, #tpu.memory_space<hbm>>
      tpu.enqueue_dma source(%arg13 : memref<128xf32, #tpu.memory_space<vmem>>) target(%dma_start3A_2510 : memref<128xf32, #tpu.memory_space<hbm>>) target_semaphore(%run_scoped3A : memref<!tpu.dma_semaphore, #tpu.memory_space<semaphore_mem>>)
      %dma_wait3A_2511 = tpu.memref_slice %arg7[%add3A_2392] : memref<20480xf32, #tpu.memory_space<hbm>> -> memref<128xf32, #tpu.memory_space<hbm>>
      %dma_wait3A_2512 = tpu.memref_slice %arg7[%add3A_2392] : memref<20480xf32, #tpu.memory_space<hbm>> -> memref<128xf32, #tpu.memory_space<hbm>>
      tpu.wait_dma2 semaphore(%run_scoped3A : memref<!tpu.dma_semaphore, #tpu.memory_space<semaphore_mem>>) src(%arg13 : memref<128xf32, #tpu.memory_space<vmem>>) dst(%dma_wait3A_2512 : memref<128xf32, #tpu.memory_space<hbm>>)
      tpu.yield
    }) : () -> ()
    %get3A_2393 = arith.constant 0 : index
    %get3A_2394 = tpu.vector_load %arg11[%get3A_2393] {strides = array<i32>} : memref<128xi32, #tpu.memory_space<vmem>>, vector<16xi32>,
    %get3A_2395 = vector.shape_cast %get3A_2394 : vector<16xi32> to vector<16xi32>
    %mul3A_2396 = arith.constant 4 : i32
    %mul3A_2397 = vector.broadcast %mul3A_2396 : i32 to vector<16xi32>
    %mul3A_2398 = arith.muli %get3A_2395, %mul3A_2397 : vector<16xi32>
    %add3A_2399 = arith.constant 3 : i32
    %add3A_2400 = vector.broadcast %add3A_2399 : i32 to vector<16xi32>
    %add3A_2401 = arith.addi %mul3A_2398, %add3A_2400 : vector<16xi32>
    %swap3A_2402 = arith.constant 0 : index
    %swap3A_2403 = tpu.vector_load %arg12[%swap3A_2402] {strides = array<i32>} : memref<128xi32, #tpu.memory_space<vmem>>, vector<16xi32>,
    %swap3A_2404 = vector.shape_cast %swap3A_2403 : vector<16xi32> to vector<16xi32>
    %swap3A_2405 = vector.shape_cast %add3A_2401 : vector<16xi32> to vector<16xi32>
    tpu.vector_store %arg12[%swap3A_2402], %swap3A_2405 {strides = array<i32>} : memref<128xi32, #tpu.memory_space<vmem>>, vector<16xi32>,
    %get3A_2406 = arith.constant 16 : index
    %get3A_2407 = tpu.vector_load %arg11[%get3A_2406] {strides = array<i32>} : memref<128xi32, #tpu.memory_space<vmem>>, vector<16xi32>,
    %get3A_2408 = vector.shape_cast %get3A_2407 : vector<16xi32> to vector<16xi32>
    %mul3A_2409 = arith.constant 4 : i32
    %mul3A_2410 = vector.broadcast %mul3A_2409 : i32 to vector<16xi32>
    %mul3A_2411 = arith.muli %get3A_2408, %mul3A_2410 : vector<16xi32>
    %add3A_2412 = arith.constant 3 : i32
    %add3A_2413 = vector.broadcast %add3A_2412 : i32 to vector<16xi32>
    %add3A_2414 = arith.addi %mul3A_2411, %add3A_2413 : vector<16xi32>
    %swap3A_2415 = arith.constant 16 : index
    %swap3A_2416 = tpu.vector_load %arg12[%swap3A_2415] {strides = array<i32>} : memref<128xi32, #tpu.memory_space<vmem>>, vector<16xi32>,
    %swap3A_2417 = vector.shape_cast %swap3A_2416 : vector<16xi32> to vector<16xi32>
    %swap3A_2418 = vector.shape_cast %add3A_2414 : vector<16xi32> to vector<16xi32>
    tpu.vector_store %arg12[%swap3A_2415], %swap3A_2418 {strides = array<i32>} : memref<128xi32, #tpu.memory_space<vmem>>, vector<16xi32>,
    %get3A_2419 = arith.constant 32 : index
    %get3A_2420 = tpu.vector_load %arg11[%get3A_2419] {strides = array<i32>} : memref<128xi32, #tpu.memory_space<vmem>>, vector<16xi32>,
    %get3A_2421 = vector.shape_cast %get3A_2420 : vector<16xi32> to vector<16xi32>
    %mul3A_2422 = arith.constant 4 : i32
    %mul3A_2423 = vector.broadcast %mul3A_2422 : i32 to vector<16xi32>
    %mul3A_2424 = arith.muli %get3A_2421, %mul3A_2423 : vector<16xi32>
    %add3A_2425 = arith.constant 3 : i32
    %add3A_2426 = vector.broadcast %add3A_2425 : i32 to vector<16xi32>
    %add3A_2427 = arith.addi %mul3A_2424, %add3A_2426 : vector<16xi32>
    %swap3A_2428 = arith.constant 32 : index
    %swap3A_2429 = tpu.vector_load %arg12[%swap3A_2428] {strides = array<i32>} : memref<128xi32, #tpu.memory_space<vmem>>, vector<16xi32>,
    %swap3A_2430 = vector.shape_cast %swap3A_2429 : vector<16xi32> to vector<16xi32>
    %swap3A_2431 = vector.shape_cast %add3A_2427 : vector<16xi32> to vector<16xi32>
    tpu.vector_store %arg12[%swap3A_2428], %swap3A_2431 {strides = array<i32>} : memref<128xi32, #tpu.memory_space<vmem>>, vector<16xi32>,
    %get3A_2432 = arith.constant 48 : index
    %get3A_2433 = tpu.vector_load %arg11[%get3A_2432] {strides = array<i32>} : memref<128xi32, #tpu.memory_space<vmem>>, vector<16xi32>,
    %get3A_2434 = vector.shape_cast %get3A_2433 : vector<16xi32> to vector<16xi32>
    %mul3A_2435 = arith.constant 4 : i32
    %mul3A_2436 = vector.broadcast %mul3A_2435 : i32 to vector<16xi32>
    %mul3A_2437 = arith.muli %get3A_2434, %mul3A_2436 : vector<16xi32>
    %add3A_2438 = arith.constant 3 : i32
    %add3A_2439 = vector.broadcast %add3A_2438 : i32 to vector<16xi32>
    %add3A_2440 = arith.addi %mul3A_2437, %add3A_2439 : vector<16xi32>
    %swap3A_2441 = arith.constant 48 : index
    %swap3A_2442 = tpu.vector_load %arg12[%swap3A_2441] {strides = array<i32>} : memref<128xi32, #tpu.memory_space<vmem>>, vector<16xi32>,
    %swap3A_2443 = vector.shape_cast %swap3A_2442 : vector<16xi32> to vector<16xi32>
    %swap3A_2444 = vector.shape_cast %add3A_2440 : vector<16xi32> to vector<16xi32>
    tpu.vector_store %arg12[%swap3A_2441], %swap3A_2444 {strides = array<i32>} : memref<128xi32, #tpu.memory_space<vmem>>, vector<16xi32>,
    %get3A_2445 = arith.constant 64 : index
    %get3A_2446 = tpu.vector_load %arg11[%get3A_2445] {strides = array<i32>} : memref<128xi32, #tpu.memory_space<vmem>>, vector<16xi32>,
    %get3A_2447 = vector.shape_cast %get3A_2446 : vector<16xi32> to vector<16xi32>
    %mul3A_2448 = arith.constant 4 : i32
    %mul3A_2449 = vector.broadcast %mul3A_2448 : i32 to vector<16xi32>
    %mul3A_2450 = arith.muli %get3A_2447, %mul3A_2449 : vector<16xi32>
    %add3A_2451 = arith.constant 3 : i32
    %add3A_2452 = vector.broadcast %add3A_2451 : i32 to vector<16xi32>
    %add3A_2453 = arith.addi %mul3A_2450, %add3A_2452 : vector<16xi32>
    %swap3A_2454 = arith.constant 64 : index
    %swap3A_2455 = tpu.vector_load %arg12[%swap3A_2454] {strides = array<i32>} : memref<128xi32, #tpu.memory_space<vmem>>, vector<16xi32>,
    %swap3A_2456 = vector.shape_cast %swap3A_2455 : vector<16xi32> to vector<16xi32>
    %swap3A_2457 = vector.shape_cast %add3A_2453 : vector<16xi32> to vector<16xi32>
    tpu.vector_store %arg12[%swap3A_2454], %swap3A_2457 {strides = array<i32>} : memref<128xi32, #tpu.memory_space<vmem>>, vector<16xi32>,
    %get3A_2458 = arith.constant 80 : index
    %get3A_2459 = tpu.vector_load %arg11[%get3A_2458] {strides = array<i32>} : memref<128xi32, #tpu.memory_space<vmem>>, vector<16xi32>,
    %get3A_2460 = vector.shape_cast %get3A_2459 : vector<16xi32> to vector<16xi32>
    %mul3A_2461 = arith.constant 4 : i32
    %mul3A_2462 = vector.broadcast %mul3A_2461 : i32 to vector<16xi32>
    %mul3A_2463 = arith.muli %get3A_2460, %mul3A_2462 : vector<16xi32>
    %add3A_2464 = arith.constant 3 : i32
    %add3A_2465 = vector.broadcast %add3A_2464 : i32 to vector<16xi32>
    %add3A_2466 = arith.addi %mul3A_2463, %add3A_2465 : vector<16xi32>
    %swap3A_2467 = arith.constant 80 : index
    %swap3A_2468 = tpu.vector_load %arg12[%swap3A_2467] {strides = array<i32>} : memref<128xi32, #tpu.memory_space<vmem>>, vector<16xi32>,
    %swap3A_2469 = vector.shape_cast %swap3A_2468 : vector<16xi32> to vector<16xi32>
    %swap3A_2470 = vector.shape_cast %add3A_2466 : vector<16xi32> to vector<16xi32>
    tpu.vector_store %arg12[%swap3A_2467], %swap3A_2470 {strides = array<i32>} : memref<128xi32, #tpu.memory_space<vmem>>, vector<16xi32>,
    %get3A_2471 = arith.constant 96 : index
    %get3A_2472 = tpu.vector_load %arg11[%get3A_2471] {strides = array<i32>} : memref<128xi32, #tpu.memory_space<vmem>>, vector<16xi32>,
    %get3A_2473 = vector.shape_cast %get3A_2472 : vector<16xi32> to vector<16xi32>
    %mul3A_2474 = arith.constant 4 : i32
    %mul3A_2475 = vector.broadcast %mul3A_2474 : i32 to vector<16xi32>
    %mul3A_2476 = arith.muli %get3A_2473, %mul3A_2475 : vector<16xi32>
    %add3A_2477 = arith.constant 3 : i32
    %add3A_2478 = vector.broadcast %add3A_2477 : i32 to vector<16xi32>
    %add3A_2479 = arith.addi %mul3A_2476, %add3A_2478 : vector<16xi32>
    %swap3A_2480 = arith.constant 96 : index
    %swap3A_2481 = tpu.vector_load %arg12[%swap3A_2480] {strides = array<i32>} : memref<128xi32, #tpu.memory_space<vmem>>, vector<16xi32>,
    %swap3A_2482 = vector.shape_cast %swap3A_2481 : vector<16xi32> to vector<16xi32>
    %swap3A_2483 = vector.shape_cast %add3A_2479 : vector<16xi32> to vector<16xi32>
    tpu.vector_store %arg12[%swap3A_2480], %swap3A_2483 {strides = array<i32>} : memref<128xi32, #tpu.memory_space<vmem>>, vector<16xi32>,
    %get3A_2484 = arith.constant 112 : index
    %get3A_2485 = tpu.vector_load %arg11[%get3A_2484] {strides = array<i32>} : memref<128xi32, #tpu.memory_space<vmem>>, vector<16xi32>,
    %get3A_2486 = vector.shape_cast %get3A_2485 : vector<16xi32> to vector<16xi32>
    %mul3A_2487 = arith.constant 4 : i32
    %mul3A_2488 = vector.broadcast %mul3A_2487 : i32 to vector<16xi32>
    %mul3A_2489 = arith.muli %get3A_2486, %mul3A_2488 : vector<16xi32>
    %add3A_2490 = arith.constant 3 : i32
    %add3A_2491 = vector.broadcast %add3A_2490 : i32 to vector<16xi32>
    %add3A_2492 = arith.addi %mul3A_2489, %add3A_2491 : vector<16xi32>
    %swap3A_2493 = arith.constant 112 : index
    %swap3A_2494 = tpu.vector_load %arg12[%swap3A_2493] {strides = array<i32>} : memref<128xi32, #tpu.memory_space<vmem>>, vector<16xi32>,
    %swap3A_2495 = vector.shape_cast %swap3A_2494 : vector<16xi32> to vector<16xi32>
    %swap3A_2496 = vector.shape_cast %add3A_2492 : vector<16xi32> to vector<16xi32>
    tpu.vector_store %arg12[%swap3A_2493], %swap3A_2496 {strides = array<i32>} : memref<128xi32, #tpu.memory_space<vmem>>, vector<16xi32>,
    %dma_start3A_2497 = arith.constant 0 : i32
    %dma_start3A_2498 = tpu.memref_slice %arg2[%dma_start3A_2497] : memref<80000xf32, #tpu.memory_space<hbm>> -> memref<80000xf32, #tpu.memory_space<hbm>>
    tpu.enqueue_indirect_dma source(%dma_start3A_2498 : memref<80000xf32, #tpu.memory_space<hbm>>) target(%arg13 : memref<128xf32, #tpu.memory_space<vmem>>) offsets(%arg12 : memref<128xi32, #tpu.memory_space<vmem>>) semaphore(%arg14 : memref<!tpu.dma_semaphore, #tpu.memory_space<semaphore_mem>>)
    %dma_wait3A_2499 = arith.constant 0 : i32
    %dma_wait3A_2500 = tpu.memref_slice %arg2[%dma_wait3A_2499] : memref<80000xf32, #tpu.memory_space<hbm>> -> memref<80000xf32, #tpu.memory_space<hbm>>
    tpu.wait_indirect_dma semaphore(%arg14 : memref<!tpu.dma_semaphore, #tpu.memory_space<semaphore_mem>>) src(%dma_wait3A_2500 : memref<80000xf32, #tpu.memory_space<hbm>>) dst(%arg13 : memref<128xf32, #tpu.memory_space<vmem>>)
    %add3A_2501 = arith.constant 512 : i32
    %add3A_2502 = arith.addi %multiple_of3A, %add3A_2501 : i32
    "tpu.region"() ({
      %run_scoped3A = tpu.sem_alloc : memref<!tpu.dma_semaphore, #tpu.memory_space<semaphore_mem>>
      %dma_start3A_2509 = tpu.memref_slice %arg8[%add3A_2502] : memref<20480xf32, #tpu.memory_space<hbm>> -> memref<128xf32, #tpu.memory_space<hbm>>
      %dma_start3A_2510 = tpu.memref_slice %arg8[%add3A_2502] : memref<20480xf32, #tpu.memory_space<hbm>> -> memref<128xf32, #tpu.memory_space<hbm>>
      tpu.enqueue_dma source(%arg13 : memref<128xf32, #tpu.memory_space<vmem>>) target(%dma_start3A_2510 : memref<128xf32, #tpu.memory_space<hbm>>) target_semaphore(%run_scoped3A : memref<!tpu.dma_semaphore, #tpu.memory_space<semaphore_mem>>)
      %dma_wait3A_2511 = tpu.memref_slice %arg8[%add3A_2502] : memref<20480xf32, #tpu.memory_space<hbm>> -> memref<128xf32, #tpu.memory_space<hbm>>
      %dma_wait3A_2512 = tpu.memref_slice %arg8[%add3A_2502] : memref<20480xf32, #tpu.memory_space<hbm>> -> memref<128xf32, #tpu.memory_space<hbm>>
      tpu.wait_dma2 semaphore(%run_scoped3A : memref<!tpu.dma_semaphore, #tpu.memory_space<semaphore_mem>>) src(%arg13 : memref<128xf32, #tpu.memory_space<vmem>>) dst(%dma_wait3A_2512 : memref<128xf32, #tpu.memory_space<hbm>>)
      tpu.yield
    }) : () -> ()
    %dma_start3A_2503 = arith.constant 0 : i32
    %dma_start3A_2504 = tpu.memref_slice %arg3[%dma_start3A_2503] : memref<20000xf32, #tpu.memory_space<hbm>> -> memref<20000xf32, #tpu.memory_space<hbm>>
    tpu.enqueue_indirect_dma source(%dma_start3A_2504 : memref<20000xf32, #tpu.memory_space<hbm>>) target(%arg13 : memref<128xf32, #tpu.memory_space<vmem>>) offsets(%arg11 : memref<128xi32, #tpu.memory_space<vmem>>) semaphore(%arg14 : memref<!tpu.dma_semaphore, #tpu.memory_space<semaphore_mem>>)
    %dma_wait3A_2505 = arith.constant 0 : i32
    %dma_wait3A_2506 = tpu.memref_slice %arg3[%dma_wait3A_2505] : memref<20000xf32, #tpu.memory_space<hbm>> -> memref<20000xf32, #tpu.memory_space<hbm>>
    tpu.wait_indirect_dma semaphore(%arg14 : memref<!tpu.dma_semaphore, #tpu.memory_space<semaphore_mem>>) src(%dma_wait3A_2506 : memref<20000xf32, #tpu.memory_space<hbm>>) dst(%arg13 : memref<128xf32, #tpu.memory_space<vmem>>)
    %add3A_2507 = arith.constant 512 : i32
    %add3A_2508 = arith.addi %multiple_of3A, %add3A_2507 : i32
    "tpu.region"() ({
      %run_scoped3A = tpu.sem_alloc : memref<!tpu.dma_semaphore, #tpu.memory_space<semaphore_mem>>
      %dma_start3A_2509 = tpu.memref_slice %arg9[%add3A_2508] : memref<20480xf32, #tpu.memory_space<hbm>> -> memref<128xf32, #tpu.memory_space<hbm>>
      %dma_start3A_2510 = tpu.memref_slice %arg9[%add3A_2508] : memref<20480xf32, #tpu.memory_space<hbm>> -> memref<128xf32, #tpu.memory_space<hbm>>
      tpu.enqueue_dma source(%arg13 : memref<128xf32, #tpu.memory_space<vmem>>) target(%dma_start3A_2510 : memref<128xf32, #tpu.memory_space<hbm>>) target_semaphore(%run_scoped3A : memref<!tpu.dma_semaphore, #tpu.memory_space<semaphore_mem>>)
      %dma_wait3A_2511 = tpu.memref_slice %arg9[%add3A_2508] : memref<20480xf32, #tpu.memory_space<hbm>> -> memref<128xf32, #tpu.memory_space<hbm>>
      %dma_wait3A_2512 = tpu.memref_slice %arg9[%add3A_2508] : memref<20480xf32, #tpu.memory_space<hbm>> -> memref<128xf32, #tpu.memory_space<hbm>>
      tpu.wait_dma2 semaphore(%run_scoped3A : memref<!tpu.dma_semaphore, #tpu.memory_space<semaphore_mem>>) src(%arg13 : memref<128xf32, #tpu.memory_space<vmem>>) dst(%dma_wait3A_2512 : memref<128xf32, #tpu.memory_space<hbm>>)
      tpu.yield
    }) : () -> ()
    return
  }
}

module attributes {stable_mosaic.version = 14 : i64} {
  func.func @_nms_kernel(%arg0: memref<160x128xf32, #tpu.memory_space<vmem>>, %arg1: memref<160x128xf32, #tpu.memory_space<vmem>>, %arg2: memref<160x128xf32, #tpu.memory_space<vmem>>, %arg3: memref<160x128xf32, #tpu.memory_space<vmem>>, %arg4: memref<160x128xf32, #tpu.memory_space<vmem>>, %arg5: memref<160x128xf32, #tpu.memory_space<vmem>>, %arg6: memref<160x128xf32, #tpu.memory_space<vmem>>, %arg7: memref<160x128xf32, #tpu.memory_space<vmem>>, %arg8: memref<160x128xf32, #tpu.memory_space<vmem>>, %arg9: memref<160x128xf32, #tpu.memory_space<vmem>>, %arg10: memref<160x128xf32, #tpu.memory_space<vmem>>, %arg11: memref<160x128xf32, #tpu.memory_space<vmem>>, %arg12: memref<160x128xf32, #tpu.memory_space<vmem>>) attributes {dimension_semantics = [], scalar_prefetch = 0 : i64, scratch_operands = 3 : i64, tpu.core_type = #tpu.core_type<tc>} {
    %get3A = arith.constant 0 : index
    %get3A_0 = arith.constant 0 : index
    %get3A_1 = vector.load %arg2[%get3A, %get3A_0] : memref<160x128xf32, #tpu.memory_space<vmem>>, vector<160x128xf32>
    %get3A_2 = arith.constant 0 : index
    %get3A_3 = arith.constant 0 : index
    %get3A_4 = vector.load %arg0[%get3A_2, %get3A_3] : memref<160x128xf32, #tpu.memory_space<vmem>>, vector<160x128xf32>
    %sub3A = arith.subf %get3A_1, %get3A_4 : vector<160x128xf32>
    %add3A = arith.constant 1.000000e+00 : f32
    %add3A_5 = vector.broadcast %add3A : f32 to vector<160x128xf32>
    %add3A_6 = arith.addf %sub3A, %add3A_5 : vector<160x128xf32>
    %get3A_7 = arith.constant 0 : index
    %get3A_8 = arith.constant 0 : index
    %get3A_9 = vector.load %arg3[%get3A_7, %get3A_8] : memref<160x128xf32, #tpu.memory_space<vmem>>, vector<160x128xf32>
    %get3A_10 = arith.constant 0 : index
    %get3A_11 = arith.constant 0 : index
    %get3A_12 = vector.load %arg1[%get3A_10, %get3A_11] : memref<160x128xf32, #tpu.memory_space<vmem>>, vector<160x128xf32>
    %sub3A_13 = arith.subf %get3A_9, %get3A_12 : vector<160x128xf32>
    %add3A_14 = arith.constant 1.000000e+00 : f32
    %add3A_15 = vector.broadcast %add3A_14 : f32 to vector<160x128xf32>
    %add3A_16 = arith.addf %sub3A_13, %add3A_15 : vector<160x128xf32>
    %mul3A = arith.mulf %add3A_6, %add3A_16 : vector<160x128xf32>
    %swap3A = arith.constant 0 : index
    %swap3A_17 = arith.constant 0 : index
    %swap3A_18 = vector.load %arg11[%swap3A, %swap3A_17] : memref<160x128xf32, #tpu.memory_space<vmem>>, vector<160x128xf32>
    tpu.vector_store %arg11[%swap3A, %swap3A_17], %mul3A {strides = array<i32>} : memref<160x128xf32, #tpu.memory_space<vmem>>, vector<160x128xf32>,
    %broadcast_in_dim3A = arith.constant 1.000000e+00 : f32
    %broadcast_in_dim3A_19 = vector.broadcast %broadcast_in_dim3A : f32 to vector<160x128xf32>
    %swap3A_20 = arith.constant 0 : index
    %swap3A_21 = arith.constant 0 : index
    %swap3A_22 = vector.load %arg10[%swap3A_20, %swap3A_21] : memref<160x128xf32, #tpu.memory_space<vmem>>, vector<160x128xf32>
    tpu.vector_store %arg10[%swap3A_20, %swap3A_21], %broadcast_in_dim3A_19 {strides = array<i32>} : memref<160x128xf32, #tpu.memory_space<vmem>>, vector<160x128xf32>,
    %iota3A = tpu.iota {dimensions = array<i32: 0>} : vector<160x128xi32>
    %mul3A_23 = arith.constant 128 : i32
    %mul3A_24 = vector.broadcast %mul3A_23 : i32 to vector<160x128xi32>
    %mul3A_25 = arith.muli %iota3A, %mul3A_24 : vector<160x128xi32>
    %iota3A_26 = tpu.iota {dimensions = array<i32: 1>} : vector<160x128xi32>
    %add3A_27 = arith.addi %mul3A_25, %iota3A_26 : vector<160x128xi32>
    %convert_element_type3A = arith.sitofp %add3A_27 : vector<160x128xi32> to vector<160x128xf32>
    %swap3A_28 = arith.constant 0 : index
    %swap3A_29 = arith.constant 0 : index
    %swap3A_30 = vector.load %arg12[%swap3A_28, %swap3A_29] : memref<160x128xf32, #tpu.memory_space<vmem>>, vector<160x128xf32>
    tpu.vector_store %arg12[%swap3A_28, %swap3A_29], %convert_element_type3A {strides = array<i32>} : memref<160x128xf32, #tpu.memory_space<vmem>>, vector<160x128xf32>,
    %iota3A_31 = tpu.iota {dimensions = array<i32: 0>} : vector<8x128xi32>
    %iota3A_32 = tpu.iota {dimensions = array<i32: 1>} : vector<8x128xi32>
    %get3A_33 = arith.constant 0 : index
    %get3A_34 = arith.constant 0 : index
    %get3A_35 = vector.load %arg0[%get3A_33, %get3A_34] : memref<160x128xf32, #tpu.memory_space<vmem>>, vector<1x1xf32>
    %get3A_36 = arith.constant 0 : index
    %get3A_37 = arith.constant 0 : index
    %get3A_38 = vector.load %arg1[%get3A_36, %get3A_37] : memref<160x128xf32, #tpu.memory_space<vmem>>, vector<1x1xf32>
    %get3A_39 = arith.constant 0 : index
    %get3A_40 = arith.constant 0 : index
    %get3A_41 = vector.load %arg2[%get3A_39, %get3A_40] : memref<160x128xf32, #tpu.memory_space<vmem>>, vector<1x1xf32>
    %get3A_42 = arith.constant 0 : index
    %get3A_43 = arith.constant 0 : index
    %get3A_44 = vector.load %arg3[%get3A_42, %get3A_43] : memref<160x128xf32, #tpu.memory_space<vmem>>, vector<1x1xf32>
    %get3A_45 = arith.constant 0 : index
    %get3A_46 = arith.constant 1 : index
    %get3A_47 = vector.load %arg0[%get3A_45, %get3A_46] : memref<160x128xf32, #tpu.memory_space<vmem>>, vector<1x1xf32>
    %get3A_48 = arith.constant 0 : index
    %get3A_49 = arith.constant 1 : index
    %get3A_50 = vector.load %arg1[%get3A_48, %get3A_49] : memref<160x128xf32, #tpu.memory_space<vmem>>, vector<1x1xf32>
    %get3A_51 = arith.constant 0 : index
    %get3A_52 = arith.constant 1 : index
    %get3A_53 = vector.load %arg2[%get3A_51, %get3A_52] : memref<160x128xf32, #tpu.memory_space<vmem>>, vector<1x1xf32>
    %get3A_54 = arith.constant 0 : index
    %get3A_55 = arith.constant 1 : index
    %get3A_56 = vector.load %arg3[%get3A_54, %get3A_55] : memref<160x128xf32, #tpu.memory_space<vmem>>, vector<1x1xf32>
    %while3A = arith.constant 2.000000e+04 : f32
    %while3A_57 = arith.constant 0.000000e+00 : f32
    %while3A_58 = arith.constant 1.000000e+00 : f32
    %while3A_59:10 = scf.while (%while3A_98 = %while3A_57, %while3A_99 = %while3A_58, %while3A_100 = %get3A_35, %while3A_101 = %get3A_38, %while3A_102 = %get3A_41, %while3A_103 = %get3A_44, %while3A_104 = %get3A_47, %while3A_105 = %get3A_50, %while3A_106 = %get3A_53, %while3A_107 = %get3A_56) : (f32, f32, vector<1x1xf32>, vector<1x1xf32>, vector<1x1xf32>, vector<1x1xf32>, vector<1x1xf32>, vector<1x1xf32>, vector<1x1xf32>, vector<1x1xf32>) -> (f32, f32, vector<1x1xf32>, vector<1x1xf32>, vector<1x1xf32>, vector<1x1xf32>, vector<1x1xf32>, vector<1x1xf32>, vector<1x1xf32>, vector<1x1xf32>) {
      %lt3A = arith.constant 2.000000e+04 : f32
      %lt3A_108 = arith.cmpf olt, %while3A_98, %lt3A : f32
      scf.condition(%lt3A_108) %while3A_98, %while3A_99, %while3A_100, %while3A_101, %while3A_102, %while3A_103, %while3A_104, %while3A_105, %while3A_106, %while3A_107 : f32, f32, vector<1x1xf32>, vector<1x1xf32>, vector<1x1xf32>, vector<1x1xf32>, vector<1x1xf32>, vector<1x1xf32>, vector<1x1xf32>, vector<1x1xf32>
    } do {
    ^bb0(%while3A_98: f32, %while3A_99: f32, %while3A_100: vector<1x1xf32>, %while3A_101: vector<1x1xf32>, %while3A_102: vector<1x1xf32>, %while3A_103: vector<1x1xf32>, %while3A_104: vector<1x1xf32>, %while3A_105: vector<1x1xf32>, %while3A_106: vector<1x1xf32>, %while3A_107: vector<1x1xf32>):
      %sub3A_108 = arith.subf %while3A_102, %while3A_100 : vector<1x1xf32>
      %add3A_109 = arith.constant 1.000000e+00 : f32
      %add3A_110 = vector.broadcast %add3A_109 : f32 to vector<1x1xf32>
      %add3A_111 = arith.addf %sub3A_108, %add3A_110 : vector<1x1xf32>
      %sub3A_112 = arith.subf %while3A_103, %while3A_101 : vector<1x1xf32>
      %add3A_113 = arith.constant 1.000000e+00 : f32
      %add3A_114 = vector.broadcast %add3A_113 : f32 to vector<1x1xf32>
      %add3A_115 = arith.addf %sub3A_112, %add3A_114 : vector<1x1xf32>
      %mul3A_116 = arith.mulf %add3A_111, %add3A_115 : vector<1x1xf32>
      %sub3A_117 = arith.subf %while3A_106, %while3A_104 : vector<1x1xf32>
      %add3A_118 = arith.constant 1.000000e+00 : f32
      %add3A_119 = vector.broadcast %add3A_118 : f32 to vector<1x1xf32>
      %add3A_120 = arith.addf %sub3A_117, %add3A_119 : vector<1x1xf32>
      %sub3A_121 = arith.subf %while3A_107, %while3A_105 : vector<1x1xf32>
      %add3A_122 = arith.constant 1.000000e+00 : f32
      %add3A_123 = vector.broadcast %add3A_122 : f32 to vector<1x1xf32>
      %add3A_124 = arith.addf %sub3A_121, %add3A_123 : vector<1x1xf32>
      %mul3A_125 = arith.mulf %add3A_120, %add3A_124 : vector<1x1xf32>
      %min3A = arith.minimumf %while3A_102, %while3A_106 : vector<1x1xf32>
      %max3A = arith.maximumf %while3A_100, %while3A_104 : vector<1x1xf32>
      %sub3A_126 = arith.subf %min3A, %max3A : vector<1x1xf32>
      %add3A_127 = arith.constant 1.000000e+00 : f32
      %add3A_128 = vector.broadcast %add3A_127 : f32 to vector<1x1xf32>
      %add3A_129 = arith.addf %sub3A_126, %add3A_128 : vector<1x1xf32>
      %max3A_130 = arith.constant 0.000000e+00 : f32
      %max3A_131 = vector.broadcast %max3A_130 : f32 to vector<1x1xf32>
      %max3A_132 = arith.maximumf %add3A_129, %max3A_131 : vector<1x1xf32>
      %min3A_133 = arith.minimumf %while3A_103, %while3A_107 : vector<1x1xf32>
      %max3A_134 = arith.maximumf %while3A_101, %while3A_105 : vector<1x1xf32>
      %sub3A_135 = arith.subf %min3A_133, %max3A_134 : vector<1x1xf32>
      %add3A_136 = arith.constant 1.000000e+00 : f32
      %add3A_137 = vector.broadcast %add3A_136 : f32 to vector<1x1xf32>
      %add3A_138 = arith.addf %sub3A_135, %add3A_137 : vector<1x1xf32>
      %max3A_139 = arith.constant 0.000000e+00 : f32
      %max3A_140 = vector.broadcast %max3A_139 : f32 to vector<1x1xf32>
      %max3A_141 = arith.maximumf %add3A_138, %max3A_140 : vector<1x1xf32>
      %mul3A_142 = arith.mulf %max3A_132, %max3A_141 : vector<1x1xf32>
      %add3A_143 = arith.addf %mul3A_116, %mul3A_125 : vector<1x1xf32>
      %sub3A_144 = arith.subf %add3A_143, %mul3A_142 : vector<1x1xf32>
      %div3A = arith.divf %mul3A_142, %sub3A_144 : vector<1x1xf32>
      %lt3A = arith.constant 5.000000e-01 : f32
      %lt3A_145 = vector.broadcast %lt3A : f32 to vector<1x1xf32>
      %lt3A_146 = arith.cmpf olt, %div3A, %lt3A_145 : vector<1x1xf32>
      %lt3A_147 = arith.constant 2.000000e+04 : f32
      %lt3A_148 = arith.cmpf olt, %while3A_99, %lt3A_147 : f32
      %and3A = vector.broadcast %lt3A_148 : i1 to vector<1x1xi1>
      %and3A_149 = arith.andi %lt3A_146, %and3A : vector<1x1xi1>
      %broadcast_in_dim3A_150 = vector.broadcast %while3A_99 : f32 to vector<1x1xf32>
      %broadcast_in_dim3A_151 = vector.broadcast %while3A_98 : f32 to vector<1x1xf32>
      %select_n3A = arith.select %and3A_149, %broadcast_in_dim3A_150, %broadcast_in_dim3A_151 : vector<1x1xi1>, vector<1x1xf32>
      %get3A_152 = arith.constant 0 : index
      %get3A_153 = arith.constant 0 : index
      %get3A_154 = vector.load %arg12[%get3A_152, %get3A_153] : memref<160x128xf32, #tpu.memory_space<vmem>>, vector<160x128xf32>
      %get3A_155 = arith.constant 0 : index
      %get3A_156 = arith.constant 0 : index
      %get3A_157 = vector.load %arg2[%get3A_155, %get3A_156] : memref<160x128xf32, #tpu.memory_space<vmem>>, vector<160x128xf32>
      %min3A_158 = vector.broadcast %while3A_102 : vector<1x1xf32> to vector<160x128xf32>
      %min3A_159 = arith.minimumf %get3A_157, %min3A_158 : vector<160x128xf32>
      %get3A_160 = arith.constant 0 : index
      %get3A_161 = arith.constant 0 : index
      %get3A_162 = vector.load %arg0[%get3A_160, %get3A_161] : memref<160x128xf32, #tpu.memory_space<vmem>>, vector<160x128xf32>
      %max3A_163 = vector.broadcast %while3A_100 : vector<1x1xf32> to vector<160x128xf32>
      %max3A_164 = arith.maximumf %get3A_162, %max3A_163 : vector<160x128xf32>
      %sub3A_165 = arith.subf %min3A_159, %max3A_164 : vector<160x128xf32>
      %add3A_166 = arith.constant 1.000000e+00 : f32
      %add3A_167 = vector.broadcast %add3A_166 : f32 to vector<160x128xf32>
      %add3A_168 = arith.addf %sub3A_165, %add3A_167 : vector<160x128xf32>
      %max3A_169 = arith.constant 0.000000e+00 : f32
      %max3A_170 = vector.broadcast %max3A_169 : f32 to vector<160x128xf32>
      %max3A_171 = arith.maximumf %add3A_168, %max3A_170 : vector<160x128xf32>
      %get3A_172 = arith.constant 0 : index
      %get3A_173 = arith.constant 0 : index
      %get3A_174 = vector.load %arg3[%get3A_172, %get3A_173] : memref<160x128xf32, #tpu.memory_space<vmem>>, vector<160x128xf32>
      %min3A_175 = vector.broadcast %while3A_103 : vector<1x1xf32> to vector<160x128xf32>
      %min3A_176 = arith.minimumf %get3A_174, %min3A_175 : vector<160x128xf32>
      %get3A_177 = arith.constant 0 : index
      %get3A_178 = arith.constant 0 : index
      %get3A_179 = vector.load %arg1[%get3A_177, %get3A_178] : memref<160x128xf32, #tpu.memory_space<vmem>>, vector<160x128xf32>
      %max3A_180 = vector.broadcast %while3A_101 : vector<1x1xf32> to vector<160x128xf32>
      %max3A_181 = arith.maximumf %get3A_179, %max3A_180 : vector<160x128xf32>
      %sub3A_182 = arith.subf %min3A_176, %max3A_181 : vector<160x128xf32>
      %add3A_183 = arith.constant 1.000000e+00 : f32
      %add3A_184 = vector.broadcast %add3A_183 : f32 to vector<160x128xf32>
      %add3A_185 = arith.addf %sub3A_182, %add3A_184 : vector<160x128xf32>
      %max3A_186 = arith.constant 0.000000e+00 : f32
      %max3A_187 = vector.broadcast %max3A_186 : f32 to vector<160x128xf32>
      %max3A_188 = arith.maximumf %add3A_185, %max3A_187 : vector<160x128xf32>
      %mul3A_189 = arith.mulf %max3A_171, %max3A_188 : vector<160x128xf32>
      %get3A_190 = arith.constant 0 : index
      %get3A_191 = arith.constant 0 : index
      %get3A_192 = vector.load %arg11[%get3A_190, %get3A_191] : memref<160x128xf32, #tpu.memory_space<vmem>>, vector<160x128xf32>
      %add3A_193 = vector.broadcast %mul3A_116 : vector<1x1xf32> to vector<160x128xf32>
      %add3A_194 = arith.addf %add3A_193, %get3A_192 : vector<160x128xf32>
      %sub3A_195 = arith.subf %add3A_194, %mul3A_189 : vector<160x128xf32>
      %div3A_196 = arith.divf %mul3A_189, %sub3A_195 : vector<160x128xf32>
      %ge3A = arith.constant 5.000000e-01 : f32
      %ge3A_197 = vector.broadcast %ge3A : f32 to vector<160x128xf32>
      %ge3A_198 = arith.cmpf oge, %div3A_196, %ge3A_197 : vector<160x128xf32>
      %gt3A = vector.broadcast %while3A_98 : f32 to vector<160x128xf32>
      %gt3A_199 = arith.cmpf ogt, %get3A_154, %gt3A : vector<160x128xf32>
      %and3A_200 = arith.andi %ge3A_198, %gt3A_199 : vector<160x128xi1>
      %get3A_201 = arith.constant 0 : index
      %get3A_202 = arith.constant 0 : index
      %get3A_203 = vector.load %arg2[%get3A_201, %get3A_202] : memref<160x128xf32, #tpu.memory_space<vmem>>, vector<160x128xf32>
      %min3A_204 = vector.broadcast %while3A_106 : vector<1x1xf32> to vector<160x128xf32>
      %min3A_205 = arith.minimumf %get3A_203, %min3A_204 : vector<160x128xf32>
      %get3A_206 = arith.constant 0 : index
      %get3A_207 = arith.constant 0 : index
      %get3A_208 = vector.load %arg0[%get3A_206, %get3A_207] : memref<160x128xf32, #tpu.memory_space<vmem>>, vector<160x128xf32>
      %max3A_209 = vector.broadcast %while3A_104 : vector<1x1xf32> to vector<160x128xf32>
      %max3A_210 = arith.maximumf %get3A_208, %max3A_209 : vector<160x128xf32>
      %sub3A_211 = arith.subf %min3A_205, %max3A_210 : vector<160x128xf32>
      %add3A_212 = arith.constant 1.000000e+00 : f32
      %add3A_213 = vector.broadcast %add3A_212 : f32 to vector<160x128xf32>
      %add3A_214 = arith.addf %sub3A_211, %add3A_213 : vector<160x128xf32>
      %max3A_215 = arith.constant 0.000000e+00 : f32
      %max3A_216 = vector.broadcast %max3A_215 : f32 to vector<160x128xf32>
      %max3A_217 = arith.maximumf %add3A_214, %max3A_216 : vector<160x128xf32>
      %get3A_218 = arith.constant 0 : index
      %get3A_219 = arith.constant 0 : index
      %get3A_220 = vector.load %arg3[%get3A_218, %get3A_219] : memref<160x128xf32, #tpu.memory_space<vmem>>, vector<160x128xf32>
      %min3A_221 = vector.broadcast %while3A_107 : vector<1x1xf32> to vector<160x128xf32>
      %min3A_222 = arith.minimumf %get3A_220, %min3A_221 : vector<160x128xf32>
      %get3A_223 = arith.constant 0 : index
      %get3A_224 = arith.constant 0 : index
      %get3A_225 = vector.load %arg1[%get3A_223, %get3A_224] : memref<160x128xf32, #tpu.memory_space<vmem>>, vector<160x128xf32>
      %max3A_226 = vector.broadcast %while3A_105 : vector<1x1xf32> to vector<160x128xf32>
      %max3A_227 = arith.maximumf %get3A_225, %max3A_226 : vector<160x128xf32>
      %sub3A_228 = arith.subf %min3A_222, %max3A_227 : vector<160x128xf32>
      %add3A_229 = arith.constant 1.000000e+00 : f32
      %add3A_230 = vector.broadcast %add3A_229 : f32 to vector<160x128xf32>
      %add3A_231 = arith.addf %sub3A_228, %add3A_230 : vector<160x128xf32>
      %max3A_232 = arith.constant 0.000000e+00 : f32
      %max3A_233 = vector.broadcast %max3A_232 : f32 to vector<160x128xf32>
      %max3A_234 = arith.maximumf %add3A_231, %max3A_233 : vector<160x128xf32>
      %mul3A_235 = arith.mulf %max3A_217, %max3A_234 : vector<160x128xf32>
      %get3A_236 = arith.constant 0 : index
      %get3A_237 = arith.constant 0 : index
      %get3A_238 = vector.load %arg11[%get3A_236, %get3A_237] : memref<160x128xf32, #tpu.memory_space<vmem>>, vector<160x128xf32>
      %add3A_239 = vector.broadcast %mul3A_125 : vector<1x1xf32> to vector<160x128xf32>
      %add3A_240 = arith.addf %add3A_239, %get3A_238 : vector<160x128xf32>
      %sub3A_241 = arith.subf %add3A_240, %mul3A_235 : vector<160x128xf32>
      %div3A_242 = arith.divf %mul3A_235, %sub3A_241 : vector<160x128xf32>
      %ge3A_243 = arith.constant 5.000000e-01 : f32
      %ge3A_244 = vector.broadcast %ge3A_243 : f32 to vector<160x128xf32>
      %ge3A_245 = arith.cmpf oge, %div3A_242, %ge3A_244 : vector<160x128xf32>
      %gt3A_246 = vector.broadcast %while3A_99 : f32 to vector<160x128xf32>
      %gt3A_247 = arith.cmpf ogt, %get3A_154, %gt3A_246 : vector<160x128xf32>
      %and3A_248 = arith.andi %ge3A_245, %gt3A_247 : vector<160x128xi1>
      %and3A_249 = vector.broadcast %and3A_149 : vector<1x1xi1> to vector<160x128xi1>
      %and3A_250 = arith.andi %and3A_248, %and3A_249 : vector<160x128xi1>
      %or3A = arith.ori %and3A_200, %and3A_250 : vector<160x128xi1>
      %get3A_251 = arith.constant 0 : index
      %get3A_252 = arith.constant 0 : index
      %get3A_253 = vector.load %arg10[%get3A_251, %get3A_252] : memref<160x128xf32, #tpu.memory_space<vmem>>, vector<160x128xf32>
      %jit3A = arith.constant 0.000000e+00 : f32
      %broadcast_in_dim3A_254 = vector.broadcast %jit3A : f32 to vector<160x128xf32>
      %select_n3A_255 = arith.select %or3A, %broadcast_in_dim3A_254, %get3A_253 : vector<160x128xi1>, vector<160x128xf32>
      %swap3A_256 = arith.constant 0 : index
      %swap3A_257 = arith.constant 0 : index
      %swap3A_258 = vector.load %arg10[%swap3A_256, %swap3A_257] : memref<160x128xf32, #tpu.memory_space<vmem>>, vector<160x128xf32>
      tpu.vector_store %arg10[%swap3A_256, %swap3A_257], %select_n3A_255 {strides = array<i32>} : memref<160x128xf32, #tpu.memory_space<vmem>>, vector<160x128xf32>,
      %gt3A_259 = arith.constant 0.000000e+00 : f32
      %gt3A_260 = vector.broadcast %gt3A_259 : f32 to vector<160x128xf32>
      %gt3A_261 = arith.cmpf ogt, %select_n3A_255, %gt3A_260 : vector<160x128xf32>
      %gt3A_262 = vector.broadcast %select_n3A : vector<1x1xf32> to vector<160x128xf32>
      %gt3A_263 = arith.cmpf ogt, %get3A_154, %gt3A_262 : vector<160x128xf32>
      %and3A_264 = arith.andi %gt3A_261, %gt3A_263 : vector<160x128xi1>
      %broadcast_in_dim3A_265 = vector.broadcast %while3A : f32 to vector<160x128xf32>
      %select_n3A_266 = arith.select %and3A_264, %get3A_154, %broadcast_in_dim3A_265 : vector<160x128xi1>, vector<160x128xf32>
      %reduce_min3A = vector.shape_cast %select_n3A_266 : vector<160x128xf32> to vector<1x160x128xf32>
      %reduce_min3A_267 = arith.constant dense<0x7F800000> : vector<1xf32>
      %reduce_min3A_268 = vector.multi_reduction <minimumf>, %reduce_min3A, %reduce_min3A_267 [1, 2] : vector<1x160x128xf32> to vector<1xf32>
      %reduce_min3A_269 = vector.shape_cast %reduce_min3A_268 : vector<1xf32> to vector<1x1x1xf32>
      %reduce_min3A_270 = vector.extract %reduce_min3A_269[0, 0, 0] : f32 from vector<1x1x1xf32>
      %eq3A = vector.broadcast %reduce_min3A_270 : f32 to vector<160x128xf32>
      %eq3A_271 = arith.cmpf oeq, %select_n3A_266, %eq3A : vector<160x128xf32>
      %broadcast_in_dim3A_272 = vector.broadcast %while3A : f32 to vector<160x128xf32>
      %select_n3A_273 = arith.select %eq3A_271, %broadcast_in_dim3A_272, %select_n3A_266 : vector<160x128xi1>, vector<160x128xf32>
      %reduce_min3A_274 = vector.shape_cast %select_n3A_273 : vector<160x128xf32> to vector<1x160x128xf32>
      %reduce_min3A_275 = arith.constant dense<0x7F800000> : vector<1xf32>
      %reduce_min3A_276 = vector.multi_reduction <minimumf>, %reduce_min3A_274, %reduce_min3A_275 [1, 2] : vector<1x160x128xf32> to vector<1xf32>
      %reduce_min3A_277 = vector.shape_cast %reduce_min3A_276 : vector<1xf32> to vector<1x1x1xf32>
      %reduce_min3A_278 = vector.extract %reduce_min3A_277[0, 0, 0] : f32 from vector<1x1x1xf32>
      %convert_element_type3A_279 = arith.fptosi %reduce_min3A_270 : f32 to i32
      %jit3A_280 = arith.constant 1024 : i32
      %div3A_281 = arith.divsi %convert_element_type3A_279, %jit3A_280 : i32
      %sign3A = arith.constant 0 : i32
      %sign3A_282 = arith.cmpi sgt, %convert_element_type3A_279, %sign3A : i32
      %sign3A_283 = arith.extui %sign3A_282 : i1 to i32
      %sign3A_284 = arith.constant 0 : i32
      %sign3A_285 = arith.cmpi slt, %convert_element_type3A_279, %sign3A_284 : i32
      %sign3A_286 = arith.extui %sign3A_285 : i1 to i32
      %sign3A_287 = arith.subi %sign3A_283, %sign3A_286 : i32
      %sign3A_288 = arith.constant 0 : i32
      %sign3A_289 = arith.cmpi sgt, %jit3A_280, %sign3A_288 : i32
      %sign3A_290 = arith.extui %sign3A_289 : i1 to i32
      %sign3A_291 = arith.constant 0 : i32
      %sign3A_292 = arith.cmpi slt, %jit3A_280, %sign3A_291 : i32
      %sign3A_293 = arith.extui %sign3A_292 : i1 to i32
      %sign3A_294 = arith.subi %sign3A_290, %sign3A_293 : i32
      %ne3A = arith.cmpi ne, %sign3A_287, %sign3A_294 : i32
      %rem3A = arith.remsi %convert_element_type3A_279, %jit3A_280 : i32
      %ne3A_295 = arith.constant 0 : i32
      %ne3A_296 = arith.cmpi ne, %rem3A, %ne3A_295 : i32
      %and3A_297 = arith.andi %ne3A, %ne3A_296 : i1
      %sub3A_298 = arith.constant 1 : i32
      %sub3A_299 = arith.subi %div3A_281, %sub3A_298 : i32
      %select_n3A_300 = arith.select %and3A_297, %sub3A_299, %div3A_281 : i32
      %mul3A_301 = arith.constant 1024 : i32
      %mul3A_302 = arith.muli %select_n3A_300, %mul3A_301 : i32
      %sub3A_303 = arith.subi %convert_element_type3A_279, %mul3A_302 : i32
      %jit3A_304 = arith.constant 128 : i32
      %div3A_305 = arith.divsi %sub3A_303, %jit3A_304 : i32
      %sign3A_306 = arith.constant 0 : i32
      %sign3A_307 = arith.cmpi sgt, %sub3A_303, %sign3A_306 : i32
      %sign3A_308 = arith.extui %sign3A_307 : i1 to i32
      %sign3A_309 = arith.constant 0 : i32
      %sign3A_310 = arith.cmpi slt, %sub3A_303, %sign3A_309 : i32
      %sign3A_311 = arith.extui %sign3A_310 : i1 to i32
      %sign3A_312 = arith.subi %sign3A_308, %sign3A_311 : i32
      %sign3A_313 = arith.constant 0 : i32
      %sign3A_314 = arith.cmpi sgt, %jit3A_304, %sign3A_313 : i32
      %sign3A_315 = arith.extui %sign3A_314 : i1 to i32
      %sign3A_316 = arith.constant 0 : i32
      %sign3A_317 = arith.cmpi slt, %jit3A_304, %sign3A_316 : i32
      %sign3A_318 = arith.extui %sign3A_317 : i1 to i32
      %sign3A_319 = arith.subi %sign3A_315, %sign3A_318 : i32
      %ne3A_320 = arith.cmpi ne, %sign3A_312, %sign3A_319 : i32
      %rem3A_321 = arith.remsi %sub3A_303, %jit3A_304 : i32
      %ne3A_322 = arith.constant 0 : i32
      %ne3A_323 = arith.cmpi ne, %rem3A_321, %ne3A_322 : i32
      %and3A_324 = arith.andi %ne3A_320, %ne3A_323 : i1
      %sub3A_325 = arith.constant 1 : i32
      %sub3A_326 = arith.subi %div3A_305, %sub3A_325 : i32
      %select_n3A_327 = arith.select %and3A_324, %sub3A_326, %div3A_305 : i32
      %mul3A_328 = arith.constant 128 : i32
      %mul3A_329 = arith.muli %select_n3A_327, %mul3A_328 : i32
      %sub3A_330 = arith.subi %sub3A_303, %mul3A_329 : i32
      %mul3A_331 = arith.constant 8 : i32
      %mul3A_332 = arith.muli %select_n3A_300, %mul3A_331 : i32
      %multiple_of3A = tpu.assume_multiple %mul3A_332, 8 : i32
      %eq3A_333 = vector.broadcast %select_n3A_327 : i32 to vector<8x128xi32>
      %eq3A_334 = arith.cmpi eq, %iota3A_31, %eq3A_333 : vector<8x128xi32>
      %eq3A_335 = vector.broadcast %sub3A_330 : i32 to vector<8x128xi32>
      %eq3A_336 = arith.cmpi eq, %iota3A_32, %eq3A_335 : vector<8x128xi32>
      %and3A_337 = arith.andi %eq3A_334, %eq3A_336 : vector<8x128xi1>
      %convert_element_type3A_338 = arith.extui %and3A_337 : vector<8x128xi1> to vector<8x128xi32>
      %convert_element_type3A_339 = arith.sitofp %convert_element_type3A_338 : vector<8x128xi32> to vector<8x128xf32>
      %get3A_340 = arith.index_cast %multiple_of3A : i32 to index
      %get3A_341 = arith.constant 0 : index
      %get3A_342 = vector.load %arg0[%get3A_340, %get3A_341] : memref<160x128xf32, #tpu.memory_space<vmem>>, vector<8x128xf32>
      %mul3A_343 = arith.mulf %get3A_342, %convert_element_type3A_339 : vector<8x128xf32>
      %reduce_sum3A = arith.constant dense<0.000000e+00> : vector<8xf32>
      %reduce_sum3A_344 = vector.multi_reduction <add>, %mul3A_343, %reduce_sum3A [1] : vector<8x128xf32> to vector<8xf32>
      %broadcast_in_dim3A_345 = vector.shape_cast %reduce_sum3A_344 : vector<8xf32> to vector<8x1xf32>
      %reduce_sum3A_346 = arith.constant dense<0.000000e+00> : vector<1xf32>
      %reduce_sum3A_347 = vector.multi_reduction <add>, %broadcast_in_dim3A_345, %reduce_sum3A_346 [0] : vector<8x1xf32> to vector<1xf32>
      %broadcast_in_dim3A_348 = vector.shape_cast %reduce_sum3A_347 : vector<1xf32> to vector<1x1xf32>
      %get3A_349 = arith.index_cast %multiple_of3A : i32 to index
      %get3A_350 = arith.constant 0 : index
      %get3A_351 = vector.load %arg1[%get3A_349, %get3A_350] : memref<160x128xf32, #tpu.memory_space<vmem>>, vector<8x128xf32>
      %mul3A_352 = arith.mulf %get3A_351, %convert_element_type3A_339 : vector<8x128xf32>
      %reduce_sum3A_353 = arith.constant dense<0.000000e+00> : vector<8xf32>
      %reduce_sum3A_354 = vector.multi_reduction <add>, %mul3A_352, %reduce_sum3A_353 [1] : vector<8x128xf32> to vector<8xf32>
      %broadcast_in_dim3A_355 = vector.shape_cast %reduce_sum3A_354 : vector<8xf32> to vector<8x1xf32>
      %reduce_sum3A_356 = arith.constant dense<0.000000e+00> : vector<1xf32>
      %reduce_sum3A_357 = vector.multi_reduction <add>, %broadcast_in_dim3A_355, %reduce_sum3A_356 [0] : vector<8x1xf32> to vector<1xf32>
      %broadcast_in_dim3A_358 = vector.shape_cast %reduce_sum3A_357 : vector<1xf32> to vector<1x1xf32>
      %get3A_359 = arith.index_cast %multiple_of3A : i32 to index
      %get3A_360 = arith.constant 0 : index
      %get3A_361 = vector.load %arg2[%get3A_359, %get3A_360] : memref<160x128xf32, #tpu.memory_space<vmem>>, vector<8x128xf32>
      %mul3A_362 = arith.mulf %get3A_361, %convert_element_type3A_339 : vector<8x128xf32>
      %reduce_sum3A_363 = arith.constant dense<0.000000e+00> : vector<8xf32>
      %reduce_sum3A_364 = vector.multi_reduction <add>, %mul3A_362, %reduce_sum3A_363 [1] : vector<8x128xf32> to vector<8xf32>
      %broadcast_in_dim3A_365 = vector.shape_cast %reduce_sum3A_364 : vector<8xf32> to vector<8x1xf32>
      %reduce_sum3A_366 = arith.constant dense<0.000000e+00> : vector<1xf32>
      %reduce_sum3A_367 = vector.multi_reduction <add>, %broadcast_in_dim3A_365, %reduce_sum3A_366 [0] : vector<8x1xf32> to vector<1xf32>
      %broadcast_in_dim3A_368 = vector.shape_cast %reduce_sum3A_367 : vector<1xf32> to vector<1x1xf32>
      %get3A_369 = arith.index_cast %multiple_of3A : i32 to index
      %get3A_370 = arith.constant 0 : index
      %get3A_371 = vector.load %arg3[%get3A_369, %get3A_370] : memref<160x128xf32, #tpu.memory_space<vmem>>, vector<8x128xf32>
      %mul3A_372 = arith.mulf %get3A_371, %convert_element_type3A_339 : vector<8x128xf32>
      %reduce_sum3A_373 = arith.constant dense<0.000000e+00> : vector<8xf32>
      %reduce_sum3A_374 = vector.multi_reduction <add>, %mul3A_372, %reduce_sum3A_373 [1] : vector<8x128xf32> to vector<8xf32>
      %broadcast_in_dim3A_375 = vector.shape_cast %reduce_sum3A_374 : vector<8xf32> to vector<8x1xf32>
      %reduce_sum3A_376 = arith.constant dense<0.000000e+00> : vector<1xf32>
      %reduce_sum3A_377 = vector.multi_reduction <add>, %broadcast_in_dim3A_375, %reduce_sum3A_376 [0] : vector<8x1xf32> to vector<1xf32>
      %broadcast_in_dim3A_378 = vector.shape_cast %reduce_sum3A_377 : vector<1xf32> to vector<1x1xf32>
      %convert_element_type3A_379 = arith.fptosi %reduce_min3A_278 : f32 to i32
      %jit3A_380 = arith.constant 1024 : i32
      %div3A_381 = arith.divsi %convert_element_type3A_379, %jit3A_380 : i32
      %sign3A_382 = arith.constant 0 : i32
      %sign3A_383 = arith.cmpi sgt, %convert_element_type3A_379, %sign3A_382 : i32
      %sign3A_384 = arith.extui %sign3A_383 : i1 to i32
      %sign3A_385 = arith.constant 0 : i32
      %sign3A_386 = arith.cmpi slt, %convert_element_type3A_379, %sign3A_385 : i32
      %sign3A_387 = arith.extui %sign3A_386 : i1 to i32
      %sign3A_388 = arith.subi %sign3A_384, %sign3A_387 : i32
      %sign3A_389 = arith.constant 0 : i32
      %sign3A_390 = arith.cmpi sgt, %jit3A_380, %sign3A_389 : i32
      %sign3A_391 = arith.extui %sign3A_390 : i1 to i32
      %sign3A_392 = arith.constant 0 : i32
      %sign3A_393 = arith.cmpi slt, %jit3A_380, %sign3A_392 : i32
      %sign3A_394 = arith.extui %sign3A_393 : i1 to i32
      %sign3A_395 = arith.subi %sign3A_391, %sign3A_394 : i32
      %ne3A_396 = arith.cmpi ne, %sign3A_388, %sign3A_395 : i32
      %rem3A_397 = arith.remsi %convert_element_type3A_379, %jit3A_380 : i32
      %ne3A_398 = arith.constant 0 : i32
      %ne3A_399 = arith.cmpi ne, %rem3A_397, %ne3A_398 : i32
      %and3A_400 = arith.andi %ne3A_396, %ne3A_399 : i1
      %sub3A_401 = arith.constant 1 : i32
      %sub3A_402 = arith.subi %div3A_381, %sub3A_401 : i32
      %select_n3A_403 = arith.select %and3A_400, %sub3A_402, %div3A_381 : i32
      %mul3A_404 = arith.constant 1024 : i32
      %mul3A_405 = arith.muli %select_n3A_403, %mul3A_404 : i32
      %sub3A_406 = arith.subi %convert_element_type3A_379, %mul3A_405 : i32
      %jit3A_407 = arith.constant 128 : i32
      %div3A_408 = arith.divsi %sub3A_406, %jit3A_407 : i32
      %sign3A_409 = arith.constant 0 : i32
      %sign3A_410 = arith.cmpi sgt, %sub3A_406, %sign3A_409 : i32
      %sign3A_411 = arith.extui %sign3A_410 : i1 to i32
      %sign3A_412 = arith.constant 0 : i32
      %sign3A_413 = arith.cmpi slt, %sub3A_406, %sign3A_412 : i32
      %sign3A_414 = arith.extui %sign3A_413 : i1 to i32
      %sign3A_415 = arith.subi %sign3A_411, %sign3A_414 : i32
      %sign3A_416 = arith.constant 0 : i32
      %sign3A_417 = arith.cmpi sgt, %jit3A_407, %sign3A_416 : i32
      %sign3A_418 = arith.extui %sign3A_417 : i1 to i32
      %sign3A_419 = arith.constant 0 : i32
      %sign3A_420 = arith.cmpi slt, %jit3A_407, %sign3A_419 : i32
      %sign3A_421 = arith.extui %sign3A_420 : i1 to i32
      %sign3A_422 = arith.subi %sign3A_418, %sign3A_421 : i32
      %ne3A_423 = arith.cmpi ne, %sign3A_415, %sign3A_422 : i32
      %rem3A_424 = arith.remsi %sub3A_406, %jit3A_407 : i32
      %ne3A_425 = arith.constant 0 : i32
      %ne3A_426 = arith.cmpi ne, %rem3A_424, %ne3A_425 : i32
      %and3A_427 = arith.andi %ne3A_423, %ne3A_426 : i1
      %sub3A_428 = arith.constant 1 : i32
      %sub3A_429 = arith.subi %div3A_408, %sub3A_428 : i32
      %select_n3A_430 = arith.select %and3A_427, %sub3A_429, %div3A_408 : i32
      %mul3A_431 = arith.constant 128 : i32
      %mul3A_432 = arith.muli %select_n3A_430, %mul3A_431 : i32
      %sub3A_433 = arith.subi %sub3A_406, %mul3A_432 : i32
      %mul3A_434 = arith.constant 8 : i32
      %mul3A_435 = arith.muli %select_n3A_403, %mul3A_434 : i32
      %multiple_of3A_436 = tpu.assume_multiple %mul3A_435, 8 : i32
      %eq3A_437 = vector.broadcast %select_n3A_430 : i32 to vector<8x128xi32>
      %eq3A_438 = arith.cmpi eq, %iota3A_31, %eq3A_437 : vector<8x128xi32>
      %eq3A_439 = vector.broadcast %sub3A_433 : i32 to vector<8x128xi32>
      %eq3A_440 = arith.cmpi eq, %iota3A_32, %eq3A_439 : vector<8x128xi32>
      %and3A_441 = arith.andi %eq3A_438, %eq3A_440 : vector<8x128xi1>
      %convert_element_type3A_442 = arith.extui %and3A_441 : vector<8x128xi1> to vector<8x128xi32>
      %convert_element_type3A_443 = arith.sitofp %convert_element_type3A_442 : vector<8x128xi32> to vector<8x128xf32>
      %get3A_444 = arith.index_cast %multiple_of3A_436 : i32 to index
      %get3A_445 = arith.constant 0 : index
      %get3A_446 = vector.load %arg0[%get3A_444, %get3A_445] : memref<160x128xf32, #tpu.memory_space<vmem>>, vector<8x128xf32>
      %mul3A_447 = arith.mulf %get3A_446, %convert_element_type3A_443 : vector<8x128xf32>
      %reduce_sum3A_448 = arith.constant dense<0.000000e+00> : vector<8xf32>
      %reduce_sum3A_449 = vector.multi_reduction <add>, %mul3A_447, %reduce_sum3A_448 [1] : vector<8x128xf32> to vector<8xf32>
      %broadcast_in_dim3A_450 = vector.shape_cast %reduce_sum3A_449 : vector<8xf32> to vector<8x1xf32>
      %reduce_sum3A_451 = arith.constant dense<0.000000e+00> : vector<1xf32>
      %reduce_sum3A_452 = vector.multi_reduction <add>, %broadcast_in_dim3A_450, %reduce_sum3A_451 [0] : vector<8x1xf32> to vector<1xf32>
      %broadcast_in_dim3A_453 = vector.shape_cast %reduce_sum3A_452 : vector<1xf32> to vector<1x1xf32>
      %get3A_454 = arith.index_cast %multiple_of3A_436 : i32 to index
      %get3A_455 = arith.constant 0 : index
      %get3A_456 = vector.load %arg1[%get3A_454, %get3A_455] : memref<160x128xf32, #tpu.memory_space<vmem>>, vector<8x128xf32>
      %mul3A_457 = arith.mulf %get3A_456, %convert_element_type3A_443 : vector<8x128xf32>
      %reduce_sum3A_458 = arith.constant dense<0.000000e+00> : vector<8xf32>
      %reduce_sum3A_459 = vector.multi_reduction <add>, %mul3A_457, %reduce_sum3A_458 [1] : vector<8x128xf32> to vector<8xf32>
      %broadcast_in_dim3A_460 = vector.shape_cast %reduce_sum3A_459 : vector<8xf32> to vector<8x1xf32>
      %reduce_sum3A_461 = arith.constant dense<0.000000e+00> : vector<1xf32>
      %reduce_sum3A_462 = vector.multi_reduction <add>, %broadcast_in_dim3A_460, %reduce_sum3A_461 [0] : vector<8x1xf32> to vector<1xf32>
      %broadcast_in_dim3A_463 = vector.shape_cast %reduce_sum3A_462 : vector<1xf32> to vector<1x1xf32>
      %get3A_464 = arith.index_cast %multiple_of3A_436 : i32 to index
      %get3A_465 = arith.constant 0 : index
      %get3A_466 = vector.load %arg2[%get3A_464, %get3A_465] : memref<160x128xf32, #tpu.memory_space<vmem>>, vector<8x128xf32>
      %mul3A_467 = arith.mulf %get3A_466, %convert_element_type3A_443 : vector<8x128xf32>
      %reduce_sum3A_468 = arith.constant dense<0.000000e+00> : vector<8xf32>
      %reduce_sum3A_469 = vector.multi_reduction <add>, %mul3A_467, %reduce_sum3A_468 [1] : vector<8x128xf32> to vector<8xf32>
      %broadcast_in_dim3A_470 = vector.shape_cast %reduce_sum3A_469 : vector<8xf32> to vector<8x1xf32>
      %reduce_sum3A_471 = arith.constant dense<0.000000e+00> : vector<1xf32>
      %reduce_sum3A_472 = vector.multi_reduction <add>, %broadcast_in_dim3A_470, %reduce_sum3A_471 [0] : vector<8x1xf32> to vector<1xf32>
      %broadcast_in_dim3A_473 = vector.shape_cast %reduce_sum3A_472 : vector<1xf32> to vector<1x1xf32>
      %get3A_474 = arith.index_cast %multiple_of3A_436 : i32 to index
      %get3A_475 = arith.constant 0 : index
      %get3A_476 = vector.load %arg3[%get3A_474, %get3A_475] : memref<160x128xf32, #tpu.memory_space<vmem>>, vector<8x128xf32>
      %mul3A_477 = arith.mulf %get3A_476, %convert_element_type3A_443 : vector<8x128xf32>
      %reduce_sum3A_478 = arith.constant dense<0.000000e+00> : vector<8xf32>
      %reduce_sum3A_479 = vector.multi_reduction <add>, %mul3A_477, %reduce_sum3A_478 [1] : vector<8x128xf32> to vector<8xf32>
      %broadcast_in_dim3A_480 = vector.shape_cast %reduce_sum3A_479 : vector<8xf32> to vector<8x1xf32>
      %reduce_sum3A_481 = arith.constant dense<0.000000e+00> : vector<1xf32>
      %reduce_sum3A_482 = vector.multi_reduction <add>, %broadcast_in_dim3A_480, %reduce_sum3A_481 [0] : vector<8x1xf32> to vector<1xf32>
      %broadcast_in_dim3A_483 = vector.shape_cast %reduce_sum3A_482 : vector<1xf32> to vector<1x1xf32>
      scf.yield %reduce_min3A_270, %reduce_min3A_278, %broadcast_in_dim3A_348, %broadcast_in_dim3A_358, %broadcast_in_dim3A_368, %broadcast_in_dim3A_378, %broadcast_in_dim3A_453, %broadcast_in_dim3A_463, %broadcast_in_dim3A_473, %broadcast_in_dim3A_483 : f32, f32, vector<1x1xf32>, vector<1x1xf32>, vector<1x1xf32>, vector<1x1xf32>, vector<1x1xf32>, vector<1x1xf32>, vector<1x1xf32>, vector<1x1xf32>
    }
    %get3A_60 = arith.constant 0 : index
    %get3A_61 = arith.constant 0 : index
    %get3A_62 = vector.load %arg10[%get3A_60, %get3A_61] : memref<160x128xf32, #tpu.memory_space<vmem>>, vector<160x128xf32>
    %get3A_63 = arith.constant 0 : index
    %get3A_64 = arith.constant 0 : index
    %get3A_65 = vector.load %arg0[%get3A_63, %get3A_64] : memref<160x128xf32, #tpu.memory_space<vmem>>, vector<160x128xf32>
    %mul3A_66 = arith.mulf %get3A_65, %get3A_62 : vector<160x128xf32>
    %swap3A_67 = arith.constant 0 : index
    %swap3A_68 = arith.constant 0 : index
    %swap3A_69 = vector.load %arg5[%swap3A_67, %swap3A_68] : memref<160x128xf32, #tpu.memory_space<vmem>>, vector<160x128xf32>
    tpu.vector_store %arg5[%swap3A_67, %swap3A_68], %mul3A_66 {strides = array<i32>} : memref<160x128xf32, #tpu.memory_space<vmem>>, vector<160x128xf32>,
    %get3A_70 = arith.constant 0 : index
    %get3A_71 = arith.constant 0 : index
    %get3A_72 = vector.load %arg1[%get3A_70, %get3A_71] : memref<160x128xf32, #tpu.memory_space<vmem>>, vector<160x128xf32>
    %mul3A_73 = arith.mulf %get3A_72, %get3A_62 : vector<160x128xf32>
    %swap3A_74 = arith.constant 0 : index
    %swap3A_75 = arith.constant 0 : index
    %swap3A_76 = vector.load %arg6[%swap3A_74, %swap3A_75] : memref<160x128xf32, #tpu.memory_space<vmem>>, vector<160x128xf32>
    tpu.vector_store %arg6[%swap3A_74, %swap3A_75], %mul3A_73 {strides = array<i32>} : memref<160x128xf32, #tpu.memory_space<vmem>>, vector<160x128xf32>,
    %get3A_77 = arith.constant 0 : index
    %get3A_78 = arith.constant 0 : index
    %get3A_79 = vector.load %arg2[%get3A_77, %get3A_78] : memref<160x128xf32, #tpu.memory_space<vmem>>, vector<160x128xf32>
    %mul3A_80 = arith.mulf %get3A_79, %get3A_62 : vector<160x128xf32>
    %swap3A_81 = arith.constant 0 : index
    %swap3A_82 = arith.constant 0 : index
    %swap3A_83 = vector.load %arg7[%swap3A_81, %swap3A_82] : memref<160x128xf32, #tpu.memory_space<vmem>>, vector<160x128xf32>
    tpu.vector_store %arg7[%swap3A_81, %swap3A_82], %mul3A_80 {strides = array<i32>} : memref<160x128xf32, #tpu.memory_space<vmem>>, vector<160x128xf32>,
    %get3A_84 = arith.constant 0 : index
    %get3A_85 = arith.constant 0 : index
    %get3A_86 = vector.load %arg3[%get3A_84, %get3A_85] : memref<160x128xf32, #tpu.memory_space<vmem>>, vector<160x128xf32>
    %mul3A_87 = arith.mulf %get3A_86, %get3A_62 : vector<160x128xf32>
    %swap3A_88 = arith.constant 0 : index
    %swap3A_89 = arith.constant 0 : index
    %swap3A_90 = vector.load %arg8[%swap3A_88, %swap3A_89] : memref<160x128xf32, #tpu.memory_space<vmem>>, vector<160x128xf32>
    tpu.vector_store %arg8[%swap3A_88, %swap3A_89], %mul3A_87 {strides = array<i32>} : memref<160x128xf32, #tpu.memory_space<vmem>>, vector<160x128xf32>,
    %get3A_91 = arith.constant 0 : index
    %get3A_92 = arith.constant 0 : index
    %get3A_93 = vector.load %arg4[%get3A_91, %get3A_92] : memref<160x128xf32, #tpu.memory_space<vmem>>, vector<160x128xf32>
    %mul3A_94 = arith.mulf %get3A_93, %get3A_62 : vector<160x128xf32>
    %swap3A_95 = arith.constant 0 : index
    %swap3A_96 = arith.constant 0 : index
    %swap3A_97 = vector.load %arg9[%swap3A_95, %swap3A_96] : memref<160x128xf32, #tpu.memory_space<vmem>>, vector<160x128xf32>
    tpu.vector_store %arg9[%swap3A_95, %swap3A_96], %mul3A_94 {strides = array<i32>} : memref<160x128xf32, #tpu.memory_space<vmem>>, vector<160x128xf32>,
    return
  }
}

</mosaic_0001>

<sc_bundles>
// kernel: kernel.4.cloned.1.call-start
scs
__scs_entry_jumppad:
0x0: {  	(pc) =	sbr.rel $0x88, $3  }
0x1: {  	(tag) =	ssettag $0x0;
	lr =	simm.s32 $0x1  }
0x2: {  	[smem:$0x3F9F] =	sst lr;
	_ =	strace $0xD0000000  }
0x3: {  	_ = 	snop  }
0x4: {  	_ = 	snop  }
0x5: {  	_ = 	snop  }
0x6: {  	_ = 	snop  }
0x7: {  	_ = 	snop  }
__scs_overlays_trampoline_lowered:
0x8: {  	[smem:$0x3FAE] =	sst s0  }
0x9: {  	[smem:$0x3FAF] =	sst s1  }
0xa: {  	[smem:$0x3FB0] =	sst s2  }
0xb: {  	[smem:$0x3FB1] =	sst s3  }
0xc: {  	[smem:$0x3FB2] =	sst s4  }
0xd: {  	[smem:$0x3FB3] =	sst s5  }
0xe: {  	[smem:$0x3FB4] =	sst s6  }
0xf: {  	[smem:$0x3FB5] =	sst s7  }
0x10: {  	[smem:$0x3FB6] =	sst s8  }
0x11: {  	[smem:$0x3FB7] =	sst s9;
	s0 =	simm.s32 @!p0 $0x0  }
0x12: {  	s1 =	sld [smem:$0x3F9D];
	s0 =	simm.s32 @p0 $0x1  }
0x13: {  	[smem:$0x3FB8] =	sst s0;
	s0 =	simm.s32 @!p1 $0x0  }
0x14: {  	s2 =	sld [smem:$0x3F9C];
	s0 =	simm.s32 @p1 $0x1  }
0x15: {  	[smem:$0x3FB9] =	sst s0;
	s0 =	simm.s32 @!p2 $0x0  }
0x16: {  	s3 =	sld [smem:$0x3FDB];
	s0 =	simm.s32 @p2 $0x1  }
0x17: {  	s4 =	simm.s32 $0x1BF5;
	[smem:$0x3FBB] =	sst s0  }
0x18: {  	s0 =	sld [smem:$0x3F9E];
	_ =	swait.ge [sflag:s4], $0x0  }
0x19: {  	s7 =	sld [smem:$0x3F9F]  }
0x1a: {  	s8 =	sadd.s32 $0xFFFFE003, lr  }
0x1b: {  	s9 =	sadd.s32 $0xFFFFFEF7, lr;
	s5 =	simm.s32 $0xFFFFFFFF;
	p2 =	slt.u32 s8, $0xFFFFF086  }
0x1c: {  	p1 =	slt.u32 s9, $0xF7A;
	s5 =	simm.s32 @!p2 $0x0  }
0x1d: {  	s5 =	simm.s32 @p1 $0x1;
	p0 =	seq.s32 s7, s2  }
0x1e: {  	s7 =	smul.u32 @!p0 $0xF7A, s2;
	p2 =	seq.s32 @!p0 s5, $0x0  }
0x1f: {  	s9 =	smul.u32 $0xF7A, s1;
	s8 =	simm.s32 @!p0 $0x1BF5;
	p2 =	por !p2, p0  }
0x20: {  	[sflag:s8] =	ssyncset.s32 @!p0 $0xFFFFF086;
	s6 =	sadd.s32 @!p0 s3, s7;
	s7 =	simm.s32 @!p0 $0x108  }
0x21: {  	s3 =	sadd.s32 s3, s9;
	s6 =	sadd.s32 @!p0 $0x88, s6;
	s7 =	simm.s32 @p2 $0x1082  }
0x22: {  	[simem:s7], [sflag:s8] =	dma.local @!p0 [hbm:s6], $0xF7A  }
0x23: {  	s9 =	sor.u32 $0xD0000000, s2;
	s6 =	simm.s32 $0x108;
	_ =	swait.ge @!p0 [sflag:s8], $0x0  }
0x24: {  	s3 =	sadd.s32 $0x88, s3;
	s6 =	simm.s32 @!p1 $0x1082;
	[sflag:s4] =	ssyncset.s32 $0xFFFFF086  }
0x25: {  	[simem:s6], [sflag:s4] =	dma.local [hbm:s3], $0xF7A  }
0x26: {  	[smem:$0x3F9F] =	sst s1;
	(tag) =	ssettag s2;
	_ =	strace s9  }
0x27: {  	s1 =	sld [smem:$0x3FAF]  }
0x28: {  	s2 =	sld [smem:$0x3FB0]  }
0x29: {  	s4 =	sld [smem:$0x3FB2]  }
0x2a: {  	p0 =	seq.s32 s5, $0x0;
	s5 =	sld [smem:$0x3FB3]  }
0x2b: {  	s6 =	sld [smem:$0x3FB4]  }
0x2c: {  	s7 =	sld [smem:$0x3FB5]  }
0x2d: {  	s3 =	simm.s32 $0x108;
	s8 =	sld [smem:$0x3FB6]  }
0x2e: {  	s3 =	simm.s32 @!p0 $0x1082;
	s9 =	sld [smem:$0x3FB7]  }
0x2f: {  	lr =	sadd.s32 s0, s3;
	s0 =	sld [smem:$0x3FAE]  }
0x30: {  	s3 =	sld [smem:$0x3FB1]  }
0x31: {  	[smem:$0x3FBA] =	sst s10  }
0x32: {  	s10 =	sld [smem:$0x3FB8];
	_ =	sdelay $0x3  }
0x33: {  	p0 =	seq.s32 s10, $0x1;
	s10 =	sld [smem:$0x3FBA];
	_ =	sdelay $0x3  }
0x34: {  	[smem:$0x3FBA] =	sst s10  }
0x35: {  	s10 =	sld [smem:$0x3FB9];
	_ =	sdelay $0x3  }
0x36: {  	p1 =	seq.s32 s10, $0x1;
	s10 =	sld [smem:$0x3FBA];
	_ =	sdelay $0x3  }
0x37: {  	[smem:$0x3FBA] =	sst s10  }
0x38: {  	s10 =	sld [smem:$0x3FBB]  }
0x39: {  	_ = 	snop;
	(pc) =	sbr.ind lr, $3  }
0x3a: {  	_ = 	snop  }
0x3b: {  	_ = 	snop  }
0x3c: {  	p2 =	seq.s32 s10, $0x1;
	s10 =	sld [smem:$0x3FBA]  }
0x3d: {  	_ =	shalt  }
0x3e: {  	_ =	shalt  }
0x3f: {  	_ =	shalt  }
0x40: {  	_ =	shalt  }
0x41: {  	_ =	shalt  }
0x42: {  	_ =	shalt  }
0x43: {  	_ =	shalt  }
0x44: {  	_ =	shalt  }
0x45: {  	_ =	shalt  }
0x46: {  	_ =	shalt  }
0x47: {  	_ =	shalt  }
0x48: {  	_ =	shalt  }
0x49: {  	_ =	shalt  }
0x4a: {  	_ =	shalt  }
0x4b: {  	_ =	shalt  }
0x4c: {  	_ =	shalt  }
0x4d: {  	_ =	shalt  }
0x4e: {  	_ =	shalt  }
0x4f: {  	_ =	shalt  }
0x50: {  	_ =	shalt  }
0x51: {  	_ =	shalt  }
0x52: {  	_ =	shalt  }
0x53: {  	_ =	shalt  }
0x54: {  	_ =	shalt  }
0x55: {  	_ =	shalt  }
0x56: {  	_ =	shalt  }
0x57: {  	_ =	shalt  }
0x58: {  	_ =	shalt  }
0x59: {  	_ =	shalt  }
0x5a: {  	_ =	shalt  }
0x5b: {  	_ =	shalt  }
0x5c: {  	_ =	shalt  }
0x5d: {  	_ =	shalt  }
0x5e: {  	_ =	shalt  }
0x5f: {  	_ =	shalt  }
0x60: {  	_ =	shalt  }
0x61: {  	_ =	shalt  }
0x62: {  	_ =	shalt  }
0x63: {  	_ =	shalt  }
0x64: {  	_ =	shalt  }
0x65: {  	_ =	shalt  }
0x66: {  	_ =	shalt  }
0x67: {  	_ =	shalt  }
0x68: {  	_ =	shalt  }
0x69: {  	_ =	shalt  }
0x6a: {  	_ =	shalt  }
0x6b: {  	_ =	shalt  }
0x6c: {  	_ =	shalt  }
0x6d: {  	_ =	shalt  }
0x6e: {  	_ =	shalt  }
0x6f: {  	_ =	shalt  }
0x70: {  	_ =	shalt  }
0x71: {  	_ =	shalt  }
0x72: {  	_ =	shalt  }
0x73: {  	_ =	shalt  }
0x74: {  	_ =	shalt  }
0x75: {  	_ =	shalt  }
0x76: {  	_ =	shalt  }
0x77: {  	_ =	shalt  }
0x78: {  	_ =	shalt  }
0x79: {  	_ =	shalt  }
0x7a: {  	_ =	shalt  }
0x7b: {  	_ =	shalt  }
0x7c: {  	_ =	shalt  }
0x7d: {  	_ =	shalt  }
0x7e: {  	_ =	shalt  }
0x7f: {  	_ =	shalt  }
0x80: {  	_ =	shalt  }
0x81: {  	_ =	shalt  }
0x82: {  	_ =	shalt  }
0x83: {  	_ =	shalt  }
0x84: {  	_ =	shalt  }
0x85: {  	_ =	shalt  }
0x86: {  	_ =	shalt  }
0x87: {  	_ =	shalt  }
.Lfunc_end0:
.L_simem_size_0:
called_computation_lowered:
.L_overlay_start_0:
0x88: {  	s2 =	sld [smem:$0x3FD9]  }
0x89: {  	s3 =	sld [smem:$0x3FFE];
	_ =	sdelay $0x1  }
0x8a: {  	s1 =	srdreg.scid  }
0x8b: {  	s0 =	sand.u32 $0x1, s1  }
0x8c: {  	s17 =	sshll.u32 s0, $0xA;
	s2 =	sadd.s32 s3, s2  }
0x8d: {  	s2 =	sadd.s32 s2, s17  }
0x8e: {  	[smem:$0x3FC6] =	sst s2  }
0x8f: {  	_ = 	snop  }
0x90: {  	s2 =	sld [smem:$0x3FC8]  }
0x91: {  	s18 =	sld [smem:$0x3FD0];
	(tm) =	ssettm $0x1  }
0x92: {  	s4 =	sld [smem:$0x3FFB];
	_ =	sdelay $0x3  }
0x93: {  	_ =	strace s4  }
0x94: {  	s4 =	sld [smem:$0x3FFC];
	_ =	sdelay $0x3  }
0x95: {  	_ =	strace s4  }
0x96: {  	s4 =	sld [smem:$0x3FFD];
	_ =	sdelay $0x3  }
0x97: {  	_ =	strace s4  }
0x98: {  	_ =	strace $0x8FFFFFFF  }
0x99: {  	s19 =	sld [smem:$0x3FDB];
	_ =	sdelay $0x1  }
0x9a: {  	s5 =	simm.s32 $_scs_section_size  }
0x9b: {  	s6 =	simm.s32 $_size__tile_overlayer_lowered;
	s7 =	simm.s32 $_tile_overlayer_lowered  }
0x9c: {  	s22 =	simm.s32 $0x1BFF;
	s21 =	sshll.u32 s7, $0x1;
	s4 =	sadd.s32 s5, s19  }
0x9d: {  	s8 =	simm.s32 $0x0;
	s20 =	sshll.u32 s6, $0x1;
	s6 =	sadd.s32 s21, s4  }
0x9e: {  	[timem:s8], [sflag:s22] =	dma.local [hbm:s6], s20  }
0x9f: {  	_ =	swait.ge [sflag:s22], s20  }
0xa0: {  	s5 =	ssub.s32 $0x0, s20;
	[sflag:s22] =	ssyncset.done $0x0  }
0xa1: {  	[sflag:s22] =	ssyncadd.s32 s5;
	_ =	sdelay $0x1  }
0xa2: {  	s23 =	simm.s32 $0x1B8B  }
0xa3: {  	_ =	swait.ge [sflag:s23], $0x1  }
0xa4: {  	[sflag:s23] =	ssyncset.done $0x0  }
0xa5: {  	s25 =	simm.s32 $0x1B8E;
	s24 =	sld [smem:$0x3FFE];
	[sflag:s23] =	ssyncadd.s32 $0xFFFFFFFF  }
0xa6: {  	s26 =	simm.s32 $execute0_lowered;
	[smem:$0x3FD2] =	sst s25  }
0xa7: {  	s6 =	sshll.u32 s26, $0x1;
	_ =	strace $0x80000046;
	[dreg:$0x1] =	wrdreg $0xFFFFFFFF  }
0xa8: {  	s28 =	simm.s32 $_size_execute0_lowered;
	s4 =	sadd.s32 s4, s6;
	[dreg:$0x0] =	wrdreg $0x0  }
0xa9: {  	s6 =	sshll.u32 s28, $0x1;
	[dreg:$0x2] =	wrdreg s4  }
0xaa: {  	[dreg:$0x3] =	wrdreg s6  }
0xab: {  	[dreg:$0x4] =	wrdreg $0xC0  }
0xac: {  	_ =	task [dreg:s8], $0x5FFFF  }
0xad: {  	[dreg:$0x1] =	wrdreg $0xFFFFFFFF  }
0xae: {  	[dreg:$0x0] =	wrdreg $0x60  }
0xaf: {  	[dreg:$0x2] =	wrdreg s18  }
0xb0: {  	[dreg:$0x3] =	wrdreg s2  }
0xb1: {  	[dreg:$0x4] =	wrdreg s24  }
0xb2: {  	[dreg:$0x5] =	wrdreg $0x9  }
0xb3: {  	_ =	task.clear_ibuf [dreg:s8], $0x6FFFF;
	_ =	strace $0x90000046  }
0xb4: {  	s29 =	simm.s32 $0x9;
	_ =	strace $0x80000048  }
0xb5: {  	_ =	swait.ge [sflag:s29], $0x1  }
0xb6: {  	[sflag:s29] =	ssyncadd.s32 $0xFFFFFFFF  }
0xb7: {  	_ =	strace $0x90000048  }
0xb8: {  	_ =	sfence  }
0xb9: {  	s30 =	sld [smem:$0x0];
	_ =	sdelay $0x2  }
0xba: {  	s31 =	sshll.u32 s1, $0xD;
	s1 =	sshrl.u32 s1, $0x2  }
0xbb: {  	s3 =	sand.u32 $0x4000, s31;
	s1 =	sadd.s32 s1, s30  }
0xbc: {  	s0 =	sor.u32 s3, s0;
	s1 =	sshll.u32 s1, $0x11  }
0xbd: {  	s0 =	sor.u32 s1, s0  }
0xbe: {  	s0 =	sadd.s32 $0x8F2B, s0  }
0xbf: {  	[sflag:s0] =	ssyncadd.remote.s32 $0x1  }
0xc0: {  	_ =	sfence.sel $0xFFFF  }
0xc1: {  	[dreg:$0x0] =	wrdreg $0xFFFFFFFF;
	(pc) =	sbr.abs _section_cstart, $3  }
0xc2: {  	[dreg:$0x1] =	wrdreg $0xFFFFFFFF  }
0xc3: {  	_ =	task.clear_ibuf [dreg:s8], $0x2FFFF;
	_ =	strace $0x9FFFFFFF  }
0xc4: {  	(tm) =	ssettm $0x7FFFFFFF  }
0xc5: {  	_ =	shalt  }
tec
execute0_lowered:
.L_overlay_start_1:
0x0: {  	(tag) =	ssettag $0x1  }
0x1: {  	s1 =	rddreg [dreg:$0x0];
	s2 =	srdreg.scid  }
0x2: {  	s0 =	stileid.u32;
	s3 =	rddreg [dreg:$0x1]  }
0x3: {  	s5 =	rddreg [dreg:$0x2];
	s2 =	sand.u32 $0x1, s2;
	s4 =	sshll.u32 s0, $0x1  }
0x4: {  	s28 =	simm.s32 $0x80;
	s29 =	simm.s32 $0x300;
	s6 =	sor.u32 s2, s4  }
0x5: {  	s30 =	simm.s32 $0x380;
	s31 =	simm.s32 $0x1;
	s6 =	smul.u32 $0x280, s6  }
0x6: {  	s21 =	sadd.s32 $0xA00, s5;
	s22 =	sadd.s32 $0x1400, s5;
	s23 =	sadd.s32 $0x1E00, s5  }
0x7: {  	s24 =	sadd.s32 $0x2800, s5;
	s4 =	simm.s32 $0x0;
	s20 =	sshrl.u32 s6, $0x3  }
0x8: {  	s25 =	sadd.s32 $0x3200, s5;
	[smem:$0x7FF] =	sst s4;
	s6 =	sadd.s32 s5, s20  }
0x9: {  	_ =	strace $0x80000047;
	s15 =	sadd.s32 s21, s20;
	[dreg:$0x4] =	wrdreg s6  }
0xa: {  	s2 =	ssub.s32 $0x2, s2;
	s16 =	sadd.s32 s22, s20;
	[dreg:$0x5] =	wrdreg s15  }
0xb: {  	s19 =	sshrl.u32 s2, $0x1;
	s17 =	sadd.s32 s23, s20;
	[dreg:$0x6] =	wrdreg s16  }
0xc: {  	s2 =	ssub.s32 s2, s19;
	s18 =	sadd.s32 s24, s20;
	[dreg:$0x7] =	wrdreg s17  }
0xd: {  	s26 =	sadd.s32 s25, s20;
	s9 =	sadd.s32 $0x10, s20;
	[dreg:$0x8] =	wrdreg s18  }
0xe: {  	s14 =	sadd.s32 $0x20, s20;
	s19 =	sadd.s32 $0x30, s20;
	[dreg:$0x9] =	wrdreg s26  }
0xf: {  	s5 =	sadd.s32 s21, s9;
	s6 =	sadd.s32 s22, s9;
	s7 =	sadd.s32 s23, s9  }
0x10: {  	s8 =	sadd.s32 s24, s9;
	s9 =	sadd.s32 s25, s9;
	s10 =	sadd.s32 s21, s14  }
0x11: {  	s11 =	sadd.s32 s22, s14;
	s12 =	sadd.s32 s23, s14;
	s13 =	sadd.s32 s24, s14  }
0x12: {  	s14 =	sadd.s32 s25, s14;
	s15 =	sadd.s32 s21, s19;
	s16 =	sadd.s32 s22, s19  }
0x13: {  	s17 =	sadd.s32 s23, s19;
	s18 =	sadd.s32 s24, s19;
	s26 =	sadd.s32 $0x40, s20  }
0x14: {  	s19 =	sadd.s32 s25, s19;
	s20 =	sadd.s32 s21, s26;
	s21 =	sadd.s32 s22, s26  }
0x15: {  	s22 =	sadd.s32 s23, s26;
	s23 =	sadd.s32 s24, s26;
	s24 =	sadd.s32 s25, s26  }
0x16: {  	s25 =	smax.u32 s2, $0x1;
	s26 =	simm.s32 $0x2;
	s2 =	simm.s32 $0x280  }
.LBB2_1:
0x17: {  	s0 =	rddreg [dreg:$0x4]  }
0x18: {  	[tilespmem:s4], [sflag:$0x2] =	stream.linear.gather [hbm4b:s0+s4], $0x280, $0x38;
	[tilespmem:$0x400] =	vst v63  }
0x19: {  	_ =	swait.ge [sflag:s26], $0x280  }
0x1a: {  	[sflag:s26] =	ssyncset.done $0x0  }
0x1b: {  	[sflag:s26] =	ssyncadd.s32 $0xFFFFFD80  }
0x1c: {  	v0 =	vld [tilespmem:$0x0]  }
0x1d: {  	v1 =	vld [tilespmem:$0x10]  }
0x1e: {  	v2 =	vld [tilespmem:$0x20]  }
0x1f: {  	v3 =	vld [tilespmem:$0x30]  }
0x20: {  	v4 =	vld [tilespmem:$0x40]  }
0x21: {  	v5 =	vld [tilespmem:$0x50];
	[tilespmem:$0x280] =	vst v0  }
0x22: {  	v53 =	vld [tilespmem:$0x60];
	[tilespmem:$0x290] =	vst v1  }
0x23: {  	v54 =	vld [tilespmem:$0x70];
	[tilespmem:$0x2A0] =	vst v2  }
0x24: {  	[tilespmem:$0x2B0] =	vst v3;
	v55 =	vld [tilespmem:$0x290]  }
0x25: {  	[tilespmem:$0x2C0] =	vst v4;
	v56 =	vld [tilespmem:$0x2A0]  }
0x26: {  	[tilespmem:$0x2D0] =	vst v5;
	v57 =	vld [tilespmem:$0x2B0]  }
0x27: {  	[tilespmem:$0x2E0] =	vst v53;
	v58 =	vld [tilespmem:$0x2C0]  }
0x28: {  	[tilespmem:$0x2F0] =	vst v54;
	v0 =	vshll.u32 v0, $0x2;
	v59 =	vld [tilespmem:$0x2D0]  }
0x29: {  	[tilespmem:$0x300] =	vst v0;
	v61 =	vld [tilespmem:$0x2E0];
	v60 =	vshll.u32 v55, $0x2  }
0x2a: {  	v63 =	vld [tilespmem:$0x2F0];
	v62 =	vshll.u32 v56, $0x2;
	[tilespmem:$0x310] =	vst v60  }
0x2b: {  	v7 =	vshll.u32 v57, $0x2;
	[tilespmem:$0x320] =	vst v62  }
0x2c: {  	v8 =	vshll.u32 v58, $0x2;
	[tilespmem:$0x330] =	vst v7  }
0x2d: {  	v9 =	vshll.u32 v59, $0x2;
	[tilespmem:$0x340] =	vst v8  }
0x2e: {  	v10 =	vshll.u32 v61, $0x2;
	[tilespmem:$0x350] =	vst v9  }
0x2f: {  	v11 =	vshll.u32 v63, $0x2;
	[tilespmem:$0x360] =	vst v10  }
0x30: {  	[tilespmem:$0x370] =	vst v11  }
0x31: {  	[tilespmem:s30], [sflag:$0x1] =	stream.indirect.gather [hbm4b:s1+s28], $0x1, s29, s28, $0xb8;
	[tilespmem:$0x400] =	vst v63  }
0x32: {  	_ =	swait.ge [sflag:s31], $0x80  }
0x33: {  	[sflag:s31] =	ssyncset.done $0x0  }
0x34: {  	s0 =	rddreg [dreg:$0x5];
	[sflag:s31] =	ssyncadd.s32 $0xFFFFFF80  }
0x35: {  	[hbm4b:s0+s4] =	stream.linear.scatter [tilespmem:s30], [sflag:$0x2], $0x80, $0x38;
	[tilespmem:$0x400] =	vst v63  }
0x36: {  	_ =	swait.ge [sflag:s26], $0x80  }
0x37: {  	[sflag:s26] =	ssyncset.done $0x0  }
0x38: {  	[sflag:s26] =	ssyncadd.s32 $0xFFFFFF80  }
0x39: {  	v12 =	vld [tilespmem:$0x280]  }
0x3a: {  	v13 =	vld [tilespmem:$0x290]  }
0x3b: {  	v14 =	vld [tilespmem:$0x2A0]  }
0x3c: {  	v15 =	vld [tilespmem:$0x2B0]  }
0x3d: {  	v16 =	vld [tilespmem:$0x2C0]  }
0x3e: {  	v17 =	vld [tilespmem:$0x2D0];
	v0 =	vshll.u32 v12, $0x2  }
0x3f: {  	v1 =	vshll.u32 v13, $0x2;
	v0 =	vor.u32 $0x1, v0  }
0x40: {  	v19 =	vshll.u32 v14, $0x2;
	v18 =	vor.u32 $0x1, v1;
	[tilespmem:$0x300] =	vst v0  }
0x41: {  	v21 =	vshll.u32 v15, $0x2;
	v20 =	vor.u32 $0x1, v19;
	[tilespmem:$0x310] =	vst v18  }
0x42: {  	v23 =	vshll.u32 v16, $0x2;
	v22 =	vor.u32 $0x1, v21;
	[tilespmem:$0x320] =	vst v20  }
0x43: {  	v25 =	vshll.u32 v17, $0x2;
	v24 =	vor.u32 $0x1, v23;
	[tilespmem:$0x330] =	vst v22  }
0x44: {  	v26 =	vor.u32 $0x1, v25;
	[tilespmem:$0x340] =	vst v24  }
0x45: {  	[tilespmem:$0x350] =	vst v26  }
0x46: {  	v0 =	vld [tilespmem:$0x2E0]  }
0x47: {  	v27 =	vld [tilespmem:$0x2F0];
	_ =	sdelay $0x3  }
0x48: {  	v0 =	vshll.u32 v0, $0x2  }
0x49: {  	v1 =	vshll.u32 v27, $0x2;
	v0 =	vor.u32 $0x1, v0  }
0x4a: {  	v28 =	vor.u32 $0x1, v1;
	[tilespmem:$0x360] =	vst v0  }
0x4b: {  	[tilespmem:$0x370] =	vst v28  }
0x4c: {  	[tilespmem:s30], [sflag:$0x1] =	stream.indirect.gather [hbm4b:s1+s28], $0x1, s29, s28, $0xb8;
	[tilespmem:$0x400] =	vst v63  }
0x4d: {  	_ =	swait.ge [sflag:s31], $0x80  }
0x4e: {  	[sflag:s31] =	ssyncset.done $0x0  }
0x4f: {  	s0 =	rddreg [dreg:$0x6];
	[sflag:s31] =	ssyncadd.s32 $0xFFFFFF80  }
0x50: {  	[hbm4b:s0+s4] =	stream.linear.scatter [tilespmem:s30], [sflag:$0x2], $0x80, $0x38;
	[tilespmem:$0x400] =	vst v63  }
0x51: {  	_ =	swait.ge [sflag:s26], $0x80  }
0x52: {  	[sflag:s26] =	ssyncset.done $0x0  }
0x53: {  	[sflag:s26] =	ssyncadd.s32 $0xFFFFFF80  }
0x54: {  	v29 =	vld [tilespmem:$0x280]  }
0x55: {  	v30 =	vld [tilespmem:$0x290]  }
0x56: {  	v31 =	vld [tilespmem:$0x2A0]  }
0x57: {  	v32 =	vld [tilespmem:$0x2B0]  }
0x58: {  	v33 =	vld [tilespmem:$0x2C0]  }
0x59: {  	v34 =	vld [tilespmem:$0x2D0];
	v0 =	vshll.u32 v29, $0x2  }
0x5a: {  	v6 =	vld [tilespmem:$0x2E0];
	v1 =	vshll.u32 v30, $0x2;
	v0 =	vor.u32 $0x2, v0  }
0x5b: {  	v37 =	vld [tilespmem:$0x2F0];
	v36 =	vshll.u32 v31, $0x2;
	v35 =	vor.u32 $0x2, v1;
	[tilespmem:$0x300] =	vst v0  }
0x5c: {  	v39 =	vshll.u32 v32, $0x2;
	v38 =	vor.u32 $0x2, v36;
	[tilespmem:$0x310] =	vst v35  }
0x5d: {  	v41 =	vshll.u32 v33, $0x2;
	v40 =	vor.u32 $0x2, v39;
	[tilespmem:$0x320] =	vst v38  }
0x5e: {  	v43 =	vshll.u32 v34, $0x2;
	v42 =	vor.u32 $0x2, v41;
	[tilespmem:$0x330] =	vst v40  }
0x5f: {  	v45 =	vshll.u32 v6, $0x2;
	v44 =	vor.u32 $0x2, v43;
	[tilespmem:$0x340] =	vst v42  }
0x60: {  	v47 =	vshll.u32 v37, $0x2;
	v46 =	vor.u32 $0x2, v45;
	[tilespmem:$0x350] =	vst v44  }
0x61: {  	v48 =	vor.u32 $0x2, v47;
	[tilespmem:$0x360] =	vst v46  }
0x62: {  	[tilespmem:$0x370] =	vst v48  }
0x63: {  	[tilespmem:s30], [sflag:$0x1] =	stream.indirect.gather [hbm4b:s1+s28], $0x1, s29, s28, $0xb8;
	[tilespmem:$0x400] =	vst v63  }
0x64: {  	_ =	swait.ge [sflag:s31], $0x80  }
0x65: {  	[sflag:s31] =	ssyncset.done $0x0  }
0x66: {  	s0 =	rddreg [dreg:$0x7];
	[sflag:s31] =	ssyncadd.s32 $0xFFFFFF80  }
0x67: {  	[hbm4b:s0+s4] =	stream.linear.scatter [tilespmem:s30], [sflag:$0x2], $0x80, $0x38;
	[tilespmem:$0x400] =	vst v63  }
0x68: {  	_ =	swait.ge [sflag:s26], $0x80  }
0x69: {  	[sflag:s26] =	ssyncset.done $0x0  }
0x6a: {  	[sflag:s26] =	ssyncadd.s32 $0xFFFFFF80  }
0x6b: {  	v49 =	vld [tilespmem:$0x280]  }
0x6c: {  	v50 =	vld [tilespmem:$0x290]  }
0x6d: {  	v51 =	vld [tilespmem:$0x2A0]  }
0x6e: {  	v52 =	vld [tilespmem:$0x2B0]  }
0x6f: {  	v53 =	vld [tilespmem:$0x2C0]  }
0x70: {  	v54 =	vld [tilespmem:$0x2D0];
	v0 =	vshll.u32 v49, $0x2  }
0x71: {  	v55 =	vld [tilespmem:$0x2E0];
	v1 =	vshll.u32 v50, $0x2;
	v0 =	vor.u32 $0x3, v0  }
0x72: {  	v58 =	vld [tilespmem:$0x2F0];
	v57 =	vshll.u32 v51, $0x2;
	v56 =	vor.u32 $0x3, v1;
	[tilespmem:$0x300] =	vst v0  }
0x73: {  	v60 =	vshll.u32 v52, $0x2;
	v59 =	vor.u32 $0x3, v57;
	[tilespmem:$0x310] =	vst v56  }
0x74: {  	v62 =	vshll.u32 v53, $0x2;
	v61 =	vor.u32 $0x3, v60;
	[tilespmem:$0x320] =	vst v59  }
0x75: {  	v4 =	vshll.u32 v54, $0x2;
	v63 =	vor.u32 $0x3, v62;
	[tilespmem:$0x330] =	vst v61  }
0x76: {  	v6 =	vshll.u32 v55, $0x2;
	v5 =	vor.u32 $0x3, v4;
	[tilespmem:$0x340] =	vst v63  }
0x77: {  	v8 =	vshll.u32 v58, $0x2;
	v7 =	vor.u32 $0x3, v6;
	[tilespmem:$0x350] =	vst v5  }
0x78: {  	v9 =	vor.u32 $0x3, v8;
	[tilespmem:$0x360] =	vst v7  }
0x79: {  	[tilespmem:$0x370] =	vst v9  }
0x7a: {  	[tilespmem:s30], [sflag:$0x1] =	stream.indirect.gather [hbm4b:s1+s28], $0x1, s29, s28, $0xb8;
	[tilespmem:$0x400] =	vst v63  }
0x7b: {  	_ =	swait.ge [sflag:s31], $0x80  }
0x7c: {  	[sflag:s31] =	ssyncset.done $0x0  }
0x7d: {  	s0 =	rddreg [dreg:$0x8];
	[sflag:s31] =	ssyncadd.s32 $0xFFFFFF80  }
0x7e: {  	[hbm4b:s0+s4] =	stream.linear.scatter [tilespmem:s30], [sflag:$0x2], $0x80, $0x38;
	[tilespmem:$0x400] =	vst v63  }
0x7f: {  	_ =	swait.ge [sflag:s26], $0x80  }
0x80: {  	[sflag:s26] =	ssyncset.done $0x0  }
0x81: {  	[sflag:s26] =	ssyncadd.s32 $0xFFFFFF80  }
0x82: {  	[tilespmem:s30], [sflag:$0x1] =	stream.indirect.gather [hbm4b:s3+s28], $0x1, s2, s28, $0xb8;
	[tilespmem:$0x400] =	vst v63  }
0x83: {  	_ =	swait.ge [sflag:s31], $0x80  }
0x84: {  	[sflag:s31] =	ssyncset.done $0x0  }
0x85: {  	s0 =	rddreg [dreg:$0x9];
	[sflag:s31] =	ssyncadd.s32 $0xFFFFFF80  }
0x86: {  	[hbm4b:s0+s4] =	stream.linear.scatter [tilespmem:s30], [sflag:$0x2], $0x80, $0x38;
	[tilespmem:$0x400] =	vst v63  }
0x87: {  	_ =	swait.ge [sflag:s26], $0x80  }
0x88: {  	[sflag:s26] =	ssyncset.done $0x0  }
0x89: {  	[sflag:s26] =	ssyncadd.s32 $0xFFFFFF80  }
0x8a: {  	v10 =	vld [tilespmem:$0x80]  }
0x8b: {  	v11 =	vld [tilespmem:$0x90]  }
0x8c: {  	v12 =	vld [tilespmem:$0xA0]  }
0x8d: {  	v13 =	vld [tilespmem:$0xB0]  }
0x8e: {  	v14 =	vld [tilespmem:$0xC0]  }
0x8f: {  	v15 =	vld [tilespmem:$0xD0];
	[tilespmem:$0x280] =	vst v10  }
0x90: {  	v16 =	vld [tilespmem:$0xE0];
	[tilespmem:$0x290] =	vst v11  }
0x91: {  	v17 =	vld [tilespmem:$0xF0];
	[tilespmem:$0x2A0] =	vst v12  }
0x92: {  	[tilespmem:$0x2B0] =	vst v13;
	v18 =	vld [tilespmem:$0x290]  }
0x93: {  	[tilespmem:$0x2C0] =	vst v14;
	v19 =	vld [tilespmem:$0x2A0]  }
0x94: {  	[tilespmem:$0x2D0] =	vst v15;
	v20 =	vld [tilespmem:$0x2B0]  }
0x95: {  	[tilespmem:$0x2E0] =	vst v16;
	v21 =	vld [tilespmem:$0x2C0]  }
0x96: {  	[tilespmem:$0x2F0] =	vst v17;
	v0 =	vshll.u32 v10, $0x2;
	v22 =	vld [tilespmem:$0x2D0]  }
0x97: {  	[tilespmem:$0x300] =	vst v0;
	v24 =	vld [tilespmem:$0x2E0];
	v23 =	vshll.u32 v18, $0x2  }
0x98: {  	v26 =	vld [tilespmem:$0x2F0];
	v25 =	vshll.u32 v19, $0x2;
	[tilespmem:$0x310] =	vst v23  }
0x99: {  	v27 =	vshll.u32 v20, $0x2;
	[tilespmem:$0x320] =	vst v25  }
0x9a: {  	v28 =	vshll.u32 v21, $0x2;
	[tilespmem:$0x330] =	vst v27  }
0x9b: {  	v29 =	vshll.u32 v22, $0x2;
	[tilespmem:$0x340] =	vst v28  }
0x9c: {  	v30 =	vshll.u32 v24, $0x2;
	[tilespmem:$0x350] =	vst v29  }
0x9d: {  	v31 =	vshll.u32 v26, $0x2;
	[tilespmem:$0x360] =	vst v30  }
0x9e: {  	[tilespmem:$0x370] =	vst v31  }
0x9f: {  	[tilespmem:s30], [sflag:$0x1] =	stream.indirect.gather [hbm4b:s1+s28], $0x1, s29, s28, $0xb8;
	[tilespmem:$0x400] =	vst v63  }
0xa0: {  	_ =	swait.ge [sflag:s31], $0x80  }
0xa1: {  	[sflag:s31] =	ssyncset.done $0x0  }
0xa2: {  	[sflag:s31] =	ssyncadd.s32 $0xFFFFFF80  }
0xa3: {  	[hbm4b:s5+s4] =	stream.linear.scatter [tilespmem:s30], [sflag:$0x2], $0x80, $0x38;
	[tilespmem:$0x400] =	vst v63  }
0xa4: {  	_ =	swait.ge [sflag:s26], $0x80  }
0xa5: {  	[sflag:s26] =	ssyncset.done $0x0  }
0xa6: {  	[sflag:s26] =	ssyncadd.s32 $0xFFFFFF80  }
0xa7: {  	v32 =	vld [tilespmem:$0x280]  }
0xa8: {  	v33 =	vld [tilespmem:$0x290]  }
0xa9: {  	v34 =	vld [tilespmem:$0x2A0]  }
0xaa: {  	v35 =	vld [tilespmem:$0x2B0]  }
0xab: {  	v36 =	vld [tilespmem:$0x2C0]  }
0xac: {  	v37 =	vld [tilespmem:$0x2D0];
	v0 =	vshll.u32 v32, $0x2  }
0xad: {  	v38 =	vld [tilespmem:$0x2E0];
	v1 =	vshll.u32 v33, $0x2;
	v0 =	vor.u32 $0x1, v0  }
0xae: {  	v41 =	vld [tilespmem:$0x2F0];
	v40 =	vshll.u32 v34, $0x2;
	v39 =	vor.u32 $0x1, v1;
	[tilespmem:$0x300] =	vst v0  }
0xaf: {  	v43 =	vshll.u32 v35, $0x2;
	v42 =	vor.u32 $0x1, v40;
	[tilespmem:$0x310] =	vst v39  }
0xb0: {  	v45 =	vshll.u32 v36, $0x2;
	v44 =	vor.u32 $0x1, v43;
	[tilespmem:$0x320] =	vst v42  }
0xb1: {  	v47 =	vshll.u32 v37, $0x2;
	v46 =	vor.u32 $0x1, v45;
	[tilespmem:$0x330] =	vst v44  }
0xb2: {  	v49 =	vshll.u32 v38, $0x2;
	v48 =	vor.u32 $0x1, v47;
	[tilespmem:$0x340] =	vst v46  }
0xb3: {  	v51 =	vshll.u32 v41, $0x2;
	v50 =	vor.u32 $0x1, v49;
	[tilespmem:$0x350] =	vst v48  }
0xb4: {  	v52 =	vor.u32 $0x1, v51;
	[tilespmem:$0x360] =	vst v50  }
0xb5: {  	[tilespmem:$0x370] =	vst v52  }
0xb6: {  	[tilespmem:s30], [sflag:$0x1] =	stream.indirect.gather [hbm4b:s1+s28], $0x1, s29, s28, $0xb8;
	[tilespmem:$0x400] =	vst v63  }
0xb7: {  	_ =	swait.ge [sflag:s31], $0x80  }
0xb8: {  	[sflag:s31] =	ssyncset.done $0x0  }
0xb9: {  	[sflag:s31] =	ssyncadd.s32 $0xFFFFFF80  }
0xba: {  	[hbm4b:s6+s4] =	stream.linear.scatter [tilespmem:s30], [sflag:$0x2], $0x80, $0x38;
	[tilespmem:$0x400] =	vst v63  }
0xbb: {  	_ =	swait.ge [sflag:s26], $0x80  }
0xbc: {  	[sflag:s26] =	ssyncset.done $0x0  }
0xbd: {  	[sflag:s26] =	ssyncadd.s32 $0xFFFFFF80  }
0xbe: {  	v53 =	vld [tilespmem:$0x280]  }
0xbf: {  	v54 =	vld [tilespmem:$0x290]  }
0xc0: {  	v55 =	vld [tilespmem:$0x2A0]  }
0xc1: {  	v56 =	vld [tilespmem:$0x2B0]  }
0xc2: {  	v57 =	vld [tilespmem:$0x2C0]  }
0xc3: {  	v58 =	vld [tilespmem:$0x2D0];
	v0 =	vshll.u32 v53, $0x2  }
0xc4: {  	v59 =	vld [tilespmem:$0x2E0];
	v1 =	vshll.u32 v54, $0x2;
	v0 =	vor.u32 $0x2, v0  }
0xc5: {  	v62 =	vld [tilespmem:$0x2F0];
	v61 =	vshll.u32 v55, $0x2;
	v60 =	vor.u32 $0x2, v1;
	[tilespmem:$0x300] =	vst v0  }
0xc6: {  	v7 =	vshll.u32 v56, $0x2;
	v63 =	vor.u32 $0x2, v61;
	[tilespmem:$0x310] =	vst v60  }
0xc7: {  	v9 =	vshll.u32 v57, $0x2;
	v8 =	vor.u32 $0x2, v7;
	[tilespmem:$0x320] =	vst v63  }
0xc8: {  	v11 =	vshll.u32 v58, $0x2;
	v10 =	vor.u32 $0x2, v9;
	[tilespmem:$0x330] =	vst v8  }
0xc9: {  	v13 =	vshll.u32 v59, $0x2;
	v12 =	vor.u32 $0x2, v11;
	[tilespmem:$0x340] =	vst v10  }
0xca: {  	v15 =	vshll.u32 v62, $0x2;
	v14 =	vor.u32 $0x2, v13;
	[tilespmem:$0x350] =	vst v12  }
0xcb: {  	v16 =	vor.u32 $0x2, v15;
	[tilespmem:$0x360] =	vst v14  }
0xcc: {  	[tilespmem:$0x370] =	vst v16  }
0xcd: {  	[tilespmem:s30], [sflag:$0x1] =	stream.indirect.gather [hbm4b:s1+s28], $0x1, s29, s28, $0xb8;
	[tilespmem:$0x400] =	vst v63  }
0xce: {  	_ =	swait.ge [sflag:s31], $0x80  }
0xcf: {  	[sflag:s31] =	ssyncset.done $0x0  }
0xd0: {  	[sflag:s31] =	ssyncadd.s32 $0xFFFFFF80  }
0xd1: {  	[hbm4b:s7+s4] =	stream.linear.scatter [tilespmem:s30], [sflag:$0x2], $0x80, $0x38;
	[tilespmem:$0x400] =	vst v63  }
0xd2: {  	_ =	swait.ge [sflag:s26], $0x80  }
0xd3: {  	[sflag:s26] =	ssyncset.done $0x0  }
0xd4: {  	[sflag:s26] =	ssyncadd.s32 $0xFFFFFF80  }
0xd5: {  	v17 =	vld [tilespmem:$0x280]  }
0xd6: {  	v18 =	vld [tilespmem:$0x290]  }
0xd7: {  	v19 =	vld [tilespmem:$0x2A0]  }
0xd8: {  	v20 =	vld [tilespmem:$0x2B0]  }
0xd9: {  	v21 =	vld [tilespmem:$0x2C0]  }
0xda: {  	v22 =	vld [tilespmem:$0x2D0];
	v0 =	vshll.u32 v17, $0x2  }
0xdb: {  	v23 =	vld [tilespmem:$0x2E0];
	v1 =	vshll.u32 v18, $0x2;
	v0 =	vor.u32 $0x3, v0  }
0xdc: {  	v26 =	vld [tilespmem:$0x2F0];
	v25 =	vshll.u32 v19, $0x2;
	v24 =	vor.u32 $0x3, v1;
	[tilespmem:$0x300] =	vst v0  }
0xdd: {  	v28 =	vshll.u32 v20, $0x2;
	v27 =	vor.u32 $0x3, v25;
	[tilespmem:$0x310] =	vst v24  }
0xde: {  	v30 =	vshll.u32 v21, $0x2;
	v29 =	vor.u32 $0x3, v28;
	[tilespmem:$0x320] =	vst v27  }
0xdf: {  	v32 =	vshll.u32 v22, $0x2;
	v31 =	vor.u32 $0x3, v30;
	[tilespmem:$0x330] =	vst v29  }
0xe0: {  	v34 =	vshll.u32 v23, $0x2;
	v33 =	vor.u32 $0x3, v32;
	[tilespmem:$0x340] =	vst v31  }
0xe1: {  	v36 =	vshll.u32 v26, $0x2;
	v35 =	vor.u32 $0x3, v34;
	[tilespmem:$0x350] =	vst v33  }
0xe2: {  	v37 =	vor.u32 $0x3, v36;
	[tilespmem:$0x360] =	vst v35  }
0xe3: {  	[tilespmem:$0x370] =	vst v37  }
0xe4: {  	[tilespmem:s30], [sflag:$0x1] =	stream.indirect.gather [hbm4b:s1+s28], $0x1, s29, s28, $0xb8;
	[tilespmem:$0x400] =	vst v63  }
0xe5: {  	_ =	swait.ge [sflag:s31], $0x80  }
0xe6: {  	[sflag:s31] =	ssyncset.done $0x0  }
0xe7: {  	[sflag:s31] =	ssyncadd.s32 $0xFFFFFF80  }
0xe8: {  	[hbm4b:s8+s4] =	stream.linear.scatter [tilespmem:s30], [sflag:$0x2], $0x80, $0x38;
	[tilespmem:$0x400] =	vst v63  }
0xe9: {  	_ =	swait.ge [sflag:s26], $0x80  }
0xea: {  	[sflag:s26] =	ssyncset.done $0x0  }
0xeb: {  	[sflag:s26] =	ssyncadd.s32 $0xFFFFFF80  }
0xec: {  	[tilespmem:s30], [sflag:$0x1] =	stream.indirect.gather [hbm4b:s3+s28], $0x1, s2, s28, $0xb8;
	[tilespmem:$0x400] =	vst v63  }
0xed: {  	_ =	swait.ge [sflag:s31], $0x80  }
0xee: {  	[sflag:s31] =	ssyncset.done $0x0  }
0xef: {  	[sflag:s31] =	ssyncadd.s32 $0xFFFFFF80  }
0xf0: {  	[hbm4b:s9+s4] =	stream.linear.scatter [tilespmem:s30], [sflag:$0x2], $0x80, $0x38;
	[tilespmem:$0x400] =	vst v63  }
0xf1: {  	_ =	swait.ge [sflag:s26], $0x80  }
0xf2: {  	[sflag:s26] =	ssyncset.done $0x0  }
0xf3: {  	[sflag:s26] =	ssyncadd.s32 $0xFFFFFF80  }
0xf4: {  	v38 =	vld [tilespmem:$0x100]  }
0xf5: {  	v39 =	vld [tilespmem:$0x110]  }
0xf6: {  	v40 =	vld [tilespmem:$0x120]  }
0xf7: {  	v41 =	vld [tilespmem:$0x130]  }
0xf8: {  	v42 =	vld [tilespmem:$0x140]  }
0xf9: {  	v43 =	vld [tilespmem:$0x150];
	[tilespmem:$0x280] =	vst v38  }
0xfa: {  	v44 =	vld [tilespmem:$0x160];
	[tilespmem:$0x290] =	vst v39  }
0xfb: {  	v45 =	vld [tilespmem:$0x170];
	[tilespmem:$0x2A0] =	vst v40  }
0xfc: {  	[tilespmem:$0x2B0] =	vst v41;
	v46 =	vld [tilespmem:$0x290]  }
0xfd: {  	[tilespmem:$0x2C0] =	vst v42;
	v47 =	vld [tilespmem:$0x2A0]  }
0xfe: {  	[tilespmem:$0x2D0] =	vst v43;
	v48 =	vld [tilespmem:$0x2B0]  }
0xff: {  	[tilespmem:$0x2E0] =	vst v44;
	v49 =	vld [tilespmem:$0x2C0]  }
0x100: {  	[tilespmem:$0x2F0] =	vst v45;
	v0 =	vshll.u32 v38, $0x2;
	v50 =	vld [tilespmem:$0x2D0]  }
0x101: {  	[tilespmem:$0x300] =	vst v0;
	v52 =	vld [tilespmem:$0x2E0];
	v51 =	vshll.u32 v46, $0x2  }
0x102: {  	v54 =	vld [tilespmem:$0x2F0];
	v53 =	vshll.u32 v47, $0x2;
	[tilespmem:$0x310] =	vst v51  }
0x103: {  	v55 =	vshll.u32 v48, $0x2;
	[tilespmem:$0x320] =	vst v53  }
0x104: {  	v56 =	vshll.u32 v49, $0x2;
	[tilespmem:$0x330] =	vst v55  }
0x105: {  	v57 =	vshll.u32 v50, $0x2;
	[tilespmem:$0x340] =	vst v56  }
0x106: {  	v58 =	vshll.u32 v52, $0x2;
	[tilespmem:$0x350] =	vst v57  }
0x107: {  	v59 =	vshll.u32 v54, $0x2;
	[tilespmem:$0x360] =	vst v58  }
0x108: {  	[tilespmem:$0x370] =	vst v59  }
0x109: {  	[tilespmem:s30], [sflag:$0x1] =	stream.indirect.gather [hbm4b:s1+s28], $0x1, s29, s28, $0xb8;
	[tilespmem:$0x400] =	vst v63  }
0x10a: {  	_ =	swait.ge [sflag:s31], $0x80  }
0x10b: {  	[sflag:s31] =	ssyncset.done $0x0  }
0x10c: {  	[sflag:s31] =	ssyncadd.s32 $0xFFFFFF80  }
0x10d: {  	[hbm4b:s10+s4] =	stream.linear.scatter [tilespmem:s30], [sflag:$0x2], $0x80, $0x38;
	[tilespmem:$0x400] =	vst v63  }
0x10e: {  	_ =	swait.ge [sflag:s26], $0x80  }
0x10f: {  	[sflag:s26] =	ssyncset.done $0x0  }
0x110: {  	[sflag:s26] =	ssyncadd.s32 $0xFFFFFF80  }
0x111: {  	v60 =	vld [tilespmem:$0x280]  }
0x112: {  	v61 =	vld [tilespmem:$0x290]  }
0x113: {  	v62 =	vld [tilespmem:$0x2A0]  }
0x114: {  	v63 =	vld [tilespmem:$0x2B0]  }
0x115: {  	v9 =	vld [tilespmem:$0x2C0]  }
0x116: {  	v10 =	vld [tilespmem:$0x2D0];
	v0 =	vshll.u32 v60, $0x2  }
0x117: {  	v11 =	vld [tilespmem:$0x2E0];
	v1 =	vshll.u32 v61, $0x2;
	v0 =	vor.u32 $0x1, v0  }
0x118: {  	v14 =	vld [tilespmem:$0x2F0];
	v13 =	vshll.u32 v62, $0x2;
	v12 =	vor.u32 $0x1, v1;
	[tilespmem:$0x300] =	vst v0  }
0x119: {  	v16 =	vshll.u32 v63, $0x2;
	v15 =	vor.u32 $0x1, v13;
	[tilespmem:$0x310] =	vst v12  }
0x11a: {  	v18 =	vshll.u32 v9, $0x2;
	v17 =	vor.u32 $0x1, v16;
	[tilespmem:$0x320] =	vst v15  }
0x11b: {  	v20 =	vshll.u32 v10, $0x2;
	v19 =	vor.u32 $0x1, v18;
	[tilespmem:$0x330] =	vst v17  }
0x11c: {  	v22 =	vshll.u32 v11, $0x2;
	v21 =	vor.u32 $0x1, v20;
	[tilespmem:$0x340] =	vst v19  }
0x11d: {  	v24 =	vshll.u32 v14, $0x2;
	v23 =	vor.u32 $0x1, v22;
	[tilespmem:$0x350] =	vst v21  }
0x11e: {  	v25 =	vor.u32 $0x1, v24;
	[tilespmem:$0x360] =	vst v23  }
0x11f: {  	[tilespmem:$0x370] =	vst v25  }
0x120: {  	[tilespmem:s30], [sflag:$0x1] =	stream.indirect.gather [hbm4b:s1+s28], $0x1, s29, s28, $0xb8;
	[tilespmem:$0x400] =	vst v63  }
0x121: {  	_ =	swait.ge [sflag:s31], $0x80  }
0x122: {  	[sflag:s31] =	ssyncset.done $0x0  }
0x123: {  	[sflag:s31] =	ssyncadd.s32 $0xFFFFFF80  }
0x124: {  	[hbm4b:s11+s4] =	stream.linear.scatter [tilespmem:s30], [sflag:$0x2], $0x80, $0x38;
	[tilespmem:$0x400] =	vst v63  }
0x125: {  	_ =	swait.ge [sflag:s26], $0x80  }
0x126: {  	[sflag:s26] =	ssyncset.done $0x0  }
0x127: {  	[sflag:s26] =	ssyncadd.s32 $0xFFFFFF80  }
0x128: {  	v26 =	vld [tilespmem:$0x280]  }
0x129: {  	v27 =	vld [tilespmem:$0x290]  }
0x12a: {  	v28 =	vld [tilespmem:$0x2A0]  }
0x12b: {  	v29 =	vld [tilespmem:$0x2B0]  }
0x12c: {  	v30 =	vld [tilespmem:$0x2C0]  }
0x12d: {  	v31 =	vld [tilespmem:$0x2D0];
	v0 =	vshll.u32 v26, $0x2  }
0x12e: {  	v32 =	vld [tilespmem:$0x2E0];
	v1 =	vshll.u32 v27, $0x2;
	v0 =	vor.u32 $0x2, v0  }
0x12f: {  	v35 =	vld [tilespmem:$0x2F0];
	v34 =	vshll.u32 v28, $0x2;
	v33 =	vor.u32 $0x2, v1;
	[tilespmem:$0x300] =	vst v0  }
0x130: {  	v37 =	vshll.u32 v29, $0x2;
	v36 =	vor.u32 $0x2, v34;
	[tilespmem:$0x310] =	vst v33  }
0x131: {  	v39 =	vshll.u32 v30, $0x2;
	v38 =	vor.u32 $0x2, v37;
	[tilespmem:$0x320] =	vst v36  }
0x132: {  	v41 =	vshll.u32 v31, $0x2;
	v40 =	vor.u32 $0x2, v39;
	[tilespmem:$0x330] =	vst v38  }
0x133: {  	v43 =	vshll.u32 v32, $0x2;
	v42 =	vor.u32 $0x2, v41;
	[tilespmem:$0x340] =	vst v40  }
0x134: {  	v45 =	vshll.u32 v35, $0x2;
	v44 =	vor.u32 $0x2, v43;
	[tilespmem:$0x350] =	vst v42  }
0x135: {  	v46 =	vor.u32 $0x2, v45;
	[tilespmem:$0x360] =	vst v44  }
0x136: {  	[tilespmem:$0x370] =	vst v46  }
0x137: {  	[tilespmem:s30], [sflag:$0x1] =	stream.indirect.gather [hbm4b:s1+s28], $0x1, s29, s28, $0xb8;
	[tilespmem:$0x400] =	vst v63  }
0x138: {  	_ =	swait.ge [sflag:s31], $0x80  }
0x139: {  	[sflag:s31] =	ssyncset.done $0x0  }
0x13a: {  	[sflag:s31] =	ssyncadd.s32 $0xFFFFFF80  }
0x13b: {  	[hbm4b:s12+s4] =	stream.linear.scatter [tilespmem:s30], [sflag:$0x2], $0x80, $0x38;
	[tilespmem:$0x400] =	vst v63  }
0x13c: {  	_ =	swait.ge [sflag:s26], $0x80  }
0x13d: {  	[sflag:s26] =	ssyncset.done $0x0  }
0x13e: {  	[sflag:s26] =	ssyncadd.s32 $0xFFFFFF80  }
0x13f: {  	v47 =	vld [tilespmem:$0x280]  }
0x140: {  	v48 =	vld [tilespmem:$0x290]  }
0x141: {  	v49 =	vld [tilespmem:$0x2A0]  }
0x142: {  	v50 =	vld [tilespmem:$0x2B0]  }
0x143: {  	v51 =	vld [tilespmem:$0x2C0]  }
0x144: {  	v52 =	vld [tilespmem:$0x2D0];
	v0 =	vshll.u32 v47, $0x2  }
0x145: {  	v53 =	vld [tilespmem:$0x2E0];
	v1 =	vshll.u32 v48, $0x2;
	v0 =	vor.u32 $0x3, v0  }
0x146: {  	v56 =	vld [tilespmem:$0x2F0];
	v55 =	vshll.u32 v49, $0x2;
	v54 =	vor.u32 $0x3, v1;
	[tilespmem:$0x300] =	vst v0  }
0x147: {  	v58 =	vshll.u32 v50, $0x2;
	v57 =	vor.u32 $0x3, v55;
	[tilespmem:$0x310] =	vst v54  }
0x148: {  	v60 =	vshll.u32 v51, $0x2;
	v59 =	vor.u32 $0x3, v58;
	[tilespmem:$0x320] =	vst v57  }
0x149: {  	v62 =	vshll.u32 v52, $0x2;
	v61 =	vor.u32 $0x3, v60;
	[tilespmem:$0x330] =	vst v59  }
0x14a: {  	v4 =	vshll.u32 v53, $0x2;
	v63 =	vor.u32 $0x3, v62;
	[tilespmem:$0x340] =	vst v61  }
0x14b: {  	v6 =	vshll.u32 v56, $0x2;
	v5 =	vor.u32 $0x3, v4;
	[tilespmem:$0x350] =	vst v63  }
0x14c: {  	v7 =	vor.u32 $0x3, v6;
	[tilespmem:$0x360] =	vst v5  }
0x14d: {  	[tilespmem:$0x370] =	vst v7  }
0x14e: {  	[tilespmem:s30], [sflag:$0x1] =	stream.indirect.gather [hbm4b:s1+s28], $0x1, s29, s28, $0xb8;
	[tilespmem:$0x400] =	vst v63  }
0x14f: {  	_ =	swait.ge [sflag:s31], $0x80  }
0x150: {  	[sflag:s31] =	ssyncset.done $0x0  }
0x151: {  	[sflag:s31] =	ssyncadd.s32 $0xFFFFFF80  }
0x152: {  	[hbm4b:s13+s4] =	stream.linear.scatter [tilespmem:s30], [sflag:$0x2], $0x80, $0x38;
	[tilespmem:$0x400] =	vst v63  }
0x153: {  	_ =	swait.ge [sflag:s26], $0x80  }
0x154: {  	[sflag:s26] =	ssyncset.done $0x0  }
0x155: {  	[sflag:s26] =	ssyncadd.s32 $0xFFFFFF80  }
0x156: {  	[tilespmem:s30], [sflag:$0x1] =	stream.indirect.gather [hbm4b:s3+s28], $0x1, s2, s28, $0xb8;
	[tilespmem:$0x400] =	vst v63  }
0x157: {  	_ =	swait.ge [sflag:s31], $0x80  }
0x158: {  	[sflag:s31] =	ssyncset.done $0x0  }
0x159: {  	[sflag:s31] =	ssyncadd.s32 $0xFFFFFF80  }
0x15a: {  	[hbm4b:s14+s4] =	stream.linear.scatter [tilespmem:s30], [sflag:$0x2], $0x80, $0x38;
	[tilespmem:$0x400] =	vst v63  }
0x15b: {  	_ =	swait.ge [sflag:s26], $0x80  }
0x15c: {  	[sflag:s26] =	ssyncset.done $0x0  }
0x15d: {  	[sflag:s26] =	ssyncadd.s32 $0xFFFFFF80  }
0x15e: {  	v8 =	vld [tilespmem:$0x180]  }
0x15f: {  	v9 =	vld [tilespmem:$0x190]  }
0x160: {  	v10 =	vld [tilespmem:$0x1A0]  }
0x161: {  	v11 =	vld [tilespmem:$0x1B0]  }
0x162: {  	v12 =	vld [tilespmem:$0x1C0]  }
0x163: {  	v13 =	vld [tilespmem:$0x1D0];
	[tilespmem:$0x280] =	vst v8  }
0x164: {  	v14 =	vld [tilespmem:$0x1E0];
	[tilespmem:$0x290] =	vst v9  }
0x165: {  	v15 =	vld [tilespmem:$0x1F0];
	[tilespmem:$0x2A0] =	vst v10  }
0x166: {  	[tilespmem:$0x2B0] =	vst v11;
	v16 =	vld [tilespmem:$0x290]  }
0x167: {  	[tilespmem:$0x2C0] =	vst v12;
	v17 =	vld [tilespmem:$0x2A0]  }
0x168: {  	[tilespmem:$0x2D0] =	vst v13;
	v18 =	vld [tilespmem:$0x2B0]  }
0x169: {  	[tilespmem:$0x2E0] =	vst v14;
	v19 =	vld [tilespmem:$0x2C0]  }
0x16a: {  	[tilespmem:$0x2F0] =	vst v15;
	v0 =	vshll.u32 v8, $0x2;
	v20 =	vld [tilespmem:$0x2D0]  }
0x16b: {  	[tilespmem:$0x300] =	vst v0;
	v22 =	vld [tilespmem:$0x2E0];
	v21 =	vshll.u32 v16, $0x2  }
0x16c: {  	v24 =	vld [tilespmem:$0x2F0];
	v23 =	vshll.u32 v17, $0x2;
	[tilespmem:$0x310] =	vst v21  }
0x16d: {  	v25 =	vshll.u32 v18, $0x2;
	[tilespmem:$0x320] =	vst v23  }
0x16e: {  	v26 =	vshll.u32 v19, $0x2;
	[tilespmem:$0x330] =	vst v25  }
0x16f: {  	v27 =	vshll.u32 v20, $0x2;
	[tilespmem:$0x340] =	vst v26  }
0x170: {  	v28 =	vshll.u32 v22, $0x2;
	[tilespmem:$0x350] =	vst v27  }
0x171: {  	v29 =	vshll.u32 v24, $0x2;
	[tilespmem:$0x360] =	vst v28  }
0x172: {  	[tilespmem:$0x370] =	vst v29  }
0x173: {  	[tilespmem:s30], [sflag:$0x1] =	stream.indirect.gather [hbm4b:s1+s28], $0x1, s29, s28, $0xb8;
	[tilespmem:$0x400] =	vst v63  }
0x174: {  	_ =	swait.ge [sflag:s31], $0x80  }
0x175: {  	[sflag:s31] =	ssyncset.done $0x0  }
0x176: {  	[sflag:s31] =	ssyncadd.s32 $0xFFFFFF80  }
0x177: {  	[hbm4b:s15+s4] =	stream.linear.scatter [tilespmem:s30], [sflag:$0x2], $0x80, $0x38;
	[tilespmem:$0x400] =	vst v63  }
0x178: {  	_ =	swait.ge [sflag:s26], $0x80  }
0x179: {  	[sflag:s26] =	ssyncset.done $0x0  }
0x17a: {  	[sflag:s26] =	ssyncadd.s32 $0xFFFFFF80  }
0x17b: {  	v30 =	vld [tilespmem:$0x280]  }
0x17c: {  	v31 =	vld [tilespmem:$0x290]  }
0x17d: {  	v32 =	vld [tilespmem:$0x2A0]  }
0x17e: {  	v33 =	vld [tilespmem:$0x2B0]  }
0x17f: {  	v34 =	vld [tilespmem:$0x2C0]  }
0x180: {  	v35 =	vld [tilespmem:$0x2D0];
	v0 =	vshll.u32 v30, $0x2  }
0x181: {  	v36 =	vld [tilespmem:$0x2E0];
	v1 =	vshll.u32 v31, $0x2;
	v0 =	vor.u32 $0x1, v0  }
0x182: {  	v39 =	vld [tilespmem:$0x2F0];
	v38 =	vshll.u32 v32, $0x2;
	v37 =	vor.u32 $0x1, v1;
	[tilespmem:$0x300] =	vst v0  }
0x183: {  	v41 =	vshll.u32 v33, $0x2;
	v40 =	vor.u32 $0x1, v38;
	[tilespmem:$0x310] =	vst v37  }
0x184: {  	v43 =	vshll.u32 v34, $0x2;
	v42 =	vor.u32 $0x1, v41;
	[tilespmem:$0x320] =	vst v40  }
0x185: {  	v45 =	vshll.u32 v35, $0x2;
	v44 =	vor.u32 $0x1, v43;
	[tilespmem:$0x330] =	vst v42  }
0x186: {  	v47 =	vshll.u32 v36, $0x2;
	v46 =	vor.u32 $0x1, v45;
	[tilespmem:$0x340] =	vst v44  }
0x187: {  	v49 =	vshll.u32 v39, $0x2;
	v48 =	vor.u32 $0x1, v47;
	[tilespmem:$0x350] =	vst v46  }
0x188: {  	v50 =	vor.u32 $0x1, v49;
	[tilespmem:$0x360] =	vst v48  }
0x189: {  	[tilespmem:$0x370] =	vst v50  }
0x18a: {  	[tilespmem:s30], [sflag:$0x1] =	stream.indirect.gather [hbm4b:s1+s28], $0x1, s29, s28, $0xb8;
	[tilespmem:$0x400] =	vst v63  }
0x18b: {  	_ =	swait.ge [sflag:s31], $0x80  }
0x18c: {  	[sflag:s31] =	ssyncset.done $0x0  }
0x18d: {  	[sflag:s31] =	ssyncadd.s32 $0xFFFFFF80  }
0x18e: {  	[hbm4b:s16+s4] =	stream.linear.scatter [tilespmem:s30], [sflag:$0x2], $0x80, $0x38;
	[tilespmem:$0x400] =	vst v63  }
0x18f: {  	_ =	swait.ge [sflag:s26], $0x80  }
0x190: {  	[sflag:s26] =	ssyncset.done $0x0  }
0x191: {  	[sflag:s26] =	ssyncadd.s32 $0xFFFFFF80  }
0x192: {  	v51 =	vld [tilespmem:$0x280]  }
0x193: {  	v52 =	vld [tilespmem:$0x290]  }
0x194: {  	v53 =	vld [tilespmem:$0x2A0]  }
0x195: {  	v54 =	vld [tilespmem:$0x2B0]  }
0x196: {  	v55 =	vld [tilespmem:$0x2C0]  }
0x197: {  	v56 =	vld [tilespmem:$0x2D0];
	v0 =	vshll.u32 v51, $0x2  }
0x198: {  	v57 =	vld [tilespmem:$0x2E0];
	v1 =	vshll.u32 v52, $0x2;
	v0 =	vor.u32 $0x2, v0  }
0x199: {  	v60 =	vld [tilespmem:$0x2F0];
	v59 =	vshll.u32 v53, $0x2;
	v58 =	vor.u32 $0x2, v1;
	[tilespmem:$0x300] =	vst v0  }
0x19a: {  	v62 =	vshll.u32 v54, $0x2;
	v61 =	vor.u32 $0x2, v59;
	[tilespmem:$0x310] =	vst v58  }
0x19b: {  	v4 =	vshll.u32 v55, $0x2;
	v63 =	vor.u32 $0x2, v62;
	[tilespmem:$0x320] =	vst v61  }
0x19c: {  	v8 =	vshll.u32 v56, $0x2;
	v7 =	vor.u32 $0x2, v4;
	[tilespmem:$0x330] =	vst v63  }
0x19d: {  	v10 =	vshll.u32 v57, $0x2;
	v9 =	vor.u32 $0x2, v8;
	[tilespmem:$0x340] =	vst v7  }
0x19e: {  	v12 =	vshll.u32 v60, $0x2;
	v11 =	vor.u32 $0x2, v10;
	[tilespmem:$0x350] =	vst v9  }
0x19f: {  	v13 =	vor.u32 $0x2, v12;
	[tilespmem:$0x360] =	vst v11  }
0x1a0: {  	[tilespmem:$0x370] =	vst v13  }
0x1a1: {  	[tilespmem:s30], [sflag:$0x1] =	stream.indirect.gather [hbm4b:s1+s28], $0x1, s29, s28, $0xb8;
	[tilespmem:$0x400] =	vst v63  }
0x1a2: {  	_ =	swait.ge [sflag:s31], $0x80  }
0x1a3: {  	[sflag:s31] =	ssyncset.done $0x0  }
0x1a4: {  	[sflag:s31] =	ssyncadd.s32 $0xFFFFFF80  }
0x1a5: {  	[hbm4b:s17+s4] =	stream.linear.scatter [tilespmem:s30], [sflag:$0x2], $0x80, $0x38;
	[tilespmem:$0x400] =	vst v63  }
0x1a6: {  	_ =	swait.ge [sflag:s26], $0x80  }
0x1a7: {  	[sflag:s26] =	ssyncset.done $0x0  }
0x1a8: {  	[sflag:s26] =	ssyncadd.s32 $0xFFFFFF80  }
0x1a9: {  	v14 =	vld [tilespmem:$0x280]  }
0x1aa: {  	v15 =	vld [tilespmem:$0x290]  }
0x1ab: {  	v16 =	vld [tilespmem:$0x2A0]  }
0x1ac: {  	v17 =	vld [tilespmem:$0x2B0]  }
0x1ad: {  	v18 =	vld [tilespmem:$0x2C0]  }
0x1ae: {  	v19 =	vld [tilespmem:$0x2D0];
	v0 =	vshll.u32 v14, $0x2  }
0x1af: {  	v20 =	vld [tilespmem:$0x2E0];
	v1 =	vshll.u32 v15, $0x2;
	v0 =	vor.u32 $0x3, v0  }
0x1b0: {  	v23 =	vld [tilespmem:$0x2F0];
	v22 =	vshll.u32 v16, $0x2;
	v21 =	vor.u32 $0x3, v1;
	[tilespmem:$0x300] =	vst v0  }
0x1b1: {  	v25 =	vshll.u32 v17, $0x2;
	v24 =	vor.u32 $0x3, v22;
	[tilespmem:$0x310] =	vst v21  }
0x1b2: {  	v27 =	vshll.u32 v18, $0x2;
	v26 =	vor.u32 $0x3, v25;
	[tilespmem:$0x320] =	vst v24  }
0x1b3: {  	v29 =	vshll.u32 v19, $0x2;
	v28 =	vor.u32 $0x3, v27;
	[tilespmem:$0x330] =	vst v26  }
0x1b4: {  	v31 =	vshll.u32 v20, $0x2;
	v30 =	vor.u32 $0x3, v29;
	[tilespmem:$0x340] =	vst v28  }
0x1b5: {  	v33 =	vshll.u32 v23, $0x2;
	v32 =	vor.u32 $0x3, v31;
	[tilespmem:$0x350] =	vst v30  }
0x1b6: {  	v34 =	vor.u32 $0x3, v33;
	[tilespmem:$0x360] =	vst v32  }
0x1b7: {  	[tilespmem:$0x370] =	vst v34  }
0x1b8: {  	[tilespmem:s30], [sflag:$0x1] =	stream.indirect.gather [hbm4b:s1+s28], $0x1, s29, s28, $0xb8;
	[tilespmem:$0x400] =	vst v63  }
0x1b9: {  	_ =	swait.ge [sflag:s31], $0x80  }
0x1ba: {  	[sflag:s31] =	ssyncset.done $0x0  }
0x1bb: {  	[sflag:s31] =	ssyncadd.s32 $0xFFFFFF80  }
0x1bc: {  	[hbm4b:s18+s4] =	stream.linear.scatter [tilespmem:s30], [sflag:$0x2], $0x80, $0x38;
	[tilespmem:$0x400] =	vst v63  }
0x1bd: {  	_ =	swait.ge [sflag:s26], $0x80  }
0x1be: {  	[sflag:s26] =	ssyncset.done $0x0  }
0x1bf: {  	[sflag:s26] =	ssyncadd.s32 $0xFFFFFF80  }
0x1c0: {  	[tilespmem:s30], [sflag:$0x1] =	stream.indirect.gather [hbm4b:s3+s28], $0x1, s2, s28, $0xb8;
	[tilespmem:$0x400] =	vst v63  }
0x1c1: {  	_ =	swait.ge [sflag:s31], $0x80  }
0x1c2: {  	[sflag:s31] =	ssyncset.done $0x0  }
0x1c3: {  	[sflag:s31] =	ssyncadd.s32 $0xFFFFFF80  }
0x1c4: {  	[hbm4b:s19+s4] =	stream.linear.scatter [tilespmem:s30], [sflag:$0x2], $0x80, $0x38;
	[tilespmem:$0x400] =	vst v63  }
0x1c5: {  	_ =	swait.ge [sflag:s26], $0x80  }
0x1c6: {  	[sflag:s26] =	ssyncset.done $0x0  }
0x1c7: {  	[sflag:s26] =	ssyncadd.s32 $0xFFFFFF80  }
0x1c8: {  	v35 =	vld [tilespmem:$0x200]  }
0x1c9: {  	v36 =	vld [tilespmem:$0x210]  }
0x1ca: {  	v37 =	vld [tilespmem:$0x220]  }
0x1cb: {  	v38 =	vld [tilespmem:$0x230]  }
0x1cc: {  	v39 =	vld [tilespmem:$0x240]  }
0x1cd: {  	v40 =	vld [tilespmem:$0x250];
	[tilespmem:$0x280] =	vst v35  }
0x1ce: {  	v41 =	vld [tilespmem:$0x260];
	[tilespmem:$0x290] =	vst v36  }
0x1cf: {  	v42 =	vld [tilespmem:$0x270];
	[tilespmem:$0x2A0] =	vst v37  }
0x1d0: {  	[tilespmem:$0x2B0] =	vst v38;
	v43 =	vld [tilespmem:$0x290]  }
0x1d1: {  	[tilespmem:$0x2C0] =	vst v39;
	v44 =	vld [tilespmem:$0x2A0]  }
0x1d2: {  	[tilespmem:$0x2D0] =	vst v40;
	v45 =	vld [tilespmem:$0x2B0]  }
0x1d3: {  	[tilespmem:$0x2E0] =	vst v41;
	v46 =	vld [tilespmem:$0x2C0]  }
0x1d4: {  	[tilespmem:$0x2F0] =	vst v42;
	v0 =	vshll.u32 v35, $0x2;
	v47 =	vld [tilespmem:$0x2D0]  }
0x1d5: {  	[tilespmem:$0x300] =	vst v0;
	v49 =	vld [tilespmem:$0x2E0];
	v48 =	vshll.u32 v43, $0x2  }
0x1d6: {  	v51 =	vld [tilespmem:$0x2F0];
	v50 =	vshll.u32 v44, $0x2;
	[tilespmem:$0x310] =	vst v48  }
0x1d7: {  	v52 =	vshll.u32 v45, $0x2;
	[tilespmem:$0x320] =	vst v50  }
0x1d8: {  	v53 =	vshll.u32 v46, $0x2;
	[tilespmem:$0x330] =	vst v52  }
0x1d9: {  	v54 =	vshll.u32 v47, $0x2;
	[tilespmem:$0x340] =	vst v53  }
0x1da: {  	v55 =	vshll.u32 v49, $0x2;
	[tilespmem:$0x350] =	vst v54  }
0x1db: {  	v56 =	vshll.u32 v51, $0x2;
	[tilespmem:$0x360] =	vst v55  }
0x1dc: {  	[tilespmem:$0x370] =	vst v56  }
0x1dd: {  	[tilespmem:s30], [sflag:$0x1] =	stream.indirect.gather [hbm4b:s1+s28], $0x1, s29, s28, $0xb8;
	[tilespmem:$0x400] =	vst v63  }
0x1de: {  	_ =	swait.ge [sflag:s31], $0x80  }
0x1df: {  	[sflag:s31] =	ssyncset.done $0x0  }
0x1e0: {  	[sflag:s31] =	ssyncadd.s32 $0xFFFFFF80  }
0x1e1: {  	[hbm4b:s20+s4] =	stream.linear.scatter [tilespmem:s30], [sflag:$0x2], $0x80, $0x38;
	[tilespmem:$0x400] =	vst v63  }
0x1e2: {  	_ =	swait.ge [sflag:s26], $0x80  }
0x1e3: {  	[sflag:s26] =	ssyncset.done $0x0  }
0x1e4: {  	[sflag:s26] =	ssyncadd.s32 $0xFFFFFF80  }
0x1e5: {  	v57 =	vld [tilespmem:$0x280]  }
0x1e6: {  	v58 =	vld [tilespmem:$0x290]  }
0x1e7: {  	v59 =	vld [tilespmem:$0x2A0]  }
0x1e8: {  	v60 =	vld [tilespmem:$0x2B0]  }
0x1e9: {  	v61 =	vld [tilespmem:$0x2C0]  }
0x1ea: {  	v62 =	vld [tilespmem:$0x2D0];
	v0 =	vshll.u32 v57, $0x2  }
0x1eb: {  	v63 =	vld [tilespmem:$0x2E0];
	v1 =	vshll.u32 v58, $0x2;
	v0 =	vor.u32 $0x1, v0  }
0x1ec: {  	v10 =	vld [tilespmem:$0x2F0];
	v9 =	vshll.u32 v59, $0x2;
	v8 =	vor.u32 $0x1, v1;
	[tilespmem:$0x300] =	vst v0  }
0x1ed: {  	v12 =	vshll.u32 v60, $0x2;
	v11 =	vor.u32 $0x1, v9;
	[tilespmem:$0x310] =	vst v8  }
0x1ee: {  	v14 =	vshll.u32 v61, $0x2;
	v13 =	vor.u32 $0x1, v12;
	[tilespmem:$0x320] =	vst v11  }
0x1ef: {  	v16 =	vshll.u32 v62, $0x2;
	v15 =	vor.u32 $0x1, v14;
	[tilespmem:$0x330] =	vst v13  }
0x1f0: {  	v18 =	vshll.u32 v63, $0x2;
	v17 =	vor.u32 $0x1, v16;
	[tilespmem:$0x340] =	vst v15  }
0x1f1: {  	v20 =	vshll.u32 v10, $0x2;
	v19 =	vor.u32 $0x1, v18;
	[tilespmem:$0x350] =	vst v17  }
0x1f2: {  	v21 =	vor.u32 $0x1, v20;
	[tilespmem:$0x360] =	vst v19  }
0x1f3: {  	[tilespmem:$0x370] =	vst v21  }
0x1f4: {  	[tilespmem:s30], [sflag:$0x1] =	stream.indirect.gather [hbm4b:s1+s28], $0x1, s29, s28, $0xb8;
	[tilespmem:$0x400] =	vst v63  }
0x1f5: {  	_ =	swait.ge [sflag:s31], $0x80  }
0x1f6: {  	[sflag:s31] =	ssyncset.done $0x0  }
0x1f7: {  	[sflag:s31] =	ssyncadd.s32 $0xFFFFFF80  }
0x1f8: {  	[hbm4b:s21+s4] =	stream.linear.scatter [tilespmem:s30], [sflag:$0x2], $0x80, $0x38;
	[tilespmem:$0x400] =	vst v63  }
0x1f9: {  	_ =	swait.ge [sflag:s26], $0x80  }
0x1fa: {  	[sflag:s26] =	ssyncset.done $0x0  }
0x1fb: {  	[sflag:s26] =	ssyncadd.s32 $0xFFFFFF80  }
0x1fc: {  	v22 =	vld [tilespmem:$0x280]  }
0x1fd: {  	v23 =	vld [tilespmem:$0x290]  }
0x1fe: {  	v24 =	vld [tilespmem:$0x2A0]  }
0x1ff: {  	v25 =	vld [tilespmem:$0x2B0]  }
0x200: {  	v26 =	vld [tilespmem:$0x2C0]  }
0x201: {  	v27 =	vld [tilespmem:$0x2D0];
	v0 =	vshll.u32 v22, $0x2  }
0x202: {  	v28 =	vld [tilespmem:$0x2E0];
	v1 =	vshll.u32 v23, $0x2;
	v0 =	vor.u32 $0x2, v0  }
0x203: {  	v31 =	vld [tilespmem:$0x2F0];
	v30 =	vshll.u32 v24, $0x2;
	v29 =	vor.u32 $0x2, v1;
	[tilespmem:$0x300] =	vst v0  }
0x204: {  	v33 =	vshll.u32 v25, $0x2;
	v32 =	vor.u32 $0x2, v30;
	[tilespmem:$0x310] =	vst v29  }
0x205: {  	v35 =	vshll.u32 v26, $0x2;
	v34 =	vor.u32 $0x2, v33;
	[tilespmem:$0x320] =	vst v32  }
0x206: {  	v37 =	vshll.u32 v27, $0x2;
	v36 =	vor.u32 $0x2, v35;
	[tilespmem:$0x330] =	vst v34  }
0x207: {  	v39 =	vshll.u32 v28, $0x2;
	v38 =	vor.u32 $0x2, v37;
	[tilespmem:$0x340] =	vst v36  }
0x208: {  	v41 =	vshll.u32 v31, $0x2;
	v40 =	vor.u32 $0x2, v39;
	[tilespmem:$0x350] =	vst v38  }
0x209: {  	v42 =	vor.u32 $0x2, v41;
	[tilespmem:$0x360] =	vst v40  }
0x20a: {  	[tilespmem:$0x370] =	vst v42  }
0x20b: {  	[tilespmem:s30], [sflag:$0x1] =	stream.indirect.gather [hbm4b:s1+s28], $0x1, s29, s28, $0xb8;
	[tilespmem:$0x400] =	vst v63  }
0x20c: {  	_ =	swait.ge [sflag:s31], $0x80  }
0x20d: {  	[sflag:s31] =	ssyncset.done $0x0  }
0x20e: {  	[sflag:s31] =	ssyncadd.s32 $0xFFFFFF80  }
0x20f: {  	[hbm4b:s22+s4] =	stream.linear.scatter [tilespmem:s30], [sflag:$0x2], $0x80, $0x38;
	[tilespmem:$0x400] =	vst v63  }
0x210: {  	_ =	swait.ge [sflag:s26], $0x80  }
0x211: {  	[sflag:s26] =	ssyncset.done $0x0  }
0x212: {  	[sflag:s26] =	ssyncadd.s32 $0xFFFFFF80  }
0x213: {  	v43 =	vld [tilespmem:$0x280]  }
0x214: {  	v44 =	vld [tilespmem:$0x290]  }
0x215: {  	v45 =	vld [tilespmem:$0x2A0]  }
0x216: {  	v46 =	vld [tilespmem:$0x2B0]  }
0x217: {  	v47 =	vld [tilespmem:$0x2C0]  }
0x218: {  	v48 =	vld [tilespmem:$0x2D0];
	v0 =	vshll.u32 v43, $0x2  }
0x219: {  	v49 =	vld [tilespmem:$0x2E0];
	v1 =	vshll.u32 v44, $0x2;
	v0 =	vor.u32 $0x3, v0  }
0x21a: {  	v52 =	vld [tilespmem:$0x2F0];
	v51 =	vshll.u32 v45, $0x2;
	v50 =	vor.u32 $0x3, v1;
	[tilespmem:$0x300] =	vst v0  }
0x21b: {  	v54 =	vshll.u32 v46, $0x2;
	v53 =	vor.u32 $0x3, v51;
	[tilespmem:$0x310] =	vst v50  }
0x21c: {  	v56 =	vshll.u32 v47, $0x2;
	v55 =	vor.u32 $0x3, v54;
	[tilespmem:$0x320] =	vst v53  }
0x21d: {  	v58 =	vshll.u32 v48, $0x2;
	v57 =	vor.u32 $0x3, v56;
	[tilespmem:$0x330] =	vst v55  }
0x21e: {  	v60 =	vshll.u32 v49, $0x2;
	v59 =	vor.u32 $0x3, v58;
	[tilespmem:$0x340] =	vst v57  }
0x21f: {  	v62 =	vshll.u32 v52, $0x2;
	v61 =	vor.u32 $0x3, v60;
	[tilespmem:$0x350] =	vst v59  }
0x220: {  	v63 =	vor.u32 $0x3, v62;
	[tilespmem:$0x360] =	vst v61  }
0x221: {  	[tilespmem:$0x370] =	vst v63  }
0x222: {  	[tilespmem:s30], [sflag:$0x1] =	stream.indirect.gather [hbm4b:s1+s28], $0x1, s29, s28, $0xb8;
	[tilespmem:$0x400] =	vst v63  }
0x223: {  	_ =	swait.ge [sflag:s31], $0x80  }
0x224: {  	[sflag:s31] =	ssyncset.done $0x0  }
0x225: {  	[sflag:s31] =	ssyncadd.s32 $0xFFFFFF80  }
0x226: {  	[hbm4b:s23+s4] =	stream.linear.scatter [tilespmem:s30], [sflag:$0x2], $0x80, $0x38;
	[tilespmem:$0x400] =	vst v63  }
0x227: {  	_ =	swait.ge [sflag:s26], $0x80  }
0x228: {  	[sflag:s26] =	ssyncset.done $0x0  }
0x229: {  	[sflag:s26] =	ssyncadd.s32 $0xFFFFFF80  }
0x22a: {  	[tilespmem:s30], [sflag:$0x1] =	stream.indirect.gather [hbm4b:s3+s28], $0x1, s2, s28, $0xb8;
	[tilespmem:$0x400] =	vst v63  }
0x22b: {  	_ =	swait.ge [sflag:s31], $0x80  }
0x22c: {  	p0 =	sne.s32 s25, $0x1;
	[sflag:s31] =	ssyncset.done $0x0  }
.Ltmp0:
0x22d: {  	[sflag:s31] =	ssyncadd.s32 $0xFFFFFF80;
	(pc) =	sbr.rel @p0 .LBB2_1-.Ltmp0, $4  }
0x22e: {  	[hbm4b:s24+s4] =	stream.linear.scatter [tilespmem:s30], [sflag:$0x2], $0x80, $0x38;
	[tilespmem:$0x400] =	vst v63  }
0x22f: {  	_ =	swait.ge [sflag:s26], $0x80  }
0x230: {  	[sflag:s26] =	ssyncset.done $0x0  }
0x231: {  	s25 =	sadd.s32 $0xFFFFFFFF, s25;
	[sflag:s26] =	ssyncadd.s32 $0xFFFFFF80  }
0x232: {  	_ =	sfence.sel $0x180000  }
0x233: {  	[bflag:$0x0] =	sbarrier.arrive $0xFFFF  }
0x234: {  	_ =	strace $0x90000047  }
0x235: {  	s0 =	stileid.u32;
	[bflag:$0x2] =	sbarrier.arrive $0xFFFF  }
0x236: {  	p0 =	sne.s32 s0, $0x0;
	s0 =	rddreg [dreg:$0x3]  }
0x237: {  	s0 =	sadd.s32 @!p0 $0x100000, s0  }
0x238: {  	[sflag:s0] =	ssyncadd.tile.s32 @!p0 $0x1;
	_ =	shalt  }
.Lfunc_end2:
_tile_overlayer_lowered:
.L_overlay_start_2:
0x239: {  	(tag) =	ssettag $0x2  }
0x23a: {  	s0 =	rddreg [dreg:$0x0];
	s2 =	stileid.u32  }
0x23b: {  	s1 =	rddreg [dreg:$0x1];
	p0 =	sne.s32 s2, $0x0  }
0x23c: {  	s3 =	rddreg [dreg:$0x2];
	[bflag:$0x3] =	sbarrier.arrive $0xFFFF;
	s2 =	simm.s32 @!p0 $0x1C02  }
0x23d: {  	[timem:s3], [sflag:s2] =	dma.local @!p0 [hbm:s0], s1  }
0x23e: {  	s0 =	simm.s32 @!p0 $0x2  }
0x23f: {  	_ =	swait.ge @!p0 [sflag:s0], s1  }
0x240: {  	s1 =	ssub.s32 @!p0 $0x0, s1;
	[sflag:s0] =	ssyncset.done @!p0 $0x0  }
0x241: {  	[sflag:s0] =	ssyncadd.s32 @!p0 s1  }
0x242: {  	[bflag:$0x3] =	sbarrier.arrive $0xFFFF  }
0x243: {  	_ =	shalt  }

</sc_bundles>
